<compile_context>
chip_gen: v7x
topology: tpu7x:2x2x1
jax: 0.10.2.dev20260603
libtpu: 0.0.44.dev20260713+nightly
codegen_flags: <defaults>
</compile_context>

<pallas_src>
import jax
import jax.numpy as jnp
from jax import lax
from jax.experimental import pallas as pl
from jax.experimental.pallas import tpu as pltpu
from jax.experimental.pallas import tpu_sc as plsc

N = 10000
D = 128
E = 320000
NPAD = 10112
DUMP = 10000
K = 64
EPAD = 327680
ROWS = EPAD // K
RPT = ROWS // 16
RP2 = RPT // 2
SPLIT = 232
NEG = 0.2
EPS = 1e-16

_NC, _NS = 2, 16


def _scores_body(x_ref, al_ref, ar_ref, el_ref, er_ref):
    x = x_ref[...]
    el_ref[...] = jnp.sum(x * al_ref[...], axis=1, keepdims=True)
    er_ref[...] = jnp.sum(x * ar_ref[...], axis=1, keepdims=True)


def _scores(x, al, ar):
    el, er = pl.pallas_call(
        _scores_body,
        out_shape=[jax.ShapeDtypeStruct((N, 1), jnp.float32)] * 2,
    )(x, al, ar)
    return el.reshape(N), er.reshape(N)


def _combine_body(p_ref, o_ref):
    o_ref[...] = p_ref[0, :N, :] + p_ref[1, :N, :]


def _combine(parts):
    return pl.pallas_call(
        _combine_body,
        out_shape=jax.ShapeDtypeStruct((N, D), jnp.float32),
    )(parts)


def _edge_exp(el_v, er_v, s16, d16):
    e16 = plsc.load_gather(el_v, [s16]) + plsc.load_gather(er_v, [d16])
    e16 = jnp.where(e16 >= 0.0, e16, NEG * e16)
    return jnp.exp(e16)


def _sc_body(x_hbm, el_hbm, er_hbm, src_hbm, dst_hbm, parts_hbm,
             el_v, er_v, den_v, xin0, xin1,
             sa0, sa1, da0, da1, ea0, ea1, dx0, dx1, eb,
             i0, i1, g0, g1, s0, s1, den_sh, out_sh):
    c = lax.axis_index("c")
    s = lax.axis_index("s")
    zeros16 = jnp.zeros((16,), jnp.float32)
    xin = (xin0, xin1)
    sa = (sa0, sa1)
    da = (da0, da1)
    ea = (ea0, ea1)
    dxa = (dx0, dx1)
    isem = (i0, i1)
    gsem = (g0, g1)
    ssem = (s0, s1)

    def issue_idx(gr, b):
        pltpu.async_copy(src_hbm.at[gr], sa[b], isem[b])
        pltpu.async_copy(dst_hbm.at[gr], da[b], isem[b])

    def wait_idx(b):
        pltpu.make_async_copy(src_hbm.at[0], sa[b], isem[b]).wait()
        pltpu.make_async_copy(dst_hbm.at[0], da[b], isem[b]).wait()

    def issue_gather(b):
        pltpu.async_copy(x_hbm.at[sa[b]], xin[b], gsem[b])

    def wait_gather(b):
        pltpu.make_async_copy(x_hbm.at[pl.ds(0, K)], xin[b], gsem[b]).wait()

    def wait_exp_scatter(b):
        pltpu.make_async_copy(ea[b], den_sh.at[pl.ds(0, K)],
                              ssem[b]).wait()

    def wait_out_scatter(b):
        pltpu.make_async_copy(xin[b], out_sh.at[pl.ds(0, K)],
                              ssem[b]).wait()

    for k in range(4):
        ea0[pl.ds(k * 16, 16)] = zeros16

    def _zx(r, carry):
        for q in range(8):
            xin0[r, pl.ds(q * 16, 16)] = zeros16
        return carry
    lax.fori_loop(0, K, _zx, 0)

    @pl.when(s < 15)
    def _zlo():
        for t in range(10):
            pltpu.sync_copy(ea0, den_sh.at[pl.ds(s * 640 + t * K, K)])
        for t in range(10):
            pltpu.sync_copy(xin0, out_sh.at[pl.ds(s * 640 + t * K, K)])

    @pl.when(s == 15)
    def _zhi():
        for t in range(8):
            pltpu.sync_copy(ea0, den_sh.at[pl.ds(9600 + t * K, K)])
        for t in range(8):
            pltpu.sync_copy(xin0, out_sh.at[pl.ds(9600 + t * K, K)])

    pltpu.sync_copy(el_hbm, el_v)
    pltpu.sync_copy(er_hbm, er_v)

    plsc.subcore_barrier()

    base1 = s * RPT
    issue_idx(base1, 0)
    issue_idx(base1 + 1, 1)

    def _p1(p, carry):
        for b in range(2):
            j = 2 * p + b
            wait_idx(b)

            @pl.when(p >= 1)
            def _drain():
                wait_exp_scatter(b)

            for k in range(4):
                sl = pl.ds(k * 16, 16)
                ea[b][sl] = _edge_exp(el_v, er_v, sa[b][sl], da[b][sl])
                dxa[b][sl] = da[b][sl]
            pltpu.async_copy(ea[b], den_sh.at[dxa[b]], ssem[b], add=True)
            issue_idx(base1 + jnp.minimum(j + 2, RPT - 1), b)
        return carry
    lax.fori_loop(0, RPT // 2, _p1, 0)
    wait_idx(0)
    wait_idx(1)
    wait_exp_scatter(0)
    wait_exp_scatter(1)

    plsc.subcore_barrier()

    pltpu.sync_copy(den_sh, den_v)

    n2 = jnp.where(c == 0, SPLIT, RPT - SPLIT)
    base2 = s * RPT + jnp.where(c == 0, 0, SPLIT)

    def cj(j):
        return base2 + jnp.minimum(j, n2 - 1)

    issue_idx(cj(0), 0)
    issue_idx(cj(1), 1)
    wait_idx(0)
    issue_gather(0)

    def _p2(p, carry):
        for b in range(2):
            j = 2 * p + b
            nb = 1 - b
            wait_idx(nb)
            if b == 0:
                @pl.when(p >= 1)
                def _drain0():
                    wait_out_scatter(nb)
            else:
                wait_out_scatter(nb)
            issue_gather(nb)
            wait_gather(b)
            for k in range(4):
                sl = pl.ds(k * 16, 16)
                d16 = da[b][sl]
                x16 = _edge_exp(el_v, er_v, sa[b][sl], d16)
                den16 = plsc.load_gather(den_v, [d16]) + EPS
                eb[sl] = x16 / den16
                dxa[b][sl] = d16

            def _scale(i, carry2):
                for u in range(4):
                    e = 4 * i + u
                    e16 = jnp.broadcast_to(e, (16,)).astype(jnp.int32)
                    a16 = plsc.load_gather(eb, [e16])
                    for q in range(8):
                        qs = pl.ds(q * 16, 16)
                        xin[b][e, qs] = xin[b][e, qs] * a16
                return carry2
            lax.fori_loop(0, K // 4, _scale, 0)

            pltpu.async_copy(xin[b], out_sh.at[dxa[b]], ssem[b], add=True)
            issue_idx(cj(j + 2), b)
        return carry
    lax.fori_loop(0, n2 // 2, _p2, 0)
    wait_idx(1)
    wait_gather(0)
    wait_out_scatter(1)

    plsc.subcore_barrier()

    pltpu.sync_copy(out_sh.at[pl.ds(s * (NPAD // 16), NPAD // 16)],
                    parts_hbm.at[c, pl.ds(s * (NPAD // 16), NPAD // 16)])


def _sc_edges(x, el, er, src2d, dst2d):
    mesh = plsc.VectorSubcoreMesh(
        core_axis_name="c", subcore_axis_name="s",
        num_cores=_NC, num_subcores=_NS)
    f = pl.kernel(
        _sc_body,
        out_type=jax.ShapeDtypeStruct((_NC, NPAD, D), jnp.float32),
        mesh=mesh,
        scratch_types=[
            pltpu.VMEM((NPAD,), jnp.float32),
            pltpu.VMEM((NPAD,), jnp.float32),
            pltpu.VMEM((NPAD,), jnp.float32),
            pltpu.VMEM((K, D), jnp.float32),
            pltpu.VMEM((K, D), jnp.float32),
            pltpu.VMEM((K,), jnp.int32),
            pltpu.VMEM((K,), jnp.int32),
            pltpu.VMEM((K,), jnp.int32),
            pltpu.VMEM((K,), jnp.int32),
            pltpu.VMEM((K,), jnp.float32),
            pltpu.VMEM((K,), jnp.float32),
            pltpu.VMEM((K,), jnp.int32),
            pltpu.VMEM((K,), jnp.int32),
            pltpu.VMEM((K,), jnp.float32),
            pltpu.SemaphoreType.DMA,
            pltpu.SemaphoreType.DMA,
            pltpu.SemaphoreType.DMA,
            pltpu.SemaphoreType.DMA,
            pltpu.SemaphoreType.DMA,
            pltpu.SemaphoreType.DMA,
            pltpu.VMEM_SHARED((NPAD,), jnp.float32),
            pltpu.VMEM_SHARED((NPAD, D), jnp.float32),
        ],
        compiler_params=pltpu.CompilerParams(needs_layout_passes=False),
    )
    return f(x, el, er, src2d, dst2d)


def kernel(x, edge_index, attn_l, attn_r):
    fill0 = jnp.zeros((EPAD - E,), jnp.int32)
    filln = jnp.full((EPAD - E,), DUMP, jnp.int32)
    src2d = jnp.concatenate([edge_index[0], fill0]).reshape(ROWS, K)
    dst2d = jnp.concatenate([edge_index[1], filln]).reshape(ROWS, K)
    al = attn_l.reshape(1, D)
    ar = attn_r.reshape(1, D)
    el, er = _scores(x, al, ar)
    el_p = jnp.pad(el, (0, NPAD - N))
    er_p = jnp.pad(er, (0, NPAD - N))
    parts = _sc_edges(x, el_p, er_p, src2d, dst2d)
    out = _combine(parts)
    return out.reshape(N, 1, D)

# --- scband reference (transcript-rebuilt; emitter-appended) ---
"""Pipeline reference for scband-dist-sage-conv-68161130987987 (READ-ONLY COPY).

The authoritative reference and input builder live on the scoring server;
editing this copy changes nothing except your own understanding.
"""

import jax, jax.numpy as jnp
import numpy as np

N_NODES = 10000
N_EDGES = 320000
D_FEAT = 128
N_HEADS = 1


def setup_inputs(seed: int = 0) -> dict:
    key = jax.random.key(seed)
    k1, k2, k3, k4 = jax.random.split(key, 4)
    x = jax.random.normal(k1, (N_NODES, D_FEAT), dtype=jnp.float32)
    edge_index = jax.random.randint(k2, (2, N_EDGES), 0, N_NODES, dtype=jnp.int32)
    # learned attention parameters (xavier-ish small scale to keep exp() stable)
    attn_l = jax.random.normal(k3, (1, N_HEADS, D_FEAT), dtype=jnp.float32) * 0.05
    attn_r = jax.random.normal(k4, (1, N_HEADS, D_FEAT), dtype=jnp.float32) * 0.05
    return {"x": x, "edge_index": edge_index, "attn_l": attn_l, "attn_r": attn_r}


def reference(x, edge_index, attn_l, attn_r):
    # GAT-style attention aggregation over a (bipartite) edge list.
    src = edge_index[0]
    dst = edge_index[1]
    n = x.shape[0]
    # per-node left/right attention scores: (x * attn).sum(-1).unsqueeze(-1)
    el = jnp.sum(x[:, None, :] * attn_l, axis=-1, keepdims=True)  # [N, H, 1]
    er = jnp.sum(x[:, None, :] * attn_r, axis=-1, keepdims=True)  # [N, H, 1]
    # apply_edge: el gathered at src + er shuffled to dst
    e = el[src] + er[dst]                                         # [E, H, 1]
    e = jax.nn.leaky_relu(e, negative_slope=0.2)
    exponent = jnp.exp(e)                                         # [E, H, 1]
    # apply_node: sum of exponents per destination node (softmax denominator)
    sum_exponent = jax.ops.segment_sum(exponent, dst, num_segments=n)  # [N, H, 1]
    # copy_from_out_nodes: gather denominator back to edges
    denom = sum_exponent[dst] + 1e-16
    attention = exponent / denom                                  # [E, H, 1]
    # attention_gather: weighted scatter-add of source features to dst nodes
    msgs = attention * x[src][:, None, :]                          # [E, H, d]
    out = jax.ops.segment_sum(msgs, dst, num_segments=n)           # [N, H, d]
    return out

if __name__ == "__main__":
    import jax
    _d = setup_inputs()
    print(jax.jit(kernel)(*tuple(_d.values())))

</pallas_src>

<mosaic_0001>
#map = affine_map<(d0, d1) -> (0, 0)>
#map1 = affine_map<(d0, d1) -> (0)>
#map2 = affine_map<(d0, d1) -> (0, 0, 0)>
module attributes {stable_mosaic.version = 14 : i64} {
  func.func @_sc_body(%arg0: i32, %arg1: i32, %arg2: memref<10000x128xf32, #tpu.memory_space<hbm>>, %arg3: memref<10112xf32, #tpu.memory_space<hbm>>, %arg4: memref<10112xf32, #tpu.memory_space<hbm>>, %arg5: memref<5120x64xi32, #tpu.memory_space<hbm>>, %arg6: memref<5120x64xi32, #tpu.memory_space<hbm>>, %arg7: memref<2x10112x128xf32, #tpu.memory_space<hbm>>, %arg8: memref<10112xf32, #tpu.memory_space<vmem>>, %arg9: memref<10112xf32, #tpu.memory_space<vmem>>, %arg10: memref<10112xf32, #tpu.memory_space<vmem>>, %arg11: memref<64x128xf32, #tpu.memory_space<vmem>>, %arg12: memref<64x128xf32, #tpu.memory_space<vmem>>, %arg13: memref<64xi32, #tpu.memory_space<vmem>>, %arg14: memref<64xi32, #tpu.memory_space<vmem>>, %arg15: memref<64xi32, #tpu.memory_space<vmem>>, %arg16: memref<64xi32, #tpu.memory_space<vmem>>, %arg17: memref<64xf32, #tpu.memory_space<vmem>>, %arg18: memref<64xf32, #tpu.memory_space<vmem>>, %arg19: memref<64xi32, #tpu.memory_space<vmem>>, %arg20: memref<64xi32, #tpu.memory_space<vmem>>, %arg21: memref<64xf32, #tpu.memory_space<vmem>>, %arg22: memref<!tpu.dma_semaphore, #tpu.memory_space<semaphore_mem>>, %arg23: memref<!tpu.dma_semaphore, #tpu.memory_space<semaphore_mem>>, %arg24: memref<!tpu.dma_semaphore, #tpu.memory_space<semaphore_mem>>, %arg25: memref<!tpu.dma_semaphore, #tpu.memory_space<semaphore_mem>>, %arg26: memref<!tpu.dma_semaphore, #tpu.memory_space<semaphore_mem>>, %arg27: memref<!tpu.dma_semaphore, #tpu.memory_space<semaphore_mem>>, %arg28: memref<10112xf32, #tpu.memory_space<vmem_shared>>, %arg29: memref<10112x128xf32, #tpu.memory_space<vmem_shared>>) attributes {dimension_semantics = [#tpu.dimension_semantics<core_parallel>, #tpu.dimension_semantics<subcore_parallel>], iteration_bounds = array<i64: 2, 16>, scalar_prefetch = 0 : i64, scratch_operands = 22 : i64, tpu.core_type = #tpu.core_type<sc_vector_subcore>, window_params = [{transform_indices = #map}, {transform_indices = #map1}, {transform_indices = #map1}, {transform_indices = #map}, {transform_indices = #map}, {transform_indices = #map2}]} {
    %broadcast_in_dim3A = arith.constant 0.000000e+00 : f32
    %broadcast_in_dim3A_0 = vector.broadcast %broadcast_in_dim3A : f32 to vector<16xf32>
    %swap3A = arith.constant 0 : index
    %swap3A_1 = tpu.vector_load %arg17[%swap3A] {strides = array<i32>} : memref<64xf32, #tpu.memory_space<vmem>>, vector<16xf32>,
    tpu.vector_store %arg17[%swap3A], %broadcast_in_dim3A_0 {strides = array<i32>} : memref<64xf32, #tpu.memory_space<vmem>>, vector<16xf32>,
    %swap3A_2 = arith.constant 16 : index
    %swap3A_3 = tpu.vector_load %arg17[%swap3A_2] {strides = array<i32>} : memref<64xf32, #tpu.memory_space<vmem>>, vector<16xf32>,
    tpu.vector_store %arg17[%swap3A_2], %broadcast_in_dim3A_0 {strides = array<i32>} : memref<64xf32, #tpu.memory_space<vmem>>, vector<16xf32>,
    %swap3A_4 = arith.constant 32 : index
    %swap3A_5 = tpu.vector_load %arg17[%swap3A_4] {strides = array<i32>} : memref<64xf32, #tpu.memory_space<vmem>>, vector<16xf32>,
    tpu.vector_store %arg17[%swap3A_4], %broadcast_in_dim3A_0 {strides = array<i32>} : memref<64xf32, #tpu.memory_space<vmem>>, vector<16xf32>,
    %swap3A_6 = arith.constant 48 : index
    %swap3A_7 = tpu.vector_load %arg17[%swap3A_6] {strides = array<i32>} : memref<64xf32, #tpu.memory_space<vmem>>, vector<16xf32>,
    tpu.vector_store %arg17[%swap3A_6], %broadcast_in_dim3A_0 {strides = array<i32>} : memref<64xf32, #tpu.memory_space<vmem>>, vector<16xf32>,
    %scan3A = arith.constant 0 : i32
    %scan3A_8 = arith.constant 0 : i32
    %scan3A_9 = arith.constant 64 : i32
    %scan3A_10 = arith.addi %scan3A_8, %scan3A_9 : i32
    %scan3A_11 = arith.constant 1 : i32
    scf.for %scan3A_205 = %scan3A_8 to %scan3A_10 step %scan3A_11  : i32 {
      %swap3A_206 = arith.index_cast %scan3A_205 : i32 to index
      %swap3A_207 = arith.constant 0 : index
      %swap3A_208 = tpu.vector_load %arg11[%swap3A_206, %swap3A_207] {strides = array<i32>} : memref<64x128xf32, #tpu.memory_space<vmem>>, vector<16xf32>,
      tpu.vector_store %arg11[%swap3A_206, %swap3A_207], %broadcast_in_dim3A_0 {strides = array<i32>} : memref<64x128xf32, #tpu.memory_space<vmem>>, vector<16xf32>,
      %swap3A_209 = arith.index_cast %scan3A_205 : i32 to index
      %swap3A_210 = arith.constant 16 : index
      %swap3A_211 = tpu.vector_load %arg11[%swap3A_209, %swap3A_210] {strides = array<i32>} : memref<64x128xf32, #tpu.memory_space<vmem>>, vector<16xf32>,
      tpu.vector_store %arg11[%swap3A_209, %swap3A_210], %broadcast_in_dim3A_0 {strides = array<i32>} : memref<64x128xf32, #tpu.memory_space<vmem>>, vector<16xf32>,
      %swap3A_212 = arith.index_cast %scan3A_205 : i32 to index
      %swap3A_213 = arith.constant 32 : index
      %swap3A_214 = tpu.vector_load %arg11[%swap3A_212, %swap3A_213] {strides = array<i32>} : memref<64x128xf32, #tpu.memory_space<vmem>>, vector<16xf32>,
      tpu.vector_store %arg11[%swap3A_212, %swap3A_213], %broadcast_in_dim3A_0 {strides = array<i32>} : memref<64x128xf32, #tpu.memory_space<vmem>>, vector<16xf32>,
      %swap3A_215 = arith.index_cast %scan3A_205 : i32 to index
      %swap3A_216 = arith.constant 48 : index
      %swap3A_217 = tpu.vector_load %arg11[%swap3A_215, %swap3A_216] {strides = array<i32>} : memref<64x128xf32, #tpu.memory_space<vmem>>, vector<16xf32>,
      tpu.vector_store %arg11[%swap3A_215, %swap3A_216], %broadcast_in_dim3A_0 {strides = array<i32>} : memref<64x128xf32, #tpu.memory_space<vmem>>, vector<16xf32>,
      %swap3A_218 = arith.index_cast %scan3A_205 : i32 to index
      %swap3A_219 = arith.constant 64 : index
      %swap3A_220 = tpu.vector_load %arg11[%swap3A_218, %swap3A_219] {strides = array<i32>} : memref<64x128xf32, #tpu.memory_space<vmem>>, vector<16xf32>,
      tpu.vector_store %arg11[%swap3A_218, %swap3A_219], %broadcast_in_dim3A_0 {strides = array<i32>} : memref<64x128xf32, #tpu.memory_space<vmem>>, vector<16xf32>,
      %swap3A_221 = arith.index_cast %scan3A_205 : i32 to index
      %swap3A_222 = arith.constant 80 : index
      %swap3A_223 = tpu.vector_load %arg11[%swap3A_221, %swap3A_222] {strides = array<i32>} : memref<64x128xf32, #tpu.memory_space<vmem>>, vector<16xf32>,
      tpu.vector_store %arg11[%swap3A_221, %swap3A_222], %broadcast_in_dim3A_0 {strides = array<i32>} : memref<64x128xf32, #tpu.memory_space<vmem>>, vector<16xf32>,
      %swap3A_224 = arith.index_cast %scan3A_205 : i32 to index
      %swap3A_225 = arith.constant 96 : index
      %swap3A_226 = tpu.vector_load %arg11[%swap3A_224, %swap3A_225] {strides = array<i32>} : memref<64x128xf32, #tpu.memory_space<vmem>>, vector<16xf32>,
      tpu.vector_store %arg11[%swap3A_224, %swap3A_225], %broadcast_in_dim3A_0 {strides = array<i32>} : memref<64x128xf32, #tpu.memory_space<vmem>>, vector<16xf32>,
      %swap3A_227 = arith.index_cast %scan3A_205 : i32 to index
      %swap3A_228 = arith.constant 112 : index
      %swap3A_229 = tpu.vector_load %arg11[%swap3A_227, %swap3A_228] {strides = array<i32>} : memref<64x128xf32, #tpu.memory_space<vmem>>, vector<16xf32>,
      tpu.vector_store %arg11[%swap3A_227, %swap3A_228], %broadcast_in_dim3A_0 {strides = array<i32>} : memref<64x128xf32, #tpu.memory_space<vmem>>, vector<16xf32>,
    }
    %scan3A_12 = arith.constant 64 : i32
    %lt3A = arith.constant 15 : i32
    %lt3A_13 = arith.cmpi slt, %arg1, %lt3A : i32
    %convert_element_type3A = arith.extui %lt3A_13 : i1 to i32
    %cond3A = arith.constant 0 : i32
    %cond3A_14 = arith.cmpi ne, %convert_element_type3A, %cond3A : i32
    scf.if %cond3A_14 {
      %mul3A_205 = arith.constant 640 : i32
      %mul3A_206 = arith.muli %arg1, %mul3A_205 : i32
      %add3A_207 = arith.constant 0 : i32
      %add3A_208 = arith.addi %mul3A_206, %add3A_207 : i32
      "tpu.region"() ({
        %run_scoped3A = tpu.sem_alloc : memref<!tpu.dma_semaphore, #tpu.memory_space<semaphore_mem>>
        %dma_start3A_285 = tpu.memref_slice %arg28[%add3A_208] : memref<10112xf32, #tpu.memory_space<vmem_shared>> -> memref<64xf32, #tpu.memory_space<vmem_shared>>
        %dma_start3A_286 = tpu.memref_slice %arg28[%add3A_208] : memref<10112xf32, #tpu.memory_space<vmem_shared>> -> memref<64xf32, #tpu.memory_space<vmem_shared>>
        tpu.enqueue_dma source(%arg17 : memref<64xf32, #tpu.memory_space<vmem>>) target(%dma_start3A_286 : memref<64xf32, #tpu.memory_space<vmem_shared>>) target_semaphore(%run_scoped3A : memref<!tpu.dma_semaphore, #tpu.memory_space<semaphore_mem>>)
        %dma_wait3A_287 = tpu.memref_slice %arg28[%add3A_208] : memref<10112xf32, #tpu.memory_space<vmem_shared>> -> memref<64xf32, #tpu.memory_space<vmem_shared>>
        %dma_wait3A_288 = tpu.memref_slice %arg28[%add3A_208] : memref<10112xf32, #tpu.memory_space<vmem_shared>> -> memref<64xf32, #tpu.memory_space<vmem_shared>>
        tpu.wait_dma2 semaphore(%run_scoped3A : memref<!tpu.dma_semaphore, #tpu.memory_space<semaphore_mem>>) src(%arg17 : memref<64xf32, #tpu.memory_space<vmem>>) dst(%dma_wait3A_288 : memref<64xf32, #tpu.memory_space<vmem_shared>>)
        tpu.yield
      }) : () -> ()
      %mul3A_209 = arith.constant 640 : i32
      %mul3A_210 = arith.muli %arg1, %mul3A_209 : i32
      %add3A_211 = arith.constant 64 : i32
      %add3A_212 = arith.addi %mul3A_210, %add3A_211 : i32
      "tpu.region"() ({
        %run_scoped3A = tpu.sem_alloc : memref<!tpu.dma_semaphore, #tpu.memory_space<semaphore_mem>>
        %dma_start3A_285 = tpu.memref_slice %arg28[%add3A_212] : memref<10112xf32, #tpu.memory_space<vmem_shared>> -> memref<64xf32, #tpu.memory_space<vmem_shared>>
        %dma_start3A_286 = tpu.memref_slice %arg28[%add3A_212] : memref<10112xf32, #tpu.memory_space<vmem_shared>> -> memref<64xf32, #tpu.memory_space<vmem_shared>>
        tpu.enqueue_dma source(%arg17 : memref<64xf32, #tpu.memory_space<vmem>>) target(%dma_start3A_286 : memref<64xf32, #tpu.memory_space<vmem_shared>>) target_semaphore(%run_scoped3A : memref<!tpu.dma_semaphore, #tpu.memory_space<semaphore_mem>>)
        %dma_wait3A_287 = tpu.memref_slice %arg28[%add3A_212] : memref<10112xf32, #tpu.memory_space<vmem_shared>> -> memref<64xf32, #tpu.memory_space<vmem_shared>>
        %dma_wait3A_288 = tpu.memref_slice %arg28[%add3A_212] : memref<10112xf32, #tpu.memory_space<vmem_shared>> -> memref<64xf32, #tpu.memory_space<vmem_shared>>
        tpu.wait_dma2 semaphore(%run_scoped3A : memref<!tpu.dma_semaphore, #tpu.memory_space<semaphore_mem>>) src(%arg17 : memref<64xf32, #tpu.memory_space<vmem>>) dst(%dma_wait3A_288 : memref<64xf32, #tpu.memory_space<vmem_shared>>)
        tpu.yield
      }) : () -> ()
      %mul3A_213 = arith.constant 640 : i32
      %mul3A_214 = arith.muli %arg1, %mul3A_213 : i32
      %add3A_215 = arith.constant 128 : i32
      %add3A_216 = arith.addi %mul3A_214, %add3A_215 : i32
      "tpu.region"() ({
        %run_scoped3A = tpu.sem_alloc : memref<!tpu.dma_semaphore, #tpu.memory_space<semaphore_mem>>
        %dma_start3A_285 = tpu.memref_slice %arg28[%add3A_216] : memref<10112xf32, #tpu.memory_space<vmem_shared>> -> memref<64xf32, #tpu.memory_space<vmem_shared>>
        %dma_start3A_286 = tpu.memref_slice %arg28[%add3A_216] : memref<10112xf32, #tpu.memory_space<vmem_shared>> -> memref<64xf32, #tpu.memory_space<vmem_shared>>
        tpu.enqueue_dma source(%arg17 : memref<64xf32, #tpu.memory_space<vmem>>) target(%dma_start3A_286 : memref<64xf32, #tpu.memory_space<vmem_shared>>) target_semaphore(%run_scoped3A : memref<!tpu.dma_semaphore, #tpu.memory_space<semaphore_mem>>)
        %dma_wait3A_287 = tpu.memref_slice %arg28[%add3A_216] : memref<10112xf32, #tpu.memory_space<vmem_shared>> -> memref<64xf32, #tpu.memory_space<vmem_shared>>
        %dma_wait3A_288 = tpu.memref_slice %arg28[%add3A_216] : memref<10112xf32, #tpu.memory_space<vmem_shared>> -> memref<64xf32, #tpu.memory_space<vmem_shared>>
        tpu.wait_dma2 semaphore(%run_scoped3A : memref<!tpu.dma_semaphore, #tpu.memory_space<semaphore_mem>>) src(%arg17 : memref<64xf32, #tpu.memory_space<vmem>>) dst(%dma_wait3A_288 : memref<64xf32, #tpu.memory_space<vmem_shared>>)
        tpu.yield
      }) : () -> ()
      %mul3A_217 = arith.constant 640 : i32
      %mul3A_218 = arith.muli %arg1, %mul3A_217 : i32
      %add3A_219 = arith.constant 192 : i32
      %add3A_220 = arith.addi %mul3A_218, %add3A_219 : i32
      "tpu.region"() ({
        %run_scoped3A = tpu.sem_alloc : memref<!tpu.dma_semaphore, #tpu.memory_space<semaphore_mem>>
        %dma_start3A_285 = tpu.memref_slice %arg28[%add3A_220] : memref<10112xf32, #tpu.memory_space<vmem_shared>> -> memref<64xf32, #tpu.memory_space<vmem_shared>>
        %dma_start3A_286 = tpu.memref_slice %arg28[%add3A_220] : memref<10112xf32, #tpu.memory_space<vmem_shared>> -> memref<64xf32, #tpu.memory_space<vmem_shared>>
        tpu.enqueue_dma source(%arg17 : memref<64xf32, #tpu.memory_space<vmem>>) target(%dma_start3A_286 : memref<64xf32, #tpu.memory_space<vmem_shared>>) target_semaphore(%run_scoped3A : memref<!tpu.dma_semaphore, #tpu.memory_space<semaphore_mem>>)
        %dma_wait3A_287 = tpu.memref_slice %arg28[%add3A_220] : memref<10112xf32, #tpu.memory_space<vmem_shared>> -> memref<64xf32, #tpu.memory_space<vmem_shared>>
        %dma_wait3A_288 = tpu.memref_slice %arg28[%add3A_220] : memref<10112xf32, #tpu.memory_space<vmem_shared>> -> memref<64xf32, #tpu.memory_space<vmem_shared>>
        tpu.wait_dma2 semaphore(%run_scoped3A : memref<!tpu.dma_semaphore, #tpu.memory_space<semaphore_mem>>) src(%arg17 : memref<64xf32, #tpu.memory_space<vmem>>) dst(%dma_wait3A_288 : memref<64xf32, #tpu.memory_space<vmem_shared>>)
        tpu.yield
      }) : () -> ()
      %mul3A_221 = arith.constant 640 : i32
      %mul3A_222 = arith.muli %arg1, %mul3A_221 : i32
      %add3A_223 = arith.constant 256 : i32
      %add3A_224 = arith.addi %mul3A_222, %add3A_223 : i32
      "tpu.region"() ({
        %run_scoped3A = tpu.sem_alloc : memref<!tpu.dma_semaphore, #tpu.memory_space<semaphore_mem>>
        %dma_start3A_285 = tpu.memref_slice %arg28[%add3A_224] : memref<10112xf32, #tpu.memory_space<vmem_shared>> -> memref<64xf32, #tpu.memory_space<vmem_shared>>
        %dma_start3A_286 = tpu.memref_slice %arg28[%add3A_224] : memref<10112xf32, #tpu.memory_space<vmem_shared>> -> memref<64xf32, #tpu.memory_space<vmem_shared>>
        tpu.enqueue_dma source(%arg17 : memref<64xf32, #tpu.memory_space<vmem>>) target(%dma_start3A_286 : memref<64xf32, #tpu.memory_space<vmem_shared>>) target_semaphore(%run_scoped3A : memref<!tpu.dma_semaphore, #tpu.memory_space<semaphore_mem>>)
        %dma_wait3A_287 = tpu.memref_slice %arg28[%add3A_224] : memref<10112xf32, #tpu.memory_space<vmem_shared>> -> memref<64xf32, #tpu.memory_space<vmem_shared>>
        %dma_wait3A_288 = tpu.memref_slice %arg28[%add3A_224] : memref<10112xf32, #tpu.memory_space<vmem_shared>> -> memref<64xf32, #tpu.memory_space<vmem_shared>>
        tpu.wait_dma2 semaphore(%run_scoped3A : memref<!tpu.dma_semaphore, #tpu.memory_space<semaphore_mem>>) src(%arg17 : memref<64xf32, #tpu.memory_space<vmem>>) dst(%dma_wait3A_288 : memref<64xf32, #tpu.memory_space<vmem_shared>>)
        tpu.yield
      }) : () -> ()
      %mul3A_225 = arith.constant 640 : i32
      %mul3A_226 = arith.muli %arg1, %mul3A_225 : i32
      %add3A_227 = arith.constant 320 : i32
      %add3A_228 = arith.addi %mul3A_226, %add3A_227 : i32
      "tpu.region"() ({
        %run_scoped3A = tpu.sem_alloc : memref<!tpu.dma_semaphore, #tpu.memory_space<semaphore_mem>>
        %dma_start3A_285 = tpu.memref_slice %arg28[%add3A_228] : memref<10112xf32, #tpu.memory_space<vmem_shared>> -> memref<64xf32, #tpu.memory_space<vmem_shared>>
        %dma_start3A_286 = tpu.memref_slice %arg28[%add3A_228] : memref<10112xf32, #tpu.memory_space<vmem_shared>> -> memref<64xf32, #tpu.memory_space<vmem_shared>>
        tpu.enqueue_dma source(%arg17 : memref<64xf32, #tpu.memory_space<vmem>>) target(%dma_start3A_286 : memref<64xf32, #tpu.memory_space<vmem_shared>>) target_semaphore(%run_scoped3A : memref<!tpu.dma_semaphore, #tpu.memory_space<semaphore_mem>>)
        %dma_wait3A_287 = tpu.memref_slice %arg28[%add3A_228] : memref<10112xf32, #tpu.memory_space<vmem_shared>> -> memref<64xf32, #tpu.memory_space<vmem_shared>>
        %dma_wait3A_288 = tpu.memref_slice %arg28[%add3A_228] : memref<10112xf32, #tpu.memory_space<vmem_shared>> -> memref<64xf32, #tpu.memory_space<vmem_shared>>
        tpu.wait_dma2 semaphore(%run_scoped3A : memref<!tpu.dma_semaphore, #tpu.memory_space<semaphore_mem>>) src(%arg17 : memref<64xf32, #tpu.memory_space<vmem>>) dst(%dma_wait3A_288 : memref<64xf32, #tpu.memory_space<vmem_shared>>)
        tpu.yield
      }) : () -> ()
      %mul3A_229 = arith.constant 640 : i32
      %mul3A_230 = arith.muli %arg1, %mul3A_229 : i32
      %add3A_231 = arith.constant 384 : i32
      %add3A_232 = arith.addi %mul3A_230, %add3A_231 : i32
      "tpu.region"() ({
        %run_scoped3A = tpu.sem_alloc : memref<!tpu.dma_semaphore, #tpu.memory_space<semaphore_mem>>
        %dma_start3A_285 = tpu.memref_slice %arg28[%add3A_232] : memref<10112xf32, #tpu.memory_space<vmem_shared>> -> memref<64xf32, #tpu.memory_space<vmem_shared>>
        %dma_start3A_286 = tpu.memref_slice %arg28[%add3A_232] : memref<10112xf32, #tpu.memory_space<vmem_shared>> -> memref<64xf32, #tpu.memory_space<vmem_shared>>
        tpu.enqueue_dma source(%arg17 : memref<64xf32, #tpu.memory_space<vmem>>) target(%dma_start3A_286 : memref<64xf32, #tpu.memory_space<vmem_shared>>) target_semaphore(%run_scoped3A : memref<!tpu.dma_semaphore, #tpu.memory_space<semaphore_mem>>)
        %dma_wait3A_287 = tpu.memref_slice %arg28[%add3A_232] : memref<10112xf32, #tpu.memory_space<vmem_shared>> -> memref<64xf32, #tpu.memory_space<vmem_shared>>
        %dma_wait3A_288 = tpu.memref_slice %arg28[%add3A_232] : memref<10112xf32, #tpu.memory_space<vmem_shared>> -> memref<64xf32, #tpu.memory_space<vmem_shared>>
        tpu.wait_dma2 semaphore(%run_scoped3A : memref<!tpu.dma_semaphore, #tpu.memory_space<semaphore_mem>>) src(%arg17 : memref<64xf32, #tpu.memory_space<vmem>>) dst(%dma_wait3A_288 : memref<64xf32, #tpu.memory_space<vmem_shared>>)
        tpu.yield
      }) : () -> ()
      %mul3A_233 = arith.constant 640 : i32
      %mul3A_234 = arith.muli %arg1, %mul3A_233 : i32
      %add3A_235 = arith.constant 448 : i32
      %add3A_236 = arith.addi %mul3A_234, %add3A_235 : i32
      "tpu.region"() ({
        %run_scoped3A = tpu.sem_alloc : memref<!tpu.dma_semaphore, #tpu.memory_space<semaphore_mem>>
        %dma_start3A_285 = tpu.memref_slice %arg28[%add3A_236] : memref<10112xf32, #tpu.memory_space<vmem_shared>> -> memref<64xf32, #tpu.memory_space<vmem_shared>>
        %dma_start3A_286 = tpu.memref_slice %arg28[%add3A_236] : memref<10112xf32, #tpu.memory_space<vmem_shared>> -> memref<64xf32, #tpu.memory_space<vmem_shared>>
        tpu.enqueue_dma source(%arg17 : memref<64xf32, #tpu.memory_space<vmem>>) target(%dma_start3A_286 : memref<64xf32, #tpu.memory_space<vmem_shared>>) target_semaphore(%run_scoped3A : memref<!tpu.dma_semaphore, #tpu.memory_space<semaphore_mem>>)
        %dma_wait3A_287 = tpu.memref_slice %arg28[%add3A_236] : memref<10112xf32, #tpu.memory_space<vmem_shared>> -> memref<64xf32, #tpu.memory_space<vmem_shared>>
        %dma_wait3A_288 = tpu.memref_slice %arg28[%add3A_236] : memref<10112xf32, #tpu.memory_space<vmem_shared>> -> memref<64xf32, #tpu.memory_space<vmem_shared>>
        tpu.wait_dma2 semaphore(%run_scoped3A : memref<!tpu.dma_semaphore, #tpu.memory_space<semaphore_mem>>) src(%arg17 : memref<64xf32, #tpu.memory_space<vmem>>) dst(%dma_wait3A_288 : memref<64xf32, #tpu.memory_space<vmem_shared>>)
        tpu.yield
      }) : () -> ()
      %mul3A_237 = arith.constant 640 : i32
      %mul3A_238 = arith.muli %arg1, %mul3A_237 : i32
      %add3A_239 = arith.constant 512 : i32
      %add3A_240 = arith.addi %mul3A_238, %add3A_239 : i32
      "tpu.region"() ({
        %run_scoped3A = tpu.sem_alloc : memref<!tpu.dma_semaphore, #tpu.memory_space<semaphore_mem>>
        %dma_start3A_285 = tpu.memref_slice %arg28[%add3A_240] : memref<10112xf32, #tpu.memory_space<vmem_shared>> -> memref<64xf32, #tpu.memory_space<vmem_shared>>
        %dma_start3A_286 = tpu.memref_slice %arg28[%add3A_240] : memref<10112xf32, #tpu.memory_space<vmem_shared>> -> memref<64xf32, #tpu.memory_space<vmem_shared>>
        tpu.enqueue_dma source(%arg17 : memref<64xf32, #tpu.memory_space<vmem>>) target(%dma_start3A_286 : memref<64xf32, #tpu.memory_space<vmem_shared>>) target_semaphore(%run_scoped3A : memref<!tpu.dma_semaphore, #tpu.memory_space<semaphore_mem>>)
        %dma_wait3A_287 = tpu.memref_slice %arg28[%add3A_240] : memref<10112xf32, #tpu.memory_space<vmem_shared>> -> memref<64xf32, #tpu.memory_space<vmem_shared>>
        %dma_wait3A_288 = tpu.memref_slice %arg28[%add3A_240] : memref<10112xf32, #tpu.memory_space<vmem_shared>> -> memref<64xf32, #tpu.memory_space<vmem_shared>>
        tpu.wait_dma2 semaphore(%run_scoped3A : memref<!tpu.dma_semaphore, #tpu.memory_space<semaphore_mem>>) src(%arg17 : memref<64xf32, #tpu.memory_space<vmem>>) dst(%dma_wait3A_288 : memref<64xf32, #tpu.memory_space<vmem_shared>>)
        tpu.yield
      }) : () -> ()
      %mul3A_241 = arith.constant 640 : i32
      %mul3A_242 = arith.muli %arg1, %mul3A_241 : i32
      %add3A_243 = arith.constant 576 : i32
      %add3A_244 = arith.addi %mul3A_242, %add3A_243 : i32
      "tpu.region"() ({
        %run_scoped3A = tpu.sem_alloc : memref<!tpu.dma_semaphore, #tpu.memory_space<semaphore_mem>>
        %dma_start3A_285 = tpu.memref_slice %arg28[%add3A_244] : memref<10112xf32, #tpu.memory_space<vmem_shared>> -> memref<64xf32, #tpu.memory_space<vmem_shared>>
        %dma_start3A_286 = tpu.memref_slice %arg28[%add3A_244] : memref<10112xf32, #tpu.memory_space<vmem_shared>> -> memref<64xf32, #tpu.memory_space<vmem_shared>>
        tpu.enqueue_dma source(%arg17 : memref<64xf32, #tpu.memory_space<vmem>>) target(%dma_start3A_286 : memref<64xf32, #tpu.memory_space<vmem_shared>>) target_semaphore(%run_scoped3A : memref<!tpu.dma_semaphore, #tpu.memory_space<semaphore_mem>>)
        %dma_wait3A_287 = tpu.memref_slice %arg28[%add3A_244] : memref<10112xf32, #tpu.memory_space<vmem_shared>> -> memref<64xf32, #tpu.memory_space<vmem_shared>>
        %dma_wait3A_288 = tpu.memref_slice %arg28[%add3A_244] : memref<10112xf32, #tpu.memory_space<vmem_shared>> -> memref<64xf32, #tpu.memory_space<vmem_shared>>
        tpu.wait_dma2 semaphore(%run_scoped3A : memref<!tpu.dma_semaphore, #tpu.memory_space<semaphore_mem>>) src(%arg17 : memref<64xf32, #tpu.memory_space<vmem>>) dst(%dma_wait3A_288 : memref<64xf32, #tpu.memory_space<vmem_shared>>)
        tpu.yield
      }) : () -> ()
      %mul3A_245 = arith.constant 640 : i32
      %mul3A_246 = arith.muli %arg1, %mul3A_245 : i32
      %add3A_247 = arith.constant 0 : i32
      %add3A_248 = arith.addi %mul3A_246, %add3A_247 : i32
      "tpu.region"() ({
        %run_scoped3A = tpu.sem_alloc : memref<!tpu.dma_semaphore, #tpu.memory_space<semaphore_mem>>
        %dma_start3A_285 = arith.constant 0 : i32
        %dma_start3A_286 = tpu.memref_slice %arg29[%add3A_248, %dma_start3A_285] : memref<10112x128xf32, #tpu.memory_space<vmem_shared>> -> memref<64x128xf32, #tpu.memory_space<vmem_shared>>
        %dma_start3A_287 = arith.constant 0 : i32
        %dma_start3A_288 = tpu.memref_slice %arg29[%add3A_248, %dma_start3A_287] : memref<10112x128xf32, #tpu.memory_space<vmem_shared>> -> memref<64x128xf32, #tpu.memory_space<vmem_shared>>
        tpu.enqueue_dma source(%arg11 : memref<64x128xf32, #tpu.memory_space<vmem>>) target(%dma_start3A_288 : memref<64x128xf32, #tpu.memory_space<vmem_shared>>) target_semaphore(%run_scoped3A : memref<!tpu.dma_semaphore, #tpu.memory_space<semaphore_mem>>)
        %dma_wait3A_289 = arith.constant 0 : i32
        %dma_wait3A_290 = tpu.memref_slice %arg29[%add3A_248, %dma_wait3A_289] : memref<10112x128xf32, #tpu.memory_space<vmem_shared>> -> memref<64x128xf32, #tpu.memory_space<vmem_shared>>
        %dma_wait3A_291 = arith.constant 0 : i32
        %dma_wait3A_292 = tpu.memref_slice %arg29[%add3A_248, %dma_wait3A_291] : memref<10112x128xf32, #tpu.memory_space<vmem_shared>> -> memref<64x128xf32, #tpu.memory_space<vmem_shared>>
        tpu.wait_dma2 semaphore(%run_scoped3A : memref<!tpu.dma_semaphore, #tpu.memory_space<semaphore_mem>>) src(%arg11 : memref<64x128xf32, #tpu.memory_space<vmem>>) dst(%dma_wait3A_292 : memref<64x128xf32, #tpu.memory_space<vmem_shared>>)
        tpu.yield
      }) : () -> ()
      %mul3A_249 = arith.constant 640 : i32
      %mul3A_250 = arith.muli %arg1, %mul3A_249 : i32
      %add3A_251 = arith.constant 64 : i32
      %add3A_252 = arith.addi %mul3A_250, %add3A_251 : i32
      "tpu.region"() ({
        %run_scoped3A = tpu.sem_alloc : memref<!tpu.dma_semaphore, #tpu.memory_space<semaphore_mem>>
        %dma_start3A_285 = arith.constant 0 : i32
        %dma_start3A_286 = tpu.memref_slice %arg29[%add3A_252, %dma_start3A_285] : memref<10112x128xf32, #tpu.memory_space<vmem_shared>> -> memref<64x128xf32, #tpu.memory_space<vmem_shared>>
        %dma_start3A_287 = arith.constant 0 : i32
        %dma_start3A_288 = tpu.memref_slice %arg29[%add3A_252, %dma_start3A_287] : memref<10112x128xf32, #tpu.memory_space<vmem_shared>> -> memref<64x128xf32, #tpu.memory_space<vmem_shared>>
        tpu.enqueue_dma source(%arg11 : memref<64x128xf32, #tpu.memory_space<vmem>>) target(%dma_start3A_288 : memref<64x128xf32, #tpu.memory_space<vmem_shared>>) target_semaphore(%run_scoped3A : memref<!tpu.dma_semaphore, #tpu.memory_space<semaphore_mem>>)
        %dma_wait3A_289 = arith.constant 0 : i32
        %dma_wait3A_290 = tpu.memref_slice %arg29[%add3A_252, %dma_wait3A_289] : memref<10112x128xf32, #tpu.memory_space<vmem_shared>> -> memref<64x128xf32, #tpu.memory_space<vmem_shared>>
        %dma_wait3A_291 = arith.constant 0 : i32
        %dma_wait3A_292 = tpu.memref_slice %arg29[%add3A_252, %dma_wait3A_291] : memref<10112x128xf32, #tpu.memory_space<vmem_shared>> -> memref<64x128xf32, #tpu.memory_space<vmem_shared>>
        tpu.wait_dma2 semaphore(%run_scoped3A : memref<!tpu.dma_semaphore, #tpu.memory_space<semaphore_mem>>) src(%arg11 : memref<64x128xf32, #tpu.memory_space<vmem>>) dst(%dma_wait3A_292 : memref<64x128xf32, #tpu.memory_space<vmem_shared>>)
        tpu.yield
      }) : () -> ()
      %mul3A_253 = arith.constant 640 : i32
      %mul3A_254 = arith.muli %arg1, %mul3A_253 : i32
      %add3A_255 = arith.constant 128 : i32
      %add3A_256 = arith.addi %mul3A_254, %add3A_255 : i32
      "tpu.region"() ({
        %run_scoped3A = tpu.sem_alloc : memref<!tpu.dma_semaphore, #tpu.memory_space<semaphore_mem>>
        %dma_start3A_285 = arith.constant 0 : i32
        %dma_start3A_286 = tpu.memref_slice %arg29[%add3A_256, %dma_start3A_285] : memref<10112x128xf32, #tpu.memory_space<vmem_shared>> -> memref<64x128xf32, #tpu.memory_space<vmem_shared>>
        %dma_start3A_287 = arith.constant 0 : i32
        %dma_start3A_288 = tpu.memref_slice %arg29[%add3A_256, %dma_start3A_287] : memref<10112x128xf32, #tpu.memory_space<vmem_shared>> -> memref<64x128xf32, #tpu.memory_space<vmem_shared>>
        tpu.enqueue_dma source(%arg11 : memref<64x128xf32, #tpu.memory_space<vmem>>) target(%dma_start3A_288 : memref<64x128xf32, #tpu.memory_space<vmem_shared>>) target_semaphore(%run_scoped3A : memref<!tpu.dma_semaphore, #tpu.memory_space<semaphore_mem>>)
        %dma_wait3A_289 = arith.constant 0 : i32
        %dma_wait3A_290 = tpu.memref_slice %arg29[%add3A_256, %dma_wait3A_289] : memref<10112x128xf32, #tpu.memory_space<vmem_shared>> -> memref<64x128xf32, #tpu.memory_space<vmem_shared>>
        %dma_wait3A_291 = arith.constant 0 : i32
        %dma_wait3A_292 = tpu.memref_slice %arg29[%add3A_256, %dma_wait3A_291] : memref<10112x128xf32, #tpu.memory_space<vmem_shared>> -> memref<64x128xf32, #tpu.memory_space<vmem_shared>>
        tpu.wait_dma2 semaphore(%run_scoped3A : memref<!tpu.dma_semaphore, #tpu.memory_space<semaphore_mem>>) src(%arg11 : memref<64x128xf32, #tpu.memory_space<vmem>>) dst(%dma_wait3A_292 : memref<64x128xf32, #tpu.memory_space<vmem_shared>>)
        tpu.yield
      }) : () -> ()
      %mul3A_257 = arith.constant 640 : i32
      %mul3A_258 = arith.muli %arg1, %mul3A_257 : i32
      %add3A_259 = arith.constant 192 : i32
      %add3A_260 = arith.addi %mul3A_258, %add3A_259 : i32
      "tpu.region"() ({
        %run_scoped3A = tpu.sem_alloc : memref<!tpu.dma_semaphore, #tpu.memory_space<semaphore_mem>>
        %dma_start3A_285 = arith.constant 0 : i32
        %dma_start3A_286 = tpu.memref_slice %arg29[%add3A_260, %dma_start3A_285] : memref<10112x128xf32, #tpu.memory_space<vmem_shared>> -> memref<64x128xf32, #tpu.memory_space<vmem_shared>>
        %dma_start3A_287 = arith.constant 0 : i32
        %dma_start3A_288 = tpu.memref_slice %arg29[%add3A_260, %dma_start3A_287] : memref<10112x128xf32, #tpu.memory_space<vmem_shared>> -> memref<64x128xf32, #tpu.memory_space<vmem_shared>>
        tpu.enqueue_dma source(%arg11 : memref<64x128xf32, #tpu.memory_space<vmem>>) target(%dma_start3A_288 : memref<64x128xf32, #tpu.memory_space<vmem_shared>>) target_semaphore(%run_scoped3A : memref<!tpu.dma_semaphore, #tpu.memory_space<semaphore_mem>>)
        %dma_wait3A_289 = arith.constant 0 : i32
        %dma_wait3A_290 = tpu.memref_slice %arg29[%add3A_260, %dma_wait3A_289] : memref<10112x128xf32, #tpu.memory_space<vmem_shared>> -> memref<64x128xf32, #tpu.memory_space<vmem_shared>>
        %dma_wait3A_291 = arith.constant 0 : i32
        %dma_wait3A_292 = tpu.memref_slice %arg29[%add3A_260, %dma_wait3A_291] : memref<10112x128xf32, #tpu.memory_space<vmem_shared>> -> memref<64x128xf32, #tpu.memory_space<vmem_shared>>
        tpu.wait_dma2 semaphore(%run_scoped3A : memref<!tpu.dma_semaphore, #tpu.memory_space<semaphore_mem>>) src(%arg11 : memref<64x128xf32, #tpu.memory_space<vmem>>) dst(%dma_wait3A_292 : memref<64x128xf32, #tpu.memory_space<vmem_shared>>)
        tpu.yield
      }) : () -> ()
      %mul3A_261 = arith.constant 640 : i32
      %mul3A_262 = arith.muli %arg1, %mul3A_261 : i32
      %add3A_263 = arith.constant 256 : i32
      %add3A_264 = arith.addi %mul3A_262, %add3A_263 : i32
      "tpu.region"() ({
        %run_scoped3A = tpu.sem_alloc : memref<!tpu.dma_semaphore, #tpu.memory_space<semaphore_mem>>
        %dma_start3A_285 = arith.constant 0 : i32
        %dma_start3A_286 = tpu.memref_slice %arg29[%add3A_264, %dma_start3A_285] : memref<10112x128xf32, #tpu.memory_space<vmem_shared>> -> memref<64x128xf32, #tpu.memory_space<vmem_shared>>
        %dma_start3A_287 = arith.constant 0 : i32
        %dma_start3A_288 = tpu.memref_slice %arg29[%add3A_264, %dma_start3A_287] : memref<10112x128xf32, #tpu.memory_space<vmem_shared>> -> memref<64x128xf32, #tpu.memory_space<vmem_shared>>
        tpu.enqueue_dma source(%arg11 : memref<64x128xf32, #tpu.memory_space<vmem>>) target(%dma_start3A_288 : memref<64x128xf32, #tpu.memory_space<vmem_shared>>) target_semaphore(%run_scoped3A : memref<!tpu.dma_semaphore, #tpu.memory_space<semaphore_mem>>)
        %dma_wait3A_289 = arith.constant 0 : i32
        %dma_wait3A_290 = tpu.memref_slice %arg29[%add3A_264, %dma_wait3A_289] : memref<10112x128xf32, #tpu.memory_space<vmem_shared>> -> memref<64x128xf32, #tpu.memory_space<vmem_shared>>
        %dma_wait3A_291 = arith.constant 0 : i32
        %dma_wait3A_292 = tpu.memref_slice %arg29[%add3A_264, %dma_wait3A_291] : memref<10112x128xf32, #tpu.memory_space<vmem_shared>> -> memref<64x128xf32, #tpu.memory_space<vmem_shared>>
        tpu.wait_dma2 semaphore(%run_scoped3A : memref<!tpu.dma_semaphore, #tpu.memory_space<semaphore_mem>>) src(%arg11 : memref<64x128xf32, #tpu.memory_space<vmem>>) dst(%dma_wait3A_292 : memref<64x128xf32, #tpu.memory_space<vmem_shared>>)
        tpu.yield
      }) : () -> ()
      %mul3A_265 = arith.constant 640 : i32
      %mul3A_266 = arith.muli %arg1, %mul3A_265 : i32
      %add3A_267 = arith.constant 320 : i32
      %add3A_268 = arith.addi %mul3A_266, %add3A_267 : i32
      "tpu.region"() ({
        %run_scoped3A = tpu.sem_alloc : memref<!tpu.dma_semaphore, #tpu.memory_space<semaphore_mem>>
        %dma_start3A_285 = arith.constant 0 : i32
        %dma_start3A_286 = tpu.memref_slice %arg29[%add3A_268, %dma_start3A_285] : memref<10112x128xf32, #tpu.memory_space<vmem_shared>> -> memref<64x128xf32, #tpu.memory_space<vmem_shared>>
        %dma_start3A_287 = arith.constant 0 : i32
        %dma_start3A_288 = tpu.memref_slice %arg29[%add3A_268, %dma_start3A_287] : memref<10112x128xf32, #tpu.memory_space<vmem_shared>> -> memref<64x128xf32, #tpu.memory_space<vmem_shared>>
        tpu.enqueue_dma source(%arg11 : memref<64x128xf32, #tpu.memory_space<vmem>>) target(%dma_start3A_288 : memref<64x128xf32, #tpu.memory_space<vmem_shared>>) target_semaphore(%run_scoped3A : memref<!tpu.dma_semaphore, #tpu.memory_space<semaphore_mem>>)
        %dma_wait3A_289 = arith.constant 0 : i32
        %dma_wait3A_290 = tpu.memref_slice %arg29[%add3A_268, %dma_wait3A_289] : memref<10112x128xf32, #tpu.memory_space<vmem_shared>> -> memref<64x128xf32, #tpu.memory_space<vmem_shared>>
        %dma_wait3A_291 = arith.constant 0 : i32
        %dma_wait3A_292 = tpu.memref_slice %arg29[%add3A_268, %dma_wait3A_291] : memref<10112x128xf32, #tpu.memory_space<vmem_shared>> -> memref<64x128xf32, #tpu.memory_space<vmem_shared>>
        tpu.wait_dma2 semaphore(%run_scoped3A : memref<!tpu.dma_semaphore, #tpu.memory_space<semaphore_mem>>) src(%arg11 : memref<64x128xf32, #tpu.memory_space<vmem>>) dst(%dma_wait3A_292 : memref<64x128xf32, #tpu.memory_space<vmem_shared>>)
        tpu.yield
      }) : () -> ()
      %mul3A_269 = arith.constant 640 : i32
      %mul3A_270 = arith.muli %arg1, %mul3A_269 : i32
      %add3A_271 = arith.constant 384 : i32
      %add3A_272 = arith.addi %mul3A_270, %add3A_271 : i32
      "tpu.region"() ({
        %run_scoped3A = tpu.sem_alloc : memref<!tpu.dma_semaphore, #tpu.memory_space<semaphore_mem>>
        %dma_start3A_285 = arith.constant 0 : i32
        %dma_start3A_286 = tpu.memref_slice %arg29[%add3A_272, %dma_start3A_285] : memref<10112x128xf32, #tpu.memory_space<vmem_shared>> -> memref<64x128xf32, #tpu.memory_space<vmem_shared>>
        %dma_start3A_287 = arith.constant 0 : i32
        %dma_start3A_288 = tpu.memref_slice %arg29[%add3A_272, %dma_start3A_287] : memref<10112x128xf32, #tpu.memory_space<vmem_shared>> -> memref<64x128xf32, #tpu.memory_space<vmem_shared>>
        tpu.enqueue_dma source(%arg11 : memref<64x128xf32, #tpu.memory_space<vmem>>) target(%dma_start3A_288 : memref<64x128xf32, #tpu.memory_space<vmem_shared>>) target_semaphore(%run_scoped3A : memref<!tpu.dma_semaphore, #tpu.memory_space<semaphore_mem>>)
        %dma_wait3A_289 = arith.constant 0 : i32
        %dma_wait3A_290 = tpu.memref_slice %arg29[%add3A_272, %dma_wait3A_289] : memref<10112x128xf32, #tpu.memory_space<vmem_shared>> -> memref<64x128xf32, #tpu.memory_space<vmem_shared>>
        %dma_wait3A_291 = arith.constant 0 : i32
        %dma_wait3A_292 = tpu.memref_slice %arg29[%add3A_272, %dma_wait3A_291] : memref<10112x128xf32, #tpu.memory_space<vmem_shared>> -> memref<64x128xf32, #tpu.memory_space<vmem_shared>>
        tpu.wait_dma2 semaphore(%run_scoped3A : memref<!tpu.dma_semaphore, #tpu.memory_space<semaphore_mem>>) src(%arg11 : memref<64x128xf32, #tpu.memory_space<vmem>>) dst(%dma_wait3A_292 : memref<64x128xf32, #tpu.memory_space<vmem_shared>>)
        tpu.yield
      }) : () -> ()
      %mul3A_273 = arith.constant 640 : i32
      %mul3A_274 = arith.muli %arg1, %mul3A_273 : i32
      %add3A_275 = arith.constant 448 : i32
      %add3A_276 = arith.addi %mul3A_274, %add3A_275 : i32
      "tpu.region"() ({
        %run_scoped3A = tpu.sem_alloc : memref<!tpu.dma_semaphore, #tpu.memory_space<semaphore_mem>>
        %dma_start3A_285 = arith.constant 0 : i32
        %dma_start3A_286 = tpu.memref_slice %arg29[%add3A_276, %dma_start3A_285] : memref<10112x128xf32, #tpu.memory_space<vmem_shared>> -> memref<64x128xf32, #tpu.memory_space<vmem_shared>>
        %dma_start3A_287 = arith.constant 0 : i32
        %dma_start3A_288 = tpu.memref_slice %arg29[%add3A_276, %dma_start3A_287] : memref<10112x128xf32, #tpu.memory_space<vmem_shared>> -> memref<64x128xf32, #tpu.memory_space<vmem_shared>>
        tpu.enqueue_dma source(%arg11 : memref<64x128xf32, #tpu.memory_space<vmem>>) target(%dma_start3A_288 : memref<64x128xf32, #tpu.memory_space<vmem_shared>>) target_semaphore(%run_scoped3A : memref<!tpu.dma_semaphore, #tpu.memory_space<semaphore_mem>>)
        %dma_wait3A_289 = arith.constant 0 : i32
        %dma_wait3A_290 = tpu.memref_slice %arg29[%add3A_276, %dma_wait3A_289] : memref<10112x128xf32, #tpu.memory_space<vmem_shared>> -> memref<64x128xf32, #tpu.memory_space<vmem_shared>>
        %dma_wait3A_291 = arith.constant 0 : i32
        %dma_wait3A_292 = tpu.memref_slice %arg29[%add3A_276, %dma_wait3A_291] : memref<10112x128xf32, #tpu.memory_space<vmem_shared>> -> memref<64x128xf32, #tpu.memory_space<vmem_shared>>
        tpu.wait_dma2 semaphore(%run_scoped3A : memref<!tpu.dma_semaphore, #tpu.memory_space<semaphore_mem>>) src(%arg11 : memref<64x128xf32, #tpu.memory_space<vmem>>) dst(%dma_wait3A_292 : memref<64x128xf32, #tpu.memory_space<vmem_shared>>)
        tpu.yield
      }) : () -> ()
      %mul3A_277 = arith.constant 640 : i32
      %mul3A_278 = arith.muli %arg1, %mul3A_277 : i32
      %add3A_279 = arith.constant 512 : i32
      %add3A_280 = arith.addi %mul3A_278, %add3A_279 : i32
      "tpu.region"() ({
        %run_scoped3A = tpu.sem_alloc : memref<!tpu.dma_semaphore, #tpu.memory_space<semaphore_mem>>
        %dma_start3A_285 = arith.constant 0 : i32
        %dma_start3A_286 = tpu.memref_slice %arg29[%add3A_280, %dma_start3A_285] : memref<10112x128xf32, #tpu.memory_space<vmem_shared>> -> memref<64x128xf32, #tpu.memory_space<vmem_shared>>
        %dma_start3A_287 = arith.constant 0 : i32
        %dma_start3A_288 = tpu.memref_slice %arg29[%add3A_280, %dma_start3A_287] : memref<10112x128xf32, #tpu.memory_space<vmem_shared>> -> memref<64x128xf32, #tpu.memory_space<vmem_shared>>
        tpu.enqueue_dma source(%arg11 : memref<64x128xf32, #tpu.memory_space<vmem>>) target(%dma_start3A_288 : memref<64x128xf32, #tpu.memory_space<vmem_shared>>) target_semaphore(%run_scoped3A : memref<!tpu.dma_semaphore, #tpu.memory_space<semaphore_mem>>)
        %dma_wait3A_289 = arith.constant 0 : i32
        %dma_wait3A_290 = tpu.memref_slice %arg29[%add3A_280, %dma_wait3A_289] : memref<10112x128xf32, #tpu.memory_space<vmem_shared>> -> memref<64x128xf32, #tpu.memory_space<vmem_shared>>
        %dma_wait3A_291 = arith.constant 0 : i32
        %dma_wait3A_292 = tpu.memref_slice %arg29[%add3A_280, %dma_wait3A_291] : memref<10112x128xf32, #tpu.memory_space<vmem_shared>> -> memref<64x128xf32, #tpu.memory_space<vmem_shared>>
        tpu.wait_dma2 semaphore(%run_scoped3A : memref<!tpu.dma_semaphore, #tpu.memory_space<semaphore_mem>>) src(%arg11 : memref<64x128xf32, #tpu.memory_space<vmem>>) dst(%dma_wait3A_292 : memref<64x128xf32, #tpu.memory_space<vmem_shared>>)
        tpu.yield
      }) : () -> ()
      %mul3A_281 = arith.constant 640 : i32
      %mul3A_282 = arith.muli %arg1, %mul3A_281 : i32
      %add3A_283 = arith.constant 576 : i32
      %add3A_284 = arith.addi %mul3A_282, %add3A_283 : i32
      "tpu.region"() ({
        %run_scoped3A = tpu.sem_alloc : memref<!tpu.dma_semaphore, #tpu.memory_space<semaphore_mem>>
        %dma_start3A_285 = arith.constant 0 : i32
        %dma_start3A_286 = tpu.memref_slice %arg29[%add3A_284, %dma_start3A_285] : memref<10112x128xf32, #tpu.memory_space<vmem_shared>> -> memref<64x128xf32, #tpu.memory_space<vmem_shared>>
        %dma_start3A_287 = arith.constant 0 : i32
        %dma_start3A_288 = tpu.memref_slice %arg29[%add3A_284, %dma_start3A_287] : memref<10112x128xf32, #tpu.memory_space<vmem_shared>> -> memref<64x128xf32, #tpu.memory_space<vmem_shared>>
        tpu.enqueue_dma source(%arg11 : memref<64x128xf32, #tpu.memory_space<vmem>>) target(%dma_start3A_288 : memref<64x128xf32, #tpu.memory_space<vmem_shared>>) target_semaphore(%run_scoped3A : memref<!tpu.dma_semaphore, #tpu.memory_space<semaphore_mem>>)
        %dma_wait3A_289 = arith.constant 0 : i32
        %dma_wait3A_290 = tpu.memref_slice %arg29[%add3A_284, %dma_wait3A_289] : memref<10112x128xf32, #tpu.memory_space<vmem_shared>> -> memref<64x128xf32, #tpu.memory_space<vmem_shared>>
        %dma_wait3A_291 = arith.constant 0 : i32
        %dma_wait3A_292 = tpu.memref_slice %arg29[%add3A_284, %dma_wait3A_291] : memref<10112x128xf32, #tpu.memory_space<vmem_shared>> -> memref<64x128xf32, #tpu.memory_space<vmem_shared>>
        tpu.wait_dma2 semaphore(%run_scoped3A : memref<!tpu.dma_semaphore, #tpu.memory_space<semaphore_mem>>) src(%arg11 : memref<64x128xf32, #tpu.memory_space<vmem>>) dst(%dma_wait3A_292 : memref<64x128xf32, #tpu.memory_space<vmem_shared>>)
        tpu.yield
      }) : () -> ()
    } else {
    }
    %eq3A = arith.constant 15 : i32
    %eq3A_15 = arith.cmpi eq, %arg1, %eq3A : i32
    %convert_element_type3A_16 = arith.extui %eq3A_15 : i1 to i32
    %cond3A_17 = arith.constant 0 : i32
    %cond3A_18 = arith.cmpi ne, %convert_element_type3A_16, %cond3A_17 : i32
    scf.if %cond3A_18 {
      "tpu.region"() ({
        %run_scoped3A = tpu.sem_alloc : memref<!tpu.dma_semaphore, #tpu.memory_space<semaphore_mem>>
        %dma_start3A_205 = arith.constant 9600 : i32
        %dma_start3A_206 = tpu.memref_slice %arg28[%dma_start3A_205] : memref<10112xf32, #tpu.memory_space<vmem_shared>> -> memref<64xf32, #tpu.memory_space<vmem_shared>>
        %dma_start3A_207 = arith.constant 9600 : i32
        %dma_start3A_208 = tpu.memref_slice %arg28[%dma_start3A_207] : memref<10112xf32, #tpu.memory_space<vmem_shared>> -> memref<64xf32, #tpu.memory_space<vmem_shared>>
        tpu.enqueue_dma source(%arg17 : memref<64xf32, #tpu.memory_space<vmem>>) target(%dma_start3A_208 : memref<64xf32, #tpu.memory_space<vmem_shared>>) target_semaphore(%run_scoped3A : memref<!tpu.dma_semaphore, #tpu.memory_space<semaphore_mem>>)
        %dma_wait3A_209 = arith.constant 9600 : i32
        %dma_wait3A_210 = tpu.memref_slice %arg28[%dma_wait3A_209] : memref<10112xf32, #tpu.memory_space<vmem_shared>> -> memref<64xf32, #tpu.memory_space<vmem_shared>>
        %dma_wait3A_211 = arith.constant 9600 : i32
        %dma_wait3A_212 = tpu.memref_slice %arg28[%dma_wait3A_211] : memref<10112xf32, #tpu.memory_space<vmem_shared>> -> memref<64xf32, #tpu.memory_space<vmem_shared>>
        tpu.wait_dma2 semaphore(%run_scoped3A : memref<!tpu.dma_semaphore, #tpu.memory_space<semaphore_mem>>) src(%arg17 : memref<64xf32, #tpu.memory_space<vmem>>) dst(%dma_wait3A_212 : memref<64xf32, #tpu.memory_space<vmem_shared>>)
        tpu.yield
      }) : () -> ()
      "tpu.region"() ({
        %run_scoped3A = tpu.sem_alloc : memref<!tpu.dma_semaphore, #tpu.memory_space<semaphore_mem>>
        %dma_start3A_205 = arith.constant 9664 : i32
        %dma_start3A_206 = tpu.memref_slice %arg28[%dma_start3A_205] : memref<10112xf32, #tpu.memory_space<vmem_shared>> -> memref<64xf32, #tpu.memory_space<vmem_shared>>
        %dma_start3A_207 = arith.constant 9664 : i32
        %dma_start3A_208 = tpu.memref_slice %arg28[%dma_start3A_207] : memref<10112xf32, #tpu.memory_space<vmem_shared>> -> memref<64xf32, #tpu.memory_space<vmem_shared>>
        tpu.enqueue_dma source(%arg17 : memref<64xf32, #tpu.memory_space<vmem>>) target(%dma_start3A_208 : memref<64xf32, #tpu.memory_space<vmem_shared>>) target_semaphore(%run_scoped3A : memref<!tpu.dma_semaphore, #tpu.memory_space<semaphore_mem>>)
        %dma_wait3A_209 = arith.constant 9664 : i32
        %dma_wait3A_210 = tpu.memref_slice %arg28[%dma_wait3A_209] : memref<10112xf32, #tpu.memory_space<vmem_shared>> -> memref<64xf32, #tpu.memory_space<vmem_shared>>
        %dma_wait3A_211 = arith.constant 9664 : i32
        %dma_wait3A_212 = tpu.memref_slice %arg28[%dma_wait3A_211] : memref<10112xf32, #tpu.memory_space<vmem_shared>> -> memref<64xf32, #tpu.memory_space<vmem_shared>>
        tpu.wait_dma2 semaphore(%run_scoped3A : memref<!tpu.dma_semaphore, #tpu.memory_space<semaphore_mem>>) src(%arg17 : memref<64xf32, #tpu.memory_space<vmem>>) dst(%dma_wait3A_212 : memref<64xf32, #tpu.memory_space<vmem_shared>>)
        tpu.yield
      }) : () -> ()
      "tpu.region"() ({
        %run_scoped3A = tpu.sem_alloc : memref<!tpu.dma_semaphore, #tpu.memory_space<semaphore_mem>>
        %dma_start3A_205 = arith.constant 9728 : i32
        %dma_start3A_206 = tpu.memref_slice %arg28[%dma_start3A_205] : memref<10112xf32, #tpu.memory_space<vmem_shared>> -> memref<64xf32, #tpu.memory_space<vmem_shared>>
        %dma_start3A_207 = arith.constant 9728 : i32
        %dma_start3A_208 = tpu.memref_slice %arg28[%dma_start3A_207] : memref<10112xf32, #tpu.memory_space<vmem_shared>> -> memref<64xf32, #tpu.memory_space<vmem_shared>>
        tpu.enqueue_dma source(%arg17 : memref<64xf32, #tpu.memory_space<vmem>>) target(%dma_start3A_208 : memref<64xf32, #tpu.memory_space<vmem_shared>>) target_semaphore(%run_scoped3A : memref<!tpu.dma_semaphore, #tpu.memory_space<semaphore_mem>>)
        %dma_wait3A_209 = arith.constant 9728 : i32
        %dma_wait3A_210 = tpu.memref_slice %arg28[%dma_wait3A_209] : memref<10112xf32, #tpu.memory_space<vmem_shared>> -> memref<64xf32, #tpu.memory_space<vmem_shared>>
        %dma_wait3A_211 = arith.constant 9728 : i32
        %dma_wait3A_212 = tpu.memref_slice %arg28[%dma_wait3A_211] : memref<10112xf32, #tpu.memory_space<vmem_shared>> -> memref<64xf32, #tpu.memory_space<vmem_shared>>
        tpu.wait_dma2 semaphore(%run_scoped3A : memref<!tpu.dma_semaphore, #tpu.memory_space<semaphore_mem>>) src(%arg17 : memref<64xf32, #tpu.memory_space<vmem>>) dst(%dma_wait3A_212 : memref<64xf32, #tpu.memory_space<vmem_shared>>)
        tpu.yield
      }) : () -> ()
      "tpu.region"() ({
        %run_scoped3A = tpu.sem_alloc : memref<!tpu.dma_semaphore, #tpu.memory_space<semaphore_mem>>
        %dma_start3A_205 = arith.constant 9792 : i32
        %dma_start3A_206 = tpu.memref_slice %arg28[%dma_start3A_205] : memref<10112xf32, #tpu.memory_space<vmem_shared>> -> memref<64xf32, #tpu.memory_space<vmem_shared>>
        %dma_start3A_207 = arith.constant 9792 : i32
        %dma_start3A_208 = tpu.memref_slice %arg28[%dma_start3A_207] : memref<10112xf32, #tpu.memory_space<vmem_shared>> -> memref<64xf32, #tpu.memory_space<vmem_shared>>
        tpu.enqueue_dma source(%arg17 : memref<64xf32, #tpu.memory_space<vmem>>) target(%dma_start3A_208 : memref<64xf32, #tpu.memory_space<vmem_shared>>) target_semaphore(%run_scoped3A : memref<!tpu.dma_semaphore, #tpu.memory_space<semaphore_mem>>)
        %dma_wait3A_209 = arith.constant 9792 : i32
        %dma_wait3A_210 = tpu.memref_slice %arg28[%dma_wait3A_209] : memref<10112xf32, #tpu.memory_space<vmem_shared>> -> memref<64xf32, #tpu.memory_space<vmem_shared>>
        %dma_wait3A_211 = arith.constant 9792 : i32
        %dma_wait3A_212 = tpu.memref_slice %arg28[%dma_wait3A_211] : memref<10112xf32, #tpu.memory_space<vmem_shared>> -> memref<64xf32, #tpu.memory_space<vmem_shared>>
        tpu.wait_dma2 semaphore(%run_scoped3A : memref<!tpu.dma_semaphore, #tpu.memory_space<semaphore_mem>>) src(%arg17 : memref<64xf32, #tpu.memory_space<vmem>>) dst(%dma_wait3A_212 : memref<64xf32, #tpu.memory_space<vmem_shared>>)
        tpu.yield
      }) : () -> ()
      "tpu.region"() ({
        %run_scoped3A = tpu.sem_alloc : memref<!tpu.dma_semaphore, #tpu.memory_space<semaphore_mem>>
        %dma_start3A_205 = arith.constant 9856 : i32
        %dma_start3A_206 = tpu.memref_slice %arg28[%dma_start3A_205] : memref<10112xf32, #tpu.memory_space<vmem_shared>> -> memref<64xf32, #tpu.memory_space<vmem_shared>>
        %dma_start3A_207 = arith.constant 9856 : i32
        %dma_start3A_208 = tpu.memref_slice %arg28[%dma_start3A_207] : memref<10112xf32, #tpu.memory_space<vmem_shared>> -> memref<64xf32, #tpu.memory_space<vmem_shared>>
        tpu.enqueue_dma source(%arg17 : memref<64xf32, #tpu.memory_space<vmem>>) target(%dma_start3A_208 : memref<64xf32, #tpu.memory_space<vmem_shared>>) target_semaphore(%run_scoped3A : memref<!tpu.dma_semaphore, #tpu.memory_space<semaphore_mem>>)
        %dma_wait3A_209 = arith.constant 9856 : i32
        %dma_wait3A_210 = tpu.memref_slice %arg28[%dma_wait3A_209] : memref<10112xf32, #tpu.memory_space<vmem_shared>> -> memref<64xf32, #tpu.memory_space<vmem_shared>>
        %dma_wait3A_211 = arith.constant 9856 : i32
        %dma_wait3A_212 = tpu.memref_slice %arg28[%dma_wait3A_211] : memref<10112xf32, #tpu.memory_space<vmem_shared>> -> memref<64xf32, #tpu.memory_space<vmem_shared>>
        tpu.wait_dma2 semaphore(%run_scoped3A : memref<!tpu.dma_semaphore, #tpu.memory_space<semaphore_mem>>) src(%arg17 : memref<64xf32, #tpu.memory_space<vmem>>) dst(%dma_wait3A_212 : memref<64xf32, #tpu.memory_space<vmem_shared>>)
        tpu.yield
      }) : () -> ()
      "tpu.region"() ({
        %run_scoped3A = tpu.sem_alloc : memref<!tpu.dma_semaphore, #tpu.memory_space<semaphore_mem>>
        %dma_start3A_205 = arith.constant 9920 : i32
        %dma_start3A_206 = tpu.memref_slice %arg28[%dma_start3A_205] : memref<10112xf32, #tpu.memory_space<vmem_shared>> -> memref<64xf32, #tpu.memory_space<vmem_shared>>
        %dma_start3A_207 = arith.constant 9920 : i32
        %dma_start3A_208 = tpu.memref_slice %arg28[%dma_start3A_207] : memref<10112xf32, #tpu.memory_space<vmem_shared>> -> memref<64xf32, #tpu.memory_space<vmem_shared>>
        tpu.enqueue_dma source(%arg17 : memref<64xf32, #tpu.memory_space<vmem>>) target(%dma_start3A_208 : memref<64xf32, #tpu.memory_space<vmem_shared>>) target_semaphore(%run_scoped3A : memref<!tpu.dma_semaphore, #tpu.memory_space<semaphore_mem>>)
        %dma_wait3A_209 = arith.constant 9920 : i32
        %dma_wait3A_210 = tpu.memref_slice %arg28[%dma_wait3A_209] : memref<10112xf32, #tpu.memory_space<vmem_shared>> -> memref<64xf32, #tpu.memory_space<vmem_shared>>
        %dma_wait3A_211 = arith.constant 9920 : i32
        %dma_wait3A_212 = tpu.memref_slice %arg28[%dma_wait3A_211] : memref<10112xf32, #tpu.memory_space<vmem_shared>> -> memref<64xf32, #tpu.memory_space<vmem_shared>>
        tpu.wait_dma2 semaphore(%run_scoped3A : memref<!tpu.dma_semaphore, #tpu.memory_space<semaphore_mem>>) src(%arg17 : memref<64xf32, #tpu.memory_space<vmem>>) dst(%dma_wait3A_212 : memref<64xf32, #tpu.memory_space<vmem_shared>>)
        tpu.yield
      }) : () -> ()
      "tpu.region"() ({
        %run_scoped3A = tpu.sem_alloc : memref<!tpu.dma_semaphore, #tpu.memory_space<semaphore_mem>>
        %dma_start3A_205 = arith.constant 9984 : i32
        %dma_start3A_206 = tpu.memref_slice %arg28[%dma_start3A_205] : memref<10112xf32, #tpu.memory_space<vmem_shared>> -> memref<64xf32, #tpu.memory_space<vmem_shared>>
        %dma_start3A_207 = arith.constant 9984 : i32
        %dma_start3A_208 = tpu.memref_slice %arg28[%dma_start3A_207] : memref<10112xf32, #tpu.memory_space<vmem_shared>> -> memref<64xf32, #tpu.memory_space<vmem_shared>>
        tpu.enqueue_dma source(%arg17 : memref<64xf32, #tpu.memory_space<vmem>>) target(%dma_start3A_208 : memref<64xf32, #tpu.memory_space<vmem_shared>>) target_semaphore(%run_scoped3A : memref<!tpu.dma_semaphore, #tpu.memory_space<semaphore_mem>>)
        %dma_wait3A_209 = arith.constant 9984 : i32
        %dma_wait3A_210 = tpu.memref_slice %arg28[%dma_wait3A_209] : memref<10112xf32, #tpu.memory_space<vmem_shared>> -> memref<64xf32, #tpu.memory_space<vmem_shared>>
        %dma_wait3A_211 = arith.constant 9984 : i32
        %dma_wait3A_212 = tpu.memref_slice %arg28[%dma_wait3A_211] : memref<10112xf32, #tpu.memory_space<vmem_shared>> -> memref<64xf32, #tpu.memory_space<vmem_shared>>
        tpu.wait_dma2 semaphore(%run_scoped3A : memref<!tpu.dma_semaphore, #tpu.memory_space<semaphore_mem>>) src(%arg17 : memref<64xf32, #tpu.memory_space<vmem>>) dst(%dma_wait3A_212 : memref<64xf32, #tpu.memory_space<vmem_shared>>)
        tpu.yield
      }) : () -> ()
      "tpu.region"() ({
        %run_scoped3A = tpu.sem_alloc : memref<!tpu.dma_semaphore, #tpu.memory_space<semaphore_mem>>
        %dma_start3A_205 = arith.constant 10048 : i32
        %dma_start3A_206 = tpu.memref_slice %arg28[%dma_start3A_205] : memref<10112xf32, #tpu.memory_space<vmem_shared>> -> memref<64xf32, #tpu.memory_space<vmem_shared>>
        %dma_start3A_207 = arith.constant 10048 : i32
        %dma_start3A_208 = tpu.memref_slice %arg28[%dma_start3A_207] : memref<10112xf32, #tpu.memory_space<vmem_shared>> -> memref<64xf32, #tpu.memory_space<vmem_shared>>
        tpu.enqueue_dma source(%arg17 : memref<64xf32, #tpu.memory_space<vmem>>) target(%dma_start3A_208 : memref<64xf32, #tpu.memory_space<vmem_shared>>) target_semaphore(%run_scoped3A : memref<!tpu.dma_semaphore, #tpu.memory_space<semaphore_mem>>)
        %dma_wait3A_209 = arith.constant 10048 : i32
        %dma_wait3A_210 = tpu.memref_slice %arg28[%dma_wait3A_209] : memref<10112xf32, #tpu.memory_space<vmem_shared>> -> memref<64xf32, #tpu.memory_space<vmem_shared>>
        %dma_wait3A_211 = arith.constant 10048 : i32
        %dma_wait3A_212 = tpu.memref_slice %arg28[%dma_wait3A_211] : memref<10112xf32, #tpu.memory_space<vmem_shared>> -> memref<64xf32, #tpu.memory_space<vmem_shared>>
        tpu.wait_dma2 semaphore(%run_scoped3A : memref<!tpu.dma_semaphore, #tpu.memory_space<semaphore_mem>>) src(%arg17 : memref<64xf32, #tpu.memory_space<vmem>>) dst(%dma_wait3A_212 : memref<64xf32, #tpu.memory_space<vmem_shared>>)
        tpu.yield
      }) : () -> ()
      "tpu.region"() ({
        %run_scoped3A = tpu.sem_alloc : memref<!tpu.dma_semaphore, #tpu.memory_space<semaphore_mem>>
        %dma_start3A_205 = arith.constant 9600 : i32
        %dma_start3A_206 = arith.constant 0 : i32
        %dma_start3A_207 = tpu.memref_slice %arg29[%dma_start3A_205, %dma_start3A_206] : memref<10112x128xf32, #tpu.memory_space<vmem_shared>> -> memref<64x128xf32, #tpu.memory_space<vmem_shared>>
        %dma_start3A_208 = arith.constant 9600 : i32
        %dma_start3A_209 = arith.constant 0 : i32
        %dma_start3A_210 = tpu.memref_slice %arg29[%dma_start3A_208, %dma_start3A_209] : memref<10112x128xf32, #tpu.memory_space<vmem_shared>> -> memref<64x128xf32, #tpu.memory_space<vmem_shared>>
        tpu.enqueue_dma source(%arg11 : memref<64x128xf32, #tpu.memory_space<vmem>>) target(%dma_start3A_210 : memref<64x128xf32, #tpu.memory_space<vmem_shared>>) target_semaphore(%run_scoped3A : memref<!tpu.dma_semaphore, #tpu.memory_space<semaphore_mem>>)
        %dma_wait3A_211 = arith.constant 9600 : i32
        %dma_wait3A_212 = arith.constant 0 : i32
        %dma_wait3A_213 = tpu.memref_slice %arg29[%dma_wait3A_211, %dma_wait3A_212] : memref<10112x128xf32, #tpu.memory_space<vmem_shared>> -> memref<64x128xf32, #tpu.memory_space<vmem_shared>>
        %dma_wait3A_214 = arith.constant 9600 : i32
        %dma_wait3A_215 = arith.constant 0 : i32
        %dma_wait3A_216 = tpu.memref_slice %arg29[%dma_wait3A_214, %dma_wait3A_215] : memref<10112x128xf32, #tpu.memory_space<vmem_shared>> -> memref<64x128xf32, #tpu.memory_space<vmem_shared>>
        tpu.wait_dma2 semaphore(%run_scoped3A : memref<!tpu.dma_semaphore, #tpu.memory_space<semaphore_mem>>) src(%arg11 : memref<64x128xf32, #tpu.memory_space<vmem>>) dst(%dma_wait3A_216 : memref<64x128xf32, #tpu.memory_space<vmem_shared>>)
        tpu.yield
      }) : () -> ()
      "tpu.region"() ({
        %run_scoped3A = tpu.sem_alloc : memref<!tpu.dma_semaphore, #tpu.memory_space<semaphore_mem>>
        %dma_start3A_205 = arith.constant 9664 : i32
        %dma_start3A_206 = arith.constant 0 : i32
        %dma_start3A_207 = tpu.memref_slice %arg29[%dma_start3A_205, %dma_start3A_206] : memref<10112x128xf32, #tpu.memory_space<vmem_shared>> -> memref<64x128xf32, #tpu.memory_space<vmem_shared>>
        %dma_start3A_208 = arith.constant 9664 : i32
        %dma_start3A_209 = arith.constant 0 : i32
        %dma_start3A_210 = tpu.memref_slice %arg29[%dma_start3A_208, %dma_start3A_209] : memref<10112x128xf32, #tpu.memory_space<vmem_shared>> -> memref<64x128xf32, #tpu.memory_space<vmem_shared>>
        tpu.enqueue_dma source(%arg11 : memref<64x128xf32, #tpu.memory_space<vmem>>) target(%dma_start3A_210 : memref<64x128xf32, #tpu.memory_space<vmem_shared>>) target_semaphore(%run_scoped3A : memref<!tpu.dma_semaphore, #tpu.memory_space<semaphore_mem>>)
        %dma_wait3A_211 = arith.constant 9664 : i32
        %dma_wait3A_212 = arith.constant 0 : i32
        %dma_wait3A_213 = tpu.memref_slice %arg29[%dma_wait3A_211, %dma_wait3A_212] : memref<10112x128xf32, #tpu.memory_space<vmem_shared>> -> memref<64x128xf32, #tpu.memory_space<vmem_shared>>
        %dma_wait3A_214 = arith.constant 9664 : i32
        %dma_wait3A_215 = arith.constant 0 : i32
        %dma_wait3A_216 = tpu.memref_slice %arg29[%dma_wait3A_214, %dma_wait3A_215] : memref<10112x128xf32, #tpu.memory_space<vmem_shared>> -> memref<64x128xf32, #tpu.memory_space<vmem_shared>>
        tpu.wait_dma2 semaphore(%run_scoped3A : memref<!tpu.dma_semaphore, #tpu.memory_space<semaphore_mem>>) src(%arg11 : memref<64x128xf32, #tpu.memory_space<vmem>>) dst(%dma_wait3A_216 : memref<64x128xf32, #tpu.memory_space<vmem_shared>>)
        tpu.yield
      }) : () -> ()
      "tpu.region"() ({
        %run_scoped3A = tpu.sem_alloc : memref<!tpu.dma_semaphore, #tpu.memory_space<semaphore_mem>>
        %dma_start3A_205 = arith.constant 9728 : i32
        %dma_start3A_206 = arith.constant 0 : i32
        %dma_start3A_207 = tpu.memref_slice %arg29[%dma_start3A_205, %dma_start3A_206] : memref<10112x128xf32, #tpu.memory_space<vmem_shared>> -> memref<64x128xf32, #tpu.memory_space<vmem_shared>>
        %dma_start3A_208 = arith.constant 9728 : i32
        %dma_start3A_209 = arith.constant 0 : i32
        %dma_start3A_210 = tpu.memref_slice %arg29[%dma_start3A_208, %dma_start3A_209] : memref<10112x128xf32, #tpu.memory_space<vmem_shared>> -> memref<64x128xf32, #tpu.memory_space<vmem_shared>>
        tpu.enqueue_dma source(%arg11 : memref<64x128xf32, #tpu.memory_space<vmem>>) target(%dma_start3A_210 : memref<64x128xf32, #tpu.memory_space<vmem_shared>>) target_semaphore(%run_scoped3A : memref<!tpu.dma_semaphore, #tpu.memory_space<semaphore_mem>>)
        %dma_wait3A_211 = arith.constant 9728 : i32
        %dma_wait3A_212 = arith.constant 0 : i32
        %dma_wait3A_213 = tpu.memref_slice %arg29[%dma_wait3A_211, %dma_wait3A_212] : memref<10112x128xf32, #tpu.memory_space<vmem_shared>> -> memref<64x128xf32, #tpu.memory_space<vmem_shared>>
        %dma_wait3A_214 = arith.constant 9728 : i32
        %dma_wait3A_215 = arith.constant 0 : i32
        %dma_wait3A_216 = tpu.memref_slice %arg29[%dma_wait3A_214, %dma_wait3A_215] : memref<10112x128xf32, #tpu.memory_space<vmem_shared>> -> memref<64x128xf32, #tpu.memory_space<vmem_shared>>
        tpu.wait_dma2 semaphore(%run_scoped3A : memref<!tpu.dma_semaphore, #tpu.memory_space<semaphore_mem>>) src(%arg11 : memref<64x128xf32, #tpu.memory_space<vmem>>) dst(%dma_wait3A_216 : memref<64x128xf32, #tpu.memory_space<vmem_shared>>)
        tpu.yield
      }) : () -> ()
      "tpu.region"() ({
        %run_scoped3A = tpu.sem_alloc : memref<!tpu.dma_semaphore, #tpu.memory_space<semaphore_mem>>
        %dma_start3A_205 = arith.constant 9792 : i32
        %dma_start3A_206 = arith.constant 0 : i32
        %dma_start3A_207 = tpu.memref_slice %arg29[%dma_start3A_205, %dma_start3A_206] : memref<10112x128xf32, #tpu.memory_space<vmem_shared>> -> memref<64x128xf32, #tpu.memory_space<vmem_shared>>
        %dma_start3A_208 = arith.constant 9792 : i32
        %dma_start3A_209 = arith.constant 0 : i32
        %dma_start3A_210 = tpu.memref_slice %arg29[%dma_start3A_208, %dma_start3A_209] : memref<10112x128xf32, #tpu.memory_space<vmem_shared>> -> memref<64x128xf32, #tpu.memory_space<vmem_shared>>
        tpu.enqueue_dma source(%arg11 : memref<64x128xf32, #tpu.memory_space<vmem>>) target(%dma_start3A_210 : memref<64x128xf32, #tpu.memory_space<vmem_shared>>) target_semaphore(%run_scoped3A : memref<!tpu.dma_semaphore, #tpu.memory_space<semaphore_mem>>)
        %dma_wait3A_211 = arith.constant 9792 : i32
        %dma_wait3A_212 = arith.constant 0 : i32
        %dma_wait3A_213 = tpu.memref_slice %arg29[%dma_wait3A_211, %dma_wait3A_212] : memref<10112x128xf32, #tpu.memory_space<vmem_shared>> -> memref<64x128xf32, #tpu.memory_space<vmem_shared>>
        %dma_wait3A_214 = arith.constant 9792 : i32
        %dma_wait3A_215 = arith.constant 0 : i32
        %dma_wait3A_216 = tpu.memref_slice %arg29[%dma_wait3A_214, %dma_wait3A_215] : memref<10112x128xf32, #tpu.memory_space<vmem_shared>> -> memref<64x128xf32, #tpu.memory_space<vmem_shared>>
        tpu.wait_dma2 semaphore(%run_scoped3A : memref<!tpu.dma_semaphore, #tpu.memory_space<semaphore_mem>>) src(%arg11 : memref<64x128xf32, #tpu.memory_space<vmem>>) dst(%dma_wait3A_216 : memref<64x128xf32, #tpu.memory_space<vmem_shared>>)
        tpu.yield
      }) : () -> ()
      "tpu.region"() ({
        %run_scoped3A = tpu.sem_alloc : memref<!tpu.dma_semaphore, #tpu.memory_space<semaphore_mem>>
        %dma_start3A_205 = arith.constant 9856 : i32
        %dma_start3A_206 = arith.constant 0 : i32
        %dma_start3A_207 = tpu.memref_slice %arg29[%dma_start3A_205, %dma_start3A_206] : memref<10112x128xf32, #tpu.memory_space<vmem_shared>> -> memref<64x128xf32, #tpu.memory_space<vmem_shared>>
        %dma_start3A_208 = arith.constant 9856 : i32
        %dma_start3A_209 = arith.constant 0 : i32
        %dma_start3A_210 = tpu.memref_slice %arg29[%dma_start3A_208, %dma_start3A_209] : memref<10112x128xf32, #tpu.memory_space<vmem_shared>> -> memref<64x128xf32, #tpu.memory_space<vmem_shared>>
        tpu.enqueue_dma source(%arg11 : memref<64x128xf32, #tpu.memory_space<vmem>>) target(%dma_start3A_210 : memref<64x128xf32, #tpu.memory_space<vmem_shared>>) target_semaphore(%run_scoped3A : memref<!tpu.dma_semaphore, #tpu.memory_space<semaphore_mem>>)
        %dma_wait3A_211 = arith.constant 9856 : i32
        %dma_wait3A_212 = arith.constant 0 : i32
        %dma_wait3A_213 = tpu.memref_slice %arg29[%dma_wait3A_211, %dma_wait3A_212] : memref<10112x128xf32, #tpu.memory_space<vmem_shared>> -> memref<64x128xf32, #tpu.memory_space<vmem_shared>>
        %dma_wait3A_214 = arith.constant 9856 : i32
        %dma_wait3A_215 = arith.constant 0 : i32
        %dma_wait3A_216 = tpu.memref_slice %arg29[%dma_wait3A_214, %dma_wait3A_215] : memref<10112x128xf32, #tpu.memory_space<vmem_shared>> -> memref<64x128xf32, #tpu.memory_space<vmem_shared>>
        tpu.wait_dma2 semaphore(%run_scoped3A : memref<!tpu.dma_semaphore, #tpu.memory_space<semaphore_mem>>) src(%arg11 : memref<64x128xf32, #tpu.memory_space<vmem>>) dst(%dma_wait3A_216 : memref<64x128xf32, #tpu.memory_space<vmem_shared>>)
        tpu.yield
      }) : () -> ()
      "tpu.region"() ({
        %run_scoped3A = tpu.sem_alloc : memref<!tpu.dma_semaphore, #tpu.memory_space<semaphore_mem>>
        %dma_start3A_205 = arith.constant 9920 : i32
        %dma_start3A_206 = arith.constant 0 : i32
        %dma_start3A_207 = tpu.memref_slice %arg29[%dma_start3A_205, %dma_start3A_206] : memref<10112x128xf32, #tpu.memory_space<vmem_shared>> -> memref<64x128xf32, #tpu.memory_space<vmem_shared>>
        %dma_start3A_208 = arith.constant 9920 : i32
        %dma_start3A_209 = arith.constant 0 : i32
        %dma_start3A_210 = tpu.memref_slice %arg29[%dma_start3A_208, %dma_start3A_209] : memref<10112x128xf32, #tpu.memory_space<vmem_shared>> -> memref<64x128xf32, #tpu.memory_space<vmem_shared>>
        tpu.enqueue_dma source(%arg11 : memref<64x128xf32, #tpu.memory_space<vmem>>) target(%dma_start3A_210 : memref<64x128xf32, #tpu.memory_space<vmem_shared>>) target_semaphore(%run_scoped3A : memref<!tpu.dma_semaphore, #tpu.memory_space<semaphore_mem>>)
        %dma_wait3A_211 = arith.constant 9920 : i32
        %dma_wait3A_212 = arith.constant 0 : i32
        %dma_wait3A_213 = tpu.memref_slice %arg29[%dma_wait3A_211, %dma_wait3A_212] : memref<10112x128xf32, #tpu.memory_space<vmem_shared>> -> memref<64x128xf32, #tpu.memory_space<vmem_shared>>
        %dma_wait3A_214 = arith.constant 9920 : i32
        %dma_wait3A_215 = arith.constant 0 : i32
        %dma_wait3A_216 = tpu.memref_slice %arg29[%dma_wait3A_214, %dma_wait3A_215] : memref<10112x128xf32, #tpu.memory_space<vmem_shared>> -> memref<64x128xf32, #tpu.memory_space<vmem_shared>>
        tpu.wait_dma2 semaphore(%run_scoped3A : memref<!tpu.dma_semaphore, #tpu.memory_space<semaphore_mem>>) src(%arg11 : memref<64x128xf32, #tpu.memory_space<vmem>>) dst(%dma_wait3A_216 : memref<64x128xf32, #tpu.memory_space<vmem_shared>>)
        tpu.yield
      }) : () -> ()
      "tpu.region"() ({
        %run_scoped3A = tpu.sem_alloc : memref<!tpu.dma_semaphore, #tpu.memory_space<semaphore_mem>>
        %dma_start3A_205 = arith.constant 9984 : i32
        %dma_start3A_206 = arith.constant 0 : i32
        %dma_start3A_207 = tpu.memref_slice %arg29[%dma_start3A_205, %dma_start3A_206] : memref<10112x128xf32, #tpu.memory_space<vmem_shared>> -> memref<64x128xf32, #tpu.memory_space<vmem_shared>>
        %dma_start3A_208 = arith.constant 9984 : i32
        %dma_start3A_209 = arith.constant 0 : i32
        %dma_start3A_210 = tpu.memref_slice %arg29[%dma_start3A_208, %dma_start3A_209] : memref<10112x128xf32, #tpu.memory_space<vmem_shared>> -> memref<64x128xf32, #tpu.memory_space<vmem_shared>>
        tpu.enqueue_dma source(%arg11 : memref<64x128xf32, #tpu.memory_space<vmem>>) target(%dma_start3A_210 : memref<64x128xf32, #tpu.memory_space<vmem_shared>>) target_semaphore(%run_scoped3A : memref<!tpu.dma_semaphore, #tpu.memory_space<semaphore_mem>>)
        %dma_wait3A_211 = arith.constant 9984 : i32
        %dma_wait3A_212 = arith.constant 0 : i32
        %dma_wait3A_213 = tpu.memref_slice %arg29[%dma_wait3A_211, %dma_wait3A_212] : memref<10112x128xf32, #tpu.memory_space<vmem_shared>> -> memref<64x128xf32, #tpu.memory_space<vmem_shared>>
        %dma_wait3A_214 = arith.constant 9984 : i32
        %dma_wait3A_215 = arith.constant 0 : i32
        %dma_wait3A_216 = tpu.memref_slice %arg29[%dma_wait3A_214, %dma_wait3A_215] : memref<10112x128xf32, #tpu.memory_space<vmem_shared>> -> memref<64x128xf32, #tpu.memory_space<vmem_shared>>
        tpu.wait_dma2 semaphore(%run_scoped3A : memref<!tpu.dma_semaphore, #tpu.memory_space<semaphore_mem>>) src(%arg11 : memref<64x128xf32, #tpu.memory_space<vmem>>) dst(%dma_wait3A_216 : memref<64x128xf32, #tpu.memory_space<vmem_shared>>)
        tpu.yield
      }) : () -> ()
      "tpu.region"() ({
        %run_scoped3A = tpu.sem_alloc : memref<!tpu.dma_semaphore, #tpu.memory_space<semaphore_mem>>
        %dma_start3A_205 = arith.constant 10048 : i32
        %dma_start3A_206 = arith.constant 0 : i32
        %dma_start3A_207 = tpu.memref_slice %arg29[%dma_start3A_205, %dma_start3A_206] : memref<10112x128xf32, #tpu.memory_space<vmem_shared>> -> memref<64x128xf32, #tpu.memory_space<vmem_shared>>
        %dma_start3A_208 = arith.constant 10048 : i32
        %dma_start3A_209 = arith.constant 0 : i32
        %dma_start3A_210 = tpu.memref_slice %arg29[%dma_start3A_208, %dma_start3A_209] : memref<10112x128xf32, #tpu.memory_space<vmem_shared>> -> memref<64x128xf32, #tpu.memory_space<vmem_shared>>
        tpu.enqueue_dma source(%arg11 : memref<64x128xf32, #tpu.memory_space<vmem>>) target(%dma_start3A_210 : memref<64x128xf32, #tpu.memory_space<vmem_shared>>) target_semaphore(%run_scoped3A : memref<!tpu.dma_semaphore, #tpu.memory_space<semaphore_mem>>)
        %dma_wait3A_211 = arith.constant 10048 : i32
        %dma_wait3A_212 = arith.constant 0 : i32
        %dma_wait3A_213 = tpu.memref_slice %arg29[%dma_wait3A_211, %dma_wait3A_212] : memref<10112x128xf32, #tpu.memory_space<vmem_shared>> -> memref<64x128xf32, #tpu.memory_space<vmem_shared>>
        %dma_wait3A_214 = arith.constant 10048 : i32
        %dma_wait3A_215 = arith.constant 0 : i32
        %dma_wait3A_216 = tpu.memref_slice %arg29[%dma_wait3A_214, %dma_wait3A_215] : memref<10112x128xf32, #tpu.memory_space<vmem_shared>> -> memref<64x128xf32, #tpu.memory_space<vmem_shared>>
        tpu.wait_dma2 semaphore(%run_scoped3A : memref<!tpu.dma_semaphore, #tpu.memory_space<semaphore_mem>>) src(%arg11 : memref<64x128xf32, #tpu.memory_space<vmem>>) dst(%dma_wait3A_216 : memref<64x128xf32, #tpu.memory_space<vmem_shared>>)
        tpu.yield
      }) : () -> ()
    } else {
    }
    "tpu.region"() ({
      %run_scoped3A = tpu.sem_alloc : memref<!tpu.dma_semaphore, #tpu.memory_space<semaphore_mem>>
      tpu.enqueue_dma source(%arg3 : memref<10112xf32, #tpu.memory_space<hbm>>) target(%arg8 : memref<10112xf32, #tpu.memory_space<vmem>>) target_semaphore(%run_scoped3A : memref<!tpu.dma_semaphore, #tpu.memory_space<semaphore_mem>>)
      tpu.wait_dma2 semaphore(%run_scoped3A : memref<!tpu.dma_semaphore, #tpu.memory_space<semaphore_mem>>) src(%arg3 : memref<10112xf32, #tpu.memory_space<hbm>>) dst(%arg8 : memref<10112xf32, #tpu.memory_space<vmem>>)
      tpu.yield
    }) : () -> ()
    "tpu.region"() ({
      %run_scoped3A = tpu.sem_alloc : memref<!tpu.dma_semaphore, #tpu.memory_space<semaphore_mem>>
      tpu.enqueue_dma source(%arg4 : memref<10112xf32, #tpu.memory_space<hbm>>) target(%arg9 : memref<10112xf32, #tpu.memory_space<vmem>>) target_semaphore(%run_scoped3A : memref<!tpu.dma_semaphore, #tpu.memory_space<semaphore_mem>>)
      tpu.wait_dma2 semaphore(%run_scoped3A : memref<!tpu.dma_semaphore, #tpu.memory_space<semaphore_mem>>) src(%arg4 : memref<10112xf32, #tpu.memory_space<hbm>>) dst(%arg9 : memref<10112xf32, #tpu.memory_space<vmem>>)
      tpu.yield
    }) : () -> ()
    %barrier3A = arith.constant 0 : index
    tpu.barrier barrier_id(%barrier3A)
    %mul3A = arith.constant 320 : i32
    %mul3A_19 = arith.muli %arg1, %mul3A : i32
    %dma_start3A = arith.constant 0 : i32
    %dma_start3A_20 = tpu.memref_slice %arg5[%mul3A_19, %dma_start3A] : memref<5120x64xi32, #tpu.memory_space<hbm>> -> memref<1x64xi32, #tpu.memory_space<hbm>>
    %dma_start3A_21 = tpu.memref_squeeze %dma_start3A_20 : memref<1x64xi32, #tpu.memory_space<hbm>> -> memref<64xi32, #tpu.memory_space<hbm>>
    %dma_start3A_22 = arith.constant 0 : i32
    %dma_start3A_23 = tpu.memref_slice %arg5[%mul3A_19, %dma_start3A_22] : memref<5120x64xi32, #tpu.memory_space<hbm>> -> memref<1x64xi32, #tpu.memory_space<hbm>>
    %dma_start3A_24 = tpu.memref_squeeze %dma_start3A_23 : memref<1x64xi32, #tpu.memory_space<hbm>> -> memref<64xi32, #tpu.memory_space<hbm>>
    tpu.enqueue_dma source(%dma_start3A_24 : memref<64xi32, #tpu.memory_space<hbm>>) target(%arg13 : memref<64xi32, #tpu.memory_space<vmem>>) target_semaphore(%arg22 : memref<!tpu.dma_semaphore, #tpu.memory_space<semaphore_mem>>)
    %dma_start3A_25 = arith.constant 0 : i32
    %dma_start3A_26 = tpu.memref_slice %arg6[%mul3A_19, %dma_start3A_25] : memref<5120x64xi32, #tpu.memory_space<hbm>> -> memref<1x64xi32, #tpu.memory_space<hbm>>
    %dma_start3A_27 = tpu.memref_squeeze %dma_start3A_26 : memref<1x64xi32, #tpu.memory_space<hbm>> -> memref<64xi32, #tpu.memory_space<hbm>>
    %dma_start3A_28 = arith.constant 0 : i32
    %dma_start3A_29 = tpu.memref_slice %arg6[%mul3A_19, %dma_start3A_28] : memref<5120x64xi32, #tpu.memory_space<hbm>> -> memref<1x64xi32, #tpu.memory_space<hbm>>
    %dma_start3A_30 = tpu.memref_squeeze %dma_start3A_29 : memref<1x64xi32, #tpu.memory_space<hbm>> -> memref<64xi32, #tpu.memory_space<hbm>>
    tpu.enqueue_dma source(%dma_start3A_30 : memref<64xi32, #tpu.memory_space<hbm>>) target(%arg15 : memref<64xi32, #tpu.memory_space<vmem>>) target_semaphore(%arg22 : memref<!tpu.dma_semaphore, #tpu.memory_space<semaphore_mem>>)
    %add3A = arith.constant 1 : i32
    %add3A_31 = arith.addi %mul3A_19, %add3A : i32
    %dma_start3A_32 = arith.constant 0 : i32
    %dma_start3A_33 = tpu.memref_slice %arg5[%add3A_31, %dma_start3A_32] : memref<5120x64xi32, #tpu.memory_space<hbm>> -> memref<1x64xi32, #tpu.memory_space<hbm>>
    %dma_start3A_34 = tpu.memref_squeeze %dma_start3A_33 : memref<1x64xi32, #tpu.memory_space<hbm>> -> memref<64xi32, #tpu.memory_space<hbm>>
    %dma_start3A_35 = arith.constant 0 : i32
    %dma_start3A_36 = tpu.memref_slice %arg5[%add3A_31, %dma_start3A_35] : memref<5120x64xi32, #tpu.memory_space<hbm>> -> memref<1x64xi32, #tpu.memory_space<hbm>>
    %dma_start3A_37 = tpu.memref_squeeze %dma_start3A_36 : memref<1x64xi32, #tpu.memory_space<hbm>> -> memref<64xi32, #tpu.memory_space<hbm>>
    tpu.enqueue_dma source(%dma_start3A_37 : memref<64xi32, #tpu.memory_space<hbm>>) target(%arg14 : memref<64xi32, #tpu.memory_space<vmem>>) target_semaphore(%arg23 : memref<!tpu.dma_semaphore, #tpu.memory_space<semaphore_mem>>)
    %dma_start3A_38 = arith.constant 0 : i32
    %dma_start3A_39 = tpu.memref_slice %arg6[%add3A_31, %dma_start3A_38] : memref<5120x64xi32, #tpu.memory_space<hbm>> -> memref<1x64xi32, #tpu.memory_space<hbm>>
    %dma_start3A_40 = tpu.memref_squeeze %dma_start3A_39 : memref<1x64xi32, #tpu.memory_space<hbm>> -> memref<64xi32, #tpu.memory_space<hbm>>
    %dma_start3A_41 = arith.constant 0 : i32
    %dma_start3A_42 = tpu.memref_slice %arg6[%add3A_31, %dma_start3A_41] : memref<5120x64xi32, #tpu.memory_space<hbm>> -> memref<1x64xi32, #tpu.memory_space<hbm>>
    %dma_start3A_43 = tpu.memref_squeeze %dma_start3A_42 : memref<1x64xi32, #tpu.memory_space<hbm>> -> memref<64xi32, #tpu.memory_space<hbm>>
    tpu.enqueue_dma source(%dma_start3A_43 : memref<64xi32, #tpu.memory_space<hbm>>) target(%arg16 : memref<64xi32, #tpu.memory_space<vmem>>) target_semaphore(%arg23 : memref<!tpu.dma_semaphore, #tpu.memory_space<semaphore_mem>>)
    %scan3A_44 = arith.constant 0 : i32
    %scan3A_45 = arith.constant 0 : i32
    %scan3A_46 = arith.constant 160 : i32
    %scan3A_47 = arith.addi %scan3A_45, %scan3A_46 : i32
    %scan3A_48 = arith.constant 1 : i32
    scf.for %scan3A_205 = %scan3A_45 to %scan3A_47 step %scan3A_48  : i32 {
      %mul3A_206 = arith.constant 2 : i32
      %mul3A_207 = arith.muli %mul3A_206, %scan3A_205 : i32
      %add3A_208 = arith.constant 0 : i32
      %add3A_209 = arith.addi %mul3A_207, %add3A_208 : i32
      %dma_wait3A_210 = arith.constant 0 : i32
      %dma_wait3A_211 = arith.constant 0 : i32
      %dma_wait3A_212 = tpu.memref_slice %arg5[%dma_wait3A_210, %dma_wait3A_211] : memref<5120x64xi32, #tpu.memory_space<hbm>> -> memref<1x64xi32, #tpu.memory_space<hbm>>
      %dma_wait3A_213 = tpu.memref_squeeze %dma_wait3A_212 : memref<1x64xi32, #tpu.memory_space<hbm>> -> memref<64xi32, #tpu.memory_space<hbm>>
      %dma_wait3A_214 = arith.constant 0 : i32
      %dma_wait3A_215 = tpu.memref_slice %arg5[%dma_wait3A_210, %dma_wait3A_214] : memref<5120x64xi32, #tpu.memory_space<hbm>> -> memref<1x64xi32, #tpu.memory_space<hbm>>
      %dma_wait3A_216 = tpu.memref_squeeze %dma_wait3A_215 : memref<1x64xi32, #tpu.memory_space<hbm>> -> memref<64xi32, #tpu.memory_space<hbm>>
      tpu.wait_dma2 semaphore(%arg22 : memref<!tpu.dma_semaphore, #tpu.memory_space<semaphore_mem>>) src(%dma_wait3A_216 : memref<64xi32, #tpu.memory_space<hbm>>) dst(%arg13 : memref<64xi32, #tpu.memory_space<vmem>>)
      %dma_wait3A_217 = arith.constant 0 : i32
      %dma_wait3A_218 = arith.constant 0 : i32
      %dma_wait3A_219 = tpu.memref_slice %arg6[%dma_wait3A_217, %dma_wait3A_218] : memref<5120x64xi32, #tpu.memory_space<hbm>> -> memref<1x64xi32, #tpu.memory_space<hbm>>
      %dma_wait3A_220 = tpu.memref_squeeze %dma_wait3A_219 : memref<1x64xi32, #tpu.memory_space<hbm>> -> memref<64xi32, #tpu.memory_space<hbm>>
      %dma_wait3A_221 = arith.constant 0 : i32
      %dma_wait3A_222 = tpu.memref_slice %arg6[%dma_wait3A_217, %dma_wait3A_221] : memref<5120x64xi32, #tpu.memory_space<hbm>> -> memref<1x64xi32, #tpu.memory_space<hbm>>
      %dma_wait3A_223 = tpu.memref_squeeze %dma_wait3A_222 : memref<1x64xi32, #tpu.memory_space<hbm>> -> memref<64xi32, #tpu.memory_space<hbm>>
      tpu.wait_dma2 semaphore(%arg22 : memref<!tpu.dma_semaphore, #tpu.memory_space<semaphore_mem>>) src(%dma_wait3A_223 : memref<64xi32, #tpu.memory_space<hbm>>) dst(%arg15 : memref<64xi32, #tpu.memory_space<vmem>>)
      %ge3A = arith.constant 1 : i32
      %ge3A_224 = arith.cmpi sge, %scan3A_205, %ge3A : i32
      %convert_element_type3A_225 = arith.extui %ge3A_224 : i1 to i32
      %cond3A_226 = arith.constant 0 : i32
      %cond3A_227 = arith.cmpi ne, %convert_element_type3A_225, %cond3A_226 : i32
      scf.if %cond3A_227 {
        %dma_wait3A_454 = arith.constant 0 : i32
        %dma_wait3A_455 = tpu.memref_slice %arg28[%dma_wait3A_454] : memref<10112xf32, #tpu.memory_space<vmem_shared>> -> memref<64xf32, #tpu.memory_space<vmem_shared>>
        %dma_wait3A_456 = arith.constant 0 : i32
        %dma_wait3A_457 = tpu.memref_slice %arg28[%dma_wait3A_456] : memref<10112xf32, #tpu.memory_space<vmem_shared>> -> memref<64xf32, #tpu.memory_space<vmem_shared>>
        tpu.wait_dma2 semaphore(%arg26 : memref<!tpu.dma_semaphore, #tpu.memory_space<semaphore_mem>>) src(%arg17 : memref<64xf32, #tpu.memory_space<vmem>>) dst(%dma_wait3A_457 : memref<64xf32, #tpu.memory_space<vmem_shared>>)
      } else {
      }
      %get3A = arith.constant 0 : index
      %get3A_228 = tpu.vector_load %arg13[%get3A] {strides = array<i32>} : memref<64xi32, #tpu.memory_space<vmem>>, vector<16xi32>,
      %get3A_229 = arith.constant 0 : index
      %get3A_230 = tpu.vector_load %arg15[%get3A_229] {strides = array<i32>} : memref<64xi32, #tpu.memory_space<vmem>>, vector<16xi32>,
      %gather3A = tpu.vector_load_idx %arg8[%get3A_228] : memref<10112xf32, #tpu.memory_space<vmem>>[vector<16xi32>], vector<16xf32>,
      %gather3A_231 = tpu.vector_load_idx %arg9[%get3A_230] : memref<10112xf32, #tpu.memory_space<vmem>>[vector<16xi32>], vector<16xf32>,
      %add3A_232 = arith.addf %gather3A, %gather3A_231 : vector<16xf32>
      %ge3A_233 = arith.constant 0.000000e+00 : f32
      %ge3A_234 = vector.broadcast %ge3A_233 : f32 to vector<16xf32>
      %ge3A_235 = arith.cmpf oge, %add3A_232, %ge3A_234 : vector<16xf32>
      %mul3A_236 = arith.constant 2.000000e-01 : f32
      %mul3A_237 = vector.broadcast %mul3A_236 : f32 to vector<16xf32>
      %mul3A_238 = arith.mulf %mul3A_237, %add3A_232 : vector<16xf32>
      %select_n3A_239 = arith.select %ge3A_235, %add3A_232, %mul3A_238 : vector<16xi1>, vector<16xf32>
      %exp3A = math.exp %select_n3A_239 : vector<16xf32>
      %swap3A_240 = arith.constant 0 : index
      %swap3A_241 = tpu.vector_load %arg17[%swap3A_240] {strides = array<i32>} : memref<64xf32, #tpu.memory_space<vmem>>, vector<16xf32>,
      tpu.vector_store %arg17[%swap3A_240], %exp3A {strides = array<i32>} : memref<64xf32, #tpu.memory_space<vmem>>, vector<16xf32>,
      %get3A_242 = arith.constant 0 : index
      %get3A_243 = tpu.vector_load %arg15[%get3A_242] {strides = array<i32>} : memref<64xi32, #tpu.memory_space<vmem>>, vector<16xi32>,
      %swap3A_244 = arith.constant 0 : index
      %swap3A_245 = tpu.vector_load %arg19[%swap3A_244] {strides = array<i32>} : memref<64xi32, #tpu.memory_space<vmem>>, vector<16xi32>,
      tpu.vector_store %arg19[%swap3A_244], %get3A_243 {strides = array<i32>} : memref<64xi32, #tpu.memory_space<vmem>>, vector<16xi32>,
      %get3A_246 = arith.constant 16 : index
      %get3A_247 = tpu.vector_load %arg13[%get3A_246] {strides = array<i32>} : memref<64xi32, #tpu.memory_space<vmem>>, vector<16xi32>,
      %get3A_248 = arith.constant 16 : index
      %get3A_249 = tpu.vector_load %arg15[%get3A_248] {strides = array<i32>} : memref<64xi32, #tpu.memory_space<vmem>>, vector<16xi32>,
      %gather3A_250 = tpu.vector_load_idx %arg8[%get3A_247] : memref<10112xf32, #tpu.memory_space<vmem>>[vector<16xi32>], vector<16xf32>,
      %gather3A_251 = tpu.vector_load_idx %arg9[%get3A_249] : memref<10112xf32, #tpu.memory_space<vmem>>[vector<16xi32>], vector<16xf32>,
      %add3A_252 = arith.addf %gather3A_250, %gather3A_251 : vector<16xf32>
      %ge3A_253 = arith.constant 0.000000e+00 : f32
      %ge3A_254 = vector.broadcast %ge3A_253 : f32 to vector<16xf32>
      %ge3A_255 = arith.cmpf oge, %add3A_252, %ge3A_254 : vector<16xf32>
      %mul3A_256 = arith.constant 2.000000e-01 : f32
      %mul3A_257 = vector.broadcast %mul3A_256 : f32 to vector<16xf32>
      %mul3A_258 = arith.mulf %mul3A_257, %add3A_252 : vector<16xf32>
      %select_n3A_259 = arith.select %ge3A_255, %add3A_252, %mul3A_258 : vector<16xi1>, vector<16xf32>
      %exp3A_260 = math.exp %select_n3A_259 : vector<16xf32>
      %swap3A_261 = arith.constant 16 : index
      %swap3A_262 = tpu.vector_load %arg17[%swap3A_261] {strides = array<i32>} : memref<64xf32, #tpu.memory_space<vmem>>, vector<16xf32>,
      tpu.vector_store %arg17[%swap3A_261], %exp3A_260 {strides = array<i32>} : memref<64xf32, #tpu.memory_space<vmem>>, vector<16xf32>,
      %get3A_263 = arith.constant 16 : index
      %get3A_264 = tpu.vector_load %arg15[%get3A_263] {strides = array<i32>} : memref<64xi32, #tpu.memory_space<vmem>>, vector<16xi32>,
      %swap3A_265 = arith.constant 16 : index
      %swap3A_266 = tpu.vector_load %arg19[%swap3A_265] {strides = array<i32>} : memref<64xi32, #tpu.memory_space<vmem>>, vector<16xi32>,
      tpu.vector_store %arg19[%swap3A_265], %get3A_264 {strides = array<i32>} : memref<64xi32, #tpu.memory_space<vmem>>, vector<16xi32>,
      %get3A_267 = arith.constant 32 : index
      %get3A_268 = tpu.vector_load %arg13[%get3A_267] {strides = array<i32>} : memref<64xi32, #tpu.memory_space<vmem>>, vector<16xi32>,
      %get3A_269 = arith.constant 32 : index
      %get3A_270 = tpu.vector_load %arg15[%get3A_269] {strides = array<i32>} : memref<64xi32, #tpu.memory_space<vmem>>, vector<16xi32>,
      %gather3A_271 = tpu.vector_load_idx %arg8[%get3A_268] : memref<10112xf32, #tpu.memory_space<vmem>>[vector<16xi32>], vector<16xf32>,
      %gather3A_272 = tpu.vector_load_idx %arg9[%get3A_270] : memref<10112xf32, #tpu.memory_space<vmem>>[vector<16xi32>], vector<16xf32>,
      %add3A_273 = arith.addf %gather3A_271, %gather3A_272 : vector<16xf32>
      %ge3A_274 = arith.constant 0.000000e+00 : f32
      %ge3A_275 = vector.broadcast %ge3A_274 : f32 to vector<16xf32>
      %ge3A_276 = arith.cmpf oge, %add3A_273, %ge3A_275 : vector<16xf32>
      %mul3A_277 = arith.constant 2.000000e-01 : f32
      %mul3A_278 = vector.broadcast %mul3A_277 : f32 to vector<16xf32>
      %mul3A_279 = arith.mulf %mul3A_278, %add3A_273 : vector<16xf32>
      %select_n3A_280 = arith.select %ge3A_276, %add3A_273, %mul3A_279 : vector<16xi1>, vector<16xf32>
      %exp3A_281 = math.exp %select_n3A_280 : vector<16xf32>
      %swap3A_282 = arith.constant 32 : index
      %swap3A_283 = tpu.vector_load %arg17[%swap3A_282] {strides = array<i32>} : memref<64xf32, #tpu.memory_space<vmem>>, vector<16xf32>,
      tpu.vector_store %arg17[%swap3A_282], %exp3A_281 {strides = array<i32>} : memref<64xf32, #tpu.memory_space<vmem>>, vector<16xf32>,
      %get3A_284 = arith.constant 32 : index
      %get3A_285 = tpu.vector_load %arg15[%get3A_284] {strides = array<i32>} : memref<64xi32, #tpu.memory_space<vmem>>, vector<16xi32>,
      %swap3A_286 = arith.constant 32 : index
      %swap3A_287 = tpu.vector_load %arg19[%swap3A_286] {strides = array<i32>} : memref<64xi32, #tpu.memory_space<vmem>>, vector<16xi32>,
      tpu.vector_store %arg19[%swap3A_286], %get3A_285 {strides = array<i32>} : memref<64xi32, #tpu.memory_space<vmem>>, vector<16xi32>,
      %get3A_288 = arith.constant 48 : index
      %get3A_289 = tpu.vector_load %arg13[%get3A_288] {strides = array<i32>} : memref<64xi32, #tpu.memory_space<vmem>>, vector<16xi32>,
      %get3A_290 = arith.constant 48 : index
      %get3A_291 = tpu.vector_load %arg15[%get3A_290] {strides = array<i32>} : memref<64xi32, #tpu.memory_space<vmem>>, vector<16xi32>,
      %gather3A_292 = tpu.vector_load_idx %arg8[%get3A_289] : memref<10112xf32, #tpu.memory_space<vmem>>[vector<16xi32>], vector<16xf32>,
      %gather3A_293 = tpu.vector_load_idx %arg9[%get3A_291] : memref<10112xf32, #tpu.memory_space<vmem>>[vector<16xi32>], vector<16xf32>,
      %add3A_294 = arith.addf %gather3A_292, %gather3A_293 : vector<16xf32>
      %ge3A_295 = arith.constant 0.000000e+00 : f32
      %ge3A_296 = vector.broadcast %ge3A_295 : f32 to vector<16xf32>
      %ge3A_297 = arith.cmpf oge, %add3A_294, %ge3A_296 : vector<16xf32>
      %mul3A_298 = arith.constant 2.000000e-01 : f32
      %mul3A_299 = vector.broadcast %mul3A_298 : f32 to vector<16xf32>
      %mul3A_300 = arith.mulf %mul3A_299, %add3A_294 : vector<16xf32>
      %select_n3A_301 = arith.select %ge3A_297, %add3A_294, %mul3A_300 : vector<16xi1>, vector<16xf32>
      %exp3A_302 = math.exp %select_n3A_301 : vector<16xf32>
      %swap3A_303 = arith.constant 48 : index
      %swap3A_304 = tpu.vector_load %arg17[%swap3A_303] {strides = array<i32>} : memref<64xf32, #tpu.memory_space<vmem>>, vector<16xf32>,
      tpu.vector_store %arg17[%swap3A_303], %exp3A_302 {strides = array<i32>} : memref<64xf32, #tpu.memory_space<vmem>>, vector<16xf32>,
      %get3A_305 = arith.constant 48 : index
      %get3A_306 = tpu.vector_load %arg15[%get3A_305] {strides = array<i32>} : memref<64xi32, #tpu.memory_space<vmem>>, vector<16xi32>,
      %swap3A_307 = arith.constant 48 : index
      %swap3A_308 = tpu.vector_load %arg19[%swap3A_307] {strides = array<i32>} : memref<64xi32, #tpu.memory_space<vmem>>, vector<16xi32>,
      tpu.vector_store %arg19[%swap3A_307], %get3A_306 {strides = array<i32>} : memref<64xi32, #tpu.memory_space<vmem>>, vector<16xi32>,
      %dma_start3A_309 = arith.constant 0 : i32
      %dma_start3A_310 = tpu.memref_slice %arg28[%dma_start3A_309] : memref<10112xf32, #tpu.memory_space<vmem_shared>> -> memref<10112xf32, #tpu.memory_space<vmem_shared>>
      tpu.enqueue_indirect_dma source(%arg17 : memref<64xf32, #tpu.memory_space<vmem>>) target(%dma_start3A_310 : memref<10112xf32, #tpu.memory_space<vmem_shared>>) offsets(%arg19 : memref<64xi32, #tpu.memory_space<vmem>>) semaphore(%arg26 : memref<!tpu.dma_semaphore, #tpu.memory_space<semaphore_mem>>) {add = true}
      %add3A_311 = arith.constant 2 : i32
      %add3A_312 = arith.addi %add3A_209, %add3A_311 : i32
      %min3A_313 = arith.constant 319 : i32
      %min3A_314 = arith.minsi %add3A_312, %min3A_313 : i32
      %add3A_315 = arith.addi %mul3A_19, %min3A_314 : i32
      %dma_start3A_316 = arith.constant 0 : i32
      %dma_start3A_317 = tpu.memref_slice %arg5[%add3A_315, %dma_start3A_316] : memref<5120x64xi32, #tpu.memory_space<hbm>> -> memref<1x64xi32, #tpu.memory_space<hbm>>
      %dma_start3A_318 = tpu.memref_squeeze %dma_start3A_317 : memref<1x64xi32, #tpu.memory_space<hbm>> -> memref<64xi32, #tpu.memory_space<hbm>>
      %dma_start3A_319 = arith.constant 0 : i32
      %dma_start3A_320 = tpu.memref_slice %arg5[%add3A_315, %dma_start3A_319] : memref<5120x64xi32, #tpu.memory_space<hbm>> -> memref<1x64xi32, #tpu.memory_space<hbm>>
      %dma_start3A_321 = tpu.memref_squeeze %dma_start3A_320 : memref<1x64xi32, #tpu.memory_space<hbm>> -> memref<64xi32, #tpu.memory_space<hbm>>
      tpu.enqueue_dma source(%dma_start3A_321 : memref<64xi32, #tpu.memory_space<hbm>>) target(%arg13 : memref<64xi32, #tpu.memory_space<vmem>>) target_semaphore(%arg22 : memref<!tpu.dma_semaphore, #tpu.memory_space<semaphore_mem>>)
      %dma_start3A_322 = arith.constant 0 : i32
      %dma_start3A_323 = tpu.memref_slice %arg6[%add3A_315, %dma_start3A_322] : memref<5120x64xi32, #tpu.memory_space<hbm>> -> memref<1x64xi32, #tpu.memory_space<hbm>>
      %dma_start3A_324 = tpu.memref_squeeze %dma_start3A_323 : memref<1x64xi32, #tpu.memory_space<hbm>> -> memref<64xi32, #tpu.memory_space<hbm>>
      %dma_start3A_325 = arith.constant 0 : i32
      %dma_start3A_326 = tpu.memref_slice %arg6[%add3A_315, %dma_start3A_325] : memref<5120x64xi32, #tpu.memory_space<hbm>> -> memref<1x64xi32, #tpu.memory_space<hbm>>
      %dma_start3A_327 = tpu.memref_squeeze %dma_start3A_326 : memref<1x64xi32, #tpu.memory_space<hbm>> -> memref<64xi32, #tpu.memory_space<hbm>>
      tpu.enqueue_dma source(%dma_start3A_327 : memref<64xi32, #tpu.memory_space<hbm>>) target(%arg15 : memref<64xi32, #tpu.memory_space<vmem>>) target_semaphore(%arg22 : memref<!tpu.dma_semaphore, #tpu.memory_space<semaphore_mem>>)
      %mul3A_328 = arith.constant 2 : i32
      %mul3A_329 = arith.muli %mul3A_328, %scan3A_205 : i32
      %add3A_330 = arith.constant 1 : i32
      %add3A_331 = arith.addi %mul3A_329, %add3A_330 : i32
      %dma_wait3A_332 = arith.constant 0 : i32
      %dma_wait3A_333 = arith.constant 0 : i32
      %dma_wait3A_334 = tpu.memref_slice %arg5[%dma_wait3A_332, %dma_wait3A_333] : memref<5120x64xi32, #tpu.memory_space<hbm>> -> memref<1x64xi32, #tpu.memory_space<hbm>>
      %dma_wait3A_335 = tpu.memref_squeeze %dma_wait3A_334 : memref<1x64xi32, #tpu.memory_space<hbm>> -> memref<64xi32, #tpu.memory_space<hbm>>
      %dma_wait3A_336 = arith.constant 0 : i32
      %dma_wait3A_337 = tpu.memref_slice %arg5[%dma_wait3A_332, %dma_wait3A_336] : memref<5120x64xi32, #tpu.memory_space<hbm>> -> memref<1x64xi32, #tpu.memory_space<hbm>>
      %dma_wait3A_338 = tpu.memref_squeeze %dma_wait3A_337 : memref<1x64xi32, #tpu.memory_space<hbm>> -> memref<64xi32, #tpu.memory_space<hbm>>
      tpu.wait_dma2 semaphore(%arg23 : memref<!tpu.dma_semaphore, #tpu.memory_space<semaphore_mem>>) src(%dma_wait3A_338 : memref<64xi32, #tpu.memory_space<hbm>>) dst(%arg14 : memref<64xi32, #tpu.memory_space<vmem>>)
      %dma_wait3A_339 = arith.constant 0 : i32
      %dma_wait3A_340 = arith.constant 0 : i32
      %dma_wait3A_341 = tpu.memref_slice %arg6[%dma_wait3A_339, %dma_wait3A_340] : memref<5120x64xi32, #tpu.memory_space<hbm>> -> memref<1x64xi32, #tpu.memory_space<hbm>>
      %dma_wait3A_342 = tpu.memref_squeeze %dma_wait3A_341 : memref<1x64xi32, #tpu.memory_space<hbm>> -> memref<64xi32, #tpu.memory_space<hbm>>
      %dma_wait3A_343 = arith.constant 0 : i32
      %dma_wait3A_344 = tpu.memref_slice %arg6[%dma_wait3A_339, %dma_wait3A_343] : memref<5120x64xi32, #tpu.memory_space<hbm>> -> memref<1x64xi32, #tpu.memory_space<hbm>>
      %dma_wait3A_345 = tpu.memref_squeeze %dma_wait3A_344 : memref<1x64xi32, #tpu.memory_space<hbm>> -> memref<64xi32, #tpu.memory_space<hbm>>
      tpu.wait_dma2 semaphore(%arg23 : memref<!tpu.dma_semaphore, #tpu.memory_space<semaphore_mem>>) src(%dma_wait3A_345 : memref<64xi32, #tpu.memory_space<hbm>>) dst(%arg16 : memref<64xi32, #tpu.memory_space<vmem>>)
      %ge3A_346 = arith.constant 1 : i32
      %ge3A_347 = arith.cmpi sge, %scan3A_205, %ge3A_346 : i32
      %convert_element_type3A_348 = arith.extui %ge3A_347 : i1 to i32
      %cond3A_349 = arith.constant 0 : i32
      %cond3A_350 = arith.cmpi ne, %convert_element_type3A_348, %cond3A_349 : i32
      scf.if %cond3A_350 {
        %dma_wait3A_454 = arith.constant 0 : i32
        %dma_wait3A_455 = tpu.memref_slice %arg28[%dma_wait3A_454] : memref<10112xf32, #tpu.memory_space<vmem_shared>> -> memref<64xf32, #tpu.memory_space<vmem_shared>>
        %dma_wait3A_456 = arith.constant 0 : i32
        %dma_wait3A_457 = tpu.memref_slice %arg28[%dma_wait3A_456] : memref<10112xf32, #tpu.memory_space<vmem_shared>> -> memref<64xf32, #tpu.memory_space<vmem_shared>>
        tpu.wait_dma2 semaphore(%arg27 : memref<!tpu.dma_semaphore, #tpu.memory_space<semaphore_mem>>) src(%arg18 : memref<64xf32, #tpu.memory_space<vmem>>) dst(%dma_wait3A_457 : memref<64xf32, #tpu.memory_space<vmem_shared>>)
      } else {
      }
      %get3A_351 = arith.constant 0 : index
      %get3A_352 = tpu.vector_load %arg14[%get3A_351] {strides = array<i32>} : memref<64xi32, #tpu.memory_space<vmem>>, vector<16xi32>,
      %get3A_353 = arith.constant 0 : index
      %get3A_354 = tpu.vector_load %arg16[%get3A_353] {strides = array<i32>} : memref<64xi32, #tpu.memory_space<vmem>>, vector<16xi32>,
      %gather3A_355 = tpu.vector_load_idx %arg8[%get3A_352] : memref<10112xf32, #tpu.memory_space<vmem>>[vector<16xi32>], vector<16xf32>,
      %gather3A_356 = tpu.vector_load_idx %arg9[%get3A_354] : memref<10112xf32, #tpu.memory_space<vmem>>[vector<16xi32>], vector<16xf32>,
      %add3A_357 = arith.addf %gather3A_355, %gather3A_356 : vector<16xf32>
      %ge3A_358 = arith.constant 0.000000e+00 : f32
      %ge3A_359 = vector.broadcast %ge3A_358 : f32 to vector<16xf32>
      %ge3A_360 = arith.cmpf oge, %add3A_357, %ge3A_359 : vector<16xf32>
      %mul3A_361 = arith.constant 2.000000e-01 : f32
      %mul3A_362 = vector.broadcast %mul3A_361 : f32 to vector<16xf32>
      %mul3A_363 = arith.mulf %mul3A_362, %add3A_357 : vector<16xf32>
      %select_n3A_364 = arith.select %ge3A_360, %add3A_357, %mul3A_363 : vector<16xi1>, vector<16xf32>
      %exp3A_365 = math.exp %select_n3A_364 : vector<16xf32>
      %swap3A_366 = arith.constant 0 : index
      %swap3A_367 = tpu.vector_load %arg18[%swap3A_366] {strides = array<i32>} : memref<64xf32, #tpu.memory_space<vmem>>, vector<16xf32>,
      tpu.vector_store %arg18[%swap3A_366], %exp3A_365 {strides = array<i32>} : memref<64xf32, #tpu.memory_space<vmem>>, vector<16xf32>,
      %get3A_368 = arith.constant 0 : index
      %get3A_369 = tpu.vector_load %arg16[%get3A_368] {strides = array<i32>} : memref<64xi32, #tpu.memory_space<vmem>>, vector<16xi32>,
      %swap3A_370 = arith.constant 0 : index
      %swap3A_371 = tpu.vector_load %arg20[%swap3A_370] {strides = array<i32>} : memref<64xi32, #tpu.memory_space<vmem>>, vector<16xi32>,
      tpu.vector_store %arg20[%swap3A_370], %get3A_369 {strides = array<i32>} : memref<64xi32, #tpu.memory_space<vmem>>, vector<16xi32>,
      %get3A_372 = arith.constant 16 : index
      %get3A_373 = tpu.vector_load %arg14[%get3A_372] {strides = array<i32>} : memref<64xi32, #tpu.memory_space<vmem>>, vector<16xi32>,
      %get3A_374 = arith.constant 16 : index
      %get3A_375 = tpu.vector_load %arg16[%get3A_374] {strides = array<i32>} : memref<64xi32, #tpu.memory_space<vmem>>, vector<16xi32>,
      %gather3A_376 = tpu.vector_load_idx %arg8[%get3A_373] : memref<10112xf32, #tpu.memory_space<vmem>>[vector<16xi32>], vector<16xf32>,
      %gather3A_377 = tpu.vector_load_idx %arg9[%get3A_375] : memref<10112xf32, #tpu.memory_space<vmem>>[vector<16xi32>], vector<16xf32>,
      %add3A_378 = arith.addf %gather3A_376, %gather3A_377 : vector<16xf32>
      %ge3A_379 = arith.constant 0.000000e+00 : f32
      %ge3A_380 = vector.broadcast %ge3A_379 : f32 to vector<16xf32>
      %ge3A_381 = arith.cmpf oge, %add3A_378, %ge3A_380 : vector<16xf32>
      %mul3A_382 = arith.constant 2.000000e-01 : f32
      %mul3A_383 = vector.broadcast %mul3A_382 : f32 to vector<16xf32>
      %mul3A_384 = arith.mulf %mul3A_383, %add3A_378 : vector<16xf32>
      %select_n3A_385 = arith.select %ge3A_381, %add3A_378, %mul3A_384 : vector<16xi1>, vector<16xf32>
      %exp3A_386 = math.exp %select_n3A_385 : vector<16xf32>
      %swap3A_387 = arith.constant 16 : index
      %swap3A_388 = tpu.vector_load %arg18[%swap3A_387] {strides = array<i32>} : memref<64xf32, #tpu.memory_space<vmem>>, vector<16xf32>,
      tpu.vector_store %arg18[%swap3A_387], %exp3A_386 {strides = array<i32>} : memref<64xf32, #tpu.memory_space<vmem>>, vector<16xf32>,
      %get3A_389 = arith.constant 16 : index
      %get3A_390 = tpu.vector_load %arg16[%get3A_389] {strides = array<i32>} : memref<64xi32, #tpu.memory_space<vmem>>, vector<16xi32>,
      %swap3A_391 = arith.constant 16 : index
      %swap3A_392 = tpu.vector_load %arg20[%swap3A_391] {strides = array<i32>} : memref<64xi32, #tpu.memory_space<vmem>>, vector<16xi32>,
      tpu.vector_store %arg20[%swap3A_391], %get3A_390 {strides = array<i32>} : memref<64xi32, #tpu.memory_space<vmem>>, vector<16xi32>,
      %get3A_393 = arith.constant 32 : index
      %get3A_394 = tpu.vector_load %arg14[%get3A_393] {strides = array<i32>} : memref<64xi32, #tpu.memory_space<vmem>>, vector<16xi32>,
      %get3A_395 = arith.constant 32 : index
      %get3A_396 = tpu.vector_load %arg16[%get3A_395] {strides = array<i32>} : memref<64xi32, #tpu.memory_space<vmem>>, vector<16xi32>,
      %gather3A_397 = tpu.vector_load_idx %arg8[%get3A_394] : memref<10112xf32, #tpu.memory_space<vmem>>[vector<16xi32>], vector<16xf32>,
      %gather3A_398 = tpu.vector_load_idx %arg9[%get3A_396] : memref<10112xf32, #tpu.memory_space<vmem>>[vector<16xi32>], vector<16xf32>,
      %add3A_399 = arith.addf %gather3A_397, %gather3A_398 : vector<16xf32>
      %ge3A_400 = arith.constant 0.000000e+00 : f32
      %ge3A_401 = vector.broadcast %ge3A_400 : f32 to vector<16xf32>
      %ge3A_402 = arith.cmpf oge, %add3A_399, %ge3A_401 : vector<16xf32>
      %mul3A_403 = arith.constant 2.000000e-01 : f32
      %mul3A_404 = vector.broadcast %mul3A_403 : f32 to vector<16xf32>
      %mul3A_405 = arith.mulf %mul3A_404, %add3A_399 : vector<16xf32>
      %select_n3A_406 = arith.select %ge3A_402, %add3A_399, %mul3A_405 : vector<16xi1>, vector<16xf32>
      %exp3A_407 = math.exp %select_n3A_406 : vector<16xf32>
      %swap3A_408 = arith.constant 32 : index
      %swap3A_409 = tpu.vector_load %arg18[%swap3A_408] {strides = array<i32>} : memref<64xf32, #tpu.memory_space<vmem>>, vector<16xf32>,
      tpu.vector_store %arg18[%swap3A_408], %exp3A_407 {strides = array<i32>} : memref<64xf32, #tpu.memory_space<vmem>>, vector<16xf32>,
      %get3A_410 = arith.constant 32 : index
      %get3A_411 = tpu.vector_load %arg16[%get3A_410] {strides = array<i32>} : memref<64xi32, #tpu.memory_space<vmem>>, vector<16xi32>,
      %swap3A_412 = arith.constant 32 : index
      %swap3A_413 = tpu.vector_load %arg20[%swap3A_412] {strides = array<i32>} : memref<64xi32, #tpu.memory_space<vmem>>, vector<16xi32>,
      tpu.vector_store %arg20[%swap3A_412], %get3A_411 {strides = array<i32>} : memref<64xi32, #tpu.memory_space<vmem>>, vector<16xi32>,
      %get3A_414 = arith.constant 48 : index
      %get3A_415 = tpu.vector_load %arg14[%get3A_414] {strides = array<i32>} : memref<64xi32, #tpu.memory_space<vmem>>, vector<16xi32>,
      %get3A_416 = arith.constant 48 : index
      %get3A_417 = tpu.vector_load %arg16[%get3A_416] {strides = array<i32>} : memref<64xi32, #tpu.memory_space<vmem>>, vector<16xi32>,
      %gather3A_418 = tpu.vector_load_idx %arg8[%get3A_415] : memref<10112xf32, #tpu.memory_space<vmem>>[vector<16xi32>], vector<16xf32>,
      %gather3A_419 = tpu.vector_load_idx %arg9[%get3A_417] : memref<10112xf32, #tpu.memory_space<vmem>>[vector<16xi32>], vector<16xf32>,
      %add3A_420 = arith.addf %gather3A_418, %gather3A_419 : vector<16xf32>
      %ge3A_421 = arith.constant 0.000000e+00 : f32
      %ge3A_422 = vector.broadcast %ge3A_421 : f32 to vector<16xf32>
      %ge3A_423 = arith.cmpf oge, %add3A_420, %ge3A_422 : vector<16xf32>
      %mul3A_424 = arith.constant 2.000000e-01 : f32
      %mul3A_425 = vector.broadcast %mul3A_424 : f32 to vector<16xf32>
      %mul3A_426 = arith.mulf %mul3A_425, %add3A_420 : vector<16xf32>
      %select_n3A_427 = arith.select %ge3A_423, %add3A_420, %mul3A_426 : vector<16xi1>, vector<16xf32>
      %exp3A_428 = math.exp %select_n3A_427 : vector<16xf32>
      %swap3A_429 = arith.constant 48 : index
      %swap3A_430 = tpu.vector_load %arg18[%swap3A_429] {strides = array<i32>} : memref<64xf32, #tpu.memory_space<vmem>>, vector<16xf32>,
      tpu.vector_store %arg18[%swap3A_429], %exp3A_428 {strides = array<i32>} : memref<64xf32, #tpu.memory_space<vmem>>, vector<16xf32>,
      %get3A_431 = arith.constant 48 : index
      %get3A_432 = tpu.vector_load %arg16[%get3A_431] {strides = array<i32>} : memref<64xi32, #tpu.memory_space<vmem>>, vector<16xi32>,
      %swap3A_433 = arith.constant 48 : index
      %swap3A_434 = tpu.vector_load %arg20[%swap3A_433] {strides = array<i32>} : memref<64xi32, #tpu.memory_space<vmem>>, vector<16xi32>,
      tpu.vector_store %arg20[%swap3A_433], %get3A_432 {strides = array<i32>} : memref<64xi32, #tpu.memory_space<vmem>>, vector<16xi32>,
      %dma_start3A_435 = arith.constant 0 : i32
      %dma_start3A_436 = tpu.memref_slice %arg28[%dma_start3A_435] : memref<10112xf32, #tpu.memory_space<vmem_shared>> -> memref<10112xf32, #tpu.memory_space<vmem_shared>>
      tpu.enqueue_indirect_dma source(%arg18 : memref<64xf32, #tpu.memory_space<vmem>>) target(%dma_start3A_436 : memref<10112xf32, #tpu.memory_space<vmem_shared>>) offsets(%arg20 : memref<64xi32, #tpu.memory_space<vmem>>) semaphore(%arg27 : memref<!tpu.dma_semaphore, #tpu.memory_space<semaphore_mem>>) {add = true}
      %add3A_437 = arith.constant 2 : i32
      %add3A_438 = arith.addi %add3A_331, %add3A_437 : i32
      %min3A_439 = arith.constant 319 : i32
      %min3A_440 = arith.minsi %add3A_438, %min3A_439 : i32
      %add3A_441 = arith.addi %mul3A_19, %min3A_440 : i32
      %dma_start3A_442 = arith.constant 0 : i32
      %dma_start3A_443 = tpu.memref_slice %arg5[%add3A_441, %dma_start3A_442] : memref<5120x64xi32, #tpu.memory_space<hbm>> -> memref<1x64xi32, #tpu.memory_space<hbm>>
      %dma_start3A_444 = tpu.memref_squeeze %dma_start3A_443 : memref<1x64xi32, #tpu.memory_space<hbm>> -> memref<64xi32, #tpu.memory_space<hbm>>
      %dma_start3A_445 = arith.constant 0 : i32
      %dma_start3A_446 = tpu.memref_slice %arg5[%add3A_441, %dma_start3A_445] : memref<5120x64xi32, #tpu.memory_space<hbm>> -> memref<1x64xi32, #tpu.memory_space<hbm>>
      %dma_start3A_447 = tpu.memref_squeeze %dma_start3A_446 : memref<1x64xi32, #tpu.memory_space<hbm>> -> memref<64xi32, #tpu.memory_space<hbm>>
      tpu.enqueue_dma source(%dma_start3A_447 : memref<64xi32, #tpu.memory_space<hbm>>) target(%arg14 : memref<64xi32, #tpu.memory_space<vmem>>) target_semaphore(%arg23 : memref<!tpu.dma_semaphore, #tpu.memory_space<semaphore_mem>>)
      %dma_start3A_448 = arith.constant 0 : i32
      %dma_start3A_449 = tpu.memref_slice %arg6[%add3A_441, %dma_start3A_448] : memref<5120x64xi32, #tpu.memory_space<hbm>> -> memref<1x64xi32, #tpu.memory_space<hbm>>
      %dma_start3A_450 = tpu.memref_squeeze %dma_start3A_449 : memref<1x64xi32, #tpu.memory_space<hbm>> -> memref<64xi32, #tpu.memory_space<hbm>>
      %dma_start3A_451 = arith.constant 0 : i32
      %dma_start3A_452 = tpu.memref_slice %arg6[%add3A_441, %dma_start3A_451] : memref<5120x64xi32, #tpu.memory_space<hbm>> -> memref<1x64xi32, #tpu.memory_space<hbm>>
      %dma_start3A_453 = tpu.memref_squeeze %dma_start3A_452 : memref<1x64xi32, #tpu.memory_space<hbm>> -> memref<64xi32, #tpu.memory_space<hbm>>
      tpu.enqueue_dma source(%dma_start3A_453 : memref<64xi32, #tpu.memory_space<hbm>>) target(%arg16 : memref<64xi32, #tpu.memory_space<vmem>>) target_semaphore(%arg23 : memref<!tpu.dma_semaphore, #tpu.memory_space<semaphore_mem>>)
    }
    %scan3A_49 = arith.constant 160 : i32
    %dma_wait3A = arith.constant 0 : i32
    %dma_wait3A_50 = arith.constant 0 : i32
    %dma_wait3A_51 = tpu.memref_slice %arg5[%dma_wait3A, %dma_wait3A_50] : memref<5120x64xi32, #tpu.memory_space<hbm>> -> memref<1x64xi32, #tpu.memory_space<hbm>>
    %dma_wait3A_52 = tpu.memref_squeeze %dma_wait3A_51 : memref<1x64xi32, #tpu.memory_space<hbm>> -> memref<64xi32, #tpu.memory_space<hbm>>
    %dma_wait3A_53 = arith.constant 0 : i32
    %dma_wait3A_54 = tpu.memref_slice %arg5[%dma_wait3A, %dma_wait3A_53] : memref<5120x64xi32, #tpu.memory_space<hbm>> -> memref<1x64xi32, #tpu.memory_space<hbm>>
    %dma_wait3A_55 = tpu.memref_squeeze %dma_wait3A_54 : memref<1x64xi32, #tpu.memory_space<hbm>> -> memref<64xi32, #tpu.memory_space<hbm>>
    tpu.wait_dma2 semaphore(%arg22 : memref<!tpu.dma_semaphore, #tpu.memory_space<semaphore_mem>>) src(%dma_wait3A_55 : memref<64xi32, #tpu.memory_space<hbm>>) dst(%arg13 : memref<64xi32, #tpu.memory_space<vmem>>)
    %dma_wait3A_56 = arith.constant 0 : i32
    %dma_wait3A_57 = arith.constant 0 : i32
    %dma_wait3A_58 = tpu.memref_slice %arg6[%dma_wait3A_56, %dma_wait3A_57] : memref<5120x64xi32, #tpu.memory_space<hbm>> -> memref<1x64xi32, #tpu.memory_space<hbm>>
    %dma_wait3A_59 = tpu.memref_squeeze %dma_wait3A_58 : memref<1x64xi32, #tpu.memory_space<hbm>> -> memref<64xi32, #tpu.memory_space<hbm>>
    %dma_wait3A_60 = arith.constant 0 : i32
    %dma_wait3A_61 = tpu.memref_slice %arg6[%dma_wait3A_56, %dma_wait3A_60] : memref<5120x64xi32, #tpu.memory_space<hbm>> -> memref<1x64xi32, #tpu.memory_space<hbm>>
    %dma_wait3A_62 = tpu.memref_squeeze %dma_wait3A_61 : memref<1x64xi32, #tpu.memory_space<hbm>> -> memref<64xi32, #tpu.memory_space<hbm>>
    tpu.wait_dma2 semaphore(%arg22 : memref<!tpu.dma_semaphore, #tpu.memory_space<semaphore_mem>>) src(%dma_wait3A_62 : memref<64xi32, #tpu.memory_space<hbm>>) dst(%arg15 : memref<64xi32, #tpu.memory_space<vmem>>)
    %dma_wait3A_63 = arith.constant 0 : i32
    %dma_wait3A_64 = arith.constant 0 : i32
    %dma_wait3A_65 = tpu.memref_slice %arg5[%dma_wait3A_63, %dma_wait3A_64] : memref<5120x64xi32, #tpu.memory_space<hbm>> -> memref<1x64xi32, #tpu.memory_space<hbm>>
    %dma_wait3A_66 = tpu.memref_squeeze %dma_wait3A_65 : memref<1x64xi32, #tpu.memory_space<hbm>> -> memref<64xi32, #tpu.memory_space<hbm>>
    %dma_wait3A_67 = arith.constant 0 : i32
    %dma_wait3A_68 = tpu.memref_slice %arg5[%dma_wait3A_63, %dma_wait3A_67] : memref<5120x64xi32, #tpu.memory_space<hbm>> -> memref<1x64xi32, #tpu.memory_space<hbm>>
    %dma_wait3A_69 = tpu.memref_squeeze %dma_wait3A_68 : memref<1x64xi32, #tpu.memory_space<hbm>> -> memref<64xi32, #tpu.memory_space<hbm>>
    tpu.wait_dma2 semaphore(%arg23 : memref<!tpu.dma_semaphore, #tpu.memory_space<semaphore_mem>>) src(%dma_wait3A_69 : memref<64xi32, #tpu.memory_space<hbm>>) dst(%arg14 : memref<64xi32, #tpu.memory_space<vmem>>)
    %dma_wait3A_70 = arith.constant 0 : i32
    %dma_wait3A_71 = arith.constant 0 : i32
    %dma_wait3A_72 = tpu.memref_slice %arg6[%dma_wait3A_70, %dma_wait3A_71] : memref<5120x64xi32, #tpu.memory_space<hbm>> -> memref<1x64xi32, #tpu.memory_space<hbm>>
    %dma_wait3A_73 = tpu.memref_squeeze %dma_wait3A_72 : memref<1x64xi32, #tpu.memory_space<hbm>> -> memref<64xi32, #tpu.memory_space<hbm>>
    %dma_wait3A_74 = arith.constant 0 : i32
    %dma_wait3A_75 = tpu.memref_slice %arg6[%dma_wait3A_70, %dma_wait3A_74] : memref<5120x64xi32, #tpu.memory_space<hbm>> -> memref<1x64xi32, #tpu.memory_space<hbm>>
    %dma_wait3A_76 = tpu.memref_squeeze %dma_wait3A_75 : memref<1x64xi32, #tpu.memory_space<hbm>> -> memref<64xi32, #tpu.memory_space<hbm>>
    tpu.wait_dma2 semaphore(%arg23 : memref<!tpu.dma_semaphore, #tpu.memory_space<semaphore_mem>>) src(%dma_wait3A_76 : memref<64xi32, #tpu.memory_space<hbm>>) dst(%arg16 : memref<64xi32, #tpu.memory_space<vmem>>)
    %dma_wait3A_77 = arith.constant 0 : i32
    %dma_wait3A_78 = tpu.memref_slice %arg28[%dma_wait3A_77] : memref<10112xf32, #tpu.memory_space<vmem_shared>> -> memref<64xf32, #tpu.memory_space<vmem_shared>>
    %dma_wait3A_79 = arith.constant 0 : i32
    %dma_wait3A_80 = tpu.memref_slice %arg28[%dma_wait3A_79] : memref<10112xf32, #tpu.memory_space<vmem_shared>> -> memref<64xf32, #tpu.memory_space<vmem_shared>>
    tpu.wait_dma2 semaphore(%arg26 : memref<!tpu.dma_semaphore, #tpu.memory_space<semaphore_mem>>) src(%arg17 : memref<64xf32, #tpu.memory_space<vmem>>) dst(%dma_wait3A_80 : memref<64xf32, #tpu.memory_space<vmem_shared>>)
    %dma_wait3A_81 = arith.constant 0 : i32
    %dma_wait3A_82 = tpu.memref_slice %arg28[%dma_wait3A_81] : memref<10112xf32, #tpu.memory_space<vmem_shared>> -> memref<64xf32, #tpu.memory_space<vmem_shared>>
    %dma_wait3A_83 = arith.constant 0 : i32
    %dma_wait3A_84 = tpu.memref_slice %arg28[%dma_wait3A_83] : memref<10112xf32, #tpu.memory_space<vmem_shared>> -> memref<64xf32, #tpu.memory_space<vmem_shared>>
    tpu.wait_dma2 semaphore(%arg27 : memref<!tpu.dma_semaphore, #tpu.memory_space<semaphore_mem>>) src(%arg18 : memref<64xf32, #tpu.memory_space<vmem>>) dst(%dma_wait3A_84 : memref<64xf32, #tpu.memory_space<vmem_shared>>)
    %barrier3A_85 = arith.constant 0 : index
    tpu.barrier barrier_id(%barrier3A_85)
    "tpu.region"() ({
      %run_scoped3A = tpu.sem_alloc : memref<!tpu.dma_semaphore, #tpu.memory_space<semaphore_mem>>
      tpu.enqueue_dma source(%arg28 : memref<10112xf32, #tpu.memory_space<vmem_shared>>) target(%arg10 : memref<10112xf32, #tpu.memory_space<vmem>>) target_semaphore(%run_scoped3A : memref<!tpu.dma_semaphore, #tpu.memory_space<semaphore_mem>>)
      tpu.wait_dma2 semaphore(%run_scoped3A : memref<!tpu.dma_semaphore, #tpu.memory_space<semaphore_mem>>) src(%arg28 : memref<10112xf32, #tpu.memory_space<vmem_shared>>) dst(%arg10 : memref<10112xf32, #tpu.memory_space<vmem>>)
      tpu.yield
    }) : () -> ()
    %eq3A_86 = arith.constant 0 : i32
    %eq3A_87 = arith.cmpi eq, %arg0, %eq3A_86 : i32
    %jit3A = arith.constant 232 : i32
    %jit3A_88 = arith.constant 88 : i32
    %select_n3A = arith.select %eq3A_87, %jit3A, %jit3A_88 : i32
    %mul3A_89 = arith.constant 320 : i32
    %mul3A_90 = arith.muli %arg1, %mul3A_89 : i32
    %eq3A_91 = arith.constant 0 : i32
    %eq3A_92 = arith.cmpi eq, %arg0, %eq3A_91 : i32
    %jit3A_93 = arith.constant 0 : i32
    %jit3A_94 = arith.constant 232 : i32
    %select_n3A_95 = arith.select %eq3A_92, %jit3A_93, %jit3A_94 : i32
    %add3A_96 = arith.addi %mul3A_90, %select_n3A_95 : i32
    %sub3A = arith.constant 1 : i32
    %sub3A_97 = arith.subi %select_n3A, %sub3A : i32
    %min3A = arith.constant 0 : i32
    %min3A_98 = arith.minsi %min3A, %sub3A_97 : i32
    %add3A_99 = arith.addi %add3A_96, %min3A_98 : i32
    %dma_start3A_100 = arith.constant 0 : i32
    %dma_start3A_101 = tpu.memref_slice %arg5[%add3A_99, %dma_start3A_100] : memref<5120x64xi32, #tpu.memory_space<hbm>> -> memref<1x64xi32, #tpu.memory_space<hbm>>
    %dma_start3A_102 = tpu.memref_squeeze %dma_start3A_101 : memref<1x64xi32, #tpu.memory_space<hbm>> -> memref<64xi32, #tpu.memory_space<hbm>>
    %dma_start3A_103 = arith.constant 0 : i32
    %dma_start3A_104 = tpu.memref_slice %arg5[%add3A_99, %dma_start3A_103] : memref<5120x64xi32, #tpu.memory_space<hbm>> -> memref<1x64xi32, #tpu.memory_space<hbm>>
    %dma_start3A_105 = tpu.memref_squeeze %dma_start3A_104 : memref<1x64xi32, #tpu.memory_space<hbm>> -> memref<64xi32, #tpu.memory_space<hbm>>
    tpu.enqueue_dma source(%dma_start3A_105 : memref<64xi32, #tpu.memory_space<hbm>>) target(%arg13 : memref<64xi32, #tpu.memory_space<vmem>>) target_semaphore(%arg22 : memref<!tpu.dma_semaphore, #tpu.memory_space<semaphore_mem>>)
    %dma_start3A_106 = arith.constant 0 : i32
    %dma_start3A_107 = tpu.memref_slice %arg6[%add3A_99, %dma_start3A_106] : memref<5120x64xi32, #tpu.memory_space<hbm>> -> memref<1x64xi32, #tpu.memory_space<hbm>>
    %dma_start3A_108 = tpu.memref_squeeze %dma_start3A_107 : memref<1x64xi32, #tpu.memory_space<hbm>> -> memref<64xi32, #tpu.memory_space<hbm>>
    %dma_start3A_109 = arith.constant 0 : i32
    %dma_start3A_110 = tpu.memref_slice %arg6[%add3A_99, %dma_start3A_109] : memref<5120x64xi32, #tpu.memory_space<hbm>> -> memref<1x64xi32, #tpu.memory_space<hbm>>
    %dma_start3A_111 = tpu.memref_squeeze %dma_start3A_110 : memref<1x64xi32, #tpu.memory_space<hbm>> -> memref<64xi32, #tpu.memory_space<hbm>>
    tpu.enqueue_dma source(%dma_start3A_111 : memref<64xi32, #tpu.memory_space<hbm>>) target(%arg15 : memref<64xi32, #tpu.memory_space<vmem>>) target_semaphore(%arg22 : memref<!tpu.dma_semaphore, #tpu.memory_space<semaphore_mem>>)
    %sub3A_112 = arith.constant 1 : i32
    %sub3A_113 = arith.subi %select_n3A, %sub3A_112 : i32
    %min3A_114 = arith.constant 1 : i32
    %min3A_115 = arith.minsi %min3A_114, %sub3A_113 : i32
    %add3A_116 = arith.addi %add3A_96, %min3A_115 : i32
    %dma_start3A_117 = arith.constant 0 : i32
    %dma_start3A_118 = tpu.memref_slice %arg5[%add3A_116, %dma_start3A_117] : memref<5120x64xi32, #tpu.memory_space<hbm>> -> memref<1x64xi32, #tpu.memory_space<hbm>>
    %dma_start3A_119 = tpu.memref_squeeze %dma_start3A_118 : memref<1x64xi32, #tpu.memory_space<hbm>> -> memref<64xi32, #tpu.memory_space<hbm>>
    %dma_start3A_120 = arith.constant 0 : i32
    %dma_start3A_121 = tpu.memref_slice %arg5[%add3A_116, %dma_start3A_120] : memref<5120x64xi32, #tpu.memory_space<hbm>> -> memref<1x64xi32, #tpu.memory_space<hbm>>
    %dma_start3A_122 = tpu.memref_squeeze %dma_start3A_121 : memref<1x64xi32, #tpu.memory_space<hbm>> -> memref<64xi32, #tpu.memory_space<hbm>>
    tpu.enqueue_dma source(%dma_start3A_122 : memref<64xi32, #tpu.memory_space<hbm>>) target(%arg14 : memref<64xi32, #tpu.memory_space<vmem>>) target_semaphore(%arg23 : memref<!tpu.dma_semaphore, #tpu.memory_space<semaphore_mem>>)
    %dma_start3A_123 = arith.constant 0 : i32
    %dma_start3A_124 = tpu.memref_slice %arg6[%add3A_116, %dma_start3A_123] : memref<5120x64xi32, #tpu.memory_space<hbm>> -> memref<1x64xi32, #tpu.memory_space<hbm>>
    %dma_start3A_125 = tpu.memref_squeeze %dma_start3A_124 : memref<1x64xi32, #tpu.memory_space<hbm>> -> memref<64xi32, #tpu.memory_space<hbm>>
    %dma_start3A_126 = arith.constant 0 : i32
    %dma_start3A_127 = tpu.memref_slice %arg6[%add3A_116, %dma_start3A_126] : memref<5120x64xi32, #tpu.memory_space<hbm>> -> memref<1x64xi32, #tpu.memory_space<hbm>>
    %dma_start3A_128 = tpu.memref_squeeze %dma_start3A_127 : memref<1x64xi32, #tpu.memory_space<hbm>> -> memref<64xi32, #tpu.memory_space<hbm>>
    tpu.enqueue_dma source(%dma_start3A_128 : memref<64xi32, #tpu.memory_space<hbm>>) target(%arg16 : memref<64xi32, #tpu.memory_space<vmem>>) target_semaphore(%arg23 : memref<!tpu.dma_semaphore, #tpu.memory_space<semaphore_mem>>)
    %dma_wait3A_129 = arith.constant 0 : i32
    %dma_wait3A_130 = arith.constant 0 : i32
    %dma_wait3A_131 = tpu.memref_slice %arg5[%dma_wait3A_129, %dma_wait3A_130] : memref<5120x64xi32, #tpu.memory_space<hbm>> -> memref<1x64xi32, #tpu.memory_space<hbm>>
    %dma_wait3A_132 = tpu.memref_squeeze %dma_wait3A_131 : memref<1x64xi32, #tpu.memory_space<hbm>> -> memref<64xi32, #tpu.memory_space<hbm>>
    %dma_wait3A_133 = arith.constant 0 : i32
    %dma_wait3A_134 = tpu.memref_slice %arg5[%dma_wait3A_129, %dma_wait3A_133] : memref<5120x64xi32, #tpu.memory_space<hbm>> -> memref<1x64xi32, #tpu.memory_space<hbm>>
    %dma_wait3A_135 = tpu.memref_squeeze %dma_wait3A_134 : memref<1x64xi32, #tpu.memory_space<hbm>> -> memref<64xi32, #tpu.memory_space<hbm>>
    tpu.wait_dma2 semaphore(%arg22 : memref<!tpu.dma_semaphore, #tpu.memory_space<semaphore_mem>>) src(%dma_wait3A_135 : memref<64xi32, #tpu.memory_space<hbm>>) dst(%arg13 : memref<64xi32, #tpu.memory_space<vmem>>)
    %dma_wait3A_136 = arith.constant 0 : i32
    %dma_wait3A_137 = arith.constant 0 : i32
    %dma_wait3A_138 = tpu.memref_slice %arg6[%dma_wait3A_136, %dma_wait3A_137] : memref<5120x64xi32, #tpu.memory_space<hbm>> -> memref<1x64xi32, #tpu.memory_space<hbm>>
    %dma_wait3A_139 = tpu.memref_squeeze %dma_wait3A_138 : memref<1x64xi32, #tpu.memory_space<hbm>> -> memref<64xi32, #tpu.memory_space<hbm>>
    %dma_wait3A_140 = arith.constant 0 : i32
    %dma_wait3A_141 = tpu.memref_slice %arg6[%dma_wait3A_136, %dma_wait3A_140] : memref<5120x64xi32, #tpu.memory_space<hbm>> -> memref<1x64xi32, #tpu.memory_space<hbm>>
    %dma_wait3A_142 = tpu.memref_squeeze %dma_wait3A_141 : memref<1x64xi32, #tpu.memory_space<hbm>> -> memref<64xi32, #tpu.memory_space<hbm>>
    tpu.wait_dma2 semaphore(%arg22 : memref<!tpu.dma_semaphore, #tpu.memory_space<semaphore_mem>>) src(%dma_wait3A_142 : memref<64xi32, #tpu.memory_space<hbm>>) dst(%arg15 : memref<64xi32, #tpu.memory_space<vmem>>)
    %dma_start3A_143 = arith.constant 0 : i32
    %dma_start3A_144 = arith.constant 0 : i32
    %dma_start3A_145 = tpu.memref_slice %arg2[%dma_start3A_143, %dma_start3A_144] : memref<10000x128xf32, #tpu.memory_space<hbm>> -> memref<10000x128xf32, #tpu.memory_space<hbm>>
    tpu.enqueue_indirect_dma source(%dma_start3A_145 : memref<10000x128xf32, #tpu.memory_space<hbm>>) target(%arg11 : memref<64x128xf32, #tpu.memory_space<vmem>>) offsets(%arg13 : memref<64xi32, #tpu.memory_space<vmem>>) semaphore(%arg24 : memref<!tpu.dma_semaphore, #tpu.memory_space<semaphore_mem>>)
    %jit3A_146 = arith.constant 2 : i32
    %div3A = arith.divsi %select_n3A, %jit3A_146 : i32
    %sign3A = arith.constant 0 : i32
    %sign3A_147 = arith.cmpi sgt, %select_n3A, %sign3A : i32
    %sign3A_148 = arith.extui %sign3A_147 : i1 to i32
    %sign3A_149 = arith.constant 0 : i32
    %sign3A_150 = arith.cmpi slt, %select_n3A, %sign3A_149 : i32
    %sign3A_151 = arith.extui %sign3A_150 : i1 to i32
    %sign3A_152 = arith.subi %sign3A_148, %sign3A_151 : i32
    %sign3A_153 = arith.constant 0 : i32
    %sign3A_154 = arith.cmpi sgt, %jit3A_146, %sign3A_153 : i32
    %sign3A_155 = arith.extui %sign3A_154 : i1 to i32
    %sign3A_156 = arith.constant 0 : i32
    %sign3A_157 = arith.cmpi slt, %jit3A_146, %sign3A_156 : i32
    %sign3A_158 = arith.extui %sign3A_157 : i1 to i32
    %sign3A_159 = arith.subi %sign3A_155, %sign3A_158 : i32
    %ne3A = arith.cmpi ne, %sign3A_152, %sign3A_159 : i32
    %rem3A = arith.remsi %select_n3A, %jit3A_146 : i32
    %ne3A_160 = arith.constant 0 : i32
    %ne3A_161 = arith.cmpi ne, %rem3A, %ne3A_160 : i32
    %and3A = arith.andi %ne3A, %ne3A_161 : i1
    %sub3A_162 = arith.constant 1 : i32
    %sub3A_163 = arith.subi %div3A, %sub3A_162 : i32
    %select_n3A_164 = arith.select %and3A, %sub3A_163, %div3A : i32
    %while3A = arith.constant 0 : i32
    %while3A_165 = arith.constant 0 : i32
    %while3A_166 = arith.subi %select_n3A_164, %while3A_165 : i32
    %while3A_167 = arith.addi %while3A_165, %while3A_166 : i32
    %while3A_168 = arith.constant 1 : i32
    %while3A_169 = arith.divsi %while3A_166, %while3A_168 : i32
    %while3A_170 = arith.muli %while3A_169, %while3A_168 : i32
    %while3A_171 = arith.addi %while3A_165, %while3A_170 : i32
    %while3A_172 = arith.constant 1 : i32
    scf.for %while3A_205 = %while3A_165 to %while3A_171 step %while3A_172  : i32 {
      %mul3A_206 = arith.constant 2 : i32
      %mul3A_207 = arith.muli %mul3A_206, %while3A_205 : i32
      %add3A_208 = arith.constant 0 : i32
      %add3A_209 = arith.addi %mul3A_207, %add3A_208 : i32
      %dma_wait3A_210 = arith.constant 0 : i32
      %dma_wait3A_211 = arith.constant 0 : i32
      %dma_wait3A_212 = tpu.memref_slice %arg5[%dma_wait3A_210, %dma_wait3A_211] : memref<5120x64xi32, #tpu.memory_space<hbm>> -> memref<1x64xi32, #tpu.memory_space<hbm>>
      %dma_wait3A_213 = tpu.memref_squeeze %dma_wait3A_212 : memref<1x64xi32, #tpu.memory_space<hbm>> -> memref<64xi32, #tpu.memory_space<hbm>>
      %dma_wait3A_214 = arith.constant 0 : i32
      %dma_wait3A_215 = tpu.memref_slice %arg5[%dma_wait3A_210, %dma_wait3A_214] : memref<5120x64xi32, #tpu.memory_space<hbm>> -> memref<1x64xi32, #tpu.memory_space<hbm>>
      %dma_wait3A_216 = tpu.memref_squeeze %dma_wait3A_215 : memref<1x64xi32, #tpu.memory_space<hbm>> -> memref<64xi32, #tpu.memory_space<hbm>>
      tpu.wait_dma2 semaphore(%arg23 : memref<!tpu.dma_semaphore, #tpu.memory_space<semaphore_mem>>) src(%dma_wait3A_216 : memref<64xi32, #tpu.memory_space<hbm>>) dst(%arg14 : memref<64xi32, #tpu.memory_space<vmem>>)
      %dma_wait3A_217 = arith.constant 0 : i32
      %dma_wait3A_218 = arith.constant 0 : i32
      %dma_wait3A_219 = tpu.memref_slice %arg6[%dma_wait3A_217, %dma_wait3A_218] : memref<5120x64xi32, #tpu.memory_space<hbm>> -> memref<1x64xi32, #tpu.memory_space<hbm>>
      %dma_wait3A_220 = tpu.memref_squeeze %dma_wait3A_219 : memref<1x64xi32, #tpu.memory_space<hbm>> -> memref<64xi32, #tpu.memory_space<hbm>>
      %dma_wait3A_221 = arith.constant 0 : i32
      %dma_wait3A_222 = tpu.memref_slice %arg6[%dma_wait3A_217, %dma_wait3A_221] : memref<5120x64xi32, #tpu.memory_space<hbm>> -> memref<1x64xi32, #tpu.memory_space<hbm>>
      %dma_wait3A_223 = tpu.memref_squeeze %dma_wait3A_222 : memref<1x64xi32, #tpu.memory_space<hbm>> -> memref<64xi32, #tpu.memory_space<hbm>>
      tpu.wait_dma2 semaphore(%arg23 : memref<!tpu.dma_semaphore, #tpu.memory_space<semaphore_mem>>) src(%dma_wait3A_223 : memref<64xi32, #tpu.memory_space<hbm>>) dst(%arg16 : memref<64xi32, #tpu.memory_space<vmem>>)
      %ge3A = arith.constant 1 : i32
      %ge3A_224 = arith.cmpi sge, %while3A_205, %ge3A : i32
      %convert_element_type3A_225 = arith.extui %ge3A_224 : i1 to i32
      %cond3A_226 = arith.constant 0 : i32
      %cond3A_227 = arith.cmpi ne, %convert_element_type3A_225, %cond3A_226 : i32
      scf.if %cond3A_227 {
        %dma_wait3A_513 = arith.constant 0 : i32
        %dma_wait3A_514 = arith.constant 0 : i32
        %dma_wait3A_515 = tpu.memref_slice %arg29[%dma_wait3A_513, %dma_wait3A_514] : memref<10112x128xf32, #tpu.memory_space<vmem_shared>> -> memref<64x128xf32, #tpu.memory_space<vmem_shared>>
        %dma_wait3A_516 = arith.constant 0 : i32
        %dma_wait3A_517 = arith.constant 0 : i32
        %dma_wait3A_518 = tpu.memref_slice %arg29[%dma_wait3A_516, %dma_wait3A_517] : memref<10112x128xf32, #tpu.memory_space<vmem_shared>> -> memref<64x128xf32, #tpu.memory_space<vmem_shared>>
        tpu.wait_dma2 semaphore(%arg27 : memref<!tpu.dma_semaphore, #tpu.memory_space<semaphore_mem>>) src(%arg12 : memref<64x128xf32, #tpu.memory_space<vmem>>) dst(%dma_wait3A_518 : memref<64x128xf32, #tpu.memory_space<vmem_shared>>)
      } else {
      }
      %dma_start3A_228 = arith.constant 0 : i32
      %dma_start3A_229 = arith.constant 0 : i32
      %dma_start3A_230 = tpu.memref_slice %arg2[%dma_start3A_228, %dma_start3A_229] : memref<10000x128xf32, #tpu.memory_space<hbm>> -> memref<10000x128xf32, #tpu.memory_space<hbm>>
      tpu.enqueue_indirect_dma source(%dma_start3A_230 : memref<10000x128xf32, #tpu.memory_space<hbm>>) target(%arg12 : memref<64x128xf32, #tpu.memory_space<vmem>>) offsets(%arg14 : memref<64xi32, #tpu.memory_space<vmem>>) semaphore(%arg25 : memref<!tpu.dma_semaphore, #tpu.memory_space<semaphore_mem>>)
      %dma_wait3A_231 = arith.constant 0 : i32
      %dma_wait3A_232 = arith.constant 0 : i32
      %dma_wait3A_233 = tpu.memref_slice %arg2[%dma_wait3A_231, %dma_wait3A_232] : memref<10000x128xf32, #tpu.memory_space<hbm>> -> memref<64x128xf32, #tpu.memory_space<hbm>>
      %dma_wait3A_234 = arith.constant 0 : i32
      %dma_wait3A_235 = arith.constant 0 : i32
      %dma_wait3A_236 = tpu.memref_slice %arg2[%dma_wait3A_234, %dma_wait3A_235] : memref<10000x128xf32, #tpu.memory_space<hbm>> -> memref<64x128xf32, #tpu.memory_space<hbm>>
      tpu.wait_dma2 semaphore(%arg24 : memref<!tpu.dma_semaphore, #tpu.memory_space<semaphore_mem>>) src(%dma_wait3A_236 : memref<64x128xf32, #tpu.memory_space<hbm>>) dst(%arg11 : memref<64x128xf32, #tpu.memory_space<vmem>>)
      %get3A = arith.constant 0 : index
      %get3A_237 = tpu.vector_load %arg15[%get3A] {strides = array<i32>} : memref<64xi32, #tpu.memory_space<vmem>>, vector<16xi32>,
      %get3A_238 = arith.constant 0 : index
      %get3A_239 = tpu.vector_load %arg13[%get3A_238] {strides = array<i32>} : memref<64xi32, #tpu.memory_space<vmem>>, vector<16xi32>,
      %gather3A = tpu.vector_load_idx %arg8[%get3A_239] : memref<10112xf32, #tpu.memory_space<vmem>>[vector<16xi32>], vector<16xf32>,
      %gather3A_240 = tpu.vector_load_idx %arg9[%get3A_237] : memref<10112xf32, #tpu.memory_space<vmem>>[vector<16xi32>], vector<16xf32>,
      %add3A_241 = arith.addf %gather3A, %gather3A_240 : vector<16xf32>
      %ge3A_242 = arith.constant 0.000000e+00 : f32
      %ge3A_243 = vector.broadcast %ge3A_242 : f32 to vector<16xf32>
      %ge3A_244 = arith.cmpf oge, %add3A_241, %ge3A_243 : vector<16xf32>
      %mul3A_245 = arith.constant 2.000000e-01 : f32
      %mul3A_246 = vector.broadcast %mul3A_245 : f32 to vector<16xf32>
      %mul3A_247 = arith.mulf %mul3A_246, %add3A_241 : vector<16xf32>
      %select_n3A_248 = arith.select %ge3A_244, %add3A_241, %mul3A_247 : vector<16xi1>, vector<16xf32>
      %exp3A = math.exp %select_n3A_248 : vector<16xf32>
      %gather3A_249 = tpu.vector_load_idx %arg10[%get3A_237] : memref<10112xf32, #tpu.memory_space<vmem>>[vector<16xi32>], vector<16xf32>,
      %add3A_250 = arith.constant 1.000000e-16 : f32
      %add3A_251 = vector.broadcast %add3A_250 : f32 to vector<16xf32>
      %add3A_252 = arith.addf %gather3A_249, %add3A_251 : vector<16xf32>
      %div3A_253 = arith.divf %exp3A, %add3A_252 : vector<16xf32>
      %swap3A_254 = arith.constant 0 : index
      %swap3A_255 = tpu.vector_load %arg21[%swap3A_254] {strides = array<i32>} : memref<64xf32, #tpu.memory_space<vmem>>, vector<16xf32>,
      tpu.vector_store %arg21[%swap3A_254], %div3A_253 {strides = array<i32>} : memref<64xf32, #tpu.memory_space<vmem>>, vector<16xf32>,
      %swap3A_256 = arith.constant 0 : index
      %swap3A_257 = tpu.vector_load %arg19[%swap3A_256] {strides = array<i32>} : memref<64xi32, #tpu.memory_space<vmem>>, vector<16xi32>,
      tpu.vector_store %arg19[%swap3A_256], %get3A_237 {strides = array<i32>} : memref<64xi32, #tpu.memory_space<vmem>>, vector<16xi32>,
      %get3A_258 = arith.constant 16 : index
      %get3A_259 = tpu.vector_load %arg15[%get3A_258] {strides = array<i32>} : memref<64xi32, #tpu.memory_space<vmem>>, vector<16xi32>,
      %get3A_260 = arith.constant 16 : index
      %get3A_261 = tpu.vector_load %arg13[%get3A_260] {strides = array<i32>} : memref<64xi32, #tpu.memory_space<vmem>>, vector<16xi32>,
      %gather3A_262 = tpu.vector_load_idx %arg8[%get3A_261] : memref<10112xf32, #tpu.memory_space<vmem>>[vector<16xi32>], vector<16xf32>,
      %gather3A_263 = tpu.vector_load_idx %arg9[%get3A_259] : memref<10112xf32, #tpu.memory_space<vmem>>[vector<16xi32>], vector<16xf32>,
      %add3A_264 = arith.addf %gather3A_262, %gather3A_263 : vector<16xf32>
      %ge3A_265 = arith.constant 0.000000e+00 : f32
      %ge3A_266 = vector.broadcast %ge3A_265 : f32 to vector<16xf32>
      %ge3A_267 = arith.cmpf oge, %add3A_264, %ge3A_266 : vector<16xf32>
      %mul3A_268 = arith.constant 2.000000e-01 : f32
      %mul3A_269 = vector.broadcast %mul3A_268 : f32 to vector<16xf32>
      %mul3A_270 = arith.mulf %mul3A_269, %add3A_264 : vector<16xf32>
      %select_n3A_271 = arith.select %ge3A_267, %add3A_264, %mul3A_270 : vector<16xi1>, vector<16xf32>
      %exp3A_272 = math.exp %select_n3A_271 : vector<16xf32>
      %gather3A_273 = tpu.vector_load_idx %arg10[%get3A_259] : memref<10112xf32, #tpu.memory_space<vmem>>[vector<16xi32>], vector<16xf32>,
      %add3A_274 = arith.constant 1.000000e-16 : f32
      %add3A_275 = vector.broadcast %add3A_274 : f32 to vector<16xf32>
      %add3A_276 = arith.addf %gather3A_273, %add3A_275 : vector<16xf32>
      %div3A_277 = arith.divf %exp3A_272, %add3A_276 : vector<16xf32>
      %swap3A_278 = arith.constant 16 : index
      %swap3A_279 = tpu.vector_load %arg21[%swap3A_278] {strides = array<i32>} : memref<64xf32, #tpu.memory_space<vmem>>, vector<16xf32>,
      tpu.vector_store %arg21[%swap3A_278], %div3A_277 {strides = array<i32>} : memref<64xf32, #tpu.memory_space<vmem>>, vector<16xf32>,
      %swap3A_280 = arith.constant 16 : index
      %swap3A_281 = tpu.vector_load %arg19[%swap3A_280] {strides = array<i32>} : memref<64xi32, #tpu.memory_space<vmem>>, vector<16xi32>,
      tpu.vector_store %arg19[%swap3A_280], %get3A_259 {strides = array<i32>} : memref<64xi32, #tpu.memory_space<vmem>>, vector<16xi32>,
      %get3A_282 = arith.constant 32 : index
      %get3A_283 = tpu.vector_load %arg15[%get3A_282] {strides = array<i32>} : memref<64xi32, #tpu.memory_space<vmem>>, vector<16xi32>,
      %get3A_284 = arith.constant 32 : index
      %get3A_285 = tpu.vector_load %arg13[%get3A_284] {strides = array<i32>} : memref<64xi32, #tpu.memory_space<vmem>>, vector<16xi32>,
      %gather3A_286 = tpu.vector_load_idx %arg8[%get3A_285] : memref<10112xf32, #tpu.memory_space<vmem>>[vector<16xi32>], vector<16xf32>,
      %gather3A_287 = tpu.vector_load_idx %arg9[%get3A_283] : memref<10112xf32, #tpu.memory_space<vmem>>[vector<16xi32>], vector<16xf32>,
      %add3A_288 = arith.addf %gather3A_286, %gather3A_287 : vector<16xf32>
      %ge3A_289 = arith.constant 0.000000e+00 : f32
      %ge3A_290 = vector.broadcast %ge3A_289 : f32 to vector<16xf32>
      %ge3A_291 = arith.cmpf oge, %add3A_288, %ge3A_290 : vector<16xf32>
      %mul3A_292 = arith.constant 2.000000e-01 : f32
      %mul3A_293 = vector.broadcast %mul3A_292 : f32 to vector<16xf32>
      %mul3A_294 = arith.mulf %mul3A_293, %add3A_288 : vector<16xf32>
      %select_n3A_295 = arith.select %ge3A_291, %add3A_288, %mul3A_294 : vector<16xi1>, vector<16xf32>
      %exp3A_296 = math.exp %select_n3A_295 : vector<16xf32>
      %gather3A_297 = tpu.vector_load_idx %arg10[%get3A_283] : memref<10112xf32, #tpu.memory_space<vmem>>[vector<16xi32>], vector<16xf32>,
      %add3A_298 = arith.constant 1.000000e-16 : f32
      %add3A_299 = vector.broadcast %add3A_298 : f32 to vector<16xf32>
      %add3A_300 = arith.addf %gather3A_297, %add3A_299 : vector<16xf32>
      %div3A_301 = arith.divf %exp3A_296, %add3A_300 : vector<16xf32>
      %swap3A_302 = arith.constant 32 : index
      %swap3A_303 = tpu.vector_load %arg21[%swap3A_302] {strides = array<i32>} : memref<64xf32, #tpu.memory_space<vmem>>, vector<16xf32>,
      tpu.vector_store %arg21[%swap3A_302], %div3A_301 {strides = array<i32>} : memref<64xf32, #tpu.memory_space<vmem>>, vector<16xf32>,
      %swap3A_304 = arith.constant 32 : index
      %swap3A_305 = tpu.vector_load %arg19[%swap3A_304] {strides = array<i32>} : memref<64xi32, #tpu.memory_space<vmem>>, vector<16xi32>,
      tpu.vector_store %arg19[%swap3A_304], %get3A_283 {strides = array<i32>} : memref<64xi32, #tpu.memory_space<vmem>>, vector<16xi32>,
      %get3A_306 = arith.constant 48 : index
      %get3A_307 = tpu.vector_load %arg15[%get3A_306] {strides = array<i32>} : memref<64xi32, #tpu.memory_space<vmem>>, vector<16xi32>,
      %get3A_308 = arith.constant 48 : index
      %get3A_309 = tpu.vector_load %arg13[%get3A_308] {strides = array<i32>} : memref<64xi32, #tpu.memory_space<vmem>>, vector<16xi32>,
      %gather3A_310 = tpu.vector_load_idx %arg8[%get3A_309] : memref<10112xf32, #tpu.memory_space<vmem>>[vector<16xi32>], vector<16xf32>,
      %gather3A_311 = tpu.vector_load_idx %arg9[%get3A_307] : memref<10112xf32, #tpu.memory_space<vmem>>[vector<16xi32>], vector<16xf32>,
      %add3A_312 = arith.addf %gather3A_310, %gather3A_311 : vector<16xf32>
      %ge3A_313 = arith.constant 0.000000e+00 : f32
      %ge3A_314 = vector.broadcast %ge3A_313 : f32 to vector<16xf32>
      %ge3A_315 = arith.cmpf oge, %add3A_312, %ge3A_314 : vector<16xf32>
      %mul3A_316 = arith.constant 2.000000e-01 : f32
      %mul3A_317 = vector.broadcast %mul3A_316 : f32 to vector<16xf32>
      %mul3A_318 = arith.mulf %mul3A_317, %add3A_312 : vector<16xf32>
      %select_n3A_319 = arith.select %ge3A_315, %add3A_312, %mul3A_318 : vector<16xi1>, vector<16xf32>
      %exp3A_320 = math.exp %select_n3A_319 : vector<16xf32>
      %gather3A_321 = tpu.vector_load_idx %arg10[%get3A_307] : memref<10112xf32, #tpu.memory_space<vmem>>[vector<16xi32>], vector<16xf32>,
      %add3A_322 = arith.constant 1.000000e-16 : f32
      %add3A_323 = vector.broadcast %add3A_322 : f32 to vector<16xf32>
      %add3A_324 = arith.addf %gather3A_321, %add3A_323 : vector<16xf32>
      %div3A_325 = arith.divf %exp3A_320, %add3A_324 : vector<16xf32>
      %swap3A_326 = arith.constant 48 : index
      %swap3A_327 = tpu.vector_load %arg21[%swap3A_326] {strides = array<i32>} : memref<64xf32, #tpu.memory_space<vmem>>, vector<16xf32>,
      tpu.vector_store %arg21[%swap3A_326], %div3A_325 {strides = array<i32>} : memref<64xf32, #tpu.memory_space<vmem>>, vector<16xf32>,
      %swap3A_328 = arith.constant 48 : index
      %swap3A_329 = tpu.vector_load %arg19[%swap3A_328] {strides = array<i32>} : memref<64xi32, #tpu.memory_space<vmem>>, vector<16xi32>,
      tpu.vector_store %arg19[%swap3A_328], %get3A_307 {strides = array<i32>} : memref<64xi32, #tpu.memory_space<vmem>>, vector<16xi32>,
      %scan3A_330 = arith.constant 0 : i32
      %scan3A_331 = arith.constant 0 : i32
      %scan3A_332 = arith.constant 16 : i32
      %scan3A_333 = arith.addi %scan3A_331, %scan3A_332 : i32
      %scan3A_334 = arith.constant 1 : i32
      scf.for %scan3A_513 = %scan3A_331 to %scan3A_333 step %scan3A_334  : i32 {
        %mul3A_514 = arith.constant 4 : i32
        %mul3A_515 = arith.muli %mul3A_514, %scan3A_513 : i32
        %add3A_516 = arith.constant 0 : i32
        %add3A_517 = arith.addi %mul3A_515, %add3A_516 : i32
        %broadcast_in_dim3A_518 = vector.broadcast %add3A_517 : i32 to vector<16xi32>
        %gather3A_519 = tpu.vector_load_idx %arg21[%broadcast_in_dim3A_518] : memref<64xf32, #tpu.memory_space<vmem>>[vector<16xi32>], vector<16xf32>,
        %get3A_520 = arith.index_cast %add3A_517 : i32 to index
        %get3A_521 = arith.constant 0 : index
        %get3A_522 = tpu.vector_load %arg11[%get3A_520, %get3A_521] {strides = array<i32>} : memref<64x128xf32, #tpu.memory_space<vmem>>, vector<16xf32>,
        %mul3A_523 = arith.mulf %get3A_522, %gather3A_519 : vector<16xf32>
        %swap3A_524 = arith.index_cast %add3A_517 : i32 to index
        %swap3A_525 = arith.constant 0 : index
        %swap3A_526 = tpu.vector_load %arg11[%swap3A_524, %swap3A_525] {strides = array<i32>} : memref<64x128xf32, #tpu.memory_space<vmem>>, vector<16xf32>,
        tpu.vector_store %arg11[%swap3A_524, %swap3A_525], %mul3A_523 {strides = array<i32>} : memref<64x128xf32, #tpu.memory_space<vmem>>, vector<16xf32>,
        %get3A_527 = arith.index_cast %add3A_517 : i32 to index
        %get3A_528 = arith.constant 16 : index
        %get3A_529 = tpu.vector_load %arg11[%get3A_527, %get3A_528] {strides = array<i32>} : memref<64x128xf32, #tpu.memory_space<vmem>>, vector<16xf32>,
        %mul3A_530 = arith.mulf %get3A_529, %gather3A_519 : vector<16xf32>
        %swap3A_531 = arith.index_cast %add3A_517 : i32 to index
        %swap3A_532 = arith.constant 16 : index
        %swap3A_533 = tpu.vector_load %arg11[%swap3A_531, %swap3A_532] {strides = array<i32>} : memref<64x128xf32, #tpu.memory_space<vmem>>, vector<16xf32>,
        tpu.vector_store %arg11[%swap3A_531, %swap3A_532], %mul3A_530 {strides = array<i32>} : memref<64x128xf32, #tpu.memory_space<vmem>>, vector<16xf32>,
        %get3A_534 = arith.index_cast %add3A_517 : i32 to index
        %get3A_535 = arith.constant 32 : index
        %get3A_536 = tpu.vector_load %arg11[%get3A_534, %get3A_535] {strides = array<i32>} : memref<64x128xf32, #tpu.memory_space<vmem>>, vector<16xf32>,
        %mul3A_537 = arith.mulf %get3A_536, %gather3A_519 : vector<16xf32>
        %swap3A_538 = arith.index_cast %add3A_517 : i32 to index
        %swap3A_539 = arith.constant 32 : index
        %swap3A_540 = tpu.vector_load %arg11[%swap3A_538, %swap3A_539] {strides = array<i32>} : memref<64x128xf32, #tpu.memory_space<vmem>>, vector<16xf32>,
        tpu.vector_store %arg11[%swap3A_538, %swap3A_539], %mul3A_537 {strides = array<i32>} : memref<64x128xf32, #tpu.memory_space<vmem>>, vector<16xf32>,
        %get3A_541 = arith.index_cast %add3A_517 : i32 to index
        %get3A_542 = arith.constant 48 : index
        %get3A_543 = tpu.vector_load %arg11[%get3A_541, %get3A_542] {strides = array<i32>} : memref<64x128xf32, #tpu.memory_space<vmem>>, vector<16xf32>,
        %mul3A_544 = arith.mulf %get3A_543, %gather3A_519 : vector<16xf32>
        %swap3A_545 = arith.index_cast %add3A_517 : i32 to index
        %swap3A_546 = arith.constant 48 : index
        %swap3A_547 = tpu.vector_load %arg11[%swap3A_545, %swap3A_546] {strides = array<i32>} : memref<64x128xf32, #tpu.memory_space<vmem>>, vector<16xf32>,
        tpu.vector_store %arg11[%swap3A_545, %swap3A_546], %mul3A_544 {strides = array<i32>} : memref<64x128xf32, #tpu.memory_space<vmem>>, vector<16xf32>,
        %get3A_548 = arith.index_cast %add3A_517 : i32 to index
        %get3A_549 = arith.constant 64 : index
        %get3A_550 = tpu.vector_load %arg11[%get3A_548, %get3A_549] {strides = array<i32>} : memref<64x128xf32, #tpu.memory_space<vmem>>, vector<16xf32>,
        %mul3A_551 = arith.mulf %get3A_550, %gather3A_519 : vector<16xf32>
        %swap3A_552 = arith.index_cast %add3A_517 : i32 to index
        %swap3A_553 = arith.constant 64 : index
        %swap3A_554 = tpu.vector_load %arg11[%swap3A_552, %swap3A_553] {strides = array<i32>} : memref<64x128xf32, #tpu.memory_space<vmem>>, vector<16xf32>,
        tpu.vector_store %arg11[%swap3A_552, %swap3A_553], %mul3A_551 {strides = array<i32>} : memref<64x128xf32, #tpu.memory_space<vmem>>, vector<16xf32>,
        %get3A_555 = arith.index_cast %add3A_517 : i32 to index
        %get3A_556 = arith.constant 80 : index
        %get3A_557 = tpu.vector_load %arg11[%get3A_555, %get3A_556] {strides = array<i32>} : memref<64x128xf32, #tpu.memory_space<vmem>>, vector<16xf32>,
        %mul3A_558 = arith.mulf %get3A_557, %gather3A_519 : vector<16xf32>
        %swap3A_559 = arith.index_cast %add3A_517 : i32 to index
        %swap3A_560 = arith.constant 80 : index
        %swap3A_561 = tpu.vector_load %arg11[%swap3A_559, %swap3A_560] {strides = array<i32>} : memref<64x128xf32, #tpu.memory_space<vmem>>, vector<16xf32>,
        tpu.vector_store %arg11[%swap3A_559, %swap3A_560], %mul3A_558 {strides = array<i32>} : memref<64x128xf32, #tpu.memory_space<vmem>>, vector<16xf32>,
        %get3A_562 = arith.index_cast %add3A_517 : i32 to index
        %get3A_563 = arith.constant 96 : index
        %get3A_564 = tpu.vector_load %arg11[%get3A_562, %get3A_563] {strides = array<i32>} : memref<64x128xf32, #tpu.memory_space<vmem>>, vector<16xf32>,
        %mul3A_565 = arith.mulf %get3A_564, %gather3A_519 : vector<16xf32>
        %swap3A_566 = arith.index_cast %add3A_517 : i32 to index
        %swap3A_567 = arith.constant 96 : index
        %swap3A_568 = tpu.vector_load %arg11[%swap3A_566, %swap3A_567] {strides = array<i32>} : memref<64x128xf32, #tpu.memory_space<vmem>>, vector<16xf32>,
        tpu.vector_store %arg11[%swap3A_566, %swap3A_567], %mul3A_565 {strides = array<i32>} : memref<64x128xf32, #tpu.memory_space<vmem>>, vector<16xf32>,
        %get3A_569 = arith.index_cast %add3A_517 : i32 to index
        %get3A_570 = arith.constant 112 : index
        %get3A_571 = tpu.vector_load %arg11[%get3A_569, %get3A_570] {strides = array<i32>} : memref<64x128xf32, #tpu.memory_space<vmem>>, vector<16xf32>,
        %mul3A_572 = arith.mulf %get3A_571, %gather3A_519 : vector<16xf32>
        %swap3A_573 = arith.index_cast %add3A_517 : i32 to index
        %swap3A_574 = arith.constant 112 : index
        %swap3A_575 = tpu.vector_load %arg11[%swap3A_573, %swap3A_574] {strides = array<i32>} : memref<64x128xf32, #tpu.memory_space<vmem>>, vector<16xf32>,
        tpu.vector_store %arg11[%swap3A_573, %swap3A_574], %mul3A_572 {strides = array<i32>} : memref<64x128xf32, #tpu.memory_space<vmem>>, vector<16xf32>,
        %mul3A_576 = arith.constant 4 : i32
        %mul3A_577 = arith.muli %mul3A_576, %scan3A_513 : i32
        %add3A_578 = arith.constant 1 : i32
        %add3A_579 = arith.addi %mul3A_577, %add3A_578 : i32
        %broadcast_in_dim3A_580 = vector.broadcast %add3A_579 : i32 to vector<16xi32>
        %gather3A_581 = tpu.vector_load_idx %arg21[%broadcast_in_dim3A_580] : memref<64xf32, #tpu.memory_space<vmem>>[vector<16xi32>], vector<16xf32>,
        %get3A_582 = arith.index_cast %add3A_579 : i32 to index
        %get3A_583 = arith.constant 0 : index
        %get3A_584 = tpu.vector_load %arg11[%get3A_582, %get3A_583] {strides = array<i32>} : memref<64x128xf32, #tpu.memory_space<vmem>>, vector<16xf32>,
        %mul3A_585 = arith.mulf %get3A_584, %gather3A_581 : vector<16xf32>
        %swap3A_586 = arith.index_cast %add3A_579 : i32 to index
        %swap3A_587 = arith.constant 0 : index
        %swap3A_588 = tpu.vector_load %arg11[%swap3A_586, %swap3A_587] {strides = array<i32>} : memref<64x128xf32, #tpu.memory_space<vmem>>, vector<16xf32>,
        tpu.vector_store %arg11[%swap3A_586, %swap3A_587], %mul3A_585 {strides = array<i32>} : memref<64x128xf32, #tpu.memory_space<vmem>>, vector<16xf32>,
        %get3A_589 = arith.index_cast %add3A_579 : i32 to index
        %get3A_590 = arith.constant 16 : index
        %get3A_591 = tpu.vector_load %arg11[%get3A_589, %get3A_590] {strides = array<i32>} : memref<64x128xf32, #tpu.memory_space<vmem>>, vector<16xf32>,
        %mul3A_592 = arith.mulf %get3A_591, %gather3A_581 : vector<16xf32>
        %swap3A_593 = arith.index_cast %add3A_579 : i32 to index
        %swap3A_594 = arith.constant 16 : index
        %swap3A_595 = tpu.vector_load %arg11[%swap3A_593, %swap3A_594] {strides = array<i32>} : memref<64x128xf32, #tpu.memory_space<vmem>>, vector<16xf32>,
        tpu.vector_store %arg11[%swap3A_593, %swap3A_594], %mul3A_592 {strides = array<i32>} : memref<64x128xf32, #tpu.memory_space<vmem>>, vector<16xf32>,
        %get3A_596 = arith.index_cast %add3A_579 : i32 to index
        %get3A_597 = arith.constant 32 : index
        %get3A_598 = tpu.vector_load %arg11[%get3A_596, %get3A_597] {strides = array<i32>} : memref<64x128xf32, #tpu.memory_space<vmem>>, vector<16xf32>,
        %mul3A_599 = arith.mulf %get3A_598, %gather3A_581 : vector<16xf32>
        %swap3A_600 = arith.index_cast %add3A_579 : i32 to index
        %swap3A_601 = arith.constant 32 : index
        %swap3A_602 = tpu.vector_load %arg11[%swap3A_600, %swap3A_601] {strides = array<i32>} : memref<64x128xf32, #tpu.memory_space<vmem>>, vector<16xf32>,
        tpu.vector_store %arg11[%swap3A_600, %swap3A_601], %mul3A_599 {strides = array<i32>} : memref<64x128xf32, #tpu.memory_space<vmem>>, vector<16xf32>,
        %get3A_603 = arith.index_cast %add3A_579 : i32 to index
        %get3A_604 = arith.constant 48 : index
        %get3A_605 = tpu.vector_load %arg11[%get3A_603, %get3A_604] {strides = array<i32>} : memref<64x128xf32, #tpu.memory_space<vmem>>, vector<16xf32>,
        %mul3A_606 = arith.mulf %get3A_605, %gather3A_581 : vector<16xf32>
        %swap3A_607 = arith.index_cast %add3A_579 : i32 to index
        %swap3A_608 = arith.constant 48 : index
        %swap3A_609 = tpu.vector_load %arg11[%swap3A_607, %swap3A_608] {strides = array<i32>} : memref<64x128xf32, #tpu.memory_space<vmem>>, vector<16xf32>,
        tpu.vector_store %arg11[%swap3A_607, %swap3A_608], %mul3A_606 {strides = array<i32>} : memref<64x128xf32, #tpu.memory_space<vmem>>, vector<16xf32>,
        %get3A_610 = arith.index_cast %add3A_579 : i32 to index
        %get3A_611 = arith.constant 64 : index
        %get3A_612 = tpu.vector_load %arg11[%get3A_610, %get3A_611] {strides = array<i32>} : memref<64x128xf32, #tpu.memory_space<vmem>>, vector<16xf32>,
        %mul3A_613 = arith.mulf %get3A_612, %gather3A_581 : vector<16xf32>
        %swap3A_614 = arith.index_cast %add3A_579 : i32 to index
        %swap3A_615 = arith.constant 64 : index
        %swap3A_616 = tpu.vector_load %arg11[%swap3A_614, %swap3A_615] {strides = array<i32>} : memref<64x128xf32, #tpu.memory_space<vmem>>, vector<16xf32>,
        tpu.vector_store %arg11[%swap3A_614, %swap3A_615], %mul3A_613 {strides = array<i32>} : memref<64x128xf32, #tpu.memory_space<vmem>>, vector<16xf32>,
        %get3A_617 = arith.index_cast %add3A_579 : i32 to index
        %get3A_618 = arith.constant 80 : index
        %get3A_619 = tpu.vector_load %arg11[%get3A_617, %get3A_618] {strides = array<i32>} : memref<64x128xf32, #tpu.memory_space<vmem>>, vector<16xf32>,
        %mul3A_620 = arith.mulf %get3A_619, %gather3A_581 : vector<16xf32>
        %swap3A_621 = arith.index_cast %add3A_579 : i32 to index
        %swap3A_622 = arith.constant 80 : index
        %swap3A_623 = tpu.vector_load %arg11[%swap3A_621, %swap3A_622] {strides = array<i32>} : memref<64x128xf32, #tpu.memory_space<vmem>>, vector<16xf32>,
        tpu.vector_store %arg11[%swap3A_621, %swap3A_622], %mul3A_620 {strides = array<i32>} : memref<64x128xf32, #tpu.memory_space<vmem>>, vector<16xf32>,
        %get3A_624 = arith.index_cast %add3A_579 : i32 to index
        %get3A_625 = arith.constant 96 : index
        %get3A_626 = tpu.vector_load %arg11[%get3A_624, %get3A_625] {strides = array<i32>} : memref<64x128xf32, #tpu.memory_space<vmem>>, vector<16xf32>,
        %mul3A_627 = arith.mulf %get3A_626, %gather3A_581 : vector<16xf32>
        %swap3A_628 = arith.index_cast %add3A_579 : i32 to index
        %swap3A_629 = arith.constant 96 : index
        %swap3A_630 = tpu.vector_load %arg11[%swap3A_628, %swap3A_629] {strides = array<i32>} : memref<64x128xf32, #tpu.memory_space<vmem>>, vector<16xf32>,
        tpu.vector_store %arg11[%swap3A_628, %swap3A_629], %mul3A_627 {strides = array<i32>} : memref<64x128xf32, #tpu.memory_space<vmem>>, vector<16xf32>,
        %get3A_631 = arith.index_cast %add3A_579 : i32 to index
        %get3A_632 = arith.constant 112 : index
        %get3A_633 = tpu.vector_load %arg11[%get3A_631, %get3A_632] {strides = array<i32>} : memref<64x128xf32, #tpu.memory_space<vmem>>, vector<16xf32>,
        %mul3A_634 = arith.mulf %get3A_633, %gather3A_581 : vector<16xf32>
        %swap3A_635 = arith.index_cast %add3A_579 : i32 to index
        %swap3A_636 = arith.constant 112 : index
        %swap3A_637 = tpu.vector_load %arg11[%swap3A_635, %swap3A_636] {strides = array<i32>} : memref<64x128xf32, #tpu.memory_space<vmem>>, vector<16xf32>,
        tpu.vector_store %arg11[%swap3A_635, %swap3A_636], %mul3A_634 {strides = array<i32>} : memref<64x128xf32, #tpu.memory_space<vmem>>, vector<16xf32>,
        %mul3A_638 = arith.constant 4 : i32
        %mul3A_639 = arith.muli %mul3A_638, %scan3A_513 : i32
        %add3A_640 = arith.constant 2 : i32
        %add3A_641 = arith.addi %mul3A_639, %add3A_640 : i32
        %broadcast_in_dim3A_642 = vector.broadcast %add3A_641 : i32 to vector<16xi32>
        %gather3A_643 = tpu.vector_load_idx %arg21[%broadcast_in_dim3A_642] : memref<64xf32, #tpu.memory_space<vmem>>[vector<16xi32>], vector<16xf32>,
        %get3A_644 = arith.index_cast %add3A_641 : i32 to index
        %get3A_645 = arith.constant 0 : index
        %get3A_646 = tpu.vector_load %arg11[%get3A_644, %get3A_645] {strides = array<i32>} : memref<64x128xf32, #tpu.memory_space<vmem>>, vector<16xf32>,
        %mul3A_647 = arith.mulf %get3A_646, %gather3A_643 : vector<16xf32>
        %swap3A_648 = arith.index_cast %add3A_641 : i32 to index
        %swap3A_649 = arith.constant 0 : index
        %swap3A_650 = tpu.vector_load %arg11[%swap3A_648, %swap3A_649] {strides = array<i32>} : memref<64x128xf32, #tpu.memory_space<vmem>>, vector<16xf32>,
        tpu.vector_store %arg11[%swap3A_648, %swap3A_649], %mul3A_647 {strides = array<i32>} : memref<64x128xf32, #tpu.memory_space<vmem>>, vector<16xf32>,
        %get3A_651 = arith.index_cast %add3A_641 : i32 to index
        %get3A_652 = arith.constant 16 : index
        %get3A_653 = tpu.vector_load %arg11[%get3A_651, %get3A_652] {strides = array<i32>} : memref<64x128xf32, #tpu.memory_space<vmem>>, vector<16xf32>,
        %mul3A_654 = arith.mulf %get3A_653, %gather3A_643 : vector<16xf32>
        %swap3A_655 = arith.index_cast %add3A_641 : i32 to index
        %swap3A_656 = arith.constant 16 : index
        %swap3A_657 = tpu.vector_load %arg11[%swap3A_655, %swap3A_656] {strides = array<i32>} : memref<64x128xf32, #tpu.memory_space<vmem>>, vector<16xf32>,
        tpu.vector_store %arg11[%swap3A_655, %swap3A_656], %mul3A_654 {strides = array<i32>} : memref<64x128xf32, #tpu.memory_space<vmem>>, vector<16xf32>,
        %get3A_658 = arith.index_cast %add3A_641 : i32 to index
        %get3A_659 = arith.constant 32 : index
        %get3A_660 = tpu.vector_load %arg11[%get3A_658, %get3A_659] {strides = array<i32>} : memref<64x128xf32, #tpu.memory_space<vmem>>, vector<16xf32>,
        %mul3A_661 = arith.mulf %get3A_660, %gather3A_643 : vector<16xf32>
        %swap3A_662 = arith.index_cast %add3A_641 : i32 to index
        %swap3A_663 = arith.constant 32 : index
        %swap3A_664 = tpu.vector_load %arg11[%swap3A_662, %swap3A_663] {strides = array<i32>} : memref<64x128xf32, #tpu.memory_space<vmem>>, vector<16xf32>,
        tpu.vector_store %arg11[%swap3A_662, %swap3A_663], %mul3A_661 {strides = array<i32>} : memref<64x128xf32, #tpu.memory_space<vmem>>, vector<16xf32>,
        %get3A_665 = arith.index_cast %add3A_641 : i32 to index
        %get3A_666 = arith.constant 48 : index
        %get3A_667 = tpu.vector_load %arg11[%get3A_665, %get3A_666] {strides = array<i32>} : memref<64x128xf32, #tpu.memory_space<vmem>>, vector<16xf32>,
        %mul3A_668 = arith.mulf %get3A_667, %gather3A_643 : vector<16xf32>
        %swap3A_669 = arith.index_cast %add3A_641 : i32 to index
        %swap3A_670 = arith.constant 48 : index
        %swap3A_671 = tpu.vector_load %arg11[%swap3A_669, %swap3A_670] {strides = array<i32>} : memref<64x128xf32, #tpu.memory_space<vmem>>, vector<16xf32>,
        tpu.vector_store %arg11[%swap3A_669, %swap3A_670], %mul3A_668 {strides = array<i32>} : memref<64x128xf32, #tpu.memory_space<vmem>>, vector<16xf32>,
        %get3A_672 = arith.index_cast %add3A_641 : i32 to index
        %get3A_673 = arith.constant 64 : index
        %get3A_674 = tpu.vector_load %arg11[%get3A_672, %get3A_673] {strides = array<i32>} : memref<64x128xf32, #tpu.memory_space<vmem>>, vector<16xf32>,
        %mul3A_675 = arith.mulf %get3A_674, %gather3A_643 : vector<16xf32>
        %swap3A_676 = arith.index_cast %add3A_641 : i32 to index
        %swap3A_677 = arith.constant 64 : index
        %swap3A_678 = tpu.vector_load %arg11[%swap3A_676, %swap3A_677] {strides = array<i32>} : memref<64x128xf32, #tpu.memory_space<vmem>>, vector<16xf32>,
        tpu.vector_store %arg11[%swap3A_676, %swap3A_677], %mul3A_675 {strides = array<i32>} : memref<64x128xf32, #tpu.memory_space<vmem>>, vector<16xf32>,
        %get3A_679 = arith.index_cast %add3A_641 : i32 to index
        %get3A_680 = arith.constant 80 : index
        %get3A_681 = tpu.vector_load %arg11[%get3A_679, %get3A_680] {strides = array<i32>} : memref<64x128xf32, #tpu.memory_space<vmem>>, vector<16xf32>,
        %mul3A_682 = arith.mulf %get3A_681, %gather3A_643 : vector<16xf32>
        %swap3A_683 = arith.index_cast %add3A_641 : i32 to index
        %swap3A_684 = arith.constant 80 : index
        %swap3A_685 = tpu.vector_load %arg11[%swap3A_683, %swap3A_684] {strides = array<i32>} : memref<64x128xf32, #tpu.memory_space<vmem>>, vector<16xf32>,
        tpu.vector_store %arg11[%swap3A_683, %swap3A_684], %mul3A_682 {strides = array<i32>} : memref<64x128xf32, #tpu.memory_space<vmem>>, vector<16xf32>,
        %get3A_686 = arith.index_cast %add3A_641 : i32 to index
        %get3A_687 = arith.constant 96 : index
        %get3A_688 = tpu.vector_load %arg11[%get3A_686, %get3A_687] {strides = array<i32>} : memref<64x128xf32, #tpu.memory_space<vmem>>, vector<16xf32>,
        %mul3A_689 = arith.mulf %get3A_688, %gather3A_643 : vector<16xf32>
        %swap3A_690 = arith.index_cast %add3A_641 : i32 to index
        %swap3A_691 = arith.constant 96 : index
        %swap3A_692 = tpu.vector_load %arg11[%swap3A_690, %swap3A_691] {strides = array<i32>} : memref<64x128xf32, #tpu.memory_space<vmem>>, vector<16xf32>,
        tpu.vector_store %arg11[%swap3A_690, %swap3A_691], %mul3A_689 {strides = array<i32>} : memref<64x128xf32, #tpu.memory_space<vmem>>, vector<16xf32>,
        %get3A_693 = arith.index_cast %add3A_641 : i32 to index
        %get3A_694 = arith.constant 112 : index
        %get3A_695 = tpu.vector_load %arg11[%get3A_693, %get3A_694] {strides = array<i32>} : memref<64x128xf32, #tpu.memory_space<vmem>>, vector<16xf32>,
        %mul3A_696 = arith.mulf %get3A_695, %gather3A_643 : vector<16xf32>
        %swap3A_697 = arith.index_cast %add3A_641 : i32 to index
        %swap3A_698 = arith.constant 112 : index
        %swap3A_699 = tpu.vector_load %arg11[%swap3A_697, %swap3A_698] {strides = array<i32>} : memref<64x128xf32, #tpu.memory_space<vmem>>, vector<16xf32>,
        tpu.vector_store %arg11[%swap3A_697, %swap3A_698], %mul3A_696 {strides = array<i32>} : memref<64x128xf32, #tpu.memory_space<vmem>>, vector<16xf32>,
        %mul3A_700 = arith.constant 4 : i32
        %mul3A_701 = arith.muli %mul3A_700, %scan3A_513 : i32
        %add3A_702 = arith.constant 3 : i32
        %add3A_703 = arith.addi %mul3A_701, %add3A_702 : i32
        %broadcast_in_dim3A_704 = vector.broadcast %add3A_703 : i32 to vector<16xi32>
        %gather3A_705 = tpu.vector_load_idx %arg21[%broadcast_in_dim3A_704] : memref<64xf32, #tpu.memory_space<vmem>>[vector<16xi32>], vector<16xf32>,
        %get3A_706 = arith.index_cast %add3A_703 : i32 to index
        %get3A_707 = arith.constant 0 : index
        %get3A_708 = tpu.vector_load %arg11[%get3A_706, %get3A_707] {strides = array<i32>} : memref<64x128xf32, #tpu.memory_space<vmem>>, vector<16xf32>,
        %mul3A_709 = arith.mulf %get3A_708, %gather3A_705 : vector<16xf32>
        %swap3A_710 = arith.index_cast %add3A_703 : i32 to index
        %swap3A_711 = arith.constant 0 : index
        %swap3A_712 = tpu.vector_load %arg11[%swap3A_710, %swap3A_711] {strides = array<i32>} : memref<64x128xf32, #tpu.memory_space<vmem>>, vector<16xf32>,
        tpu.vector_store %arg11[%swap3A_710, %swap3A_711], %mul3A_709 {strides = array<i32>} : memref<64x128xf32, #tpu.memory_space<vmem>>, vector<16xf32>,
        %get3A_713 = arith.index_cast %add3A_703 : i32 to index
        %get3A_714 = arith.constant 16 : index
        %get3A_715 = tpu.vector_load %arg11[%get3A_713, %get3A_714] {strides = array<i32>} : memref<64x128xf32, #tpu.memory_space<vmem>>, vector<16xf32>,
        %mul3A_716 = arith.mulf %get3A_715, %gather3A_705 : vector<16xf32>
        %swap3A_717 = arith.index_cast %add3A_703 : i32 to index
        %swap3A_718 = arith.constant 16 : index
        %swap3A_719 = tpu.vector_load %arg11[%swap3A_717, %swap3A_718] {strides = array<i32>} : memref<64x128xf32, #tpu.memory_space<vmem>>, vector<16xf32>,
        tpu.vector_store %arg11[%swap3A_717, %swap3A_718], %mul3A_716 {strides = array<i32>} : memref<64x128xf32, #tpu.memory_space<vmem>>, vector<16xf32>,
        %get3A_720 = arith.index_cast %add3A_703 : i32 to index
        %get3A_721 = arith.constant 32 : index
        %get3A_722 = tpu.vector_load %arg11[%get3A_720, %get3A_721] {strides = array<i32>} : memref<64x128xf32, #tpu.memory_space<vmem>>, vector<16xf32>,
        %mul3A_723 = arith.mulf %get3A_722, %gather3A_705 : vector<16xf32>
        %swap3A_724 = arith.index_cast %add3A_703 : i32 to index
        %swap3A_725 = arith.constant 32 : index
        %swap3A_726 = tpu.vector_load %arg11[%swap3A_724, %swap3A_725] {strides = array<i32>} : memref<64x128xf32, #tpu.memory_space<vmem>>, vector<16xf32>,
        tpu.vector_store %arg11[%swap3A_724, %swap3A_725], %mul3A_723 {strides = array<i32>} : memref<64x128xf32, #tpu.memory_space<vmem>>, vector<16xf32>,
        %get3A_727 = arith.index_cast %add3A_703 : i32 to index
        %get3A_728 = arith.constant 48 : index
        %get3A_729 = tpu.vector_load %arg11[%get3A_727, %get3A_728] {strides = array<i32>} : memref<64x128xf32, #tpu.memory_space<vmem>>, vector<16xf32>,
        %mul3A_730 = arith.mulf %get3A_729, %gather3A_705 : vector<16xf32>
        %swap3A_731 = arith.index_cast %add3A_703 : i32 to index
        %swap3A_732 = arith.constant 48 : index
        %swap3A_733 = tpu.vector_load %arg11[%swap3A_731, %swap3A_732] {strides = array<i32>} : memref<64x128xf32, #tpu.memory_space<vmem>>, vector<16xf32>,
        tpu.vector_store %arg11[%swap3A_731, %swap3A_732], %mul3A_730 {strides = array<i32>} : memref<64x128xf32, #tpu.memory_space<vmem>>, vector<16xf32>,
        %get3A_734 = arith.index_cast %add3A_703 : i32 to index
        %get3A_735 = arith.constant 64 : index
        %get3A_736 = tpu.vector_load %arg11[%get3A_734, %get3A_735] {strides = array<i32>} : memref<64x128xf32, #tpu.memory_space<vmem>>, vector<16xf32>,
        %mul3A_737 = arith.mulf %get3A_736, %gather3A_705 : vector<16xf32>
        %swap3A_738 = arith.index_cast %add3A_703 : i32 to index
        %swap3A_739 = arith.constant 64 : index
        %swap3A_740 = tpu.vector_load %arg11[%swap3A_738, %swap3A_739] {strides = array<i32>} : memref<64x128xf32, #tpu.memory_space<vmem>>, vector<16xf32>,
        tpu.vector_store %arg11[%swap3A_738, %swap3A_739], %mul3A_737 {strides = array<i32>} : memref<64x128xf32, #tpu.memory_space<vmem>>, vector<16xf32>,
        %get3A_741 = arith.index_cast %add3A_703 : i32 to index
        %get3A_742 = arith.constant 80 : index
        %get3A_743 = tpu.vector_load %arg11[%get3A_741, %get3A_742] {strides = array<i32>} : memref<64x128xf32, #tpu.memory_space<vmem>>, vector<16xf32>,
        %mul3A_744 = arith.mulf %get3A_743, %gather3A_705 : vector<16xf32>
        %swap3A_745 = arith.index_cast %add3A_703 : i32 to index
        %swap3A_746 = arith.constant 80 : index
        %swap3A_747 = tpu.vector_load %arg11[%swap3A_745, %swap3A_746] {strides = array<i32>} : memref<64x128xf32, #tpu.memory_space<vmem>>, vector<16xf32>,
        tpu.vector_store %arg11[%swap3A_745, %swap3A_746], %mul3A_744 {strides = array<i32>} : memref<64x128xf32, #tpu.memory_space<vmem>>, vector<16xf32>,
        %get3A_748 = arith.index_cast %add3A_703 : i32 to index
        %get3A_749 = arith.constant 96 : index
        %get3A_750 = tpu.vector_load %arg11[%get3A_748, %get3A_749] {strides = array<i32>} : memref<64x128xf32, #tpu.memory_space<vmem>>, vector<16xf32>,
        %mul3A_751 = arith.mulf %get3A_750, %gather3A_705 : vector<16xf32>
        %swap3A_752 = arith.index_cast %add3A_703 : i32 to index
        %swap3A_753 = arith.constant 96 : index
        %swap3A_754 = tpu.vector_load %arg11[%swap3A_752, %swap3A_753] {strides = array<i32>} : memref<64x128xf32, #tpu.memory_space<vmem>>, vector<16xf32>,
        tpu.vector_store %arg11[%swap3A_752, %swap3A_753], %mul3A_751 {strides = array<i32>} : memref<64x128xf32, #tpu.memory_space<vmem>>, vector<16xf32>,
        %get3A_755 = arith.index_cast %add3A_703 : i32 to index
        %get3A_756 = arith.constant 112 : index
        %get3A_757 = tpu.vector_load %arg11[%get3A_755, %get3A_756] {strides = array<i32>} : memref<64x128xf32, #tpu.memory_space<vmem>>, vector<16xf32>,
        %mul3A_758 = arith.mulf %get3A_757, %gather3A_705 : vector<16xf32>
        %swap3A_759 = arith.index_cast %add3A_703 : i32 to index
        %swap3A_760 = arith.constant 112 : index
        %swap3A_761 = tpu.vector_load %arg11[%swap3A_759, %swap3A_760] {strides = array<i32>} : memref<64x128xf32, #tpu.memory_space<vmem>>, vector<16xf32>,
        tpu.vector_store %arg11[%swap3A_759, %swap3A_760], %mul3A_758 {strides = array<i32>} : memref<64x128xf32, #tpu.memory_space<vmem>>, vector<16xf32>,
      }
      %scan3A_335 = arith.constant 16 : i32
      %dma_start3A_336 = arith.constant 0 : i32
      %dma_start3A_337 = arith.constant 0 : i32
      %dma_start3A_338 = tpu.memref_slice %arg29[%dma_start3A_336, %dma_start3A_337] : memref<10112x128xf32, #tpu.memory_space<vmem_shared>> -> memref<10112x128xf32, #tpu.memory_space<vmem_shared>>
      tpu.enqueue_indirect_dma source(%arg11 : memref<64x128xf32, #tpu.memory_space<vmem>>) target(%dma_start3A_338 : memref<10112x128xf32, #tpu.memory_space<vmem_shared>>) offsets(%arg19 : memref<64xi32, #tpu.memory_space<vmem>>) semaphore(%arg26 : memref<!tpu.dma_semaphore, #tpu.memory_space<semaphore_mem>>) {add = true}
      %add3A_339 = arith.constant 2 : i32
      %add3A_340 = arith.addi %add3A_209, %add3A_339 : i32
      %sub3A_341 = arith.constant 1 : i32
      %sub3A_342 = arith.subi %select_n3A, %sub3A_341 : i32
      %min3A_343 = arith.minsi %add3A_340, %sub3A_342 : i32
      %add3A_344 = arith.addi %add3A_96, %min3A_343 : i32
      %dma_start3A_345 = arith.constant 0 : i32
      %dma_start3A_346 = tpu.memref_slice %arg5[%add3A_344, %dma_start3A_345] : memref<5120x64xi32, #tpu.memory_space<hbm>> -> memref<1x64xi32, #tpu.memory_space<hbm>>
      %dma_start3A_347 = tpu.memref_squeeze %dma_start3A_346 : memref<1x64xi32, #tpu.memory_space<hbm>> -> memref<64xi32, #tpu.memory_space<hbm>>
      %dma_start3A_348 = arith.constant 0 : i32
      %dma_start3A_349 = tpu.memref_slice %arg5[%add3A_344, %dma_start3A_348] : memref<5120x64xi32, #tpu.memory_space<hbm>> -> memref<1x64xi32, #tpu.memory_space<hbm>>
      %dma_start3A_350 = tpu.memref_squeeze %dma_start3A_349 : memref<1x64xi32, #tpu.memory_space<hbm>> -> memref<64xi32, #tpu.memory_space<hbm>>
      tpu.enqueue_dma source(%dma_start3A_350 : memref<64xi32, #tpu.memory_space<hbm>>) target(%arg13 : memref<64xi32, #tpu.memory_space<vmem>>) target_semaphore(%arg22 : memref<!tpu.dma_semaphore, #tpu.memory_space<semaphore_mem>>)
      %dma_start3A_351 = arith.constant 0 : i32
      %dma_start3A_352 = tpu.memref_slice %arg6[%add3A_344, %dma_start3A_351] : memref<5120x64xi32, #tpu.memory_space<hbm>> -> memref<1x64xi32, #tpu.memory_space<hbm>>
      %dma_start3A_353 = tpu.memref_squeeze %dma_start3A_352 : memref<1x64xi32, #tpu.memory_space<hbm>> -> memref<64xi32, #tpu.memory_space<hbm>>
      %dma_start3A_354 = arith.constant 0 : i32
      %dma_start3A_355 = tpu.memref_slice %arg6[%add3A_344, %dma_start3A_354] : memref<5120x64xi32, #tpu.memory_space<hbm>> -> memref<1x64xi32, #tpu.memory_space<hbm>>
      %dma_start3A_356 = tpu.memref_squeeze %dma_start3A_355 : memref<1x64xi32, #tpu.memory_space<hbm>> -> memref<64xi32, #tpu.memory_space<hbm>>
      tpu.enqueue_dma source(%dma_start3A_356 : memref<64xi32, #tpu.memory_space<hbm>>) target(%arg15 : memref<64xi32, #tpu.memory_space<vmem>>) target_semaphore(%arg22 : memref<!tpu.dma_semaphore, #tpu.memory_space<semaphore_mem>>)
      %mul3A_357 = arith.constant 2 : i32
      %mul3A_358 = arith.muli %mul3A_357, %while3A_205 : i32
      %add3A_359 = arith.constant 1 : i32
      %add3A_360 = arith.addi %mul3A_358, %add3A_359 : i32
      %dma_wait3A_361 = arith.constant 0 : i32
      %dma_wait3A_362 = arith.constant 0 : i32
      %dma_wait3A_363 = tpu.memref_slice %arg5[%dma_wait3A_361, %dma_wait3A_362] : memref<5120x64xi32, #tpu.memory_space<hbm>> -> memref<1x64xi32, #tpu.memory_space<hbm>>
      %dma_wait3A_364 = tpu.memref_squeeze %dma_wait3A_363 : memref<1x64xi32, #tpu.memory_space<hbm>> -> memref<64xi32, #tpu.memory_space<hbm>>
      %dma_wait3A_365 = arith.constant 0 : i32
      %dma_wait3A_366 = tpu.memref_slice %arg5[%dma_wait3A_361, %dma_wait3A_365] : memref<5120x64xi32, #tpu.memory_space<hbm>> -> memref<1x64xi32, #tpu.memory_space<hbm>>
      %dma_wait3A_367 = tpu.memref_squeeze %dma_wait3A_366 : memref<1x64xi32, #tpu.memory_space<hbm>> -> memref<64xi32, #tpu.memory_space<hbm>>
      tpu.wait_dma2 semaphore(%arg22 : memref<!tpu.dma_semaphore, #tpu.memory_space<semaphore_mem>>) src(%dma_wait3A_367 : memref<64xi32, #tpu.memory_space<hbm>>) dst(%arg13 : memref<64xi32, #tpu.memory_space<vmem>>)
      %dma_wait3A_368 = arith.constant 0 : i32
      %dma_wait3A_369 = arith.constant 0 : i32
      %dma_wait3A_370 = tpu.memref_slice %arg6[%dma_wait3A_368, %dma_wait3A_369] : memref<5120x64xi32, #tpu.memory_space<hbm>> -> memref<1x64xi32, #tpu.memory_space<hbm>>
      %dma_wait3A_371 = tpu.memref_squeeze %dma_wait3A_370 : memref<1x64xi32, #tpu.memory_space<hbm>> -> memref<64xi32, #tpu.memory_space<hbm>>
      %dma_wait3A_372 = arith.constant 0 : i32
      %dma_wait3A_373 = tpu.memref_slice %arg6[%dma_wait3A_368, %dma_wait3A_372] : memref<5120x64xi32, #tpu.memory_space<hbm>> -> memref<1x64xi32, #tpu.memory_space<hbm>>
      %dma_wait3A_374 = tpu.memref_squeeze %dma_wait3A_373 : memref<1x64xi32, #tpu.memory_space<hbm>> -> memref<64xi32, #tpu.memory_space<hbm>>
      tpu.wait_dma2 semaphore(%arg22 : memref<!tpu.dma_semaphore, #tpu.memory_space<semaphore_mem>>) src(%dma_wait3A_374 : memref<64xi32, #tpu.memory_space<hbm>>) dst(%arg15 : memref<64xi32, #tpu.memory_space<vmem>>)
      %dma_wait3A_375 = arith.constant 0 : i32
      %dma_wait3A_376 = arith.constant 0 : i32
      %dma_wait3A_377 = tpu.memref_slice %arg29[%dma_wait3A_375, %dma_wait3A_376] : memref<10112x128xf32, #tpu.memory_space<vmem_shared>> -> memref<64x128xf32, #tpu.memory_space<vmem_shared>>
      %dma_wait3A_378 = arith.constant 0 : i32
      %dma_wait3A_379 = arith.constant 0 : i32
      %dma_wait3A_380 = tpu.memref_slice %arg29[%dma_wait3A_378, %dma_wait3A_379] : memref<10112x128xf32, #tpu.memory_space<vmem_shared>> -> memref<64x128xf32, #tpu.memory_space<vmem_shared>>
      tpu.wait_dma2 semaphore(%arg26 : memref<!tpu.dma_semaphore, #tpu.memory_space<semaphore_mem>>) src(%arg11 : memref<64x128xf32, #tpu.memory_space<vmem>>) dst(%dma_wait3A_380 : memref<64x128xf32, #tpu.memory_space<vmem_shared>>)
      %dma_start3A_381 = arith.constant 0 : i32
      %dma_start3A_382 = arith.constant 0 : i32
      %dma_start3A_383 = tpu.memref_slice %arg2[%dma_start3A_381, %dma_start3A_382] : memref<10000x128xf32, #tpu.memory_space<hbm>> -> memref<10000x128xf32, #tpu.memory_space<hbm>>
      tpu.enqueue_indirect_dma source(%dma_start3A_383 : memref<10000x128xf32, #tpu.memory_space<hbm>>) target(%arg11 : memref<64x128xf32, #tpu.memory_space<vmem>>) offsets(%arg13 : memref<64xi32, #tpu.memory_space<vmem>>) semaphore(%arg24 : memref<!tpu.dma_semaphore, #tpu.memory_space<semaphore_mem>>)
      %dma_wait3A_384 = arith.constant 0 : i32
      %dma_wait3A_385 = arith.constant 0 : i32
      %dma_wait3A_386 = tpu.memref_slice %arg2[%dma_wait3A_384, %dma_wait3A_385] : memref<10000x128xf32, #tpu.memory_space<hbm>> -> memref<64x128xf32, #tpu.memory_space<hbm>>
      %dma_wait3A_387 = arith.constant 0 : i32
      %dma_wait3A_388 = arith.constant 0 : i32
      %dma_wait3A_389 = tpu.memref_slice %arg2[%dma_wait3A_387, %dma_wait3A_388] : memref<10000x128xf32, #tpu.memory_space<hbm>> -> memref<64x128xf32, #tpu.memory_space<hbm>>
      tpu.wait_dma2 semaphore(%arg25 : memref<!tpu.dma_semaphore, #tpu.memory_space<semaphore_mem>>) src(%dma_wait3A_389 : memref<64x128xf32, #tpu.memory_space<hbm>>) dst(%arg12 : memref<64x128xf32, #tpu.memory_space<vmem>>)
      %get3A_390 = arith.constant 0 : index
      %get3A_391 = tpu.vector_load %arg16[%get3A_390] {strides = array<i32>} : memref<64xi32, #tpu.memory_space<vmem>>, vector<16xi32>,
      %get3A_392 = arith.constant 0 : index
      %get3A_393 = tpu.vector_load %arg14[%get3A_392] {strides = array<i32>} : memref<64xi32, #tpu.memory_space<vmem>>, vector<16xi32>,
      %gather3A_394 = tpu.vector_load_idx %arg8[%get3A_393] : memref<10112xf32, #tpu.memory_space<vmem>>[vector<16xi32>], vector<16xf32>,
      %gather3A_395 = tpu.vector_load_idx %arg9[%get3A_391] : memref<10112xf32, #tpu.memory_space<vmem>>[vector<16xi32>], vector<16xf32>,
      %add3A_396 = arith.addf %gather3A_394, %gather3A_395 : vector<16xf32>
      %ge3A_397 = arith.constant 0.000000e+00 : f32
      %ge3A_398 = vector.broadcast %ge3A_397 : f32 to vector<16xf32>
      %ge3A_399 = arith.cmpf oge, %add3A_396, %ge3A_398 : vector<16xf32>
      %mul3A_400 = arith.constant 2.000000e-01 : f32
      %mul3A_401 = vector.broadcast %mul3A_400 : f32 to vector<16xf32>
      %mul3A_402 = arith.mulf %mul3A_401, %add3A_396 : vector<16xf32>
      %select_n3A_403 = arith.select %ge3A_399, %add3A_396, %mul3A_402 : vector<16xi1>, vector<16xf32>
      %exp3A_404 = math.exp %select_n3A_403 : vector<16xf32>
      %gather3A_405 = tpu.vector_load_idx %arg10[%get3A_391] : memref<10112xf32, #tpu.memory_space<vmem>>[vector<16xi32>], vector<16xf32>,
      %add3A_406 = arith.constant 1.000000e-16 : f32
      %add3A_407 = vector.broadcast %add3A_406 : f32 to vector<16xf32>
      %add3A_408 = arith.addf %gather3A_405, %add3A_407 : vector<16xf32>
      %div3A_409 = arith.divf %exp3A_404, %add3A_408 : vector<16xf32>
      %swap3A_410 = arith.constant 0 : index
      %swap3A_411 = tpu.vector_load %arg21[%swap3A_410] {strides = array<i32>} : memref<64xf32, #tpu.memory_space<vmem>>, vector<16xf32>,
      tpu.vector_store %arg21[%swap3A_410], %div3A_409 {strides = array<i32>} : memref<64xf32, #tpu.memory_space<vmem>>, vector<16xf32>,
      %swap3A_412 = arith.constant 0 : index
      %swap3A_413 = tpu.vector_load %arg20[%swap3A_412] {strides = array<i32>} : memref<64xi32, #tpu.memory_space<vmem>>, vector<16xi32>,
      tpu.vector_store %arg20[%swap3A_412], %get3A_391 {strides = array<i32>} : memref<64xi32, #tpu.memory_space<vmem>>, vector<16xi32>,
      %get3A_414 = arith.constant 16 : index
      %get3A_415 = tpu.vector_load %arg16[%get3A_414] {strides = array<i32>} : memref<64xi32, #tpu.memory_space<vmem>>, vector<16xi32>,
      %get3A_416 = arith.constant 16 : index
      %get3A_417 = tpu.vector_load %arg14[%get3A_416] {strides = array<i32>} : memref<64xi32, #tpu.memory_space<vmem>>, vector<16xi32>,
      %gather3A_418 = tpu.vector_load_idx %arg8[%get3A_417] : memref<10112xf32, #tpu.memory_space<vmem>>[vector<16xi32>], vector<16xf32>,
      %gather3A_419 = tpu.vector_load_idx %arg9[%get3A_415] : memref<10112xf32, #tpu.memory_space<vmem>>[vector<16xi32>], vector<16xf32>,
      %add3A_420 = arith.addf %gather3A_418, %gather3A_419 : vector<16xf32>
      %ge3A_421 = arith.constant 0.000000e+00 : f32
      %ge3A_422 = vector.broadcast %ge3A_421 : f32 to vector<16xf32>
      %ge3A_423 = arith.cmpf oge, %add3A_420, %ge3A_422 : vector<16xf32>
      %mul3A_424 = arith.constant 2.000000e-01 : f32
      %mul3A_425 = vector.broadcast %mul3A_424 : f32 to vector<16xf32>
      %mul3A_426 = arith.mulf %mul3A_425, %add3A_420 : vector<16xf32>
      %select_n3A_427 = arith.select %ge3A_423, %add3A_420, %mul3A_426 : vector<16xi1>, vector<16xf32>
      %exp3A_428 = math.exp %select_n3A_427 : vector<16xf32>
      %gather3A_429 = tpu.vector_load_idx %arg10[%get3A_415] : memref<10112xf32, #tpu.memory_space<vmem>>[vector<16xi32>], vector<16xf32>,
      %add3A_430 = arith.constant 1.000000e-16 : f32
      %add3A_431 = vector.broadcast %add3A_430 : f32 to vector<16xf32>
      %add3A_432 = arith.addf %gather3A_429, %add3A_431 : vector<16xf32>
      %div3A_433 = arith.divf %exp3A_428, %add3A_432 : vector<16xf32>
      %swap3A_434 = arith.constant 16 : index
      %swap3A_435 = tpu.vector_load %arg21[%swap3A_434] {strides = array<i32>} : memref<64xf32, #tpu.memory_space<vmem>>, vector<16xf32>,
      tpu.vector_store %arg21[%swap3A_434], %div3A_433 {strides = array<i32>} : memref<64xf32, #tpu.memory_space<vmem>>, vector<16xf32>,
      %swap3A_436 = arith.constant 16 : index
      %swap3A_437 = tpu.vector_load %arg20[%swap3A_436] {strides = array<i32>} : memref<64xi32, #tpu.memory_space<vmem>>, vector<16xi32>,
      tpu.vector_store %arg20[%swap3A_436], %get3A_415 {strides = array<i32>} : memref<64xi32, #tpu.memory_space<vmem>>, vector<16xi32>,
      %get3A_438 = arith.constant 32 : index
      %get3A_439 = tpu.vector_load %arg16[%get3A_438] {strides = array<i32>} : memref<64xi32, #tpu.memory_space<vmem>>, vector<16xi32>,
      %get3A_440 = arith.constant 32 : index
      %get3A_441 = tpu.vector_load %arg14[%get3A_440] {strides = array<i32>} : memref<64xi32, #tpu.memory_space<vmem>>, vector<16xi32>,
      %gather3A_442 = tpu.vector_load_idx %arg8[%get3A_441] : memref<10112xf32, #tpu.memory_space<vmem>>[vector<16xi32>], vector<16xf32>,
      %gather3A_443 = tpu.vector_load_idx %arg9[%get3A_439] : memref<10112xf32, #tpu.memory_space<vmem>>[vector<16xi32>], vector<16xf32>,
      %add3A_444 = arith.addf %gather3A_442, %gather3A_443 : vector<16xf32>
      %ge3A_445 = arith.constant 0.000000e+00 : f32
      %ge3A_446 = vector.broadcast %ge3A_445 : f32 to vector<16xf32>
      %ge3A_447 = arith.cmpf oge, %add3A_444, %ge3A_446 : vector<16xf32>
      %mul3A_448 = arith.constant 2.000000e-01 : f32
      %mul3A_449 = vector.broadcast %mul3A_448 : f32 to vector<16xf32>
      %mul3A_450 = arith.mulf %mul3A_449, %add3A_444 : vector<16xf32>
      %select_n3A_451 = arith.select %ge3A_447, %add3A_444, %mul3A_450 : vector<16xi1>, vector<16xf32>
      %exp3A_452 = math.exp %select_n3A_451 : vector<16xf32>
      %gather3A_453 = tpu.vector_load_idx %arg10[%get3A_439] : memref<10112xf32, #tpu.memory_space<vmem>>[vector<16xi32>], vector<16xf32>,
      %add3A_454 = arith.constant 1.000000e-16 : f32
      %add3A_455 = vector.broadcast %add3A_454 : f32 to vector<16xf32>
      %add3A_456 = arith.addf %gather3A_453, %add3A_455 : vector<16xf32>
      %div3A_457 = arith.divf %exp3A_452, %add3A_456 : vector<16xf32>
      %swap3A_458 = arith.constant 32 : index
      %swap3A_459 = tpu.vector_load %arg21[%swap3A_458] {strides = array<i32>} : memref<64xf32, #tpu.memory_space<vmem>>, vector<16xf32>,
      tpu.vector_store %arg21[%swap3A_458], %div3A_457 {strides = array<i32>} : memref<64xf32, #tpu.memory_space<vmem>>, vector<16xf32>,
      %swap3A_460 = arith.constant 32 : index
      %swap3A_461 = tpu.vector_load %arg20[%swap3A_460] {strides = array<i32>} : memref<64xi32, #tpu.memory_space<vmem>>, vector<16xi32>,
      tpu.vector_store %arg20[%swap3A_460], %get3A_439 {strides = array<i32>} : memref<64xi32, #tpu.memory_space<vmem>>, vector<16xi32>,
      %get3A_462 = arith.constant 48 : index
      %get3A_463 = tpu.vector_load %arg16[%get3A_462] {strides = array<i32>} : memref<64xi32, #tpu.memory_space<vmem>>, vector<16xi32>,
      %get3A_464 = arith.constant 48 : index
      %get3A_465 = tpu.vector_load %arg14[%get3A_464] {strides = array<i32>} : memref<64xi32, #tpu.memory_space<vmem>>, vector<16xi32>,
      %gather3A_466 = tpu.vector_load_idx %arg8[%get3A_465] : memref<10112xf32, #tpu.memory_space<vmem>>[vector<16xi32>], vector<16xf32>,
      %gather3A_467 = tpu.vector_load_idx %arg9[%get3A_463] : memref<10112xf32, #tpu.memory_space<vmem>>[vector<16xi32>], vector<16xf32>,
      %add3A_468 = arith.addf %gather3A_466, %gather3A_467 : vector<16xf32>
      %ge3A_469 = arith.constant 0.000000e+00 : f32
      %ge3A_470 = vector.broadcast %ge3A_469 : f32 to vector<16xf32>
      %ge3A_471 = arith.cmpf oge, %add3A_468, %ge3A_470 : vector<16xf32>
      %mul3A_472 = arith.constant 2.000000e-01 : f32
      %mul3A_473 = vector.broadcast %mul3A_472 : f32 to vector<16xf32>
      %mul3A_474 = arith.mulf %mul3A_473, %add3A_468 : vector<16xf32>
      %select_n3A_475 = arith.select %ge3A_471, %add3A_468, %mul3A_474 : vector<16xi1>, vector<16xf32>
      %exp3A_476 = math.exp %select_n3A_475 : vector<16xf32>
      %gather3A_477 = tpu.vector_load_idx %arg10[%get3A_463] : memref<10112xf32, #tpu.memory_space<vmem>>[vector<16xi32>], vector<16xf32>,
      %add3A_478 = arith.constant 1.000000e-16 : f32
      %add3A_479 = vector.broadcast %add3A_478 : f32 to vector<16xf32>
      %add3A_480 = arith.addf %gather3A_477, %add3A_479 : vector<16xf32>
      %div3A_481 = arith.divf %exp3A_476, %add3A_480 : vector<16xf32>
      %swap3A_482 = arith.constant 48 : index
      %swap3A_483 = tpu.vector_load %arg21[%swap3A_482] {strides = array<i32>} : memref<64xf32, #tpu.memory_space<vmem>>, vector<16xf32>,
      tpu.vector_store %arg21[%swap3A_482], %div3A_481 {strides = array<i32>} : memref<64xf32, #tpu.memory_space<vmem>>, vector<16xf32>,
      %swap3A_484 = arith.constant 48 : index
      %swap3A_485 = tpu.vector_load %arg20[%swap3A_484] {strides = array<i32>} : memref<64xi32, #tpu.memory_space<vmem>>, vector<16xi32>,
      tpu.vector_store %arg20[%swap3A_484], %get3A_463 {strides = array<i32>} : memref<64xi32, #tpu.memory_space<vmem>>, vector<16xi32>,
      %scan3A_486 = arith.constant 0 : i32
      %scan3A_487 = arith.constant 0 : i32
      %scan3A_488 = arith.constant 16 : i32
      %scan3A_489 = arith.addi %scan3A_487, %scan3A_488 : i32
      %scan3A_490 = arith.constant 1 : i32
      scf.for %scan3A_513 = %scan3A_487 to %scan3A_489 step %scan3A_490  : i32 {
        %mul3A_514 = arith.constant 4 : i32
        %mul3A_515 = arith.muli %mul3A_514, %scan3A_513 : i32
        %add3A_516 = arith.constant 0 : i32
        %add3A_517 = arith.addi %mul3A_515, %add3A_516 : i32
        %broadcast_in_dim3A_518 = vector.broadcast %add3A_517 : i32 to vector<16xi32>
        %gather3A_519 = tpu.vector_load_idx %arg21[%broadcast_in_dim3A_518] : memref<64xf32, #tpu.memory_space<vmem>>[vector<16xi32>], vector<16xf32>,
        %get3A_520 = arith.index_cast %add3A_517 : i32 to index
        %get3A_521 = arith.constant 0 : index
        %get3A_522 = tpu.vector_load %arg12[%get3A_520, %get3A_521] {strides = array<i32>} : memref<64x128xf32, #tpu.memory_space<vmem>>, vector<16xf32>,
        %mul3A_523 = arith.mulf %get3A_522, %gather3A_519 : vector<16xf32>
        %swap3A_524 = arith.index_cast %add3A_517 : i32 to index
        %swap3A_525 = arith.constant 0 : index
        %swap3A_526 = tpu.vector_load %arg12[%swap3A_524, %swap3A_525] {strides = array<i32>} : memref<64x128xf32, #tpu.memory_space<vmem>>, vector<16xf32>,
        tpu.vector_store %arg12[%swap3A_524, %swap3A_525], %mul3A_523 {strides = array<i32>} : memref<64x128xf32, #tpu.memory_space<vmem>>, vector<16xf32>,
        %get3A_527 = arith.index_cast %add3A_517 : i32 to index
        %get3A_528 = arith.constant 16 : index
        %get3A_529 = tpu.vector_load %arg12[%get3A_527, %get3A_528] {strides = array<i32>} : memref<64x128xf32, #tpu.memory_space<vmem>>, vector<16xf32>,
        %mul3A_530 = arith.mulf %get3A_529, %gather3A_519 : vector<16xf32>
        %swap3A_531 = arith.index_cast %add3A_517 : i32 to index
        %swap3A_532 = arith.constant 16 : index
        %swap3A_533 = tpu.vector_load %arg12[%swap3A_531, %swap3A_532] {strides = array<i32>} : memref<64x128xf32, #tpu.memory_space<vmem>>, vector<16xf32>,
        tpu.vector_store %arg12[%swap3A_531, %swap3A_532], %mul3A_530 {strides = array<i32>} : memref<64x128xf32, #tpu.memory_space<vmem>>, vector<16xf32>,
        %get3A_534 = arith.index_cast %add3A_517 : i32 to index
        %get3A_535 = arith.constant 32 : index
        %get3A_536 = tpu.vector_load %arg12[%get3A_534, %get3A_535] {strides = array<i32>} : memref<64x128xf32, #tpu.memory_space<vmem>>, vector<16xf32>,
        %mul3A_537 = arith.mulf %get3A_536, %gather3A_519 : vector<16xf32>
        %swap3A_538 = arith.index_cast %add3A_517 : i32 to index
        %swap3A_539 = arith.constant 32 : index
        %swap3A_540 = tpu.vector_load %arg12[%swap3A_538, %swap3A_539] {strides = array<i32>} : memref<64x128xf32, #tpu.memory_space<vmem>>, vector<16xf32>,
        tpu.vector_store %arg12[%swap3A_538, %swap3A_539], %mul3A_537 {strides = array<i32>} : memref<64x128xf32, #tpu.memory_space<vmem>>, vector<16xf32>,
        %get3A_541 = arith.index_cast %add3A_517 : i32 to index
        %get3A_542 = arith.constant 48 : index
        %get3A_543 = tpu.vector_load %arg12[%get3A_541, %get3A_542] {strides = array<i32>} : memref<64x128xf32, #tpu.memory_space<vmem>>, vector<16xf32>,
        %mul3A_544 = arith.mulf %get3A_543, %gather3A_519 : vector<16xf32>
        %swap3A_545 = arith.index_cast %add3A_517 : i32 to index
        %swap3A_546 = arith.constant 48 : index
        %swap3A_547 = tpu.vector_load %arg12[%swap3A_545, %swap3A_546] {strides = array<i32>} : memref<64x128xf32, #tpu.memory_space<vmem>>, vector<16xf32>,
        tpu.vector_store %arg12[%swap3A_545, %swap3A_546], %mul3A_544 {strides = array<i32>} : memref<64x128xf32, #tpu.memory_space<vmem>>, vector<16xf32>,
        %get3A_548 = arith.index_cast %add3A_517 : i32 to index
        %get3A_549 = arith.constant 64 : index
        %get3A_550 = tpu.vector_load %arg12[%get3A_548, %get3A_549] {strides = array<i32>} : memref<64x128xf32, #tpu.memory_space<vmem>>, vector<16xf32>,
        %mul3A_551 = arith.mulf %get3A_550, %gather3A_519 : vector<16xf32>
        %swap3A_552 = arith.index_cast %add3A_517 : i32 to index
        %swap3A_553 = arith.constant 64 : index
        %swap3A_554 = tpu.vector_load %arg12[%swap3A_552, %swap3A_553] {strides = array<i32>} : memref<64x128xf32, #tpu.memory_space<vmem>>, vector<16xf32>,
        tpu.vector_store %arg12[%swap3A_552, %swap3A_553], %mul3A_551 {strides = array<i32>} : memref<64x128xf32, #tpu.memory_space<vmem>>, vector<16xf32>,
        %get3A_555 = arith.index_cast %add3A_517 : i32 to index
        %get3A_556 = arith.constant 80 : index
        %get3A_557 = tpu.vector_load %arg12[%get3A_555, %get3A_556] {strides = array<i32>} : memref<64x128xf32, #tpu.memory_space<vmem>>, vector<16xf32>,
        %mul3A_558 = arith.mulf %get3A_557, %gather3A_519 : vector<16xf32>
        %swap3A_559 = arith.index_cast %add3A_517 : i32 to index
        %swap3A_560 = arith.constant 80 : index
        %swap3A_561 = tpu.vector_load %arg12[%swap3A_559, %swap3A_560] {strides = array<i32>} : memref<64x128xf32, #tpu.memory_space<vmem>>, vector<16xf32>,
        tpu.vector_store %arg12[%swap3A_559, %swap3A_560], %mul3A_558 {strides = array<i32>} : memref<64x128xf32, #tpu.memory_space<vmem>>, vector<16xf32>,
        %get3A_562 = arith.index_cast %add3A_517 : i32 to index
        %get3A_563 = arith.constant 96 : index
        %get3A_564 = tpu.vector_load %arg12[%get3A_562, %get3A_563] {strides = array<i32>} : memref<64x128xf32, #tpu.memory_space<vmem>>, vector<16xf32>,
        %mul3A_565 = arith.mulf %get3A_564, %gather3A_519 : vector<16xf32>
        %swap3A_566 = arith.index_cast %add3A_517 : i32 to index
        %swap3A_567 = arith.constant 96 : index
        %swap3A_568 = tpu.vector_load %arg12[%swap3A_566, %swap3A_567] {strides = array<i32>} : memref<64x128xf32, #tpu.memory_space<vmem>>, vector<16xf32>,
        tpu.vector_store %arg12[%swap3A_566, %swap3A_567], %mul3A_565 {strides = array<i32>} : memref<64x128xf32, #tpu.memory_space<vmem>>, vector<16xf32>,
        %get3A_569 = arith.index_cast %add3A_517 : i32 to index
        %get3A_570 = arith.constant 112 : index
        %get3A_571 = tpu.vector_load %arg12[%get3A_569, %get3A_570] {strides = array<i32>} : memref<64x128xf32, #tpu.memory_space<vmem>>, vector<16xf32>,
        %mul3A_572 = arith.mulf %get3A_571, %gather3A_519 : vector<16xf32>
        %swap3A_573 = arith.index_cast %add3A_517 : i32 to index
        %swap3A_574 = arith.constant 112 : index
        %swap3A_575 = tpu.vector_load %arg12[%swap3A_573, %swap3A_574] {strides = array<i32>} : memref<64x128xf32, #tpu.memory_space<vmem>>, vector<16xf32>,
        tpu.vector_store %arg12[%swap3A_573, %swap3A_574], %mul3A_572 {strides = array<i32>} : memref<64x128xf32, #tpu.memory_space<vmem>>, vector<16xf32>,
        %mul3A_576 = arith.constant 4 : i32
        %mul3A_577 = arith.muli %mul3A_576, %scan3A_513 : i32
        %add3A_578 = arith.constant 1 : i32
        %add3A_579 = arith.addi %mul3A_577, %add3A_578 : i32
        %broadcast_in_dim3A_580 = vector.broadcast %add3A_579 : i32 to vector<16xi32>
        %gather3A_581 = tpu.vector_load_idx %arg21[%broadcast_in_dim3A_580] : memref<64xf32, #tpu.memory_space<vmem>>[vector<16xi32>], vector<16xf32>,
        %get3A_582 = arith.index_cast %add3A_579 : i32 to index
        %get3A_583 = arith.constant 0 : index
        %get3A_584 = tpu.vector_load %arg12[%get3A_582, %get3A_583] {strides = array<i32>} : memref<64x128xf32, #tpu.memory_space<vmem>>, vector<16xf32>,
        %mul3A_585 = arith.mulf %get3A_584, %gather3A_581 : vector<16xf32>
        %swap3A_586 = arith.index_cast %add3A_579 : i32 to index
        %swap3A_587 = arith.constant 0 : index
        %swap3A_588 = tpu.vector_load %arg12[%swap3A_586, %swap3A_587] {strides = array<i32>} : memref<64x128xf32, #tpu.memory_space<vmem>>, vector<16xf32>,
        tpu.vector_store %arg12[%swap3A_586, %swap3A_587], %mul3A_585 {strides = array<i32>} : memref<64x128xf32, #tpu.memory_space<vmem>>, vector<16xf32>,
        %get3A_589 = arith.index_cast %add3A_579 : i32 to index
        %get3A_590 = arith.constant 16 : index
        %get3A_591 = tpu.vector_load %arg12[%get3A_589, %get3A_590] {strides = array<i32>} : memref<64x128xf32, #tpu.memory_space<vmem>>, vector<16xf32>,
        %mul3A_592 = arith.mulf %get3A_591, %gather3A_581 : vector<16xf32>
        %swap3A_593 = arith.index_cast %add3A_579 : i32 to index
        %swap3A_594 = arith.constant 16 : index
        %swap3A_595 = tpu.vector_load %arg12[%swap3A_593, %swap3A_594] {strides = array<i32>} : memref<64x128xf32, #tpu.memory_space<vmem>>, vector<16xf32>,
        tpu.vector_store %arg12[%swap3A_593, %swap3A_594], %mul3A_592 {strides = array<i32>} : memref<64x128xf32, #tpu.memory_space<vmem>>, vector<16xf32>,
        %get3A_596 = arith.index_cast %add3A_579 : i32 to index
        %get3A_597 = arith.constant 32 : index
        %get3A_598 = tpu.vector_load %arg12[%get3A_596, %get3A_597] {strides = array<i32>} : memref<64x128xf32, #tpu.memory_space<vmem>>, vector<16xf32>,
        %mul3A_599 = arith.mulf %get3A_598, %gather3A_581 : vector<16xf32>
        %swap3A_600 = arith.index_cast %add3A_579 : i32 to index
        %swap3A_601 = arith.constant 32 : index
        %swap3A_602 = tpu.vector_load %arg12[%swap3A_600, %swap3A_601] {strides = array<i32>} : memref<64x128xf32, #tpu.memory_space<vmem>>, vector<16xf32>,
        tpu.vector_store %arg12[%swap3A_600, %swap3A_601], %mul3A_599 {strides = array<i32>} : memref<64x128xf32, #tpu.memory_space<vmem>>, vector<16xf32>,
        %get3A_603 = arith.index_cast %add3A_579 : i32 to index
        %get3A_604 = arith.constant 48 : index
        %get3A_605 = tpu.vector_load %arg12[%get3A_603, %get3A_604] {strides = array<i32>} : memref<64x128xf32, #tpu.memory_space<vmem>>, vector<16xf32>,
        %mul3A_606 = arith.mulf %get3A_605, %gather3A_581 : vector<16xf32>
        %swap3A_607 = arith.index_cast %add3A_579 : i32 to index
        %swap3A_608 = arith.constant 48 : index
        %swap3A_609 = tpu.vector_load %arg12[%swap3A_607, %swap3A_608] {strides = array<i32>} : memref<64x128xf32, #tpu.memory_space<vmem>>, vector<16xf32>,
        tpu.vector_store %arg12[%swap3A_607, %swap3A_608], %mul3A_606 {strides = array<i32>} : memref<64x128xf32, #tpu.memory_space<vmem>>, vector<16xf32>,
        %get3A_610 = arith.index_cast %add3A_579 : i32 to index
        %get3A_611 = arith.constant 64 : index
        %get3A_612 = tpu.vector_load %arg12[%get3A_610, %get3A_611] {strides = array<i32>} : memref<64x128xf32, #tpu.memory_space<vmem>>, vector<16xf32>,
        %mul3A_613 = arith.mulf %get3A_612, %gather3A_581 : vector<16xf32>
        %swap3A_614 = arith.index_cast %add3A_579 : i32 to index
        %swap3A_615 = arith.constant 64 : index
        %swap3A_616 = tpu.vector_load %arg12[%swap3A_614, %swap3A_615] {strides = array<i32>} : memref<64x128xf32, #tpu.memory_space<vmem>>, vector<16xf32>,
        tpu.vector_store %arg12[%swap3A_614, %swap3A_615], %mul3A_613 {strides = array<i32>} : memref<64x128xf32, #tpu.memory_space<vmem>>, vector<16xf32>,
        %get3A_617 = arith.index_cast %add3A_579 : i32 to index
        %get3A_618 = arith.constant 80 : index
        %get3A_619 = tpu.vector_load %arg12[%get3A_617, %get3A_618] {strides = array<i32>} : memref<64x128xf32, #tpu.memory_space<vmem>>, vector<16xf32>,
        %mul3A_620 = arith.mulf %get3A_619, %gather3A_581 : vector<16xf32>
        %swap3A_621 = arith.index_cast %add3A_579 : i32 to index
        %swap3A_622 = arith.constant 80 : index
        %swap3A_623 = tpu.vector_load %arg12[%swap3A_621, %swap3A_622] {strides = array<i32>} : memref<64x128xf32, #tpu.memory_space<vmem>>, vector<16xf32>,
        tpu.vector_store %arg12[%swap3A_621, %swap3A_622], %mul3A_620 {strides = array<i32>} : memref<64x128xf32, #tpu.memory_space<vmem>>, vector<16xf32>,
        %get3A_624 = arith.index_cast %add3A_579 : i32 to index
        %get3A_625 = arith.constant 96 : index
        %get3A_626 = tpu.vector_load %arg12[%get3A_624, %get3A_625] {strides = array<i32>} : memref<64x128xf32, #tpu.memory_space<vmem>>, vector<16xf32>,
        %mul3A_627 = arith.mulf %get3A_626, %gather3A_581 : vector<16xf32>
        %swap3A_628 = arith.index_cast %add3A_579 : i32 to index
        %swap3A_629 = arith.constant 96 : index
        %swap3A_630 = tpu.vector_load %arg12[%swap3A_628, %swap3A_629] {strides = array<i32>} : memref<64x128xf32, #tpu.memory_space<vmem>>, vector<16xf32>,
        tpu.vector_store %arg12[%swap3A_628, %swap3A_629], %mul3A_627 {strides = array<i32>} : memref<64x128xf32, #tpu.memory_space<vmem>>, vector<16xf32>,
        %get3A_631 = arith.index_cast %add3A_579 : i32 to index
        %get3A_632 = arith.constant 112 : index
        %get3A_633 = tpu.vector_load %arg12[%get3A_631, %get3A_632] {strides = array<i32>} : memref<64x128xf32, #tpu.memory_space<vmem>>, vector<16xf32>,
        %mul3A_634 = arith.mulf %get3A_633, %gather3A_581 : vector<16xf32>
        %swap3A_635 = arith.index_cast %add3A_579 : i32 to index
        %swap3A_636 = arith.constant 112 : index
        %swap3A_637 = tpu.vector_load %arg12[%swap3A_635, %swap3A_636] {strides = array<i32>} : memref<64x128xf32, #tpu.memory_space<vmem>>, vector<16xf32>,
        tpu.vector_store %arg12[%swap3A_635, %swap3A_636], %mul3A_634 {strides = array<i32>} : memref<64x128xf32, #tpu.memory_space<vmem>>, vector<16xf32>,
        %mul3A_638 = arith.constant 4 : i32
        %mul3A_639 = arith.muli %mul3A_638, %scan3A_513 : i32
        %add3A_640 = arith.constant 2 : i32
        %add3A_641 = arith.addi %mul3A_639, %add3A_640 : i32
        %broadcast_in_dim3A_642 = vector.broadcast %add3A_641 : i32 to vector<16xi32>
        %gather3A_643 = tpu.vector_load_idx %arg21[%broadcast_in_dim3A_642] : memref<64xf32, #tpu.memory_space<vmem>>[vector<16xi32>], vector<16xf32>,
        %get3A_644 = arith.index_cast %add3A_641 : i32 to index
        %get3A_645 = arith.constant 0 : index
        %get3A_646 = tpu.vector_load %arg12[%get3A_644, %get3A_645] {strides = array<i32>} : memref<64x128xf32, #tpu.memory_space<vmem>>, vector<16xf32>,
        %mul3A_647 = arith.mulf %get3A_646, %gather3A_643 : vector<16xf32>
        %swap3A_648 = arith.index_cast %add3A_641 : i32 to index
        %swap3A_649 = arith.constant 0 : index
        %swap3A_650 = tpu.vector_load %arg12[%swap3A_648, %swap3A_649] {strides = array<i32>} : memref<64x128xf32, #tpu.memory_space<vmem>>, vector<16xf32>,
        tpu.vector_store %arg12[%swap3A_648, %swap3A_649], %mul3A_647 {strides = array<i32>} : memref<64x128xf32, #tpu.memory_space<vmem>>, vector<16xf32>,
        %get3A_651 = arith.index_cast %add3A_641 : i32 to index
        %get3A_652 = arith.constant 16 : index
        %get3A_653 = tpu.vector_load %arg12[%get3A_651, %get3A_652] {strides = array<i32>} : memref<64x128xf32, #tpu.memory_space<vmem>>, vector<16xf32>,
        %mul3A_654 = arith.mulf %get3A_653, %gather3A_643 : vector<16xf32>
        %swap3A_655 = arith.index_cast %add3A_641 : i32 to index
        %swap3A_656 = arith.constant 16 : index
        %swap3A_657 = tpu.vector_load %arg12[%swap3A_655, %swap3A_656] {strides = array<i32>} : memref<64x128xf32, #tpu.memory_space<vmem>>, vector<16xf32>,
        tpu.vector_store %arg12[%swap3A_655, %swap3A_656], %mul3A_654 {strides = array<i32>} : memref<64x128xf32, #tpu.memory_space<vmem>>, vector<16xf32>,
        %get3A_658 = arith.index_cast %add3A_641 : i32 to index
        %get3A_659 = arith.constant 32 : index
        %get3A_660 = tpu.vector_load %arg12[%get3A_658, %get3A_659] {strides = array<i32>} : memref<64x128xf32, #tpu.memory_space<vmem>>, vector<16xf32>,
        %mul3A_661 = arith.mulf %get3A_660, %gather3A_643 : vector<16xf32>
        %swap3A_662 = arith.index_cast %add3A_641 : i32 to index
        %swap3A_663 = arith.constant 32 : index
        %swap3A_664 = tpu.vector_load %arg12[%swap3A_662, %swap3A_663] {strides = array<i32>} : memref<64x128xf32, #tpu.memory_space<vmem>>, vector<16xf32>,
        tpu.vector_store %arg12[%swap3A_662, %swap3A_663], %mul3A_661 {strides = array<i32>} : memref<64x128xf32, #tpu.memory_space<vmem>>, vector<16xf32>,
        %get3A_665 = arith.index_cast %add3A_641 : i32 to index
        %get3A_666 = arith.constant 48 : index
        %get3A_667 = tpu.vector_load %arg12[%get3A_665, %get3A_666] {strides = array<i32>} : memref<64x128xf32, #tpu.memory_space<vmem>>, vector<16xf32>,
        %mul3A_668 = arith.mulf %get3A_667, %gather3A_643 : vector<16xf32>
        %swap3A_669 = arith.index_cast %add3A_641 : i32 to index
        %swap3A_670 = arith.constant 48 : index
        %swap3A_671 = tpu.vector_load %arg12[%swap3A_669, %swap3A_670] {strides = array<i32>} : memref<64x128xf32, #tpu.memory_space<vmem>>, vector<16xf32>,
        tpu.vector_store %arg12[%swap3A_669, %swap3A_670], %mul3A_668 {strides = array<i32>} : memref<64x128xf32, #tpu.memory_space<vmem>>, vector<16xf32>,
        %get3A_672 = arith.index_cast %add3A_641 : i32 to index
        %get3A_673 = arith.constant 64 : index
        %get3A_674 = tpu.vector_load %arg12[%get3A_672, %get3A_673] {strides = array<i32>} : memref<64x128xf32, #tpu.memory_space<vmem>>, vector<16xf32>,
        %mul3A_675 = arith.mulf %get3A_674, %gather3A_643 : vector<16xf32>
        %swap3A_676 = arith.index_cast %add3A_641 : i32 to index
        %swap3A_677 = arith.constant 64 : index
        %swap3A_678 = tpu.vector_load %arg12[%swap3A_676, %swap3A_677] {strides = array<i32>} : memref<64x128xf32, #tpu.memory_space<vmem>>, vector<16xf32>,
        tpu.vector_store %arg12[%swap3A_676, %swap3A_677], %mul3A_675 {strides = array<i32>} : memref<64x128xf32, #tpu.memory_space<vmem>>, vector<16xf32>,
        %get3A_679 = arith.index_cast %add3A_641 : i32 to index
        %get3A_680 = arith.constant 80 : index
        %get3A_681 = tpu.vector_load %arg12[%get3A_679, %get3A_680] {strides = array<i32>} : memref<64x128xf32, #tpu.memory_space<vmem>>, vector<16xf32>,
        %mul3A_682 = arith.mulf %get3A_681, %gather3A_643 : vector<16xf32>
        %swap3A_683 = arith.index_cast %add3A_641 : i32 to index
        %swap3A_684 = arith.constant 80 : index
        %swap3A_685 = tpu.vector_load %arg12[%swap3A_683, %swap3A_684] {strides = array<i32>} : memref<64x128xf32, #tpu.memory_space<vmem>>, vector<16xf32>,
        tpu.vector_store %arg12[%swap3A_683, %swap3A_684], %mul3A_682 {strides = array<i32>} : memref<64x128xf32, #tpu.memory_space<vmem>>, vector<16xf32>,
        %get3A_686 = arith.index_cast %add3A_641 : i32 to index
        %get3A_687 = arith.constant 96 : index
        %get3A_688 = tpu.vector_load %arg12[%get3A_686, %get3A_687] {strides = array<i32>} : memref<64x128xf32, #tpu.memory_space<vmem>>, vector<16xf32>,
        %mul3A_689 = arith.mulf %get3A_688, %gather3A_643 : vector<16xf32>
        %swap3A_690 = arith.index_cast %add3A_641 : i32 to index
        %swap3A_691 = arith.constant 96 : index
        %swap3A_692 = tpu.vector_load %arg12[%swap3A_690, %swap3A_691] {strides = array<i32>} : memref<64x128xf32, #tpu.memory_space<vmem>>, vector<16xf32>,
        tpu.vector_store %arg12[%swap3A_690, %swap3A_691], %mul3A_689 {strides = array<i32>} : memref<64x128xf32, #tpu.memory_space<vmem>>, vector<16xf32>,
        %get3A_693 = arith.index_cast %add3A_641 : i32 to index
        %get3A_694 = arith.constant 112 : index
        %get3A_695 = tpu.vector_load %arg12[%get3A_693, %get3A_694] {strides = array<i32>} : memref<64x128xf32, #tpu.memory_space<vmem>>, vector<16xf32>,
        %mul3A_696 = arith.mulf %get3A_695, %gather3A_643 : vector<16xf32>
        %swap3A_697 = arith.index_cast %add3A_641 : i32 to index
        %swap3A_698 = arith.constant 112 : index
        %swap3A_699 = tpu.vector_load %arg12[%swap3A_697, %swap3A_698] {strides = array<i32>} : memref<64x128xf32, #tpu.memory_space<vmem>>, vector<16xf32>,
        tpu.vector_store %arg12[%swap3A_697, %swap3A_698], %mul3A_696 {strides = array<i32>} : memref<64x128xf32, #tpu.memory_space<vmem>>, vector<16xf32>,
        %mul3A_700 = arith.constant 4 : i32
        %mul3A_701 = arith.muli %mul3A_700, %scan3A_513 : i32
        %add3A_702 = arith.constant 3 : i32
        %add3A_703 = arith.addi %mul3A_701, %add3A_702 : i32
        %broadcast_in_dim3A_704 = vector.broadcast %add3A_703 : i32 to vector<16xi32>
        %gather3A_705 = tpu.vector_load_idx %arg21[%broadcast_in_dim3A_704] : memref<64xf32, #tpu.memory_space<vmem>>[vector<16xi32>], vector<16xf32>,
        %get3A_706 = arith.index_cast %add3A_703 : i32 to index
        %get3A_707 = arith.constant 0 : index
        %get3A_708 = tpu.vector_load %arg12[%get3A_706, %get3A_707] {strides = array<i32>} : memref<64x128xf32, #tpu.memory_space<vmem>>, vector<16xf32>,
        %mul3A_709 = arith.mulf %get3A_708, %gather3A_705 : vector<16xf32>
        %swap3A_710 = arith.index_cast %add3A_703 : i32 to index
        %swap3A_711 = arith.constant 0 : index
        %swap3A_712 = tpu.vector_load %arg12[%swap3A_710, %swap3A_711] {strides = array<i32>} : memref<64x128xf32, #tpu.memory_space<vmem>>, vector<16xf32>,
        tpu.vector_store %arg12[%swap3A_710, %swap3A_711], %mul3A_709 {strides = array<i32>} : memref<64x128xf32, #tpu.memory_space<vmem>>, vector<16xf32>,
        %get3A_713 = arith.index_cast %add3A_703 : i32 to index
        %get3A_714 = arith.constant 16 : index
        %get3A_715 = tpu.vector_load %arg12[%get3A_713, %get3A_714] {strides = array<i32>} : memref<64x128xf32, #tpu.memory_space<vmem>>, vector<16xf32>,
        %mul3A_716 = arith.mulf %get3A_715, %gather3A_705 : vector<16xf32>
        %swap3A_717 = arith.index_cast %add3A_703 : i32 to index
        %swap3A_718 = arith.constant 16 : index
        %swap3A_719 = tpu.vector_load %arg12[%swap3A_717, %swap3A_718] {strides = array<i32>} : memref<64x128xf32, #tpu.memory_space<vmem>>, vector<16xf32>,
        tpu.vector_store %arg12[%swap3A_717, %swap3A_718], %mul3A_716 {strides = array<i32>} : memref<64x128xf32, #tpu.memory_space<vmem>>, vector<16xf32>,
        %get3A_720 = arith.index_cast %add3A_703 : i32 to index
        %get3A_721 = arith.constant 32 : index
        %get3A_722 = tpu.vector_load %arg12[%get3A_720, %get3A_721] {strides = array<i32>} : memref<64x128xf32, #tpu.memory_space<vmem>>, vector<16xf32>,
        %mul3A_723 = arith.mulf %get3A_722, %gather3A_705 : vector<16xf32>
        %swap3A_724 = arith.index_cast %add3A_703 : i32 to index
        %swap3A_725 = arith.constant 32 : index
        %swap3A_726 = tpu.vector_load %arg12[%swap3A_724, %swap3A_725] {strides = array<i32>} : memref<64x128xf32, #tpu.memory_space<vmem>>, vector<16xf32>,
        tpu.vector_store %arg12[%swap3A_724, %swap3A_725], %mul3A_723 {strides = array<i32>} : memref<64x128xf32, #tpu.memory_space<vmem>>, vector<16xf32>,
        %get3A_727 = arith.index_cast %add3A_703 : i32 to index
        %get3A_728 = arith.constant 48 : index
        %get3A_729 = tpu.vector_load %arg12[%get3A_727, %get3A_728] {strides = array<i32>} : memref<64x128xf32, #tpu.memory_space<vmem>>, vector<16xf32>,
        %mul3A_730 = arith.mulf %get3A_729, %gather3A_705 : vector<16xf32>
        %swap3A_731 = arith.index_cast %add3A_703 : i32 to index
        %swap3A_732 = arith.constant 48 : index
        %swap3A_733 = tpu.vector_load %arg12[%swap3A_731, %swap3A_732] {strides = array<i32>} : memref<64x128xf32, #tpu.memory_space<vmem>>, vector<16xf32>,
        tpu.vector_store %arg12[%swap3A_731, %swap3A_732], %mul3A_730 {strides = array<i32>} : memref<64x128xf32, #tpu.memory_space<vmem>>, vector<16xf32>,
        %get3A_734 = arith.index_cast %add3A_703 : i32 to index
        %get3A_735 = arith.constant 64 : index
        %get3A_736 = tpu.vector_load %arg12[%get3A_734, %get3A_735] {strides = array<i32>} : memref<64x128xf32, #tpu.memory_space<vmem>>, vector<16xf32>,
        %mul3A_737 = arith.mulf %get3A_736, %gather3A_705 : vector<16xf32>
        %swap3A_738 = arith.index_cast %add3A_703 : i32 to index
        %swap3A_739 = arith.constant 64 : index
        %swap3A_740 = tpu.vector_load %arg12[%swap3A_738, %swap3A_739] {strides = array<i32>} : memref<64x128xf32, #tpu.memory_space<vmem>>, vector<16xf32>,
        tpu.vector_store %arg12[%swap3A_738, %swap3A_739], %mul3A_737 {strides = array<i32>} : memref<64x128xf32, #tpu.memory_space<vmem>>, vector<16xf32>,
        %get3A_741 = arith.index_cast %add3A_703 : i32 to index
        %get3A_742 = arith.constant 80 : index
        %get3A_743 = tpu.vector_load %arg12[%get3A_741, %get3A_742] {strides = array<i32>} : memref<64x128xf32, #tpu.memory_space<vmem>>, vector<16xf32>,
        %mul3A_744 = arith.mulf %get3A_743, %gather3A_705 : vector<16xf32>
        %swap3A_745 = arith.index_cast %add3A_703 : i32 to index
        %swap3A_746 = arith.constant 80 : index
        %swap3A_747 = tpu.vector_load %arg12[%swap3A_745, %swap3A_746] {strides = array<i32>} : memref<64x128xf32, #tpu.memory_space<vmem>>, vector<16xf32>,
        tpu.vector_store %arg12[%swap3A_745, %swap3A_746], %mul3A_744 {strides = array<i32>} : memref<64x128xf32, #tpu.memory_space<vmem>>, vector<16xf32>,
        %get3A_748 = arith.index_cast %add3A_703 : i32 to index
        %get3A_749 = arith.constant 96 : index
        %get3A_750 = tpu.vector_load %arg12[%get3A_748, %get3A_749] {strides = array<i32>} : memref<64x128xf32, #tpu.memory_space<vmem>>, vector<16xf32>,
        %mul3A_751 = arith.mulf %get3A_750, %gather3A_705 : vector<16xf32>
        %swap3A_752 = arith.index_cast %add3A_703 : i32 to index
        %swap3A_753 = arith.constant 96 : index
        %swap3A_754 = tpu.vector_load %arg12[%swap3A_752, %swap3A_753] {strides = array<i32>} : memref<64x128xf32, #tpu.memory_space<vmem>>, vector<16xf32>,
        tpu.vector_store %arg12[%swap3A_752, %swap3A_753], %mul3A_751 {strides = array<i32>} : memref<64x128xf32, #tpu.memory_space<vmem>>, vector<16xf32>,
        %get3A_755 = arith.index_cast %add3A_703 : i32 to index
        %get3A_756 = arith.constant 112 : index
        %get3A_757 = tpu.vector_load %arg12[%get3A_755, %get3A_756] {strides = array<i32>} : memref<64x128xf32, #tpu.memory_space<vmem>>, vector<16xf32>,
        %mul3A_758 = arith.mulf %get3A_757, %gather3A_705 : vector<16xf32>
        %swap3A_759 = arith.index_cast %add3A_703 : i32 to index
        %swap3A_760 = arith.constant 112 : index
        %swap3A_761 = tpu.vector_load %arg12[%swap3A_759, %swap3A_760] {strides = array<i32>} : memref<64x128xf32, #tpu.memory_space<vmem>>, vector<16xf32>,
        tpu.vector_store %arg12[%swap3A_759, %swap3A_760], %mul3A_758 {strides = array<i32>} : memref<64x128xf32, #tpu.memory_space<vmem>>, vector<16xf32>,
      }
      %scan3A_491 = arith.constant 16 : i32
      %dma_start3A_492 = arith.constant 0 : i32
      %dma_start3A_493 = arith.constant 0 : i32
      %dma_start3A_494 = tpu.memref_slice %arg29[%dma_start3A_492, %dma_start3A_493] : memref<10112x128xf32, #tpu.memory_space<vmem_shared>> -> memref<10112x128xf32, #tpu.memory_space<vmem_shared>>
      tpu.enqueue_indirect_dma source(%arg12 : memref<64x128xf32, #tpu.memory_space<vmem>>) target(%dma_start3A_494 : memref<10112x128xf32, #tpu.memory_space<vmem_shared>>) offsets(%arg20 : memref<64xi32, #tpu.memory_space<vmem>>) semaphore(%arg27 : memref<!tpu.dma_semaphore, #tpu.memory_space<semaphore_mem>>) {add = true}
      %add3A_495 = arith.constant 2 : i32
      %add3A_496 = arith.addi %add3A_360, %add3A_495 : i32
      %sub3A_497 = arith.constant 1 : i32
      %sub3A_498 = arith.subi %select_n3A, %sub3A_497 : i32
      %min3A_499 = arith.minsi %add3A_496, %sub3A_498 : i32
      %add3A_500 = arith.addi %add3A_96, %min3A_499 : i32
      %dma_start3A_501 = arith.constant 0 : i32
      %dma_start3A_502 = tpu.memref_slice %arg5[%add3A_500, %dma_start3A_501] : memref<5120x64xi32, #tpu.memory_space<hbm>> -> memref<1x64xi32, #tpu.memory_space<hbm>>
      %dma_start3A_503 = tpu.memref_squeeze %dma_start3A_502 : memref<1x64xi32, #tpu.memory_space<hbm>> -> memref<64xi32, #tpu.memory_space<hbm>>
      %dma_start3A_504 = arith.constant 0 : i32
      %dma_start3A_505 = tpu.memref_slice %arg5[%add3A_500, %dma_start3A_504] : memref<5120x64xi32, #tpu.memory_space<hbm>> -> memref<1x64xi32, #tpu.memory_space<hbm>>
      %dma_start3A_506 = tpu.memref_squeeze %dma_start3A_505 : memref<1x64xi32, #tpu.memory_space<hbm>> -> memref<64xi32, #tpu.memory_space<hbm>>
      tpu.enqueue_dma source(%dma_start3A_506 : memref<64xi32, #tpu.memory_space<hbm>>) target(%arg14 : memref<64xi32, #tpu.memory_space<vmem>>) target_semaphore(%arg23 : memref<!tpu.dma_semaphore, #tpu.memory_space<semaphore_mem>>)
      %dma_start3A_507 = arith.constant 0 : i32
      %dma_start3A_508 = tpu.memref_slice %arg6[%add3A_500, %dma_start3A_507] : memref<5120x64xi32, #tpu.memory_space<hbm>> -> memref<1x64xi32, #tpu.memory_space<hbm>>
      %dma_start3A_509 = tpu.memref_squeeze %dma_start3A_508 : memref<1x64xi32, #tpu.memory_space<hbm>> -> memref<64xi32, #tpu.memory_space<hbm>>
      %dma_start3A_510 = arith.constant 0 : i32
      %dma_start3A_511 = tpu.memref_slice %arg6[%add3A_500, %dma_start3A_510] : memref<5120x64xi32, #tpu.memory_space<hbm>> -> memref<1x64xi32, #tpu.memory_space<hbm>>
      %dma_start3A_512 = tpu.memref_squeeze %dma_start3A_511 : memref<1x64xi32, #tpu.memory_space<hbm>> -> memref<64xi32, #tpu.memory_space<hbm>>
      tpu.enqueue_dma source(%dma_start3A_512 : memref<64xi32, #tpu.memory_space<hbm>>) target(%arg16 : memref<64xi32, #tpu.memory_space<vmem>>) target_semaphore(%arg23 : memref<!tpu.dma_semaphore, #tpu.memory_space<semaphore_mem>>)
    }
    %while3A_173 = arith.constant 1 : i32
    scf.for %while3A_205 = %while3A_171 to %while3A_167 step %while3A_173  : i32 {
      %mul3A_206 = arith.constant 2 : i32
      %mul3A_207 = arith.muli %mul3A_206, %while3A_205 : i32
      %add3A_208 = arith.constant 0 : i32
      %add3A_209 = arith.addi %mul3A_207, %add3A_208 : i32
      %dma_wait3A_210 = arith.constant 0 : i32
      %dma_wait3A_211 = arith.constant 0 : i32
      %dma_wait3A_212 = tpu.memref_slice %arg5[%dma_wait3A_210, %dma_wait3A_211] : memref<5120x64xi32, #tpu.memory_space<hbm>> -> memref<1x64xi32, #tpu.memory_space<hbm>>
      %dma_wait3A_213 = tpu.memref_squeeze %dma_wait3A_212 : memref<1x64xi32, #tpu.memory_space<hbm>> -> memref<64xi32, #tpu.memory_space<hbm>>
      %dma_wait3A_214 = arith.constant 0 : i32
      %dma_wait3A_215 = tpu.memref_slice %arg5[%dma_wait3A_210, %dma_wait3A_214] : memref<5120x64xi32, #tpu.memory_space<hbm>> -> memref<1x64xi32, #tpu.memory_space<hbm>>
      %dma_wait3A_216 = tpu.memref_squeeze %dma_wait3A_215 : memref<1x64xi32, #tpu.memory_space<hbm>> -> memref<64xi32, #tpu.memory_space<hbm>>
      tpu.wait_dma2 semaphore(%arg23 : memref<!tpu.dma_semaphore, #tpu.memory_space<semaphore_mem>>) src(%dma_wait3A_216 : memref<64xi32, #tpu.memory_space<hbm>>) dst(%arg14 : memref<64xi32, #tpu.memory_space<vmem>>)
      %dma_wait3A_217 = arith.constant 0 : i32
      %dma_wait3A_218 = arith.constant 0 : i32
      %dma_wait3A_219 = tpu.memref_slice %arg6[%dma_wait3A_217, %dma_wait3A_218] : memref<5120x64xi32, #tpu.memory_space<hbm>> -> memref<1x64xi32, #tpu.memory_space<hbm>>
      %dma_wait3A_220 = tpu.memref_squeeze %dma_wait3A_219 : memref<1x64xi32, #tpu.memory_space<hbm>> -> memref<64xi32, #tpu.memory_space<hbm>>
      %dma_wait3A_221 = arith.constant 0 : i32
      %dma_wait3A_222 = tpu.memref_slice %arg6[%dma_wait3A_217, %dma_wait3A_221] : memref<5120x64xi32, #tpu.memory_space<hbm>> -> memref<1x64xi32, #tpu.memory_space<hbm>>
      %dma_wait3A_223 = tpu.memref_squeeze %dma_wait3A_222 : memref<1x64xi32, #tpu.memory_space<hbm>> -> memref<64xi32, #tpu.memory_space<hbm>>
      tpu.wait_dma2 semaphore(%arg23 : memref<!tpu.dma_semaphore, #tpu.memory_space<semaphore_mem>>) src(%dma_wait3A_223 : memref<64xi32, #tpu.memory_space<hbm>>) dst(%arg16 : memref<64xi32, #tpu.memory_space<vmem>>)
      %ge3A = arith.constant 1 : i32
      %ge3A_224 = arith.cmpi sge, %while3A_205, %ge3A : i32
      %convert_element_type3A_225 = arith.extui %ge3A_224 : i1 to i32
      %cond3A_226 = arith.constant 0 : i32
      %cond3A_227 = arith.cmpi ne, %convert_element_type3A_225, %cond3A_226 : i32
      scf.if %cond3A_227 {
        %dma_wait3A_513 = arith.constant 0 : i32
        %dma_wait3A_514 = arith.constant 0 : i32
        %dma_wait3A_515 = tpu.memref_slice %arg29[%dma_wait3A_513, %dma_wait3A_514] : memref<10112x128xf32, #tpu.memory_space<vmem_shared>> -> memref<64x128xf32, #tpu.memory_space<vmem_shared>>
        %dma_wait3A_516 = arith.constant 0 : i32
        %dma_wait3A_517 = arith.constant 0 : i32
        %dma_wait3A_518 = tpu.memref_slice %arg29[%dma_wait3A_516, %dma_wait3A_517] : memref<10112x128xf32, #tpu.memory_space<vmem_shared>> -> memref<64x128xf32, #tpu.memory_space<vmem_shared>>
        tpu.wait_dma2 semaphore(%arg27 : memref<!tpu.dma_semaphore, #tpu.memory_space<semaphore_mem>>) src(%arg12 : memref<64x128xf32, #tpu.memory_space<vmem>>) dst(%dma_wait3A_518 : memref<64x128xf32, #tpu.memory_space<vmem_shared>>)
      } else {
      }
      %dma_start3A_228 = arith.constant 0 : i32
      %dma_start3A_229 = arith.constant 0 : i32
      %dma_start3A_230 = tpu.memref_slice %arg2[%dma_start3A_228, %dma_start3A_229] : memref<10000x128xf32, #tpu.memory_space<hbm>> -> memref<10000x128xf32, #tpu.memory_space<hbm>>
      tpu.enqueue_indirect_dma source(%dma_start3A_230 : memref<10000x128xf32, #tpu.memory_space<hbm>>) target(%arg12 : memref<64x128xf32, #tpu.memory_space<vmem>>) offsets(%arg14 : memref<64xi32, #tpu.memory_space<vmem>>) semaphore(%arg25 : memref<!tpu.dma_semaphore, #tpu.memory_space<semaphore_mem>>)
      %dma_wait3A_231 = arith.constant 0 : i32
      %dma_wait3A_232 = arith.constant 0 : i32
      %dma_wait3A_233 = tpu.memref_slice %arg2[%dma_wait3A_231, %dma_wait3A_232] : memref<10000x128xf32, #tpu.memory_space<hbm>> -> memref<64x128xf32, #tpu.memory_space<hbm>>
      %dma_wait3A_234 = arith.constant 0 : i32
      %dma_wait3A_235 = arith.constant 0 : i32
      %dma_wait3A_236 = tpu.memref_slice %arg2[%dma_wait3A_234, %dma_wait3A_235] : memref<10000x128xf32, #tpu.memory_space<hbm>> -> memref<64x128xf32, #tpu.memory_space<hbm>>
      tpu.wait_dma2 semaphore(%arg24 : memref<!tpu.dma_semaphore, #tpu.memory_space<semaphore_mem>>) src(%dma_wait3A_236 : memref<64x128xf32, #tpu.memory_space<hbm>>) dst(%arg11 : memref<64x128xf32, #tpu.memory_space<vmem>>)
      %get3A = arith.constant 0 : index
      %get3A_237 = tpu.vector_load %arg15[%get3A] {strides = array<i32>} : memref<64xi32, #tpu.memory_space<vmem>>, vector<16xi32>,
      %get3A_238 = arith.constant 0 : index
      %get3A_239 = tpu.vector_load %arg13[%get3A_238] {strides = array<i32>} : memref<64xi32, #tpu.memory_space<vmem>>, vector<16xi32>,
      %gather3A = tpu.vector_load_idx %arg8[%get3A_239] : memref<10112xf32, #tpu.memory_space<vmem>>[vector<16xi32>], vector<16xf32>,
      %gather3A_240 = tpu.vector_load_idx %arg9[%get3A_237] : memref<10112xf32, #tpu.memory_space<vmem>>[vector<16xi32>], vector<16xf32>,
      %add3A_241 = arith.addf %gather3A, %gather3A_240 : vector<16xf32>
      %ge3A_242 = arith.constant 0.000000e+00 : f32
      %ge3A_243 = vector.broadcast %ge3A_242 : f32 to vector<16xf32>
      %ge3A_244 = arith.cmpf oge, %add3A_241, %ge3A_243 : vector<16xf32>
      %mul3A_245 = arith.constant 2.000000e-01 : f32
      %mul3A_246 = vector.broadcast %mul3A_245 : f32 to vector<16xf32>
      %mul3A_247 = arith.mulf %mul3A_246, %add3A_241 : vector<16xf32>
      %select_n3A_248 = arith.select %ge3A_244, %add3A_241, %mul3A_247 : vector<16xi1>, vector<16xf32>
      %exp3A = math.exp %select_n3A_248 : vector<16xf32>
      %gather3A_249 = tpu.vector_load_idx %arg10[%get3A_237] : memref<10112xf32, #tpu.memory_space<vmem>>[vector<16xi32>], vector<16xf32>,
      %add3A_250 = arith.constant 1.000000e-16 : f32
      %add3A_251 = vector.broadcast %add3A_250 : f32 to vector<16xf32>
      %add3A_252 = arith.addf %gather3A_249, %add3A_251 : vector<16xf32>
      %div3A_253 = arith.divf %exp3A, %add3A_252 : vector<16xf32>
      %swap3A_254 = arith.constant 0 : index
      %swap3A_255 = tpu.vector_load %arg21[%swap3A_254] {strides = array<i32>} : memref<64xf32, #tpu.memory_space<vmem>>, vector<16xf32>,
      tpu.vector_store %arg21[%swap3A_254], %div3A_253 {strides = array<i32>} : memref<64xf32, #tpu.memory_space<vmem>>, vector<16xf32>,
      %swap3A_256 = arith.constant 0 : index
      %swap3A_257 = tpu.vector_load %arg19[%swap3A_256] {strides = array<i32>} : memref<64xi32, #tpu.memory_space<vmem>>, vector<16xi32>,
      tpu.vector_store %arg19[%swap3A_256], %get3A_237 {strides = array<i32>} : memref<64xi32, #tpu.memory_space<vmem>>, vector<16xi32>,
      %get3A_258 = arith.constant 16 : index
      %get3A_259 = tpu.vector_load %arg15[%get3A_258] {strides = array<i32>} : memref<64xi32, #tpu.memory_space<vmem>>, vector<16xi32>,
      %get3A_260 = arith.constant 16 : index
      %get3A_261 = tpu.vector_load %arg13[%get3A_260] {strides = array<i32>} : memref<64xi32, #tpu.memory_space<vmem>>, vector<16xi32>,
      %gather3A_262 = tpu.vector_load_idx %arg8[%get3A_261] : memref<10112xf32, #tpu.memory_space<vmem>>[vector<16xi32>], vector<16xf32>,
      %gather3A_263 = tpu.vector_load_idx %arg9[%get3A_259] : memref<10112xf32, #tpu.memory_space<vmem>>[vector<16xi32>], vector<16xf32>,
      %add3A_264 = arith.addf %gather3A_262, %gather3A_263 : vector<16xf32>
      %ge3A_265 = arith.constant 0.000000e+00 : f32
      %ge3A_266 = vector.broadcast %ge3A_265 : f32 to vector<16xf32>
      %ge3A_267 = arith.cmpf oge, %add3A_264, %ge3A_266 : vector<16xf32>
      %mul3A_268 = arith.constant 2.000000e-01 : f32
      %mul3A_269 = vector.broadcast %mul3A_268 : f32 to vector<16xf32>
      %mul3A_270 = arith.mulf %mul3A_269, %add3A_264 : vector<16xf32>
      %select_n3A_271 = arith.select %ge3A_267, %add3A_264, %mul3A_270 : vector<16xi1>, vector<16xf32>
      %exp3A_272 = math.exp %select_n3A_271 : vector<16xf32>
      %gather3A_273 = tpu.vector_load_idx %arg10[%get3A_259] : memref<10112xf32, #tpu.memory_space<vmem>>[vector<16xi32>], vector<16xf32>,
      %add3A_274 = arith.constant 1.000000e-16 : f32
      %add3A_275 = vector.broadcast %add3A_274 : f32 to vector<16xf32>
      %add3A_276 = arith.addf %gather3A_273, %add3A_275 : vector<16xf32>
      %div3A_277 = arith.divf %exp3A_272, %add3A_276 : vector<16xf32>
      %swap3A_278 = arith.constant 16 : index
      %swap3A_279 = tpu.vector_load %arg21[%swap3A_278] {strides = array<i32>} : memref<64xf32, #tpu.memory_space<vmem>>, vector<16xf32>,
      tpu.vector_store %arg21[%swap3A_278], %div3A_277 {strides = array<i32>} : memref<64xf32, #tpu.memory_space<vmem>>, vector<16xf32>,
      %swap3A_280 = arith.constant 16 : index
      %swap3A_281 = tpu.vector_load %arg19[%swap3A_280] {strides = array<i32>} : memref<64xi32, #tpu.memory_space<vmem>>, vector<16xi32>,
      tpu.vector_store %arg19[%swap3A_280], %get3A_259 {strides = array<i32>} : memref<64xi32, #tpu.memory_space<vmem>>, vector<16xi32>,
      %get3A_282 = arith.constant 32 : index
      %get3A_283 = tpu.vector_load %arg15[%get3A_282] {strides = array<i32>} : memref<64xi32, #tpu.memory_space<vmem>>, vector<16xi32>,
      %get3A_284 = arith.constant 32 : index
      %get3A_285 = tpu.vector_load %arg13[%get3A_284] {strides = array<i32>} : memref<64xi32, #tpu.memory_space<vmem>>, vector<16xi32>,
      %gather3A_286 = tpu.vector_load_idx %arg8[%get3A_285] : memref<10112xf32, #tpu.memory_space<vmem>>[vector<16xi32>], vector<16xf32>,
      %gather3A_287 = tpu.vector_load_idx %arg9[%get3A_283] : memref<10112xf32, #tpu.memory_space<vmem>>[vector<16xi32>], vector<16xf32>,
      %add3A_288 = arith.addf %gather3A_286, %gather3A_287 : vector<16xf32>
      %ge3A_289 = arith.constant 0.000000e+00 : f32
      %ge3A_290 = vector.broadcast %ge3A_289 : f32 to vector<16xf32>
      %ge3A_291 = arith.cmpf oge, %add3A_288, %ge3A_290 : vector<16xf32>
      %mul3A_292 = arith.constant 2.000000e-01 : f32
      %mul3A_293 = vector.broadcast %mul3A_292 : f32 to vector<16xf32>
      %mul3A_294 = arith.mulf %mul3A_293, %add3A_288 : vector<16xf32>
      %select_n3A_295 = arith.select %ge3A_291, %add3A_288, %mul3A_294 : vector<16xi1>, vector<16xf32>
      %exp3A_296 = math.exp %select_n3A_295 : vector<16xf32>
      %gather3A_297 = tpu.vector_load_idx %arg10[%get3A_283] : memref<10112xf32, #tpu.memory_space<vmem>>[vector<16xi32>], vector<16xf32>,
      %add3A_298 = arith.constant 1.000000e-16 : f32
      %add3A_299 = vector.broadcast %add3A_298 : f32 to vector<16xf32>
      %add3A_300 = arith.addf %gather3A_297, %add3A_299 : vector<16xf32>
      %div3A_301 = arith.divf %exp3A_296, %add3A_300 : vector<16xf32>
      %swap3A_302 = arith.constant 32 : index
      %swap3A_303 = tpu.vector_load %arg21[%swap3A_302] {strides = array<i32>} : memref<64xf32, #tpu.memory_space<vmem>>, vector<16xf32>,
      tpu.vector_store %arg21[%swap3A_302], %div3A_301 {strides = array<i32>} : memref<64xf32, #tpu.memory_space<vmem>>, vector<16xf32>,
      %swap3A_304 = arith.constant 32 : index
      %swap3A_305 = tpu.vector_load %arg19[%swap3A_304] {strides = array<i32>} : memref<64xi32, #tpu.memory_space<vmem>>, vector<16xi32>,
      tpu.vector_store %arg19[%swap3A_304], %get3A_283 {strides = array<i32>} : memref<64xi32, #tpu.memory_space<vmem>>, vector<16xi32>,
      %get3A_306 = arith.constant 48 : index
      %get3A_307 = tpu.vector_load %arg15[%get3A_306] {strides = array<i32>} : memref<64xi32, #tpu.memory_space<vmem>>, vector<16xi32>,
      %get3A_308 = arith.constant 48 : index
      %get3A_309 = tpu.vector_load %arg13[%get3A_308] {strides = array<i32>} : memref<64xi32, #tpu.memory_space<vmem>>, vector<16xi32>,
      %gather3A_310 = tpu.vector_load_idx %arg8[%get3A_309] : memref<10112xf32, #tpu.memory_space<vmem>>[vector<16xi32>], vector<16xf32>,
      %gather3A_311 = tpu.vector_load_idx %arg9[%get3A_307] : memref<10112xf32, #tpu.memory_space<vmem>>[vector<16xi32>], vector<16xf32>,
      %add3A_312 = arith.addf %gather3A_310, %gather3A_311 : vector<16xf32>
      %ge3A_313 = arith.constant 0.000000e+00 : f32
      %ge3A_314 = vector.broadcast %ge3A_313 : f32 to vector<16xf32>
      %ge3A_315 = arith.cmpf oge, %add3A_312, %ge3A_314 : vector<16xf32>
      %mul3A_316 = arith.constant 2.000000e-01 : f32
      %mul3A_317 = vector.broadcast %mul3A_316 : f32 to vector<16xf32>
      %mul3A_318 = arith.mulf %mul3A_317, %add3A_312 : vector<16xf32>
      %select_n3A_319 = arith.select %ge3A_315, %add3A_312, %mul3A_318 : vector<16xi1>, vector<16xf32>
      %exp3A_320 = math.exp %select_n3A_319 : vector<16xf32>
      %gather3A_321 = tpu.vector_load_idx %arg10[%get3A_307] : memref<10112xf32, #tpu.memory_space<vmem>>[vector<16xi32>], vector<16xf32>,
      %add3A_322 = arith.constant 1.000000e-16 : f32
      %add3A_323 = vector.broadcast %add3A_322 : f32 to vector<16xf32>
      %add3A_324 = arith.addf %gather3A_321, %add3A_323 : vector<16xf32>
      %div3A_325 = arith.divf %exp3A_320, %add3A_324 : vector<16xf32>
      %swap3A_326 = arith.constant 48 : index
      %swap3A_327 = tpu.vector_load %arg21[%swap3A_326] {strides = array<i32>} : memref<64xf32, #tpu.memory_space<vmem>>, vector<16xf32>,
      tpu.vector_store %arg21[%swap3A_326], %div3A_325 {strides = array<i32>} : memref<64xf32, #tpu.memory_space<vmem>>, vector<16xf32>,
      %swap3A_328 = arith.constant 48 : index
      %swap3A_329 = tpu.vector_load %arg19[%swap3A_328] {strides = array<i32>} : memref<64xi32, #tpu.memory_space<vmem>>, vector<16xi32>,
      tpu.vector_store %arg19[%swap3A_328], %get3A_307 {strides = array<i32>} : memref<64xi32, #tpu.memory_space<vmem>>, vector<16xi32>,
      %scan3A_330 = arith.constant 0 : i32
      %scan3A_331 = arith.constant 0 : i32
      %scan3A_332 = arith.constant 16 : i32
      %scan3A_333 = arith.addi %scan3A_331, %scan3A_332 : i32
      %scan3A_334 = arith.constant 1 : i32
      scf.for %scan3A_513 = %scan3A_331 to %scan3A_333 step %scan3A_334  : i32 {
        %mul3A_514 = arith.constant 4 : i32
        %mul3A_515 = arith.muli %mul3A_514, %scan3A_513 : i32
        %add3A_516 = arith.constant 0 : i32
        %add3A_517 = arith.addi %mul3A_515, %add3A_516 : i32
        %broadcast_in_dim3A_518 = vector.broadcast %add3A_517 : i32 to vector<16xi32>
        %gather3A_519 = tpu.vector_load_idx %arg21[%broadcast_in_dim3A_518] : memref<64xf32, #tpu.memory_space<vmem>>[vector<16xi32>], vector<16xf32>,
        %get3A_520 = arith.index_cast %add3A_517 : i32 to index
        %get3A_521 = arith.constant 0 : index
        %get3A_522 = tpu.vector_load %arg11[%get3A_520, %get3A_521] {strides = array<i32>} : memref<64x128xf32, #tpu.memory_space<vmem>>, vector<16xf32>,
        %mul3A_523 = arith.mulf %get3A_522, %gather3A_519 : vector<16xf32>
        %swap3A_524 = arith.index_cast %add3A_517 : i32 to index
        %swap3A_525 = arith.constant 0 : index
        %swap3A_526 = tpu.vector_load %arg11[%swap3A_524, %swap3A_525] {strides = array<i32>} : memref<64x128xf32, #tpu.memory_space<vmem>>, vector<16xf32>,
        tpu.vector_store %arg11[%swap3A_524, %swap3A_525], %mul3A_523 {strides = array<i32>} : memref<64x128xf32, #tpu.memory_space<vmem>>, vector<16xf32>,
        %get3A_527 = arith.index_cast %add3A_517 : i32 to index
        %get3A_528 = arith.constant 16 : index
        %get3A_529 = tpu.vector_load %arg11[%get3A_527, %get3A_528] {strides = array<i32>} : memref<64x128xf32, #tpu.memory_space<vmem>>, vector<16xf32>,
        %mul3A_530 = arith.mulf %get3A_529, %gather3A_519 : vector<16xf32>
        %swap3A_531 = arith.index_cast %add3A_517 : i32 to index
        %swap3A_532 = arith.constant 16 : index
        %swap3A_533 = tpu.vector_load %arg11[%swap3A_531, %swap3A_532] {strides = array<i32>} : memref<64x128xf32, #tpu.memory_space<vmem>>, vector<16xf32>,
        tpu.vector_store %arg11[%swap3A_531, %swap3A_532], %mul3A_530 {strides = array<i32>} : memref<64x128xf32, #tpu.memory_space<vmem>>, vector<16xf32>,
        %get3A_534 = arith.index_cast %add3A_517 : i32 to index
        %get3A_535 = arith.constant 32 : index
        %get3A_536 = tpu.vector_load %arg11[%get3A_534, %get3A_535] {strides = array<i32>} : memref<64x128xf32, #tpu.memory_space<vmem>>, vector<16xf32>,
        %mul3A_537 = arith.mulf %get3A_536, %gather3A_519 : vector<16xf32>
        %swap3A_538 = arith.index_cast %add3A_517 : i32 to index
        %swap3A_539 = arith.constant 32 : index
        %swap3A_540 = tpu.vector_load %arg11[%swap3A_538, %swap3A_539] {strides = array<i32>} : memref<64x128xf32, #tpu.memory_space<vmem>>, vector<16xf32>,
        tpu.vector_store %arg11[%swap3A_538, %swap3A_539], %mul3A_537 {strides = array<i32>} : memref<64x128xf32, #tpu.memory_space<vmem>>, vector<16xf32>,
        %get3A_541 = arith.index_cast %add3A_517 : i32 to index
        %get3A_542 = arith.constant 48 : index
        %get3A_543 = tpu.vector_load %arg11[%get3A_541, %get3A_542] {strides = array<i32>} : memref<64x128xf32, #tpu.memory_space<vmem>>, vector<16xf32>,
        %mul3A_544 = arith.mulf %get3A_543, %gather3A_519 : vector<16xf32>
        %swap3A_545 = arith.index_cast %add3A_517 : i32 to index
        %swap3A_546 = arith.constant 48 : index
        %swap3A_547 = tpu.vector_load %arg11[%swap3A_545, %swap3A_546] {strides = array<i32>} : memref<64x128xf32, #tpu.memory_space<vmem>>, vector<16xf32>,
        tpu.vector_store %arg11[%swap3A_545, %swap3A_546], %mul3A_544 {strides = array<i32>} : memref<64x128xf32, #tpu.memory_space<vmem>>, vector<16xf32>,
        %get3A_548 = arith.index_cast %add3A_517 : i32 to index
        %get3A_549 = arith.constant 64 : index
        %get3A_550 = tpu.vector_load %arg11[%get3A_548, %get3A_549] {strides = array<i32>} : memref<64x128xf32, #tpu.memory_space<vmem>>, vector<16xf32>,
        %mul3A_551 = arith.mulf %get3A_550, %gather3A_519 : vector<16xf32>
        %swap3A_552 = arith.index_cast %add3A_517 : i32 to index
        %swap3A_553 = arith.constant 64 : index
        %swap3A_554 = tpu.vector_load %arg11[%swap3A_552, %swap3A_553] {strides = array<i32>} : memref<64x128xf32, #tpu.memory_space<vmem>>, vector<16xf32>,
        tpu.vector_store %arg11[%swap3A_552, %swap3A_553], %mul3A_551 {strides = array<i32>} : memref<64x128xf32, #tpu.memory_space<vmem>>, vector<16xf32>,
        %get3A_555 = arith.index_cast %add3A_517 : i32 to index
        %get3A_556 = arith.constant 80 : index
        %get3A_557 = tpu.vector_load %arg11[%get3A_555, %get3A_556] {strides = array<i32>} : memref<64x128xf32, #tpu.memory_space<vmem>>, vector<16xf32>,
        %mul3A_558 = arith.mulf %get3A_557, %gather3A_519 : vector<16xf32>
        %swap3A_559 = arith.index_cast %add3A_517 : i32 to index
        %swap3A_560 = arith.constant 80 : index
        %swap3A_561 = tpu.vector_load %arg11[%swap3A_559, %swap3A_560] {strides = array<i32>} : memref<64x128xf32, #tpu.memory_space<vmem>>, vector<16xf32>,
        tpu.vector_store %arg11[%swap3A_559, %swap3A_560], %mul3A_558 {strides = array<i32>} : memref<64x128xf32, #tpu.memory_space<vmem>>, vector<16xf32>,
        %get3A_562 = arith.index_cast %add3A_517 : i32 to index
        %get3A_563 = arith.constant 96 : index
        %get3A_564 = tpu.vector_load %arg11[%get3A_562, %get3A_563] {strides = array<i32>} : memref<64x128xf32, #tpu.memory_space<vmem>>, vector<16xf32>,
        %mul3A_565 = arith.mulf %get3A_564, %gather3A_519 : vector<16xf32>
        %swap3A_566 = arith.index_cast %add3A_517 : i32 to index
        %swap3A_567 = arith.constant 96 : index
        %swap3A_568 = tpu.vector_load %arg11[%swap3A_566, %swap3A_567] {strides = array<i32>} : memref<64x128xf32, #tpu.memory_space<vmem>>, vector<16xf32>,
        tpu.vector_store %arg11[%swap3A_566, %swap3A_567], %mul3A_565 {strides = array<i32>} : memref<64x128xf32, #tpu.memory_space<vmem>>, vector<16xf32>,
        %get3A_569 = arith.index_cast %add3A_517 : i32 to index
        %get3A_570 = arith.constant 112 : index
        %get3A_571 = tpu.vector_load %arg11[%get3A_569, %get3A_570] {strides = array<i32>} : memref<64x128xf32, #tpu.memory_space<vmem>>, vector<16xf32>,
        %mul3A_572 = arith.mulf %get3A_571, %gather3A_519 : vector<16xf32>
        %swap3A_573 = arith.index_cast %add3A_517 : i32 to index
        %swap3A_574 = arith.constant 112 : index
        %swap3A_575 = tpu.vector_load %arg11[%swap3A_573, %swap3A_574] {strides = array<i32>} : memref<64x128xf32, #tpu.memory_space<vmem>>, vector<16xf32>,
        tpu.vector_store %arg11[%swap3A_573, %swap3A_574], %mul3A_572 {strides = array<i32>} : memref<64x128xf32, #tpu.memory_space<vmem>>, vector<16xf32>,
        %mul3A_576 = arith.constant 4 : i32
        %mul3A_577 = arith.muli %mul3A_576, %scan3A_513 : i32
        %add3A_578 = arith.constant 1 : i32
        %add3A_579 = arith.addi %mul3A_577, %add3A_578 : i32
        %broadcast_in_dim3A_580 = vector.broadcast %add3A_579 : i32 to vector<16xi32>
        %gather3A_581 = tpu.vector_load_idx %arg21[%broadcast_in_dim3A_580] : memref<64xf32, #tpu.memory_space<vmem>>[vector<16xi32>], vector<16xf32>,
        %get3A_582 = arith.index_cast %add3A_579 : i32 to index
        %get3A_583 = arith.constant 0 : index
        %get3A_584 = tpu.vector_load %arg11[%get3A_582, %get3A_583] {strides = array<i32>} : memref<64x128xf32, #tpu.memory_space<vmem>>, vector<16xf32>,
        %mul3A_585 = arith.mulf %get3A_584, %gather3A_581 : vector<16xf32>
        %swap3A_586 = arith.index_cast %add3A_579 : i32 to index
        %swap3A_587 = arith.constant 0 : index
        %swap3A_588 = tpu.vector_load %arg11[%swap3A_586, %swap3A_587] {strides = array<i32>} : memref<64x128xf32, #tpu.memory_space<vmem>>, vector<16xf32>,
        tpu.vector_store %arg11[%swap3A_586, %swap3A_587], %mul3A_585 {strides = array<i32>} : memref<64x128xf32, #tpu.memory_space<vmem>>, vector<16xf32>,
        %get3A_589 = arith.index_cast %add3A_579 : i32 to index
        %get3A_590 = arith.constant 16 : index
        %get3A_591 = tpu.vector_load %arg11[%get3A_589, %get3A_590] {strides = array<i32>} : memref<64x128xf32, #tpu.memory_space<vmem>>, vector<16xf32>,
        %mul3A_592 = arith.mulf %get3A_591, %gather3A_581 : vector<16xf32>
        %swap3A_593 = arith.index_cast %add3A_579 : i32 to index
        %swap3A_594 = arith.constant 16 : index
        %swap3A_595 = tpu.vector_load %arg11[%swap3A_593, %swap3A_594] {strides = array<i32>} : memref<64x128xf32, #tpu.memory_space<vmem>>, vector<16xf32>,
        tpu.vector_store %arg11[%swap3A_593, %swap3A_594], %mul3A_592 {strides = array<i32>} : memref<64x128xf32, #tpu.memory_space<vmem>>, vector<16xf32>,
        %get3A_596 = arith.index_cast %add3A_579 : i32 to index
        %get3A_597 = arith.constant 32 : index
        %get3A_598 = tpu.vector_load %arg11[%get3A_596, %get3A_597] {strides = array<i32>} : memref<64x128xf32, #tpu.memory_space<vmem>>, vector<16xf32>,
        %mul3A_599 = arith.mulf %get3A_598, %gather3A_581 : vector<16xf32>
        %swap3A_600 = arith.index_cast %add3A_579 : i32 to index
        %swap3A_601 = arith.constant 32 : index
        %swap3A_602 = tpu.vector_load %arg11[%swap3A_600, %swap3A_601] {strides = array<i32>} : memref<64x128xf32, #tpu.memory_space<vmem>>, vector<16xf32>,
        tpu.vector_store %arg11[%swap3A_600, %swap3A_601], %mul3A_599 {strides = array<i32>} : memref<64x128xf32, #tpu.memory_space<vmem>>, vector<16xf32>,
        %get3A_603 = arith.index_cast %add3A_579 : i32 to index
        %get3A_604 = arith.constant 48 : index
        %get3A_605 = tpu.vector_load %arg11[%get3A_603, %get3A_604] {strides = array<i32>} : memref<64x128xf32, #tpu.memory_space<vmem>>, vector<16xf32>,
        %mul3A_606 = arith.mulf %get3A_605, %gather3A_581 : vector<16xf32>
        %swap3A_607 = arith.index_cast %add3A_579 : i32 to index
        %swap3A_608 = arith.constant 48 : index
        %swap3A_609 = tpu.vector_load %arg11[%swap3A_607, %swap3A_608] {strides = array<i32>} : memref<64x128xf32, #tpu.memory_space<vmem>>, vector<16xf32>,
        tpu.vector_store %arg11[%swap3A_607, %swap3A_608], %mul3A_606 {strides = array<i32>} : memref<64x128xf32, #tpu.memory_space<vmem>>, vector<16xf32>,
        %get3A_610 = arith.index_cast %add3A_579 : i32 to index
        %get3A_611 = arith.constant 64 : index
        %get3A_612 = tpu.vector_load %arg11[%get3A_610, %get3A_611] {strides = array<i32>} : memref<64x128xf32, #tpu.memory_space<vmem>>, vector<16xf32>,
        %mul3A_613 = arith.mulf %get3A_612, %gather3A_581 : vector<16xf32>
        %swap3A_614 = arith.index_cast %add3A_579 : i32 to index
        %swap3A_615 = arith.constant 64 : index
        %swap3A_616 = tpu.vector_load %arg11[%swap3A_614, %swap3A_615] {strides = array<i32>} : memref<64x128xf32, #tpu.memory_space<vmem>>, vector<16xf32>,
        tpu.vector_store %arg11[%swap3A_614, %swap3A_615], %mul3A_613 {strides = array<i32>} : memref<64x128xf32, #tpu.memory_space<vmem>>, vector<16xf32>,
        %get3A_617 = arith.index_cast %add3A_579 : i32 to index
        %get3A_618 = arith.constant 80 : index
        %get3A_619 = tpu.vector_load %arg11[%get3A_617, %get3A_618] {strides = array<i32>} : memref<64x128xf32, #tpu.memory_space<vmem>>, vector<16xf32>,
        %mul3A_620 = arith.mulf %get3A_619, %gather3A_581 : vector<16xf32>
        %swap3A_621 = arith.index_cast %add3A_579 : i32 to index
        %swap3A_622 = arith.constant 80 : index
        %swap3A_623 = tpu.vector_load %arg11[%swap3A_621, %swap3A_622] {strides = array<i32>} : memref<64x128xf32, #tpu.memory_space<vmem>>, vector<16xf32>,
        tpu.vector_store %arg11[%swap3A_621, %swap3A_622], %mul3A_620 {strides = array<i32>} : memref<64x128xf32, #tpu.memory_space<vmem>>, vector<16xf32>,
        %get3A_624 = arith.index_cast %add3A_579 : i32 to index
        %get3A_625 = arith.constant 96 : index
        %get3A_626 = tpu.vector_load %arg11[%get3A_624, %get3A_625] {strides = array<i32>} : memref<64x128xf32, #tpu.memory_space<vmem>>, vector<16xf32>,
        %mul3A_627 = arith.mulf %get3A_626, %gather3A_581 : vector<16xf32>
        %swap3A_628 = arith.index_cast %add3A_579 : i32 to index
        %swap3A_629 = arith.constant 96 : index
        %swap3A_630 = tpu.vector_load %arg11[%swap3A_628, %swap3A_629] {strides = array<i32>} : memref<64x128xf32, #tpu.memory_space<vmem>>, vector<16xf32>,
        tpu.vector_store %arg11[%swap3A_628, %swap3A_629], %mul3A_627 {strides = array<i32>} : memref<64x128xf32, #tpu.memory_space<vmem>>, vector<16xf32>,
        %get3A_631 = arith.index_cast %add3A_579 : i32 to index
        %get3A_632 = arith.constant 112 : index
        %get3A_633 = tpu.vector_load %arg11[%get3A_631, %get3A_632] {strides = array<i32>} : memref<64x128xf32, #tpu.memory_space<vmem>>, vector<16xf32>,
        %mul3A_634 = arith.mulf %get3A_633, %gather3A_581 : vector<16xf32>
        %swap3A_635 = arith.index_cast %add3A_579 : i32 to index
        %swap3A_636 = arith.constant 112 : index
        %swap3A_637 = tpu.vector_load %arg11[%swap3A_635, %swap3A_636] {strides = array<i32>} : memref<64x128xf32, #tpu.memory_space<vmem>>, vector<16xf32>,
        tpu.vector_store %arg11[%swap3A_635, %swap3A_636], %mul3A_634 {strides = array<i32>} : memref<64x128xf32, #tpu.memory_space<vmem>>, vector<16xf32>,
        %mul3A_638 = arith.constant 4 : i32
        %mul3A_639 = arith.muli %mul3A_638, %scan3A_513 : i32
        %add3A_640 = arith.constant 2 : i32
        %add3A_641 = arith.addi %mul3A_639, %add3A_640 : i32
        %broadcast_in_dim3A_642 = vector.broadcast %add3A_641 : i32 to vector<16xi32>
        %gather3A_643 = tpu.vector_load_idx %arg21[%broadcast_in_dim3A_642] : memref<64xf32, #tpu.memory_space<vmem>>[vector<16xi32>], vector<16xf32>,
        %get3A_644 = arith.index_cast %add3A_641 : i32 to index
        %get3A_645 = arith.constant 0 : index
        %get3A_646 = tpu.vector_load %arg11[%get3A_644, %get3A_645] {strides = array<i32>} : memref<64x128xf32, #tpu.memory_space<vmem>>, vector<16xf32>,
        %mul3A_647 = arith.mulf %get3A_646, %gather3A_643 : vector<16xf32>
        %swap3A_648 = arith.index_cast %add3A_641 : i32 to index
        %swap3A_649 = arith.constant 0 : index
        %swap3A_650 = tpu.vector_load %arg11[%swap3A_648, %swap3A_649] {strides = array<i32>} : memref<64x128xf32, #tpu.memory_space<vmem>>, vector<16xf32>,
        tpu.vector_store %arg11[%swap3A_648, %swap3A_649], %mul3A_647 {strides = array<i32>} : memref<64x128xf32, #tpu.memory_space<vmem>>, vector<16xf32>,
        %get3A_651 = arith.index_cast %add3A_641 : i32 to index
        %get3A_652 = arith.constant 16 : index
        %get3A_653 = tpu.vector_load %arg11[%get3A_651, %get3A_652] {strides = array<i32>} : memref<64x128xf32, #tpu.memory_space<vmem>>, vector<16xf32>,
        %mul3A_654 = arith.mulf %get3A_653, %gather3A_643 : vector<16xf32>
        %swap3A_655 = arith.index_cast %add3A_641 : i32 to index
        %swap3A_656 = arith.constant 16 : index
        %swap3A_657 = tpu.vector_load %arg11[%swap3A_655, %swap3A_656] {strides = array<i32>} : memref<64x128xf32, #tpu.memory_space<vmem>>, vector<16xf32>,
        tpu.vector_store %arg11[%swap3A_655, %swap3A_656], %mul3A_654 {strides = array<i32>} : memref<64x128xf32, #tpu.memory_space<vmem>>, vector<16xf32>,
        %get3A_658 = arith.index_cast %add3A_641 : i32 to index
        %get3A_659 = arith.constant 32 : index
        %get3A_660 = tpu.vector_load %arg11[%get3A_658, %get3A_659] {strides = array<i32>} : memref<64x128xf32, #tpu.memory_space<vmem>>, vector<16xf32>,
        %mul3A_661 = arith.mulf %get3A_660, %gather3A_643 : vector<16xf32>
        %swap3A_662 = arith.index_cast %add3A_641 : i32 to index
        %swap3A_663 = arith.constant 32 : index
        %swap3A_664 = tpu.vector_load %arg11[%swap3A_662, %swap3A_663] {strides = array<i32>} : memref<64x128xf32, #tpu.memory_space<vmem>>, vector<16xf32>,
        tpu.vector_store %arg11[%swap3A_662, %swap3A_663], %mul3A_661 {strides = array<i32>} : memref<64x128xf32, #tpu.memory_space<vmem>>, vector<16xf32>,
        %get3A_665 = arith.index_cast %add3A_641 : i32 to index
        %get3A_666 = arith.constant 48 : index
        %get3A_667 = tpu.vector_load %arg11[%get3A_665, %get3A_666] {strides = array<i32>} : memref<64x128xf32, #tpu.memory_space<vmem>>, vector<16xf32>,
        %mul3A_668 = arith.mulf %get3A_667, %gather3A_643 : vector<16xf32>
        %swap3A_669 = arith.index_cast %add3A_641 : i32 to index
        %swap3A_670 = arith.constant 48 : index
        %swap3A_671 = tpu.vector_load %arg11[%swap3A_669, %swap3A_670] {strides = array<i32>} : memref<64x128xf32, #tpu.memory_space<vmem>>, vector<16xf32>,
        tpu.vector_store %arg11[%swap3A_669, %swap3A_670], %mul3A_668 {strides = array<i32>} : memref<64x128xf32, #tpu.memory_space<vmem>>, vector<16xf32>,
        %get3A_672 = arith.index_cast %add3A_641 : i32 to index
        %get3A_673 = arith.constant 64 : index
        %get3A_674 = tpu.vector_load %arg11[%get3A_672, %get3A_673] {strides = array<i32>} : memref<64x128xf32, #tpu.memory_space<vmem>>, vector<16xf32>,
        %mul3A_675 = arith.mulf %get3A_674, %gather3A_643 : vector<16xf32>
        %swap3A_676 = arith.index_cast %add3A_641 : i32 to index
        %swap3A_677 = arith.constant 64 : index
        %swap3A_678 = tpu.vector_load %arg11[%swap3A_676, %swap3A_677] {strides = array<i32>} : memref<64x128xf32, #tpu.memory_space<vmem>>, vector<16xf32>,
        tpu.vector_store %arg11[%swap3A_676, %swap3A_677], %mul3A_675 {strides = array<i32>} : memref<64x128xf32, #tpu.memory_space<vmem>>, vector<16xf32>,
        %get3A_679 = arith.index_cast %add3A_641 : i32 to index
        %get3A_680 = arith.constant 80 : index
        %get3A_681 = tpu.vector_load %arg11[%get3A_679, %get3A_680] {strides = array<i32>} : memref<64x128xf32, #tpu.memory_space<vmem>>, vector<16xf32>,
        %mul3A_682 = arith.mulf %get3A_681, %gather3A_643 : vector<16xf32>
        %swap3A_683 = arith.index_cast %add3A_641 : i32 to index
        %swap3A_684 = arith.constant 80 : index
        %swap3A_685 = tpu.vector_load %arg11[%swap3A_683, %swap3A_684] {strides = array<i32>} : memref<64x128xf32, #tpu.memory_space<vmem>>, vector<16xf32>,
        tpu.vector_store %arg11[%swap3A_683, %swap3A_684], %mul3A_682 {strides = array<i32>} : memref<64x128xf32, #tpu.memory_space<vmem>>, vector<16xf32>,
        %get3A_686 = arith.index_cast %add3A_641 : i32 to index
        %get3A_687 = arith.constant 96 : index
        %get3A_688 = tpu.vector_load %arg11[%get3A_686, %get3A_687] {strides = array<i32>} : memref<64x128xf32, #tpu.memory_space<vmem>>, vector<16xf32>,
        %mul3A_689 = arith.mulf %get3A_688, %gather3A_643 : vector<16xf32>
        %swap3A_690 = arith.index_cast %add3A_641 : i32 to index
        %swap3A_691 = arith.constant 96 : index
        %swap3A_692 = tpu.vector_load %arg11[%swap3A_690, %swap3A_691] {strides = array<i32>} : memref<64x128xf32, #tpu.memory_space<vmem>>, vector<16xf32>,
        tpu.vector_store %arg11[%swap3A_690, %swap3A_691], %mul3A_689 {strides = array<i32>} : memref<64x128xf32, #tpu.memory_space<vmem>>, vector<16xf32>,
        %get3A_693 = arith.index_cast %add3A_641 : i32 to index
        %get3A_694 = arith.constant 112 : index
        %get3A_695 = tpu.vector_load %arg11[%get3A_693, %get3A_694] {strides = array<i32>} : memref<64x128xf32, #tpu.memory_space<vmem>>, vector<16xf32>,
        %mul3A_696 = arith.mulf %get3A_695, %gather3A_643 : vector<16xf32>
        %swap3A_697 = arith.index_cast %add3A_641 : i32 to index
        %swap3A_698 = arith.constant 112 : index
        %swap3A_699 = tpu.vector_load %arg11[%swap3A_697, %swap3A_698] {strides = array<i32>} : memref<64x128xf32, #tpu.memory_space<vmem>>, vector<16xf32>,
        tpu.vector_store %arg11[%swap3A_697, %swap3A_698], %mul3A_696 {strides = array<i32>} : memref<64x128xf32, #tpu.memory_space<vmem>>, vector<16xf32>,
        %mul3A_700 = arith.constant 4 : i32
        %mul3A_701 = arith.muli %mul3A_700, %scan3A_513 : i32
        %add3A_702 = arith.constant 3 : i32
        %add3A_703 = arith.addi %mul3A_701, %add3A_702 : i32
        %broadcast_in_dim3A_704 = vector.broadcast %add3A_703 : i32 to vector<16xi32>
        %gather3A_705 = tpu.vector_load_idx %arg21[%broadcast_in_dim3A_704] : memref<64xf32, #tpu.memory_space<vmem>>[vector<16xi32>], vector<16xf32>,
        %get3A_706 = arith.index_cast %add3A_703 : i32 to index
        %get3A_707 = arith.constant 0 : index
        %get3A_708 = tpu.vector_load %arg11[%get3A_706, %get3A_707] {strides = array<i32>} : memref<64x128xf32, #tpu.memory_space<vmem>>, vector<16xf32>,
        %mul3A_709 = arith.mulf %get3A_708, %gather3A_705 : vector<16xf32>
        %swap3A_710 = arith.index_cast %add3A_703 : i32 to index
        %swap3A_711 = arith.constant 0 : index
        %swap3A_712 = tpu.vector_load %arg11[%swap3A_710, %swap3A_711] {strides = array<i32>} : memref<64x128xf32, #tpu.memory_space<vmem>>, vector<16xf32>,
        tpu.vector_store %arg11[%swap3A_710, %swap3A_711], %mul3A_709 {strides = array<i32>} : memref<64x128xf32, #tpu.memory_space<vmem>>, vector<16xf32>,
        %get3A_713 = arith.index_cast %add3A_703 : i32 to index
        %get3A_714 = arith.constant 16 : index
        %get3A_715 = tpu.vector_load %arg11[%get3A_713, %get3A_714] {strides = array<i32>} : memref<64x128xf32, #tpu.memory_space<vmem>>, vector<16xf32>,
        %mul3A_716 = arith.mulf %get3A_715, %gather3A_705 : vector<16xf32>
        %swap3A_717 = arith.index_cast %add3A_703 : i32 to index
        %swap3A_718 = arith.constant 16 : index
        %swap3A_719 = tpu.vector_load %arg11[%swap3A_717, %swap3A_718] {strides = array<i32>} : memref<64x128xf32, #tpu.memory_space<vmem>>, vector<16xf32>,
        tpu.vector_store %arg11[%swap3A_717, %swap3A_718], %mul3A_716 {strides = array<i32>} : memref<64x128xf32, #tpu.memory_space<vmem>>, vector<16xf32>,
        %get3A_720 = arith.index_cast %add3A_703 : i32 to index
        %get3A_721 = arith.constant 32 : index
        %get3A_722 = tpu.vector_load %arg11[%get3A_720, %get3A_721] {strides = array<i32>} : memref<64x128xf32, #tpu.memory_space<vmem>>, vector<16xf32>,
        %mul3A_723 = arith.mulf %get3A_722, %gather3A_705 : vector<16xf32>
        %swap3A_724 = arith.index_cast %add3A_703 : i32 to index
        %swap3A_725 = arith.constant 32 : index
        %swap3A_726 = tpu.vector_load %arg11[%swap3A_724, %swap3A_725] {strides = array<i32>} : memref<64x128xf32, #tpu.memory_space<vmem>>, vector<16xf32>,
        tpu.vector_store %arg11[%swap3A_724, %swap3A_725], %mul3A_723 {strides = array<i32>} : memref<64x128xf32, #tpu.memory_space<vmem>>, vector<16xf32>,
        %get3A_727 = arith.index_cast %add3A_703 : i32 to index
        %get3A_728 = arith.constant 48 : index
        %get3A_729 = tpu.vector_load %arg11[%get3A_727, %get3A_728] {strides = array<i32>} : memref<64x128xf32, #tpu.memory_space<vmem>>, vector<16xf32>,
        %mul3A_730 = arith.mulf %get3A_729, %gather3A_705 : vector<16xf32>
        %swap3A_731 = arith.index_cast %add3A_703 : i32 to index
        %swap3A_732 = arith.constant 48 : index
        %swap3A_733 = tpu.vector_load %arg11[%swap3A_731, %swap3A_732] {strides = array<i32>} : memref<64x128xf32, #tpu.memory_space<vmem>>, vector<16xf32>,
        tpu.vector_store %arg11[%swap3A_731, %swap3A_732], %mul3A_730 {strides = array<i32>} : memref<64x128xf32, #tpu.memory_space<vmem>>, vector<16xf32>,
        %get3A_734 = arith.index_cast %add3A_703 : i32 to index
        %get3A_735 = arith.constant 64 : index
        %get3A_736 = tpu.vector_load %arg11[%get3A_734, %get3A_735] {strides = array<i32>} : memref<64x128xf32, #tpu.memory_space<vmem>>, vector<16xf32>,
        %mul3A_737 = arith.mulf %get3A_736, %gather3A_705 : vector<16xf32>
        %swap3A_738 = arith.index_cast %add3A_703 : i32 to index
        %swap3A_739 = arith.constant 64 : index
        %swap3A_740 = tpu.vector_load %arg11[%swap3A_738, %swap3A_739] {strides = array<i32>} : memref<64x128xf32, #tpu.memory_space<vmem>>, vector<16xf32>,
        tpu.vector_store %arg11[%swap3A_738, %swap3A_739], %mul3A_737 {strides = array<i32>} : memref<64x128xf32, #tpu.memory_space<vmem>>, vector<16xf32>,
        %get3A_741 = arith.index_cast %add3A_703 : i32 to index
        %get3A_742 = arith.constant 80 : index
        %get3A_743 = tpu.vector_load %arg11[%get3A_741, %get3A_742] {strides = array<i32>} : memref<64x128xf32, #tpu.memory_space<vmem>>, vector<16xf32>,
        %mul3A_744 = arith.mulf %get3A_743, %gather3A_705 : vector<16xf32>
        %swap3A_745 = arith.index_cast %add3A_703 : i32 to index
        %swap3A_746 = arith.constant 80 : index
        %swap3A_747 = tpu.vector_load %arg11[%swap3A_745, %swap3A_746] {strides = array<i32>} : memref<64x128xf32, #tpu.memory_space<vmem>>, vector<16xf32>,
        tpu.vector_store %arg11[%swap3A_745, %swap3A_746], %mul3A_744 {strides = array<i32>} : memref<64x128xf32, #tpu.memory_space<vmem>>, vector<16xf32>,
        %get3A_748 = arith.index_cast %add3A_703 : i32 to index
        %get3A_749 = arith.constant 96 : index
        %get3A_750 = tpu.vector_load %arg11[%get3A_748, %get3A_749] {strides = array<i32>} : memref<64x128xf32, #tpu.memory_space<vmem>>, vector<16xf32>,
        %mul3A_751 = arith.mulf %get3A_750, %gather3A_705 : vector<16xf32>
        %swap3A_752 = arith.index_cast %add3A_703 : i32 to index
        %swap3A_753 = arith.constant 96 : index
        %swap3A_754 = tpu.vector_load %arg11[%swap3A_752, %swap3A_753] {strides = array<i32>} : memref<64x128xf32, #tpu.memory_space<vmem>>, vector<16xf32>,
        tpu.vector_store %arg11[%swap3A_752, %swap3A_753], %mul3A_751 {strides = array<i32>} : memref<64x128xf32, #tpu.memory_space<vmem>>, vector<16xf32>,
        %get3A_755 = arith.index_cast %add3A_703 : i32 to index
        %get3A_756 = arith.constant 112 : index
        %get3A_757 = tpu.vector_load %arg11[%get3A_755, %get3A_756] {strides = array<i32>} : memref<64x128xf32, #tpu.memory_space<vmem>>, vector<16xf32>,
        %mul3A_758 = arith.mulf %get3A_757, %gather3A_705 : vector<16xf32>
        %swap3A_759 = arith.index_cast %add3A_703 : i32 to index
        %swap3A_760 = arith.constant 112 : index
        %swap3A_761 = tpu.vector_load %arg11[%swap3A_759, %swap3A_760] {strides = array<i32>} : memref<64x128xf32, #tpu.memory_space<vmem>>, vector<16xf32>,
        tpu.vector_store %arg11[%swap3A_759, %swap3A_760], %mul3A_758 {strides = array<i32>} : memref<64x128xf32, #tpu.memory_space<vmem>>, vector<16xf32>,
      }
      %scan3A_335 = arith.constant 16 : i32
      %dma_start3A_336 = arith.constant 0 : i32
      %dma_start3A_337 = arith.constant 0 : i32
      %dma_start3A_338 = tpu.memref_slice %arg29[%dma_start3A_336, %dma_start3A_337] : memref<10112x128xf32, #tpu.memory_space<vmem_shared>> -> memref<10112x128xf32, #tpu.memory_space<vmem_shared>>
      tpu.enqueue_indirect_dma source(%arg11 : memref<64x128xf32, #tpu.memory_space<vmem>>) target(%dma_start3A_338 : memref<10112x128xf32, #tpu.memory_space<vmem_shared>>) offsets(%arg19 : memref<64xi32, #tpu.memory_space<vmem>>) semaphore(%arg26 : memref<!tpu.dma_semaphore, #tpu.memory_space<semaphore_mem>>) {add = true}
      %add3A_339 = arith.constant 2 : i32
      %add3A_340 = arith.addi %add3A_209, %add3A_339 : i32
      %sub3A_341 = arith.constant 1 : i32
      %sub3A_342 = arith.subi %select_n3A, %sub3A_341 : i32
      %min3A_343 = arith.minsi %add3A_340, %sub3A_342 : i32
      %add3A_344 = arith.addi %add3A_96, %min3A_343 : i32
      %dma_start3A_345 = arith.constant 0 : i32
      %dma_start3A_346 = tpu.memref_slice %arg5[%add3A_344, %dma_start3A_345] : memref<5120x64xi32, #tpu.memory_space<hbm>> -> memref<1x64xi32, #tpu.memory_space<hbm>>
      %dma_start3A_347 = tpu.memref_squeeze %dma_start3A_346 : memref<1x64xi32, #tpu.memory_space<hbm>> -> memref<64xi32, #tpu.memory_space<hbm>>
      %dma_start3A_348 = arith.constant 0 : i32
      %dma_start3A_349 = tpu.memref_slice %arg5[%add3A_344, %dma_start3A_348] : memref<5120x64xi32, #tpu.memory_space<hbm>> -> memref<1x64xi32, #tpu.memory_space<hbm>>
      %dma_start3A_350 = tpu.memref_squeeze %dma_start3A_349 : memref<1x64xi32, #tpu.memory_space<hbm>> -> memref<64xi32, #tpu.memory_space<hbm>>
      tpu.enqueue_dma source(%dma_start3A_350 : memref<64xi32, #tpu.memory_space<hbm>>) target(%arg13 : memref<64xi32, #tpu.memory_space<vmem>>) target_semaphore(%arg22 : memref<!tpu.dma_semaphore, #tpu.memory_space<semaphore_mem>>)
      %dma_start3A_351 = arith.constant 0 : i32
      %dma_start3A_352 = tpu.memref_slice %arg6[%add3A_344, %dma_start3A_351] : memref<5120x64xi32, #tpu.memory_space<hbm>> -> memref<1x64xi32, #tpu.memory_space<hbm>>
      %dma_start3A_353 = tpu.memref_squeeze %dma_start3A_352 : memref<1x64xi32, #tpu.memory_space<hbm>> -> memref<64xi32, #tpu.memory_space<hbm>>
      %dma_start3A_354 = arith.constant 0 : i32
      %dma_start3A_355 = tpu.memref_slice %arg6[%add3A_344, %dma_start3A_354] : memref<5120x64xi32, #tpu.memory_space<hbm>> -> memref<1x64xi32, #tpu.memory_space<hbm>>
      %dma_start3A_356 = tpu.memref_squeeze %dma_start3A_355 : memref<1x64xi32, #tpu.memory_space<hbm>> -> memref<64xi32, #tpu.memory_space<hbm>>
      tpu.enqueue_dma source(%dma_start3A_356 : memref<64xi32, #tpu.memory_space<hbm>>) target(%arg15 : memref<64xi32, #tpu.memory_space<vmem>>) target_semaphore(%arg22 : memref<!tpu.dma_semaphore, #tpu.memory_space<semaphore_mem>>)
      %mul3A_357 = arith.constant 2 : i32
      %mul3A_358 = arith.muli %mul3A_357, %while3A_205 : i32
      %add3A_359 = arith.constant 1 : i32
      %add3A_360 = arith.addi %mul3A_358, %add3A_359 : i32
      %dma_wait3A_361 = arith.constant 0 : i32
      %dma_wait3A_362 = arith.constant 0 : i32
      %dma_wait3A_363 = tpu.memref_slice %arg5[%dma_wait3A_361, %dma_wait3A_362] : memref<5120x64xi32, #tpu.memory_space<hbm>> -> memref<1x64xi32, #tpu.memory_space<hbm>>
      %dma_wait3A_364 = tpu.memref_squeeze %dma_wait3A_363 : memref<1x64xi32, #tpu.memory_space<hbm>> -> memref<64xi32, #tpu.memory_space<hbm>>
      %dma_wait3A_365 = arith.constant 0 : i32
      %dma_wait3A_366 = tpu.memref_slice %arg5[%dma_wait3A_361, %dma_wait3A_365] : memref<5120x64xi32, #tpu.memory_space<hbm>> -> memref<1x64xi32, #tpu.memory_space<hbm>>
      %dma_wait3A_367 = tpu.memref_squeeze %dma_wait3A_366 : memref<1x64xi32, #tpu.memory_space<hbm>> -> memref<64xi32, #tpu.memory_space<hbm>>
      tpu.wait_dma2 semaphore(%arg22 : memref<!tpu.dma_semaphore, #tpu.memory_space<semaphore_mem>>) src(%dma_wait3A_367 : memref<64xi32, #tpu.memory_space<hbm>>) dst(%arg13 : memref<64xi32, #tpu.memory_space<vmem>>)
      %dma_wait3A_368 = arith.constant 0 : i32
      %dma_wait3A_369 = arith.constant 0 : i32
      %dma_wait3A_370 = tpu.memref_slice %arg6[%dma_wait3A_368, %dma_wait3A_369] : memref<5120x64xi32, #tpu.memory_space<hbm>> -> memref<1x64xi32, #tpu.memory_space<hbm>>
      %dma_wait3A_371 = tpu.memref_squeeze %dma_wait3A_370 : memref<1x64xi32, #tpu.memory_space<hbm>> -> memref<64xi32, #tpu.memory_space<hbm>>
      %dma_wait3A_372 = arith.constant 0 : i32
      %dma_wait3A_373 = tpu.memref_slice %arg6[%dma_wait3A_368, %dma_wait3A_372] : memref<5120x64xi32, #tpu.memory_space<hbm>> -> memref<1x64xi32, #tpu.memory_space<hbm>>
      %dma_wait3A_374 = tpu.memref_squeeze %dma_wait3A_373 : memref<1x64xi32, #tpu.memory_space<hbm>> -> memref<64xi32, #tpu.memory_space<hbm>>
      tpu.wait_dma2 semaphore(%arg22 : memref<!tpu.dma_semaphore, #tpu.memory_space<semaphore_mem>>) src(%dma_wait3A_374 : memref<64xi32, #tpu.memory_space<hbm>>) dst(%arg15 : memref<64xi32, #tpu.memory_space<vmem>>)
      %dma_wait3A_375 = arith.constant 0 : i32
      %dma_wait3A_376 = arith.constant 0 : i32
      %dma_wait3A_377 = tpu.memref_slice %arg29[%dma_wait3A_375, %dma_wait3A_376] : memref<10112x128xf32, #tpu.memory_space<vmem_shared>> -> memref<64x128xf32, #tpu.memory_space<vmem_shared>>
      %dma_wait3A_378 = arith.constant 0 : i32
      %dma_wait3A_379 = arith.constant 0 : i32
      %dma_wait3A_380 = tpu.memref_slice %arg29[%dma_wait3A_378, %dma_wait3A_379] : memref<10112x128xf32, #tpu.memory_space<vmem_shared>> -> memref<64x128xf32, #tpu.memory_space<vmem_shared>>
      tpu.wait_dma2 semaphore(%arg26 : memref<!tpu.dma_semaphore, #tpu.memory_space<semaphore_mem>>) src(%arg11 : memref<64x128xf32, #tpu.memory_space<vmem>>) dst(%dma_wait3A_380 : memref<64x128xf32, #tpu.memory_space<vmem_shared>>)
      %dma_start3A_381 = arith.constant 0 : i32
      %dma_start3A_382 = arith.constant 0 : i32
      %dma_start3A_383 = tpu.memref_slice %arg2[%dma_start3A_381, %dma_start3A_382] : memref<10000x128xf32, #tpu.memory_space<hbm>> -> memref<10000x128xf32, #tpu.memory_space<hbm>>
      tpu.enqueue_indirect_dma source(%dma_start3A_383 : memref<10000x128xf32, #tpu.memory_space<hbm>>) target(%arg11 : memref<64x128xf32, #tpu.memory_space<vmem>>) offsets(%arg13 : memref<64xi32, #tpu.memory_space<vmem>>) semaphore(%arg24 : memref<!tpu.dma_semaphore, #tpu.memory_space<semaphore_mem>>)
      %dma_wait3A_384 = arith.constant 0 : i32
      %dma_wait3A_385 = arith.constant 0 : i32
      %dma_wait3A_386 = tpu.memref_slice %arg2[%dma_wait3A_384, %dma_wait3A_385] : memref<10000x128xf32, #tpu.memory_space<hbm>> -> memref<64x128xf32, #tpu.memory_space<hbm>>
      %dma_wait3A_387 = arith.constant 0 : i32
      %dma_wait3A_388 = arith.constant 0 : i32
      %dma_wait3A_389 = tpu.memref_slice %arg2[%dma_wait3A_387, %dma_wait3A_388] : memref<10000x128xf32, #tpu.memory_space<hbm>> -> memref<64x128xf32, #tpu.memory_space<hbm>>
      tpu.wait_dma2 semaphore(%arg25 : memref<!tpu.dma_semaphore, #tpu.memory_space<semaphore_mem>>) src(%dma_wait3A_389 : memref<64x128xf32, #tpu.memory_space<hbm>>) dst(%arg12 : memref<64x128xf32, #tpu.memory_space<vmem>>)
      %get3A_390 = arith.constant 0 : index
      %get3A_391 = tpu.vector_load %arg16[%get3A_390] {strides = array<i32>} : memref<64xi32, #tpu.memory_space<vmem>>, vector<16xi32>,
      %get3A_392 = arith.constant 0 : index
      %get3A_393 = tpu.vector_load %arg14[%get3A_392] {strides = array<i32>} : memref<64xi32, #tpu.memory_space<vmem>>, vector<16xi32>,
      %gather3A_394 = tpu.vector_load_idx %arg8[%get3A_393] : memref<10112xf32, #tpu.memory_space<vmem>>[vector<16xi32>], vector<16xf32>,
      %gather3A_395 = tpu.vector_load_idx %arg9[%get3A_391] : memref<10112xf32, #tpu.memory_space<vmem>>[vector<16xi32>], vector<16xf32>,
      %add3A_396 = arith.addf %gather3A_394, %gather3A_395 : vector<16xf32>
      %ge3A_397 = arith.constant 0.000000e+00 : f32
      %ge3A_398 = vector.broadcast %ge3A_397 : f32 to vector<16xf32>
      %ge3A_399 = arith.cmpf oge, %add3A_396, %ge3A_398 : vector<16xf32>
      %mul3A_400 = arith.constant 2.000000e-01 : f32
      %mul3A_401 = vector.broadcast %mul3A_400 : f32 to vector<16xf32>
      %mul3A_402 = arith.mulf %mul3A_401, %add3A_396 : vector<16xf32>
      %select_n3A_403 = arith.select %ge3A_399, %add3A_396, %mul3A_402 : vector<16xi1>, vector<16xf32>
      %exp3A_404 = math.exp %select_n3A_403 : vector<16xf32>
      %gather3A_405 = tpu.vector_load_idx %arg10[%get3A_391] : memref<10112xf32, #tpu.memory_space<vmem>>[vector<16xi32>], vector<16xf32>,
      %add3A_406 = arith.constant 1.000000e-16 : f32
      %add3A_407 = vector.broadcast %add3A_406 : f32 to vector<16xf32>
      %add3A_408 = arith.addf %gather3A_405, %add3A_407 : vector<16xf32>
      %div3A_409 = arith.divf %exp3A_404, %add3A_408 : vector<16xf32>
      %swap3A_410 = arith.constant 0 : index
      %swap3A_411 = tpu.vector_load %arg21[%swap3A_410] {strides = array<i32>} : memref<64xf32, #tpu.memory_space<vmem>>, vector<16xf32>,
      tpu.vector_store %arg21[%swap3A_410], %div3A_409 {strides = array<i32>} : memref<64xf32, #tpu.memory_space<vmem>>, vector<16xf32>,
      %swap3A_412 = arith.constant 0 : index
      %swap3A_413 = tpu.vector_load %arg20[%swap3A_412] {strides = array<i32>} : memref<64xi32, #tpu.memory_space<vmem>>, vector<16xi32>,
      tpu.vector_store %arg20[%swap3A_412], %get3A_391 {strides = array<i32>} : memref<64xi32, #tpu.memory_space<vmem>>, vector<16xi32>,
      %get3A_414 = arith.constant 16 : index
      %get3A_415 = tpu.vector_load %arg16[%get3A_414] {strides = array<i32>} : memref<64xi32, #tpu.memory_space<vmem>>, vector<16xi32>,
      %get3A_416 = arith.constant 16 : index
      %get3A_417 = tpu.vector_load %arg14[%get3A_416] {strides = array<i32>} : memref<64xi32, #tpu.memory_space<vmem>>, vector<16xi32>,
      %gather3A_418 = tpu.vector_load_idx %arg8[%get3A_417] : memref<10112xf32, #tpu.memory_space<vmem>>[vector<16xi32>], vector<16xf32>,
      %gather3A_419 = tpu.vector_load_idx %arg9[%get3A_415] : memref<10112xf32, #tpu.memory_space<vmem>>[vector<16xi32>], vector<16xf32>,
      %add3A_420 = arith.addf %gather3A_418, %gather3A_419 : vector<16xf32>
      %ge3A_421 = arith.constant 0.000000e+00 : f32
      %ge3A_422 = vector.broadcast %ge3A_421 : f32 to vector<16xf32>
      %ge3A_423 = arith.cmpf oge, %add3A_420, %ge3A_422 : vector<16xf32>
      %mul3A_424 = arith.constant 2.000000e-01 : f32
      %mul3A_425 = vector.broadcast %mul3A_424 : f32 to vector<16xf32>
      %mul3A_426 = arith.mulf %mul3A_425, %add3A_420 : vector<16xf32>
      %select_n3A_427 = arith.select %ge3A_423, %add3A_420, %mul3A_426 : vector<16xi1>, vector<16xf32>
      %exp3A_428 = math.exp %select_n3A_427 : vector<16xf32>
      %gather3A_429 = tpu.vector_load_idx %arg10[%get3A_415] : memref<10112xf32, #tpu.memory_space<vmem>>[vector<16xi32>], vector<16xf32>,
      %add3A_430 = arith.constant 1.000000e-16 : f32
      %add3A_431 = vector.broadcast %add3A_430 : f32 to vector<16xf32>
      %add3A_432 = arith.addf %gather3A_429, %add3A_431 : vector<16xf32>
      %div3A_433 = arith.divf %exp3A_428, %add3A_432 : vector<16xf32>
      %swap3A_434 = arith.constant 16 : index
      %swap3A_435 = tpu.vector_load %arg21[%swap3A_434] {strides = array<i32>} : memref<64xf32, #tpu.memory_space<vmem>>, vector<16xf32>,
      tpu.vector_store %arg21[%swap3A_434], %div3A_433 {strides = array<i32>} : memref<64xf32, #tpu.memory_space<vmem>>, vector<16xf32>,
      %swap3A_436 = arith.constant 16 : index
      %swap3A_437 = tpu.vector_load %arg20[%swap3A_436] {strides = array<i32>} : memref<64xi32, #tpu.memory_space<vmem>>, vector<16xi32>,
      tpu.vector_store %arg20[%swap3A_436], %get3A_415 {strides = array<i32>} : memref<64xi32, #tpu.memory_space<vmem>>, vector<16xi32>,
      %get3A_438 = arith.constant 32 : index
      %get3A_439 = tpu.vector_load %arg16[%get3A_438] {strides = array<i32>} : memref<64xi32, #tpu.memory_space<vmem>>, vector<16xi32>,
      %get3A_440 = arith.constant 32 : index
      %get3A_441 = tpu.vector_load %arg14[%get3A_440] {strides = array<i32>} : memref<64xi32, #tpu.memory_space<vmem>>, vector<16xi32>,
      %gather3A_442 = tpu.vector_load_idx %arg8[%get3A_441] : memref<10112xf32, #tpu.memory_space<vmem>>[vector<16xi32>], vector<16xf32>,
      %gather3A_443 = tpu.vector_load_idx %arg9[%get3A_439] : memref<10112xf32, #tpu.memory_space<vmem>>[vector<16xi32>], vector<16xf32>,
      %add3A_444 = arith.addf %gather3A_442, %gather3A_443 : vector<16xf32>
      %ge3A_445 = arith.constant 0.000000e+00 : f32
      %ge3A_446 = vector.broadcast %ge3A_445 : f32 to vector<16xf32>
      %ge3A_447 = arith.cmpf oge, %add3A_444, %ge3A_446 : vector<16xf32>
      %mul3A_448 = arith.constant 2.000000e-01 : f32
      %mul3A_449 = vector.broadcast %mul3A_448 : f32 to vector<16xf32>
      %mul3A_450 = arith.mulf %mul3A_449, %add3A_444 : vector<16xf32>
      %select_n3A_451 = arith.select %ge3A_447, %add3A_444, %mul3A_450 : vector<16xi1>, vector<16xf32>
      %exp3A_452 = math.exp %select_n3A_451 : vector<16xf32>
      %gather3A_453 = tpu.vector_load_idx %arg10[%get3A_439] : memref<10112xf32, #tpu.memory_space<vmem>>[vector<16xi32>], vector<16xf32>,
      %add3A_454 = arith.constant 1.000000e-16 : f32
      %add3A_455 = vector.broadcast %add3A_454 : f32 to vector<16xf32>
      %add3A_456 = arith.addf %gather3A_453, %add3A_455 : vector<16xf32>
      %div3A_457 = arith.divf %exp3A_452, %add3A_456 : vector<16xf32>
      %swap3A_458 = arith.constant 32 : index
      %swap3A_459 = tpu.vector_load %arg21[%swap3A_458] {strides = array<i32>} : memref<64xf32, #tpu.memory_space<vmem>>, vector<16xf32>,
      tpu.vector_store %arg21[%swap3A_458], %div3A_457 {strides = array<i32>} : memref<64xf32, #tpu.memory_space<vmem>>, vector<16xf32>,
      %swap3A_460 = arith.constant 32 : index
      %swap3A_461 = tpu.vector_load %arg20[%swap3A_460] {strides = array<i32>} : memref<64xi32, #tpu.memory_space<vmem>>, vector<16xi32>,
      tpu.vector_store %arg20[%swap3A_460], %get3A_439 {strides = array<i32>} : memref<64xi32, #tpu.memory_space<vmem>>, vector<16xi32>,
      %get3A_462 = arith.constant 48 : index
      %get3A_463 = tpu.vector_load %arg16[%get3A_462] {strides = array<i32>} : memref<64xi32, #tpu.memory_space<vmem>>, vector<16xi32>,
      %get3A_464 = arith.constant 48 : index
      %get3A_465 = tpu.vector_load %arg14[%get3A_464] {strides = array<i32>} : memref<64xi32, #tpu.memory_space<vmem>>, vector<16xi32>,
      %gather3A_466 = tpu.vector_load_idx %arg8[%get3A_465] : memref<10112xf32, #tpu.memory_space<vmem>>[vector<16xi32>], vector<16xf32>,
      %gather3A_467 = tpu.vector_load_idx %arg9[%get3A_463] : memref<10112xf32, #tpu.memory_space<vmem>>[vector<16xi32>], vector<16xf32>,
      %add3A_468 = arith.addf %gather3A_466, %gather3A_467 : vector<16xf32>
      %ge3A_469 = arith.constant 0.000000e+00 : f32
      %ge3A_470 = vector.broadcast %ge3A_469 : f32 to vector<16xf32>
      %ge3A_471 = arith.cmpf oge, %add3A_468, %ge3A_470 : vector<16xf32>
      %mul3A_472 = arith.constant 2.000000e-01 : f32
      %mul3A_473 = vector.broadcast %mul3A_472 : f32 to vector<16xf32>
      %mul3A_474 = arith.mulf %mul3A_473, %add3A_468 : vector<16xf32>
      %select_n3A_475 = arith.select %ge3A_471, %add3A_468, %mul3A_474 : vector<16xi1>, vector<16xf32>
      %exp3A_476 = math.exp %select_n3A_475 : vector<16xf32>
      %gather3A_477 = tpu.vector_load_idx %arg10[%get3A_463] : memref<10112xf32, #tpu.memory_space<vmem>>[vector<16xi32>], vector<16xf32>,
      %add3A_478 = arith.constant 1.000000e-16 : f32
      %add3A_479 = vector.broadcast %add3A_478 : f32 to vector<16xf32>
      %add3A_480 = arith.addf %gather3A_477, %add3A_479 : vector<16xf32>
      %div3A_481 = arith.divf %exp3A_476, %add3A_480 : vector<16xf32>
      %swap3A_482 = arith.constant 48 : index
      %swap3A_483 = tpu.vector_load %arg21[%swap3A_482] {strides = array<i32>} : memref<64xf32, #tpu.memory_space<vmem>>, vector<16xf32>,
      tpu.vector_store %arg21[%swap3A_482], %div3A_481 {strides = array<i32>} : memref<64xf32, #tpu.memory_space<vmem>>, vector<16xf32>,
      %swap3A_484 = arith.constant 48 : index
      %swap3A_485 = tpu.vector_load %arg20[%swap3A_484] {strides = array<i32>} : memref<64xi32, #tpu.memory_space<vmem>>, vector<16xi32>,
      tpu.vector_store %arg20[%swap3A_484], %get3A_463 {strides = array<i32>} : memref<64xi32, #tpu.memory_space<vmem>>, vector<16xi32>,
      %scan3A_486 = arith.constant 0 : i32
      %scan3A_487 = arith.constant 0 : i32
      %scan3A_488 = arith.constant 16 : i32
      %scan3A_489 = arith.addi %scan3A_487, %scan3A_488 : i32
      %scan3A_490 = arith.constant 1 : i32
      scf.for %scan3A_513 = %scan3A_487 to %scan3A_489 step %scan3A_490  : i32 {
        %mul3A_514 = arith.constant 4 : i32
        %mul3A_515 = arith.muli %mul3A_514, %scan3A_513 : i32
        %add3A_516 = arith.constant 0 : i32
        %add3A_517 = arith.addi %mul3A_515, %add3A_516 : i32
        %broadcast_in_dim3A_518 = vector.broadcast %add3A_517 : i32 to vector<16xi32>
        %gather3A_519 = tpu.vector_load_idx %arg21[%broadcast_in_dim3A_518] : memref<64xf32, #tpu.memory_space<vmem>>[vector<16xi32>], vector<16xf32>,
        %get3A_520 = arith.index_cast %add3A_517 : i32 to index
        %get3A_521 = arith.constant 0 : index
        %get3A_522 = tpu.vector_load %arg12[%get3A_520, %get3A_521] {strides = array<i32>} : memref<64x128xf32, #tpu.memory_space<vmem>>, vector<16xf32>,
        %mul3A_523 = arith.mulf %get3A_522, %gather3A_519 : vector<16xf32>
        %swap3A_524 = arith.index_cast %add3A_517 : i32 to index
        %swap3A_525 = arith.constant 0 : index
        %swap3A_526 = tpu.vector_load %arg12[%swap3A_524, %swap3A_525] {strides = array<i32>} : memref<64x128xf32, #tpu.memory_space<vmem>>, vector<16xf32>,
        tpu.vector_store %arg12[%swap3A_524, %swap3A_525], %mul3A_523 {strides = array<i32>} : memref<64x128xf32, #tpu.memory_space<vmem>>, vector<16xf32>,
        %get3A_527 = arith.index_cast %add3A_517 : i32 to index
        %get3A_528 = arith.constant 16 : index
        %get3A_529 = tpu.vector_load %arg12[%get3A_527, %get3A_528] {strides = array<i32>} : memref<64x128xf32, #tpu.memory_space<vmem>>, vector<16xf32>,
        %mul3A_530 = arith.mulf %get3A_529, %gather3A_519 : vector<16xf32>
        %swap3A_531 = arith.index_cast %add3A_517 : i32 to index
        %swap3A_532 = arith.constant 16 : index
        %swap3A_533 = tpu.vector_load %arg12[%swap3A_531, %swap3A_532] {strides = array<i32>} : memref<64x128xf32, #tpu.memory_space<vmem>>, vector<16xf32>,
        tpu.vector_store %arg12[%swap3A_531, %swap3A_532], %mul3A_530 {strides = array<i32>} : memref<64x128xf32, #tpu.memory_space<vmem>>, vector<16xf32>,
        %get3A_534 = arith.index_cast %add3A_517 : i32 to index
        %get3A_535 = arith.constant 32 : index
        %get3A_536 = tpu.vector_load %arg12[%get3A_534, %get3A_535] {strides = array<i32>} : memref<64x128xf32, #tpu.memory_space<vmem>>, vector<16xf32>,
        %mul3A_537 = arith.mulf %get3A_536, %gather3A_519 : vector<16xf32>
        %swap3A_538 = arith.index_cast %add3A_517 : i32 to index
        %swap3A_539 = arith.constant 32 : index
        %swap3A_540 = tpu.vector_load %arg12[%swap3A_538, %swap3A_539] {strides = array<i32>} : memref<64x128xf32, #tpu.memory_space<vmem>>, vector<16xf32>,
        tpu.vector_store %arg12[%swap3A_538, %swap3A_539], %mul3A_537 {strides = array<i32>} : memref<64x128xf32, #tpu.memory_space<vmem>>, vector<16xf32>,
        %get3A_541 = arith.index_cast %add3A_517 : i32 to index
        %get3A_542 = arith.constant 48 : index
        %get3A_543 = tpu.vector_load %arg12[%get3A_541, %get3A_542] {strides = array<i32>} : memref<64x128xf32, #tpu.memory_space<vmem>>, vector<16xf32>,
        %mul3A_544 = arith.mulf %get3A_543, %gather3A_519 : vector<16xf32>
        %swap3A_545 = arith.index_cast %add3A_517 : i32 to index
        %swap3A_546 = arith.constant 48 : index
        %swap3A_547 = tpu.vector_load %arg12[%swap3A_545, %swap3A_546] {strides = array<i32>} : memref<64x128xf32, #tpu.memory_space<vmem>>, vector<16xf32>,
        tpu.vector_store %arg12[%swap3A_545, %swap3A_546], %mul3A_544 {strides = array<i32>} : memref<64x128xf32, #tpu.memory_space<vmem>>, vector<16xf32>,
        %get3A_548 = arith.index_cast %add3A_517 : i32 to index
        %get3A_549 = arith.constant 64 : index
        %get3A_550 = tpu.vector_load %arg12[%get3A_548, %get3A_549] {strides = array<i32>} : memref<64x128xf32, #tpu.memory_space<vmem>>, vector<16xf32>,
        %mul3A_551 = arith.mulf %get3A_550, %gather3A_519 : vector<16xf32>
        %swap3A_552 = arith.index_cast %add3A_517 : i32 to index
        %swap3A_553 = arith.constant 64 : index
        %swap3A_554 = tpu.vector_load %arg12[%swap3A_552, %swap3A_553] {strides = array<i32>} : memref<64x128xf32, #tpu.memory_space<vmem>>, vector<16xf32>,
        tpu.vector_store %arg12[%swap3A_552, %swap3A_553], %mul3A_551 {strides = array<i32>} : memref<64x128xf32, #tpu.memory_space<vmem>>, vector<16xf32>,
        %get3A_555 = arith.index_cast %add3A_517 : i32 to index
        %get3A_556 = arith.constant 80 : index
        %get3A_557 = tpu.vector_load %arg12[%get3A_555, %get3A_556] {strides = array<i32>} : memref<64x128xf32, #tpu.memory_space<vmem>>, vector<16xf32>,
        %mul3A_558 = arith.mulf %get3A_557, %gather3A_519 : vector<16xf32>
        %swap3A_559 = arith.index_cast %add3A_517 : i32 to index
        %swap3A_560 = arith.constant 80 : index
        %swap3A_561 = tpu.vector_load %arg12[%swap3A_559, %swap3A_560] {strides = array<i32>} : memref<64x128xf32, #tpu.memory_space<vmem>>, vector<16xf32>,
        tpu.vector_store %arg12[%swap3A_559, %swap3A_560], %mul3A_558 {strides = array<i32>} : memref<64x128xf32, #tpu.memory_space<vmem>>, vector<16xf32>,
        %get3A_562 = arith.index_cast %add3A_517 : i32 to index
        %get3A_563 = arith.constant 96 : index
        %get3A_564 = tpu.vector_load %arg12[%get3A_562, %get3A_563] {strides = array<i32>} : memref<64x128xf32, #tpu.memory_space<vmem>>, vector<16xf32>,
        %mul3A_565 = arith.mulf %get3A_564, %gather3A_519 : vector<16xf32>
        %swap3A_566 = arith.index_cast %add3A_517 : i32 to index
        %swap3A_567 = arith.constant 96 : index
        %swap3A_568 = tpu.vector_load %arg12[%swap3A_566, %swap3A_567] {strides = array<i32>} : memref<64x128xf32, #tpu.memory_space<vmem>>, vector<16xf32>,
        tpu.vector_store %arg12[%swap3A_566, %swap3A_567], %mul3A_565 {strides = array<i32>} : memref<64x128xf32, #tpu.memory_space<vmem>>, vector<16xf32>,
        %get3A_569 = arith.index_cast %add3A_517 : i32 to index
        %get3A_570 = arith.constant 112 : index
        %get3A_571 = tpu.vector_load %arg12[%get3A_569, %get3A_570] {strides = array<i32>} : memref<64x128xf32, #tpu.memory_space<vmem>>, vector<16xf32>,
        %mul3A_572 = arith.mulf %get3A_571, %gather3A_519 : vector<16xf32>
        %swap3A_573 = arith.index_cast %add3A_517 : i32 to index
        %swap3A_574 = arith.constant 112 : index
        %swap3A_575 = tpu.vector_load %arg12[%swap3A_573, %swap3A_574] {strides = array<i32>} : memref<64x128xf32, #tpu.memory_space<vmem>>, vector<16xf32>,
        tpu.vector_store %arg12[%swap3A_573, %swap3A_574], %mul3A_572 {strides = array<i32>} : memref<64x128xf32, #tpu.memory_space<vmem>>, vector<16xf32>,
        %mul3A_576 = arith.constant 4 : i32
        %mul3A_577 = arith.muli %mul3A_576, %scan3A_513 : i32
        %add3A_578 = arith.constant 1 : i32
        %add3A_579 = arith.addi %mul3A_577, %add3A_578 : i32
        %broadcast_in_dim3A_580 = vector.broadcast %add3A_579 : i32 to vector<16xi32>
        %gather3A_581 = tpu.vector_load_idx %arg21[%broadcast_in_dim3A_580] : memref<64xf32, #tpu.memory_space<vmem>>[vector<16xi32>], vector<16xf32>,
        %get3A_582 = arith.index_cast %add3A_579 : i32 to index
        %get3A_583 = arith.constant 0 : index
        %get3A_584 = tpu.vector_load %arg12[%get3A_582, %get3A_583] {strides = array<i32>} : memref<64x128xf32, #tpu.memory_space<vmem>>, vector<16xf32>,
        %mul3A_585 = arith.mulf %get3A_584, %gather3A_581 : vector<16xf32>
        %swap3A_586 = arith.index_cast %add3A_579 : i32 to index
        %swap3A_587 = arith.constant 0 : index
        %swap3A_588 = tpu.vector_load %arg12[%swap3A_586, %swap3A_587] {strides = array<i32>} : memref<64x128xf32, #tpu.memory_space<vmem>>, vector<16xf32>,
        tpu.vector_store %arg12[%swap3A_586, %swap3A_587], %mul3A_585 {strides = array<i32>} : memref<64x128xf32, #tpu.memory_space<vmem>>, vector<16xf32>,
        %get3A_589 = arith.index_cast %add3A_579 : i32 to index
        %get3A_590 = arith.constant 16 : index
        %get3A_591 = tpu.vector_load %arg12[%get3A_589, %get3A_590] {strides = array<i32>} : memref<64x128xf32, #tpu.memory_space<vmem>>, vector<16xf32>,
        %mul3A_592 = arith.mulf %get3A_591, %gather3A_581 : vector<16xf32>
        %swap3A_593 = arith.index_cast %add3A_579 : i32 to index
        %swap3A_594 = arith.constant 16 : index
        %swap3A_595 = tpu.vector_load %arg12[%swap3A_593, %swap3A_594] {strides = array<i32>} : memref<64x128xf32, #tpu.memory_space<vmem>>, vector<16xf32>,
        tpu.vector_store %arg12[%swap3A_593, %swap3A_594], %mul3A_592 {strides = array<i32>} : memref<64x128xf32, #tpu.memory_space<vmem>>, vector<16xf32>,
        %get3A_596 = arith.index_cast %add3A_579 : i32 to index
        %get3A_597 = arith.constant 32 : index
        %get3A_598 = tpu.vector_load %arg12[%get3A_596, %get3A_597] {strides = array<i32>} : memref<64x128xf32, #tpu.memory_space<vmem>>, vector<16xf32>,
        %mul3A_599 = arith.mulf %get3A_598, %gather3A_581 : vector<16xf32>
        %swap3A_600 = arith.index_cast %add3A_579 : i32 to index
        %swap3A_601 = arith.constant 32 : index
        %swap3A_602 = tpu.vector_load %arg12[%swap3A_600, %swap3A_601] {strides = array<i32>} : memref<64x128xf32, #tpu.memory_space<vmem>>, vector<16xf32>,
        tpu.vector_store %arg12[%swap3A_600, %swap3A_601], %mul3A_599 {strides = array<i32>} : memref<64x128xf32, #tpu.memory_space<vmem>>, vector<16xf32>,
        %get3A_603 = arith.index_cast %add3A_579 : i32 to index
        %get3A_604 = arith.constant 48 : index
        %get3A_605 = tpu.vector_load %arg12[%get3A_603, %get3A_604] {strides = array<i32>} : memref<64x128xf32, #tpu.memory_space<vmem>>, vector<16xf32>,
        %mul3A_606 = arith.mulf %get3A_605, %gather3A_581 : vector<16xf32>
        %swap3A_607 = arith.index_cast %add3A_579 : i32 to index
        %swap3A_608 = arith.constant 48 : index
        %swap3A_609 = tpu.vector_load %arg12[%swap3A_607, %swap3A_608] {strides = array<i32>} : memref<64x128xf32, #tpu.memory_space<vmem>>, vector<16xf32>,
        tpu.vector_store %arg12[%swap3A_607, %swap3A_608], %mul3A_606 {strides = array<i32>} : memref<64x128xf32, #tpu.memory_space<vmem>>, vector<16xf32>,
        %get3A_610 = arith.index_cast %add3A_579 : i32 to index
        %get3A_611 = arith.constant 64 : index
        %get3A_612 = tpu.vector_load %arg12[%get3A_610, %get3A_611] {strides = array<i32>} : memref<64x128xf32, #tpu.memory_space<vmem>>, vector<16xf32>,
        %mul3A_613 = arith.mulf %get3A_612, %gather3A_581 : vector<16xf32>
        %swap3A_614 = arith.index_cast %add3A_579 : i32 to index
        %swap3A_615 = arith.constant 64 : index
        %swap3A_616 = tpu.vector_load %arg12[%swap3A_614, %swap3A_615] {strides = array<i32>} : memref<64x128xf32, #tpu.memory_space<vmem>>, vector<16xf32>,
        tpu.vector_store %arg12[%swap3A_614, %swap3A_615], %mul3A_613 {strides = array<i32>} : memref<64x128xf32, #tpu.memory_space<vmem>>, vector<16xf32>,
        %get3A_617 = arith.index_cast %add3A_579 : i32 to index
        %get3A_618 = arith.constant 80 : index
        %get3A_619 = tpu.vector_load %arg12[%get3A_617, %get3A_618] {strides = array<i32>} : memref<64x128xf32, #tpu.memory_space<vmem>>, vector<16xf32>,
        %mul3A_620 = arith.mulf %get3A_619, %gather3A_581 : vector<16xf32>
        %swap3A_621 = arith.index_cast %add3A_579 : i32 to index
        %swap3A_622 = arith.constant 80 : index
        %swap3A_623 = tpu.vector_load %arg12[%swap3A_621, %swap3A_622] {strides = array<i32>} : memref<64x128xf32, #tpu.memory_space<vmem>>, vector<16xf32>,
        tpu.vector_store %arg12[%swap3A_621, %swap3A_622], %mul3A_620 {strides = array<i32>} : memref<64x128xf32, #tpu.memory_space<vmem>>, vector<16xf32>,
        %get3A_624 = arith.index_cast %add3A_579 : i32 to index
        %get3A_625 = arith.constant 96 : index
        %get3A_626 = tpu.vector_load %arg12[%get3A_624, %get3A_625] {strides = array<i32>} : memref<64x128xf32, #tpu.memory_space<vmem>>, vector<16xf32>,
        %mul3A_627 = arith.mulf %get3A_626, %gather3A_581 : vector<16xf32>
        %swap3A_628 = arith.index_cast %add3A_579 : i32 to index
        %swap3A_629 = arith.constant 96 : index
        %swap3A_630 = tpu.vector_load %arg12[%swap3A_628, %swap3A_629] {strides = array<i32>} : memref<64x128xf32, #tpu.memory_space<vmem>>, vector<16xf32>,
        tpu.vector_store %arg12[%swap3A_628, %swap3A_629], %mul3A_627 {strides = array<i32>} : memref<64x128xf32, #tpu.memory_space<vmem>>, vector<16xf32>,
        %get3A_631 = arith.index_cast %add3A_579 : i32 to index
        %get3A_632 = arith.constant 112 : index
        %get3A_633 = tpu.vector_load %arg12[%get3A_631, %get3A_632] {strides = array<i32>} : memref<64x128xf32, #tpu.memory_space<vmem>>, vector<16xf32>,
        %mul3A_634 = arith.mulf %get3A_633, %gather3A_581 : vector<16xf32>
        %swap3A_635 = arith.index_cast %add3A_579 : i32 to index
        %swap3A_636 = arith.constant 112 : index
        %swap3A_637 = tpu.vector_load %arg12[%swap3A_635, %swap3A_636] {strides = array<i32>} : memref<64x128xf32, #tpu.memory_space<vmem>>, vector<16xf32>,
        tpu.vector_store %arg12[%swap3A_635, %swap3A_636], %mul3A_634 {strides = array<i32>} : memref<64x128xf32, #tpu.memory_space<vmem>>, vector<16xf32>,
        %mul3A_638 = arith.constant 4 : i32
        %mul3A_639 = arith.muli %mul3A_638, %scan3A_513 : i32
        %add3A_640 = arith.constant 2 : i32
        %add3A_641 = arith.addi %mul3A_639, %add3A_640 : i32
        %broadcast_in_dim3A_642 = vector.broadcast %add3A_641 : i32 to vector<16xi32>
        %gather3A_643 = tpu.vector_load_idx %arg21[%broadcast_in_dim3A_642] : memref<64xf32, #tpu.memory_space<vmem>>[vector<16xi32>], vector<16xf32>,
        %get3A_644 = arith.index_cast %add3A_641 : i32 to index
        %get3A_645 = arith.constant 0 : index
        %get3A_646 = tpu.vector_load %arg12[%get3A_644, %get3A_645] {strides = array<i32>} : memref<64x128xf32, #tpu.memory_space<vmem>>, vector<16xf32>,
        %mul3A_647 = arith.mulf %get3A_646, %gather3A_643 : vector<16xf32>
        %swap3A_648 = arith.index_cast %add3A_641 : i32 to index
        %swap3A_649 = arith.constant 0 : index
        %swap3A_650 = tpu.vector_load %arg12[%swap3A_648, %swap3A_649] {strides = array<i32>} : memref<64x128xf32, #tpu.memory_space<vmem>>, vector<16xf32>,
        tpu.vector_store %arg12[%swap3A_648, %swap3A_649], %mul3A_647 {strides = array<i32>} : memref<64x128xf32, #tpu.memory_space<vmem>>, vector<16xf32>,
        %get3A_651 = arith.index_cast %add3A_641 : i32 to index
        %get3A_652 = arith.constant 16 : index
        %get3A_653 = tpu.vector_load %arg12[%get3A_651, %get3A_652] {strides = array<i32>} : memref<64x128xf32, #tpu.memory_space<vmem>>, vector<16xf32>,
        %mul3A_654 = arith.mulf %get3A_653, %gather3A_643 : vector<16xf32>
        %swap3A_655 = arith.index_cast %add3A_641 : i32 to index
        %swap3A_656 = arith.constant 16 : index
        %swap3A_657 = tpu.vector_load %arg12[%swap3A_655, %swap3A_656] {strides = array<i32>} : memref<64x128xf32, #tpu.memory_space<vmem>>, vector<16xf32>,
        tpu.vector_store %arg12[%swap3A_655, %swap3A_656], %mul3A_654 {strides = array<i32>} : memref<64x128xf32, #tpu.memory_space<vmem>>, vector<16xf32>,
        %get3A_658 = arith.index_cast %add3A_641 : i32 to index
        %get3A_659 = arith.constant 32 : index
        %get3A_660 = tpu.vector_load %arg12[%get3A_658, %get3A_659] {strides = array<i32>} : memref<64x128xf32, #tpu.memory_space<vmem>>, vector<16xf32>,
        %mul3A_661 = arith.mulf %get3A_660, %gather3A_643 : vector<16xf32>
        %swap3A_662 = arith.index_cast %add3A_641 : i32 to index
        %swap3A_663 = arith.constant 32 : index
        %swap3A_664 = tpu.vector_load %arg12[%swap3A_662, %swap3A_663] {strides = array<i32>} : memref<64x128xf32, #tpu.memory_space<vmem>>, vector<16xf32>,
        tpu.vector_store %arg12[%swap3A_662, %swap3A_663], %mul3A_661 {strides = array<i32>} : memref<64x128xf32, #tpu.memory_space<vmem>>, vector<16xf32>,
        %get3A_665 = arith.index_cast %add3A_641 : i32 to index
        %get3A_666 = arith.constant 48 : index
        %get3A_667 = tpu.vector_load %arg12[%get3A_665, %get3A_666] {strides = array<i32>} : memref<64x128xf32, #tpu.memory_space<vmem>>, vector<16xf32>,
        %mul3A_668 = arith.mulf %get3A_667, %gather3A_643 : vector<16xf32>
        %swap3A_669 = arith.index_cast %add3A_641 : i32 to index
        %swap3A_670 = arith.constant 48 : index
        %swap3A_671 = tpu.vector_load %arg12[%swap3A_669, %swap3A_670] {strides = array<i32>} : memref<64x128xf32, #tpu.memory_space<vmem>>, vector<16xf32>,
        tpu.vector_store %arg12[%swap3A_669, %swap3A_670], %mul3A_668 {strides = array<i32>} : memref<64x128xf32, #tpu.memory_space<vmem>>, vector<16xf32>,
        %get3A_672 = arith.index_cast %add3A_641 : i32 to index
        %get3A_673 = arith.constant 64 : index
        %get3A_674 = tpu.vector_load %arg12[%get3A_672, %get3A_673] {strides = array<i32>} : memref<64x128xf32, #tpu.memory_space<vmem>>, vector<16xf32>,
        %mul3A_675 = arith.mulf %get3A_674, %gather3A_643 : vector<16xf32>
        %swap3A_676 = arith.index_cast %add3A_641 : i32 to index
        %swap3A_677 = arith.constant 64 : index
        %swap3A_678 = tpu.vector_load %arg12[%swap3A_676, %swap3A_677] {strides = array<i32>} : memref<64x128xf32, #tpu.memory_space<vmem>>, vector<16xf32>,
        tpu.vector_store %arg12[%swap3A_676, %swap3A_677], %mul3A_675 {strides = array<i32>} : memref<64x128xf32, #tpu.memory_space<vmem>>, vector<16xf32>,
        %get3A_679 = arith.index_cast %add3A_641 : i32 to index
        %get3A_680 = arith.constant 80 : index
        %get3A_681 = tpu.vector_load %arg12[%get3A_679, %get3A_680] {strides = array<i32>} : memref<64x128xf32, #tpu.memory_space<vmem>>, vector<16xf32>,
        %mul3A_682 = arith.mulf %get3A_681, %gather3A_643 : vector<16xf32>
        %swap3A_683 = arith.index_cast %add3A_641 : i32 to index
        %swap3A_684 = arith.constant 80 : index
        %swap3A_685 = tpu.vector_load %arg12[%swap3A_683, %swap3A_684] {strides = array<i32>} : memref<64x128xf32, #tpu.memory_space<vmem>>, vector<16xf32>,
        tpu.vector_store %arg12[%swap3A_683, %swap3A_684], %mul3A_682 {strides = array<i32>} : memref<64x128xf32, #tpu.memory_space<vmem>>, vector<16xf32>,
        %get3A_686 = arith.index_cast %add3A_641 : i32 to index
        %get3A_687 = arith.constant 96 : index
        %get3A_688 = tpu.vector_load %arg12[%get3A_686, %get3A_687] {strides = array<i32>} : memref<64x128xf32, #tpu.memory_space<vmem>>, vector<16xf32>,
        %mul3A_689 = arith.mulf %get3A_688, %gather3A_643 : vector<16xf32>
        %swap3A_690 = arith.index_cast %add3A_641 : i32 to index
        %swap3A_691 = arith.constant 96 : index
        %swap3A_692 = tpu.vector_load %arg12[%swap3A_690, %swap3A_691] {strides = array<i32>} : memref<64x128xf32, #tpu.memory_space<vmem>>, vector<16xf32>,
        tpu.vector_store %arg12[%swap3A_690, %swap3A_691], %mul3A_689 {strides = array<i32>} : memref<64x128xf32, #tpu.memory_space<vmem>>, vector<16xf32>,
        %get3A_693 = arith.index_cast %add3A_641 : i32 to index
        %get3A_694 = arith.constant 112 : index
        %get3A_695 = tpu.vector_load %arg12[%get3A_693, %get3A_694] {strides = array<i32>} : memref<64x128xf32, #tpu.memory_space<vmem>>, vector<16xf32>,
        %mul3A_696 = arith.mulf %get3A_695, %gather3A_643 : vector<16xf32>
        %swap3A_697 = arith.index_cast %add3A_641 : i32 to index
        %swap3A_698 = arith.constant 112 : index
        %swap3A_699 = tpu.vector_load %arg12[%swap3A_697, %swap3A_698] {strides = array<i32>} : memref<64x128xf32, #tpu.memory_space<vmem>>, vector<16xf32>,
        tpu.vector_store %arg12[%swap3A_697, %swap3A_698], %mul3A_696 {strides = array<i32>} : memref<64x128xf32, #tpu.memory_space<vmem>>, vector<16xf32>,
        %mul3A_700 = arith.constant 4 : i32
        %mul3A_701 = arith.muli %mul3A_700, %scan3A_513 : i32
        %add3A_702 = arith.constant 3 : i32
        %add3A_703 = arith.addi %mul3A_701, %add3A_702 : i32
        %broadcast_in_dim3A_704 = vector.broadcast %add3A_703 : i32 to vector<16xi32>
        %gather3A_705 = tpu.vector_load_idx %arg21[%broadcast_in_dim3A_704] : memref<64xf32, #tpu.memory_space<vmem>>[vector<16xi32>], vector<16xf32>,
        %get3A_706 = arith.index_cast %add3A_703 : i32 to index
        %get3A_707 = arith.constant 0 : index
        %get3A_708 = tpu.vector_load %arg12[%get3A_706, %get3A_707] {strides = array<i32>} : memref<64x128xf32, #tpu.memory_space<vmem>>, vector<16xf32>,
        %mul3A_709 = arith.mulf %get3A_708, %gather3A_705 : vector<16xf32>
        %swap3A_710 = arith.index_cast %add3A_703 : i32 to index
        %swap3A_711 = arith.constant 0 : index
        %swap3A_712 = tpu.vector_load %arg12[%swap3A_710, %swap3A_711] {strides = array<i32>} : memref<64x128xf32, #tpu.memory_space<vmem>>, vector<16xf32>,
        tpu.vector_store %arg12[%swap3A_710, %swap3A_711], %mul3A_709 {strides = array<i32>} : memref<64x128xf32, #tpu.memory_space<vmem>>, vector<16xf32>,
        %get3A_713 = arith.index_cast %add3A_703 : i32 to index
        %get3A_714 = arith.constant 16 : index
        %get3A_715 = tpu.vector_load %arg12[%get3A_713, %get3A_714] {strides = array<i32>} : memref<64x128xf32, #tpu.memory_space<vmem>>, vector<16xf32>,
        %mul3A_716 = arith.mulf %get3A_715, %gather3A_705 : vector<16xf32>
        %swap3A_717 = arith.index_cast %add3A_703 : i32 to index
        %swap3A_718 = arith.constant 16 : index
        %swap3A_719 = tpu.vector_load %arg12[%swap3A_717, %swap3A_718] {strides = array<i32>} : memref<64x128xf32, #tpu.memory_space<vmem>>, vector<16xf32>,
        tpu.vector_store %arg12[%swap3A_717, %swap3A_718], %mul3A_716 {strides = array<i32>} : memref<64x128xf32, #tpu.memory_space<vmem>>, vector<16xf32>,
        %get3A_720 = arith.index_cast %add3A_703 : i32 to index
        %get3A_721 = arith.constant 32 : index
        %get3A_722 = tpu.vector_load %arg12[%get3A_720, %get3A_721] {strides = array<i32>} : memref<64x128xf32, #tpu.memory_space<vmem>>, vector<16xf32>,
        %mul3A_723 = arith.mulf %get3A_722, %gather3A_705 : vector<16xf32>
        %swap3A_724 = arith.index_cast %add3A_703 : i32 to index
        %swap3A_725 = arith.constant 32 : index
        %swap3A_726 = tpu.vector_load %arg12[%swap3A_724, %swap3A_725] {strides = array<i32>} : memref<64x128xf32, #tpu.memory_space<vmem>>, vector<16xf32>,
        tpu.vector_store %arg12[%swap3A_724, %swap3A_725], %mul3A_723 {strides = array<i32>} : memref<64x128xf32, #tpu.memory_space<vmem>>, vector<16xf32>,
        %get3A_727 = arith.index_cast %add3A_703 : i32 to index
        %get3A_728 = arith.constant 48 : index
        %get3A_729 = tpu.vector_load %arg12[%get3A_727, %get3A_728] {strides = array<i32>} : memref<64x128xf32, #tpu.memory_space<vmem>>, vector<16xf32>,
        %mul3A_730 = arith.mulf %get3A_729, %gather3A_705 : vector<16xf32>
        %swap3A_731 = arith.index_cast %add3A_703 : i32 to index
        %swap3A_732 = arith.constant 48 : index
        %swap3A_733 = tpu.vector_load %arg12[%swap3A_731, %swap3A_732] {strides = array<i32>} : memref<64x128xf32, #tpu.memory_space<vmem>>, vector<16xf32>,
        tpu.vector_store %arg12[%swap3A_731, %swap3A_732], %mul3A_730 {strides = array<i32>} : memref<64x128xf32, #tpu.memory_space<vmem>>, vector<16xf32>,
        %get3A_734 = arith.index_cast %add3A_703 : i32 to index
        %get3A_735 = arith.constant 64 : index
        %get3A_736 = tpu.vector_load %arg12[%get3A_734, %get3A_735] {strides = array<i32>} : memref<64x128xf32, #tpu.memory_space<vmem>>, vector<16xf32>,
        %mul3A_737 = arith.mulf %get3A_736, %gather3A_705 : vector<16xf32>
        %swap3A_738 = arith.index_cast %add3A_703 : i32 to index
        %swap3A_739 = arith.constant 64 : index
        %swap3A_740 = tpu.vector_load %arg12[%swap3A_738, %swap3A_739] {strides = array<i32>} : memref<64x128xf32, #tpu.memory_space<vmem>>, vector<16xf32>,
        tpu.vector_store %arg12[%swap3A_738, %swap3A_739], %mul3A_737 {strides = array<i32>} : memref<64x128xf32, #tpu.memory_space<vmem>>, vector<16xf32>,
        %get3A_741 = arith.index_cast %add3A_703 : i32 to index
        %get3A_742 = arith.constant 80 : index
        %get3A_743 = tpu.vector_load %arg12[%get3A_741, %get3A_742] {strides = array<i32>} : memref<64x128xf32, #tpu.memory_space<vmem>>, vector<16xf32>,
        %mul3A_744 = arith.mulf %get3A_743, %gather3A_705 : vector<16xf32>
        %swap3A_745 = arith.index_cast %add3A_703 : i32 to index
        %swap3A_746 = arith.constant 80 : index
        %swap3A_747 = tpu.vector_load %arg12[%swap3A_745, %swap3A_746] {strides = array<i32>} : memref<64x128xf32, #tpu.memory_space<vmem>>, vector<16xf32>,
        tpu.vector_store %arg12[%swap3A_745, %swap3A_746], %mul3A_744 {strides = array<i32>} : memref<64x128xf32, #tpu.memory_space<vmem>>, vector<16xf32>,
        %get3A_748 = arith.index_cast %add3A_703 : i32 to index
        %get3A_749 = arith.constant 96 : index
        %get3A_750 = tpu.vector_load %arg12[%get3A_748, %get3A_749] {strides = array<i32>} : memref<64x128xf32, #tpu.memory_space<vmem>>, vector<16xf32>,
        %mul3A_751 = arith.mulf %get3A_750, %gather3A_705 : vector<16xf32>
        %swap3A_752 = arith.index_cast %add3A_703 : i32 to index
        %swap3A_753 = arith.constant 96 : index
        %swap3A_754 = tpu.vector_load %arg12[%swap3A_752, %swap3A_753] {strides = array<i32>} : memref<64x128xf32, #tpu.memory_space<vmem>>, vector<16xf32>,
        tpu.vector_store %arg12[%swap3A_752, %swap3A_753], %mul3A_751 {strides = array<i32>} : memref<64x128xf32, #tpu.memory_space<vmem>>, vector<16xf32>,
        %get3A_755 = arith.index_cast %add3A_703 : i32 to index
        %get3A_756 = arith.constant 112 : index
        %get3A_757 = tpu.vector_load %arg12[%get3A_755, %get3A_756] {strides = array<i32>} : memref<64x128xf32, #tpu.memory_space<vmem>>, vector<16xf32>,
        %mul3A_758 = arith.mulf %get3A_757, %gather3A_705 : vector<16xf32>
        %swap3A_759 = arith.index_cast %add3A_703 : i32 to index
        %swap3A_760 = arith.constant 112 : index
        %swap3A_761 = tpu.vector_load %arg12[%swap3A_759, %swap3A_760] {strides = array<i32>} : memref<64x128xf32, #tpu.memory_space<vmem>>, vector<16xf32>,
        tpu.vector_store %arg12[%swap3A_759, %swap3A_760], %mul3A_758 {strides = array<i32>} : memref<64x128xf32, #tpu.memory_space<vmem>>, vector<16xf32>,
      }
      %scan3A_491 = arith.constant 16 : i32
      %dma_start3A_492 = arith.constant 0 : i32
      %dma_start3A_493 = arith.constant 0 : i32
      %dma_start3A_494 = tpu.memref_slice %arg29[%dma_start3A_492, %dma_start3A_493] : memref<10112x128xf32, #tpu.memory_space<vmem_shared>> -> memref<10112x128xf32, #tpu.memory_space<vmem_shared>>
      tpu.enqueue_indirect_dma source(%arg12 : memref<64x128xf32, #tpu.memory_space<vmem>>) target(%dma_start3A_494 : memref<10112x128xf32, #tpu.memory_space<vmem_shared>>) offsets(%arg20 : memref<64xi32, #tpu.memory_space<vmem>>) semaphore(%arg27 : memref<!tpu.dma_semaphore, #tpu.memory_space<semaphore_mem>>) {add = true}
      %add3A_495 = arith.constant 2 : i32
      %add3A_496 = arith.addi %add3A_360, %add3A_495 : i32
      %sub3A_497 = arith.constant 1 : i32
      %sub3A_498 = arith.subi %select_n3A, %sub3A_497 : i32
      %min3A_499 = arith.minsi %add3A_496, %sub3A_498 : i32
      %add3A_500 = arith.addi %add3A_96, %min3A_499 : i32
      %dma_start3A_501 = arith.constant 0 : i32
      %dma_start3A_502 = tpu.memref_slice %arg5[%add3A_500, %dma_start3A_501] : memref<5120x64xi32, #tpu.memory_space<hbm>> -> memref<1x64xi32, #tpu.memory_space<hbm>>
      %dma_start3A_503 = tpu.memref_squeeze %dma_start3A_502 : memref<1x64xi32, #tpu.memory_space<hbm>> -> memref<64xi32, #tpu.memory_space<hbm>>
      %dma_start3A_504 = arith.constant 0 : i32
      %dma_start3A_505 = tpu.memref_slice %arg5[%add3A_500, %dma_start3A_504] : memref<5120x64xi32, #tpu.memory_space<hbm>> -> memref<1x64xi32, #tpu.memory_space<hbm>>
      %dma_start3A_506 = tpu.memref_squeeze %dma_start3A_505 : memref<1x64xi32, #tpu.memory_space<hbm>> -> memref<64xi32, #tpu.memory_space<hbm>>
      tpu.enqueue_dma source(%dma_start3A_506 : memref<64xi32, #tpu.memory_space<hbm>>) target(%arg14 : memref<64xi32, #tpu.memory_space<vmem>>) target_semaphore(%arg23 : memref<!tpu.dma_semaphore, #tpu.memory_space<semaphore_mem>>)
      %dma_start3A_507 = arith.constant 0 : i32
      %dma_start3A_508 = tpu.memref_slice %arg6[%add3A_500, %dma_start3A_507] : memref<5120x64xi32, #tpu.memory_space<hbm>> -> memref<1x64xi32, #tpu.memory_space<hbm>>
      %dma_start3A_509 = tpu.memref_squeeze %dma_start3A_508 : memref<1x64xi32, #tpu.memory_space<hbm>> -> memref<64xi32, #tpu.memory_space<hbm>>
      %dma_start3A_510 = arith.constant 0 : i32
      %dma_start3A_511 = tpu.memref_slice %arg6[%add3A_500, %dma_start3A_510] : memref<5120x64xi32, #tpu.memory_space<hbm>> -> memref<1x64xi32, #tpu.memory_space<hbm>>
      %dma_start3A_512 = tpu.memref_squeeze %dma_start3A_511 : memref<1x64xi32, #tpu.memory_space<hbm>> -> memref<64xi32, #tpu.memory_space<hbm>>
      tpu.enqueue_dma source(%dma_start3A_512 : memref<64xi32, #tpu.memory_space<hbm>>) target(%arg16 : memref<64xi32, #tpu.memory_space<vmem>>) target_semaphore(%arg23 : memref<!tpu.dma_semaphore, #tpu.memory_space<semaphore_mem>>)
    }
    %dma_wait3A_174 = arith.constant 0 : i32
    %dma_wait3A_175 = arith.constant 0 : i32
    %dma_wait3A_176 = tpu.memref_slice %arg5[%dma_wait3A_174, %dma_wait3A_175] : memref<5120x64xi32, #tpu.memory_space<hbm>> -> memref<1x64xi32, #tpu.memory_space<hbm>>
    %dma_wait3A_177 = tpu.memref_squeeze %dma_wait3A_176 : memref<1x64xi32, #tpu.memory_space<hbm>> -> memref<64xi32, #tpu.memory_space<hbm>>
    %dma_wait3A_178 = arith.constant 0 : i32
    %dma_wait3A_179 = tpu.memref_slice %arg5[%dma_wait3A_174, %dma_wait3A_178] : memref<5120x64xi32, #tpu.memory_space<hbm>> -> memref<1x64xi32, #tpu.memory_space<hbm>>
    %dma_wait3A_180 = tpu.memref_squeeze %dma_wait3A_179 : memref<1x64xi32, #tpu.memory_space<hbm>> -> memref<64xi32, #tpu.memory_space<hbm>>
    tpu.wait_dma2 semaphore(%arg23 : memref<!tpu.dma_semaphore, #tpu.memory_space<semaphore_mem>>) src(%dma_wait3A_180 : memref<64xi32, #tpu.memory_space<hbm>>) dst(%arg14 : memref<64xi32, #tpu.memory_space<vmem>>)
    %dma_wait3A_181 = arith.constant 0 : i32
    %dma_wait3A_182 = arith.constant 0 : i32
    %dma_wait3A_183 = tpu.memref_slice %arg6[%dma_wait3A_181, %dma_wait3A_182] : memref<5120x64xi32, #tpu.memory_space<hbm>> -> memref<1x64xi32, #tpu.memory_space<hbm>>
    %dma_wait3A_184 = tpu.memref_squeeze %dma_wait3A_183 : memref<1x64xi32, #tpu.memory_space<hbm>> -> memref<64xi32, #tpu.memory_space<hbm>>
    %dma_wait3A_185 = arith.constant 0 : i32
    %dma_wait3A_186 = tpu.memref_slice %arg6[%dma_wait3A_181, %dma_wait3A_185] : memref<5120x64xi32, #tpu.memory_space<hbm>> -> memref<1x64xi32, #tpu.memory_space<hbm>>
    %dma_wait3A_187 = tpu.memref_squeeze %dma_wait3A_186 : memref<1x64xi32, #tpu.memory_space<hbm>> -> memref<64xi32, #tpu.memory_space<hbm>>
    tpu.wait_dma2 semaphore(%arg23 : memref<!tpu.dma_semaphore, #tpu.memory_space<semaphore_mem>>) src(%dma_wait3A_187 : memref<64xi32, #tpu.memory_space<hbm>>) dst(%arg16 : memref<64xi32, #tpu.memory_space<vmem>>)
    %dma_wait3A_188 = arith.constant 0 : i32
    %dma_wait3A_189 = arith.constant 0 : i32
    %dma_wait3A_190 = tpu.memref_slice %arg2[%dma_wait3A_188, %dma_wait3A_189] : memref<10000x128xf32, #tpu.memory_space<hbm>> -> memref<64x128xf32, #tpu.memory_space<hbm>>
    %dma_wait3A_191 = arith.constant 0 : i32
    %dma_wait3A_192 = arith.constant 0 : i32
    %dma_wait3A_193 = tpu.memref_slice %arg2[%dma_wait3A_191, %dma_wait3A_192] : memref<10000x128xf32, #tpu.memory_space<hbm>> -> memref<64x128xf32, #tpu.memory_space<hbm>>
    tpu.wait_dma2 semaphore(%arg24 : memref<!tpu.dma_semaphore, #tpu.memory_space<semaphore_mem>>) src(%dma_wait3A_193 : memref<64x128xf32, #tpu.memory_space<hbm>>) dst(%arg11 : memref<64x128xf32, #tpu.memory_space<vmem>>)
    %dma_wait3A_194 = arith.constant 0 : i32
    %dma_wait3A_195 = arith.constant 0 : i32
    %dma_wait3A_196 = tpu.memref_slice %arg29[%dma_wait3A_194, %dma_wait3A_195] : memref<10112x128xf32, #tpu.memory_space<vmem_shared>> -> memref<64x128xf32, #tpu.memory_space<vmem_shared>>
    %dma_wait3A_197 = arith.constant 0 : i32
    %dma_wait3A_198 = arith.constant 0 : i32
    %dma_wait3A_199 = tpu.memref_slice %arg29[%dma_wait3A_197, %dma_wait3A_198] : memref<10112x128xf32, #tpu.memory_space<vmem_shared>> -> memref<64x128xf32, #tpu.memory_space<vmem_shared>>
    tpu.wait_dma2 semaphore(%arg27 : memref<!tpu.dma_semaphore, #tpu.memory_space<semaphore_mem>>) src(%arg12 : memref<64x128xf32, #tpu.memory_space<vmem>>) dst(%dma_wait3A_199 : memref<64x128xf32, #tpu.memory_space<vmem_shared>>)
    %barrier3A_200 = arith.constant 0 : index
    tpu.barrier barrier_id(%barrier3A_200)
    %mul3A_201 = arith.constant 632 : i32
    %mul3A_202 = arith.muli %arg1, %mul3A_201 : i32
    %mul3A_203 = arith.constant 632 : i32
    %mul3A_204 = arith.muli %arg1, %mul3A_203 : i32
    "tpu.region"() ({
      %run_scoped3A = tpu.sem_alloc : memref<!tpu.dma_semaphore, #tpu.memory_space<semaphore_mem>>
      %dma_start3A_205 = arith.constant 0 : i32
      %dma_start3A_206 = tpu.memref_slice %arg7[%arg0, %mul3A_204, %dma_start3A_205] : memref<2x10112x128xf32, #tpu.memory_space<hbm>> -> memref<1x632x128xf32, #tpu.memory_space<hbm>>
      %dma_start3A_207 = tpu.memref_squeeze %dma_start3A_206 : memref<1x632x128xf32, #tpu.memory_space<hbm>> -> memref<632x128xf32, #tpu.memory_space<hbm>>
      %dma_start3A_208 = arith.constant 0 : i32
      %dma_start3A_209 = tpu.memref_slice %arg29[%mul3A_202, %dma_start3A_208] : memref<10112x128xf32, #tpu.memory_space<vmem_shared>> -> memref<632x128xf32, #tpu.memory_space<vmem_shared>>
      tpu.enqueue_dma source(%dma_start3A_209 : memref<632x128xf32, #tpu.memory_space<vmem_shared>>) target(%dma_start3A_207 : memref<632x128xf32, #tpu.memory_space<hbm>>) target_semaphore(%run_scoped3A : memref<!tpu.dma_semaphore, #tpu.memory_space<semaphore_mem>>)
      %dma_wait3A_210 = arith.constant 0 : i32
      %dma_wait3A_211 = tpu.memref_slice %arg7[%arg0, %mul3A_204, %dma_wait3A_210] : memref<2x10112x128xf32, #tpu.memory_space<hbm>> -> memref<1x632x128xf32, #tpu.memory_space<hbm>>
      %dma_wait3A_212 = tpu.memref_squeeze %dma_wait3A_211 : memref<1x632x128xf32, #tpu.memory_space<hbm>> -> memref<632x128xf32, #tpu.memory_space<hbm>>
      %dma_wait3A_213 = arith.constant 0 : i32
      %dma_wait3A_214 = tpu.memref_slice %arg29[%mul3A_202, %dma_wait3A_213] : memref<10112x128xf32, #tpu.memory_space<vmem_shared>> -> memref<632x128xf32, #tpu.memory_space<vmem_shared>>
      tpu.wait_dma2 semaphore(%run_scoped3A : memref<!tpu.dma_semaphore, #tpu.memory_space<semaphore_mem>>) src(%dma_wait3A_214 : memref<632x128xf32, #tpu.memory_space<vmem_shared>>) dst(%dma_wait3A_212 : memref<632x128xf32, #tpu.memory_space<hbm>>)
      tpu.yield
    }) : () -> ()
    return
  }
}

module attributes {stable_mosaic.version = 14 : i64} {
  func.func @_scores_body(%arg0: memref<10000x128xf32, #tpu.memory_space<vmem>>, %arg1: memref<1x128xf32, #tpu.memory_space<vmem>>, %arg2: memref<1x128xf32, #tpu.memory_space<vmem>>, %arg3: memref<10000x1xf32, #tpu.memory_space<vmem>>, %arg4: memref<10000x1xf32, #tpu.memory_space<vmem>>) attributes {dimension_semantics = [], scalar_prefetch = 0 : i64, scratch_operands = 0 : i64, tpu.core_type = #tpu.core_type<tc>} {
    %get3A = arith.constant 0 : index
    %get3A_0 = arith.constant 0 : index
    %get3A_1 = vector.load %arg0[%get3A, %get3A_0] : memref<10000x128xf32, #tpu.memory_space<vmem>>, vector<10000x128xf32>
    %get3A_2 = arith.constant 0 : index
    %get3A_3 = arith.constant 0 : index
    %get3A_4 = vector.load %arg1[%get3A_2, %get3A_3] : memref<1x128xf32, #tpu.memory_space<vmem>>, vector<1x128xf32>
    %mul3A = vector.broadcast %get3A_4 : vector<1x128xf32> to vector<10000x128xf32>
    %mul3A_5 = arith.mulf %get3A_1, %mul3A : vector<10000x128xf32>
    %reduce_sum3A = arith.constant dense<0.000000e+00> : vector<10000xf32>
    %reduce_sum3A_6 = vector.multi_reduction <add>, %mul3A_5, %reduce_sum3A [1] : vector<10000x128xf32> to vector<10000xf32>
    %broadcast_in_dim3A = vector.shape_cast %reduce_sum3A_6 : vector<10000xf32> to vector<10000x1xf32>
    %swap3A = arith.constant 0 : index
    %swap3A_7 = arith.constant 0 : index
    %swap3A_8 = vector.load %arg3[%swap3A, %swap3A_7] : memref<10000x1xf32, #tpu.memory_space<vmem>>, vector<10000x1xf32>
    tpu.vector_store %arg3[%swap3A, %swap3A_7], %broadcast_in_dim3A {strides = array<i32>} : memref<10000x1xf32, #tpu.memory_space<vmem>>, vector<10000x1xf32>,
    %get3A_9 = arith.constant 0 : index
    %get3A_10 = arith.constant 0 : index
    %get3A_11 = vector.load %arg2[%get3A_9, %get3A_10] : memref<1x128xf32, #tpu.memory_space<vmem>>, vector<1x128xf32>
    %mul3A_12 = vector.broadcast %get3A_11 : vector<1x128xf32> to vector<10000x128xf32>
    %mul3A_13 = arith.mulf %get3A_1, %mul3A_12 : vector<10000x128xf32>
    %reduce_sum3A_14 = arith.constant dense<0.000000e+00> : vector<10000xf32>
    %reduce_sum3A_15 = vector.multi_reduction <add>, %mul3A_13, %reduce_sum3A_14 [1] : vector<10000x128xf32> to vector<10000xf32>
    %broadcast_in_dim3A_16 = vector.shape_cast %reduce_sum3A_15 : vector<10000xf32> to vector<10000x1xf32>
    %swap3A_17 = arith.constant 0 : index
    %swap3A_18 = arith.constant 0 : index
    %swap3A_19 = vector.load %arg4[%swap3A_17, %swap3A_18] : memref<10000x1xf32, #tpu.memory_space<vmem>>, vector<10000x1xf32>
    tpu.vector_store %arg4[%swap3A_17, %swap3A_18], %broadcast_in_dim3A_16 {strides = array<i32>} : memref<10000x1xf32, #tpu.memory_space<vmem>>, vector<10000x1xf32>,
    return
  }
}

module attributes {stable_mosaic.version = 14 : i64} {
  func.func @_combine_body(%arg0: memref<2x10112x128xf32, #tpu.memory_space<vmem>>, %arg1: memref<10000x128xf32, #tpu.memory_space<vmem>>) attributes {dimension_semantics = [], scalar_prefetch = 0 : i64, scratch_operands = 0 : i64, tpu.core_type = #tpu.core_type<tc>} {
    %get3A = arith.constant 0 : index
    %get3A_0 = arith.constant 0 : index
    %get3A_1 = arith.constant 0 : index
    %get3A_2 = vector.load %arg0[%get3A, %get3A_0, %get3A_1] : memref<2x10112x128xf32, #tpu.memory_space<vmem>>, vector<1x10000x128xf32>
    %get3A_3 = vector.shape_cast %get3A_2 : vector<1x10000x128xf32> to vector<10000x128xf32>
    %get3A_4 = arith.constant 1 : index
    %get3A_5 = arith.constant 0 : index
    %get3A_6 = arith.constant 0 : index
    %get3A_7 = vector.load %arg0[%get3A_4, %get3A_5, %get3A_6] : memref<2x10112x128xf32, #tpu.memory_space<vmem>>, vector<1x10000x128xf32>
    %get3A_8 = vector.shape_cast %get3A_7 : vector<1x10000x128xf32> to vector<10000x128xf32>
    %add3A = arith.addf %get3A_3, %get3A_8 : vector<10000x128xf32>
    %swap3A = arith.constant 0 : index
    %swap3A_9 = arith.constant 0 : index
    %swap3A_10 = vector.load %arg1[%swap3A, %swap3A_9] : memref<10000x128xf32, #tpu.memory_space<vmem>>, vector<10000x128xf32>
    tpu.vector_store %arg1[%swap3A, %swap3A_9], %add3A {strides = array<i32>} : memref<10000x128xf32, #tpu.memory_space<vmem>>, vector<10000x128xf32>,
    return
  }
}

</mosaic_0001>

<sc_bundles>
// kernel: kernel.5.cloned.1.call-start
scs
__scs_entry_jumppad:
0x0: {  	(pc) =	sbr.rel $0x88, $3  }
0x1: {  	(tag) =	ssettag $0x0;
	lr =	simm.s32 $0x1  }
0x2: {  	[smem:$0x3F9D] =	sst lr;
	_ =	strace $0xD0000000  }
0x3: {  	_ = 	snop  }
0x4: {  	_ = 	snop  }
0x5: {  	_ = 	snop  }
0x6: {  	_ = 	snop  }
0x7: {  	_ = 	snop  }
__scs_overlays_trampoline_lowered:
0x8: {  	[smem:$0x3FAC] =	sst s0  }
0x9: {  	[smem:$0x3FAD] =	sst s1  }
0xa: {  	[smem:$0x3FAE] =	sst s2  }
0xb: {  	[smem:$0x3FAF] =	sst s3  }
0xc: {  	[smem:$0x3FB0] =	sst s4  }
0xd: {  	[smem:$0x3FB1] =	sst s5  }
0xe: {  	[smem:$0x3FB2] =	sst s6  }
0xf: {  	[smem:$0x3FB3] =	sst s7  }
0x10: {  	[smem:$0x3FB4] =	sst s8  }
0x11: {  	[smem:$0x3FB5] =	sst s9;
	s0 =	simm.s32 @!p0 $0x0  }
0x12: {  	s1 =	sld [smem:$0x3F9B];
	s0 =	simm.s32 @p0 $0x1  }
0x13: {  	[smem:$0x3FB6] =	sst s0;
	s0 =	simm.s32 @!p1 $0x0  }
0x14: {  	s2 =	sld [smem:$0x3F9A];
	s0 =	simm.s32 @p1 $0x1  }
0x15: {  	[smem:$0x3FB7] =	sst s0;
	s0 =	simm.s32 @!p2 $0x0  }
0x16: {  	s3 =	sld [smem:$0x3FDB];
	s0 =	simm.s32 @p2 $0x1  }
0x17: {  	s4 =	simm.s32 $0x1BF5;
	[smem:$0x3FB9] =	sst s0  }
0x18: {  	s0 =	sld [smem:$0x3F9C];
	_ =	swait.ge [sflag:s4], $0x0  }
0x19: {  	s7 =	sld [smem:$0x3F9D]  }
0x1a: {  	s8 =	sadd.s32 $0xFFFFE003, lr  }
0x1b: {  	s9 =	sadd.s32 $0xFFFFFEF7, lr;
	s5 =	simm.s32 $0xFFFFFFFF;
	p2 =	slt.u32 s8, $0xFFFFF086  }
0x1c: {  	p1 =	slt.u32 s9, $0xF7A;
	s5 =	simm.s32 @!p2 $0x0  }
0x1d: {  	s5 =	simm.s32 @p1 $0x1;
	p0 =	seq.s32 s7, s2  }
0x1e: {  	s7 =	smul.u32 @!p0 $0xF7A, s2;
	p2 =	seq.s32 @!p0 s5, $0x0  }
0x1f: {  	s9 =	smul.u32 $0xF7A, s1;
	s8 =	simm.s32 @!p0 $0x1BF5;
	p2 =	por !p2, p0  }
0x20: {  	[sflag:s8] =	ssyncset.s32 @!p0 $0xFFFFF086;
	s6 =	sadd.s32 @!p0 s3, s7;
	s7 =	simm.s32 @!p0 $0x108  }
0x21: {  	s3 =	sadd.s32 s3, s9;
	s6 =	sadd.s32 @!p0 $0x88, s6;
	s7 =	simm.s32 @p2 $0x1082  }
0x22: {  	[simem:s7], [sflag:s8] =	dma.local @!p0 [hbm:s6], $0xF7A  }
0x23: {  	s9 =	sor.u32 $0xD0000000, s2;
	s6 =	simm.s32 $0x108;
	_ =	swait.ge @!p0 [sflag:s8], $0x0  }
0x24: {  	s3 =	sadd.s32 $0x88, s3;
	s6 =	simm.s32 @!p1 $0x1082;
	[sflag:s4] =	ssyncset.s32 $0xFFFFF086  }
0x25: {  	[simem:s6], [sflag:s4] =	dma.local [hbm:s3], $0xF7A  }
0x26: {  	[smem:$0x3F9D] =	sst s1;
	(tag) =	ssettag s2;
	_ =	strace s9  }
0x27: {  	s1 =	sld [smem:$0x3FAD]  }
0x28: {  	s2 =	sld [smem:$0x3FAE]  }
0x29: {  	s4 =	sld [smem:$0x3FB0]  }
0x2a: {  	p0 =	seq.s32 s5, $0x0;
	s5 =	sld [smem:$0x3FB1]  }
0x2b: {  	s6 =	sld [smem:$0x3FB2]  }
0x2c: {  	s7 =	sld [smem:$0x3FB3]  }
0x2d: {  	s3 =	simm.s32 $0x108;
	s8 =	sld [smem:$0x3FB4]  }
0x2e: {  	s3 =	simm.s32 @!p0 $0x1082;
	s9 =	sld [smem:$0x3FB5]  }
0x2f: {  	lr =	sadd.s32 s0, s3;
	s0 =	sld [smem:$0x3FAC]  }
0x30: {  	s3 =	sld [smem:$0x3FAF]  }
0x31: {  	[smem:$0x3FB8] =	sst s10  }
0x32: {  	s10 =	sld [smem:$0x3FB6];
	_ =	sdelay $0x3  }
0x33: {  	p0 =	seq.s32 s10, $0x1;
	s10 =	sld [smem:$0x3FB8];
	_ =	sdelay $0x3  }
0x34: {  	[smem:$0x3FB8] =	sst s10  }
0x35: {  	s10 =	sld [smem:$0x3FB7];
	_ =	sdelay $0x3  }
0x36: {  	p1 =	seq.s32 s10, $0x1;
	s10 =	sld [smem:$0x3FB8];
	_ =	sdelay $0x3  }
0x37: {  	[smem:$0x3FB8] =	sst s10  }
0x38: {  	s10 =	sld [smem:$0x3FB9]  }
0x39: {  	_ = 	snop;
	(pc) =	sbr.ind lr, $3  }
0x3a: {  	_ = 	snop  }
0x3b: {  	_ = 	snop  }
0x3c: {  	p2 =	seq.s32 s10, $0x1;
	s10 =	sld [smem:$0x3FB8]  }
0x3d: {  	_ =	shalt  }
0x3e: {  	_ =	shalt  }
0x3f: {  	_ =	shalt  }
0x40: {  	_ =	shalt  }
0x41: {  	_ =	shalt  }
0x42: {  	_ =	shalt  }
0x43: {  	_ =	shalt  }
0x44: {  	_ =	shalt  }
0x45: {  	_ =	shalt  }
0x46: {  	_ =	shalt  }
0x47: {  	_ =	shalt  }
0x48: {  	_ =	shalt  }
0x49: {  	_ =	shalt  }
0x4a: {  	_ =	shalt  }
0x4b: {  	_ =	shalt  }
0x4c: {  	_ =	shalt  }
0x4d: {  	_ =	shalt  }
0x4e: {  	_ =	shalt  }
0x4f: {  	_ =	shalt  }
0x50: {  	_ =	shalt  }
0x51: {  	_ =	shalt  }
0x52: {  	_ =	shalt  }
0x53: {  	_ =	shalt  }
0x54: {  	_ =	shalt  }
0x55: {  	_ =	shalt  }
0x56: {  	_ =	shalt  }
0x57: {  	_ =	shalt  }
0x58: {  	_ =	shalt  }
0x59: {  	_ =	shalt  }
0x5a: {  	_ =	shalt  }
0x5b: {  	_ =	shalt  }
0x5c: {  	_ =	shalt  }
0x5d: {  	_ =	shalt  }
0x5e: {  	_ =	shalt  }
0x5f: {  	_ =	shalt  }
0x60: {  	_ =	shalt  }
0x61: {  	_ =	shalt  }
0x62: {  	_ =	shalt  }
0x63: {  	_ =	shalt  }
0x64: {  	_ =	shalt  }
0x65: {  	_ =	shalt  }
0x66: {  	_ =	shalt  }
0x67: {  	_ =	shalt  }
0x68: {  	_ =	shalt  }
0x69: {  	_ =	shalt  }
0x6a: {  	_ =	shalt  }
0x6b: {  	_ =	shalt  }
0x6c: {  	_ =	shalt  }
0x6d: {  	_ =	shalt  }
0x6e: {  	_ =	shalt  }
0x6f: {  	_ =	shalt  }
0x70: {  	_ =	shalt  }
0x71: {  	_ =	shalt  }
0x72: {  	_ =	shalt  }
0x73: {  	_ =	shalt  }
0x74: {  	_ =	shalt  }
0x75: {  	_ =	shalt  }
0x76: {  	_ =	shalt  }
0x77: {  	_ =	shalt  }
0x78: {  	_ =	shalt  }
0x79: {  	_ =	shalt  }
0x7a: {  	_ =	shalt  }
0x7b: {  	_ =	shalt  }
0x7c: {  	_ =	shalt  }
0x7d: {  	_ =	shalt  }
0x7e: {  	_ =	shalt  }
0x7f: {  	_ =	shalt  }
0x80: {  	_ =	shalt  }
0x81: {  	_ =	shalt  }
0x82: {  	_ =	shalt  }
0x83: {  	_ =	shalt  }
0x84: {  	_ =	shalt  }
0x85: {  	_ =	shalt  }
0x86: {  	_ =	shalt  }
0x87: {  	_ =	shalt  }
.Lfunc_end0:
.L_simem_size_0:
called_computation_lowered:
.L_overlay_start_0:
0x88: {  	s2 =	sld [smem:$0x3FD9]  }
0x89: {  	s3 =	sld [smem:$0x3FFE];
	_ =	sdelay $0x1  }
0x8a: {  	s1 =	srdreg.scid  }
0x8b: {  	s0 =	sand.u32 $0x1, s1  }
0x8c: {  	s17 =	sshll.u32 s0, $0xA;
	s2 =	sadd.s32 s3, s2  }
0x8d: {  	s2 =	sadd.s32 s2, s17  }
0x8e: {  	[smem:$0x3FC4] =	sst s2  }
0x8f: {  	_ = 	snop  }
0x90: {  	s2 =	sld [smem:$0x3FC9]  }
0x91: {  	s18 =	sld [smem:$0x3FD0];
	(tm) =	ssettm $0x1  }
0x92: {  	s4 =	sld [smem:$0x3FFB];
	_ =	sdelay $0x3  }
0x93: {  	_ =	strace s4  }
0x94: {  	s4 =	sld [smem:$0x3FFC];
	_ =	sdelay $0x3  }
0x95: {  	_ =	strace s4  }
0x96: {  	s4 =	sld [smem:$0x3FFD];
	_ =	sdelay $0x3  }
0x97: {  	_ =	strace s4  }
0x98: {  	_ =	strace $0x8FFFFFFF  }
0x99: {  	s19 =	sld [smem:$0x3FDB];
	_ =	sdelay $0x1  }
0x9a: {  	s5 =	simm.s32 $_scs_section_size  }
0x9b: {  	s6 =	simm.s32 $_size__tile_overlayer_lowered;
	s7 =	simm.s32 $_tile_overlayer_lowered  }
0x9c: {  	s22 =	simm.s32 $0x1BFF;
	s21 =	sshll.u32 s7, $0x1;
	s4 =	sadd.s32 s5, s19  }
0x9d: {  	s8 =	simm.s32 $0x0;
	s20 =	sshll.u32 s6, $0x1;
	s6 =	sadd.s32 s21, s4  }
0x9e: {  	[timem:s8], [sflag:s22] =	dma.local [hbm:s6], s20  }
0x9f: {  	_ =	swait.ge [sflag:s22], s20  }
0xa0: {  	s5 =	ssub.s32 $0x0, s20;
	[sflag:s22] =	ssyncset.done $0x0  }
0xa1: {  	[sflag:s22] =	ssyncadd.s32 s5;
	_ =	sdelay $0x1  }
0xa2: {  	s23 =	simm.s32 $0x1B8B  }
0xa3: {  	_ =	swait.ge [sflag:s23], $0x1  }
0xa4: {  	[sflag:s23] =	ssyncset.done $0x0  }
0xa5: {  	s25 =	simm.s32 $0x1B8E;
	s24 =	sld [smem:$0x3FFE];
	[sflag:s23] =	ssyncadd.s32 $0xFFFFFFFF  }
0xa6: {  	s26 =	simm.s32 $execute0_lowered;
	[smem:$0x3FD2] =	sst s25  }
0xa7: {  	s6 =	sshll.u32 s26, $0x1;
	_ =	strace $0x80000046;
	[dreg:$0x1] =	wrdreg $0xFFFFFFFF  }
0xa8: {  	s28 =	simm.s32 $_size_execute0_lowered;
	s4 =	sadd.s32 s4, s6;
	[dreg:$0x0] =	wrdreg $0x0  }
0xa9: {  	s6 =	sshll.u32 s28, $0x1;
	[dreg:$0x2] =	wrdreg s4  }
0xaa: {  	[dreg:$0x3] =	wrdreg s6  }
0xab: {  	[dreg:$0x4] =	wrdreg $0xC0  }
0xac: {  	_ =	task [dreg:s8], $0x5FFFF  }
0xad: {  	[dreg:$0x1] =	wrdreg $0xFFFFFFFF  }
0xae: {  	[dreg:$0x0] =	wrdreg $0x60  }
0xaf: {  	[dreg:$0x2] =	wrdreg s2  }
0xb0: {  	[dreg:$0x3] =	wrdreg s24  }
0xb1: {  	[dreg:$0x4] =	wrdreg s18  }
0xb2: {  	[dreg:$0x5] =	wrdreg $0xBD780  }
0xb3: {  	[dreg:$0x6] =	wrdreg $0xBB000  }
0xb4: {  	[dreg:$0x7] =	wrdreg $0x9  }
0xb5: {  	_ =	task.clear_ibuf [dreg:s8], $0x8FFFF;
	_ =	strace $0x90000046  }
0xb6: {  	s29 =	simm.s32 $0x9;
	_ =	strace $0x80000048  }
0xb7: {  	_ =	swait.ge [sflag:s29], $0x1  }
0xb8: {  	[sflag:s29] =	ssyncadd.s32 $0xFFFFFFFF  }
0xb9: {  	_ =	strace $0x90000048  }
0xba: {  	_ =	sfence  }
0xbb: {  	s30 =	sld [smem:$0x0];
	_ =	sdelay $0x2  }
0xbc: {  	s31 =	sshll.u32 s1, $0xD;
	s1 =	sshrl.u32 s1, $0x2  }
0xbd: {  	s3 =	sand.u32 $0x4000, s31;
	s1 =	sadd.s32 s1, s30  }
0xbe: {  	s0 =	sor.u32 s3, s0;
	s1 =	sshll.u32 s1, $0x11  }
0xbf: {  	s0 =	sor.u32 s1, s0  }
0xc0: {  	s0 =	sadd.s32 $0x8F2B, s0  }
0xc1: {  	[sflag:s0] =	ssyncadd.remote.s32 $0x1  }
0xc2: {  	_ =	sfence.sel $0xFFFF  }
0xc3: {  	[dreg:$0x0] =	wrdreg $0xFFFFFFFF;
	(pc) =	sbr.abs _section_cstart, $3  }
0xc4: {  	[dreg:$0x1] =	wrdreg $0xFFFFFFFF  }
0xc5: {  	_ =	task.clear_ibuf [dreg:s8], $0x2FFFF;
	_ =	strace $0x9FFFFFFF  }
0xc6: {  	(tm) =	ssettm $0x7FFFFFFF  }
0xc7: {  	_ =	shalt  }
tec
execute0_lowered:
.L_overlay_start_1:
0x0: {  	(tag) =	ssettag $0x1  }
0x1: {  	s2 =	rddreg [dreg:$0x1]  }
0x2: {  	s3 =	rddreg [dreg:$0x2]  }
0x3: {  	s0 =	srdreg.scid;
	s20 =	rddreg [dreg:$0x3]  }
0x4: {  	s19 =	stileid.u32;
	s6 =	rddreg [dreg:$0x4];
	s7 =	simm.s32 $0x0  }
0x5: {  	s28 =	simm.s32 $0xB780;
	s30 =	simm.s32 $0xB700;
	s4 =	smul.u32 $0x13C00, s19  }
0x6: {  	s31 =	simm.s32 $0xB800;
	s0 =	sand.u32 $0x1, s0;
	s5 =	smul.u32 $0x280, s19  }
0x7: {  	p0 =	seq.s32 s19, $0xF;
	[smem:$0x7FF] =	sst s7;
	s29 =	smul.u32 $0x140, s19  }
0x8: {  	s1 =	smul.u32 $0x13C000, s0;
	p1 =	seq.s32 s0, $0x0;
	s8 =	sadd.s32 $0xC0, s5  }
0x9: {  	s9 =	sadd.s32 $0x100, s5;
	s10 =	sadd.s32 $0x140, s5;
	s11 =	sadd.s32 $0x180, s5  }
0xa: {  	s12 =	sadd.s32 $0x1C0, s5;
	s15 =	sadd.s32 $0x200, s5;
	s1 =	sadd.s32 s4, s1  }
0xb: {  	s4 =	sadd.s32 $0x80, s5;
	s14 =	sshll.u32 s8, $0x7;
	s24 =	sshll.u32 s9, $0x7  }
0xc: {  	s25 =	sshll.u32 s10, $0x7;
	s16 =	sshll.u32 s11, $0x7;
	s26 =	sshll.u32 s12, $0x7  }
0xd: {  	s13 =	sshll.u32 s4, $0x7;
	s18 =	sadd.s32 s14, s20;
	s21 =	sadd.s32 s24, s20  }
0xe: {  	s22 =	sadd.s32 s25, s20;
	s16 =	sadd.s32 s16, s20;
	s14 =	sadd.s32 $0x12C000, s20  }
0xf: {  	s23 =	sadd.s32 s26, s20;
	s24 =	ssub.s32 $0x2, s0;
	s17 =	sadd.s32 s13, s20  }
0x10: {  	s26 =	simm.s32 $0xB900;
	s13 =	sadd.s32 $0x12E000, s20;
	s17 =	smov.u32 @p0 s14  }
0x11: {  	s14 =	sadd.s32 $0x130000, s20;
	s18 =	smov.u32 @p0 s13;
	[dreg:$0x8] =	wrdreg s17  }
0x12: {  	s13 =	sadd.s32 $0x132000, s20;
	[dreg:$0x9] =	wrdreg s18;
	s21 =	smov.u32 @p0 s14  }
0x13: {  	s1 =	sshrl.u32 s1, $0x3;
	s22 =	smov.u32 @p0 s13;
	[dreg:$0xa] =	wrdreg s21  }
0x14: {  	s14 =	sadd.s32 $0x134000, s20;
	s13 =	sadd.s32 $0x138000, s20;
	[dreg:$0xb] =	wrdreg s22  }
0x15: {  	s21 =	sshll.u32 s15, $0x7;
	s16 =	smov.u32 @p0 s14;
	s14 =	sadd.s32 $0x136000, s20  }
0x16: {  	[dreg:$0xc] =	wrdreg s16;
	s16 =	sadd.s32 s21, s20;
	s23 =	smov.u32 @p0 s14  }
0x17: {  	s0 =	ssub.s32 $0x0, s0;
	[dreg:$0xd] =	wrdreg s23;
	s16 =	smov.u32 @p0 s13  }
0x18: {  	s4 =	sadd.s32 s4, s6;
	s23 =	simm.s32 $0xB880;
	[dreg:$0xe] =	wrdreg s16  }
0x19: {  	s25 =	sshrl.u32 s24, $0x1;
	_ =	strace $0x80000047;
	[dreg:$0x6] =	wrdreg s23  }
0x1a: {  	s1 =	sadd.s32 s1, s2;
	s14 =	ssub.s32 s24, s25;
	[dreg:$0x7] =	wrdreg s26  }
0x1b: {  	s24 =	sadd.s32 s9, s6;
	s9 =	sadd.s32 s11, s6;
	[dreg:$0x11] =	wrdreg s4  }
0x1c: {  	s11 =	sadd.s32 s15, s6;
	s15 =	smul.u32 $0x1400, s19;
	[dreg:$0x13] =	wrdreg s24  }
0x1d: {  	s0 =	sand.u32 $0xE8, s0;
	s1 =	sadd.s32 $0x14C00, s1;
	[dreg:$0x15] =	wrdreg s9  }
0x1e: {  	s13 =	sadd.s32 $0x240, s5;
	s18 =	sadd.s32 s3, s15;
	[dreg:$0x17] =	wrdreg s11  }
0x1f: {  	s17 =	sadd.s32 $0x13A000, s20;
	s22 =	sshll.u32 s13, $0x7;
	[dreg:$0x1c] =	wrdreg s18  }
0x20: {  	s21 =	sadd.s32 s22, s20;
	s22 =	sadd.s32 s5, s6;
	[smem:$0x7F1] =	sst s1  }
0x21: {  	s25 =	smul.u32 $0x50000, s19;
	s23 =	sadd.s32 s8, s6;
	[dreg:$0x10] =	wrdreg s22  }
0x22: {  	s16 =	simm.s32 $0xE8;
	s26 =	sadd.s32 s10, s6;
	[dreg:$0x12] =	wrdreg s23  }
0x23: {  	s16 =	simm.s32 @!p1 $0x58;
	s10 =	sadd.s32 s12, s6;
	[dreg:$0x14] =	wrdreg s26  }
0x24: {  	s5 =	sor.u32 $0x40, s5;
	s12 =	sadd.s32 s13, s6;
	[dreg:$0x16] =	wrdreg s10  }
0x25: {  	s4 =	sshrl.u32 s25, $0x2;
	s18 =	sadd.s32 $0x2580, s6;
	[dreg:$0x18] =	wrdreg s12  }
0x26: {  	s1 =	simm.s32 $0x1;
	s21 =	smov.u32 @p0 s17;
	[smem:$0x7F6] =	sst s18  }
0x27: {  	s13 =	sadd.s32 s5, s6;
	s5 =	sshll.u32 s5, $0x7;
	[dreg:$0xf] =	wrdreg s21  }
0x28: {  	s4 =	sadd.s32 s4, s20;
	s22 =	sadd.s32 s2, s15;
	[dreg:$0x19] =	wrdreg s13  }
0x29: {  	s26 =	smul.u32 $0x4F000, s19;
	s19 =	sadd.s32 $0x25C0, s6;
	[dreg:$0x1a] =	wrdreg s4  }
0x2a: {  	s18 =	simm.s32 $0x2;
	s17 =	sadd.s32 s5, s20;
	[dreg:$0x1d] =	wrdreg s22  }
0x2b: {  	s21 =	sor.u32 $0x10, s15;
	s4 =	sadd.s32 s29, s0;
	[smem:$0x7F7] =	sst s19  }
0x2c: {  	s13 =	sshrl.u32 s16, $0x1;
	s15 =	smax.u32 s14, $0x1;
	[dreg:$0x1b] =	wrdreg s17  }
0x2d: {  	s22 =	sadd.s32 $0x2640, s6;
	s19 =	simm.s32 $0xBA00;
	[smem:$0x7F0] =	sst s13  }
0x2e: {  	s5 =	simm.s32 $0x0;
	s23 =	sadd.s32 s3, s21;
	[smem:$0x7F2] =	sst s15  }
0x2f: {  	s24 =	sadd.s32 s2, s21;
	s25 =	sshll.u32 s4, $0x4;
	[smem:$0x7F9] =	sst s22  }
0x30: {  	s12 =	sshrl.u32 s26, $0x2;
	s21 =	sadd.s32 $0xFFFFFFFF, s16;
	[dreg:$0x1e] =	wrdreg s23  }
0x31: {  	s16 =	sadd.s32 $0x14600, s2;
	s17 =	sadd.s32 $0x14000, s2;
	[dreg:$0x1f] =	wrdreg s24  }
0x32: {  	s26 =	sadd.s32 $0x2740, s6;
	s22 =	simm.s32 $0x7;
	[smem:$0x7F4] =	sst s16  }
0x33: {  	s13 =	simm.s32 $0x4;
	s9 =	sadd.s32 s3, s25;
	[smem:$0x7F5] =	sst s17  }
0x34: {  	s10 =	sadd.s32 s2, s25;
	s0 =	sor.u32 $0x10, s25;
	[smem:$0x7FD] =	sst s26  }
0x35: {  	s23 =	sadd.s32 $0x2680, s6;
	s24 =	sadd.s32 $0x26C0, s6;
	[smem:$0x7EC] =	sst s9  }
0x36: {  	s25 =	sadd.s32 $0x2700, s6;
	s26 =	simm.s32 $0xB680;
	[smem:$0x7ED] =	sst s10  }
0x37: {  	s16 =	simm.s32 $0x40;
	s17 =	simm.s32 $0xB980;
	[smem:$0x7FA] =	sst s23  }
0x38: {  	s11 =	sadd.s32 s3, s0;
	s0 =	sadd.s32 s2, s0;
	[smem:$0x7FB] =	sst s24  }
0x39: {  	[smem:$0x7FC] =	sst s25;
	s25 =	simm.s32 $0x2780;
	s23 =	simm.s32 $0x6  }
0x3a: {  	s9 =	simm.s32 $0x4F00;
	s24 =	simm.s32 $0x9680;
	[smem:$0x7EE] =	sst s11  }
0x3b: {  	[smem:$0x7EF] =	sst s0;
	s0 =	sadd.s32 s12, s20;
	s20 =	sadd.s32 $0x2600, s6  }
0x3c: {  	s11 =	simm.s32 $0x3;
	s0 =	sshrl.u32 s0, $0x3;
	[smem:$0x7F8] =	sst s20  }
0x3d: {  	v0 =	vimm.f32 $0.0e+00;
	s12 =	simm.s32 $0xBA80;
	s20 =	simm.s32 $0x5;
	[smem:$0x7F3] =	sst s0  }
.LBB2_1:
0x3e: {  	[tilespmem:$0xB880] =	vst v0  }
0x3f: {  	[tilespmem:$0xB890] =	vst v0  }
0x40: {  	[tilespmem:$0xB8A0] =	vst v0  }
0x41: {  	[smem:$0x7EB] =	sst s5;
	[tilespmem:$0xB8B0] =	vst v0;
	s0 =	simm.s32 $0x0;
	s5 =	simm.s32 $0x200  }
.LBB2_2:
0x42: {  	p1 =	sne.s32 s5, $0x7E00;
	[tilespmem:s0+$0x76F0] =	vst v0  }
0x43: {  	[tilespmem:s0+$0x7680] =	vst v0  }
0x44: {  	[tilespmem:s0+$0x7690] =	vst v0  }
.Ltmp0:
0x45: {  	[tilespmem:s0+$0x76A0] =	vst v0;
	(pc) =	sbr.rel @p1 .LBB2_2-.Ltmp0, $4  }
0x46: {  	[tilespmem:s0+$0x76B0] =	vst v0  }
0x47: {  	[tilespmem:s0+$0x76C0] =	vst v0  }
0x48: {  	[tilespmem:s0+$0x76D0] =	vst v0  }
0x49: {  	[tilespmem:s0+$0x76E0] =	vst v0;
	s0 =	sshra.s32 s5, $0x2;
	s5 =	sadd.s32 $0x200, s5  }
0x4a: {  	[tilespmem:s0+$0x76F0] =	vst v0  }
0x4b: {  	[tilespmem:s0+$0x7680] =	vst v0  }
0x4c: {  	[tilespmem:s0+$0x7690] =	vst v0  }
0x4d: {  	[tilespmem:s0+$0x76A0] =	vst v0  }
0x4e: {  	[tilespmem:s0+$0x76B0] =	vst v0  }
0x4f: {  	[tilespmem:s0+$0x76C0] =	vst v0;
	s5 =	sld [smem:$0x7F6]  }
0x50: {  	[tilespmem:s0+$0x76D0] =	vst v0  }
0x51: {  	[tilespmem:s0+$0x76E0] =	vst v0;
	s0 =	simm.s32 @p0 $0xB880  }
0x52: {  	[spmem:s5] =	stream.linear.scatter @p0 [tilespmem:s0], [sflag:$0x7], $0x40, $0x38;
	[tilespmem:$0x1F978] =	vst v63  }
0x53: {  	s5 =	simm.s32 @p0 $0x7  }
0x54: {  	_ =	swait.ge @p0 [sflag:s5], $0x40  }
0x55: {  	s8 =	sld [smem:$0x7F7]  }
0x56: {  	[sflag:s5] =	ssyncset.done @p0 $0x0  }
0x57: {  	[sflag:s5] =	ssyncadd.s32 @p0 $0xFFFFFFC0  }
0x58: {  	[spmem:s8] =	stream.linear.scatter @p0 [tilespmem:s0], [sflag:$0x7], $0x40, $0x38;
	[tilespmem:$0x1F978] =	vst v63  }
0x59: {  	_ =	swait.ge @p0 [sflag:s5], $0x40  }
0x5a: {  	s8 =	sld [smem:$0x7F8]  }
0x5b: {  	[sflag:s5] =	ssyncset.done @p0 $0x0  }
0x5c: {  	[sflag:s5] =	ssyncadd.s32 @p0 $0xFFFFFFC0  }
0x5d: {  	[spmem:s8] =	stream.linear.scatter @p0 [tilespmem:s0], [sflag:$0x7], $0x40, $0x38;
	[tilespmem:$0x1F978] =	vst v63  }
0x5e: {  	_ =	swait.ge @p0 [sflag:s5], $0x40  }
0x5f: {  	s8 =	sld [smem:$0x7F9]  }
0x60: {  	[sflag:s5] =	ssyncset.done @p0 $0x0  }
0x61: {  	[sflag:s5] =	ssyncadd.s32 @p0 $0xFFFFFFC0  }
0x62: {  	[spmem:s8] =	stream.linear.scatter @p0 [tilespmem:s0], [sflag:$0x7], $0x40, $0x38;
	[tilespmem:$0x1F978] =	vst v63  }
0x63: {  	_ =	swait.ge @p0 [sflag:s5], $0x40  }
0x64: {  	s8 =	sld [smem:$0x7FA]  }
0x65: {  	[sflag:s5] =	ssyncset.done @p0 $0x0  }
0x66: {  	[sflag:s5] =	ssyncadd.s32 @p0 $0xFFFFFFC0  }
0x67: {  	[spmem:s8] =	stream.linear.scatter @p0 [tilespmem:s0], [sflag:$0x7], $0x40, $0x38;
	[tilespmem:$0x1F978] =	vst v63  }
0x68: {  	_ =	swait.ge @p0 [sflag:s5], $0x40  }
0x69: {  	s8 =	sld [smem:$0x7FB]  }
0x6a: {  	[sflag:s5] =	ssyncset.done @p0 $0x0  }
0x6b: {  	[sflag:s5] =	ssyncadd.s32 @p0 $0xFFFFFFC0  }
0x6c: {  	[spmem:s8] =	stream.linear.scatter @p0 [tilespmem:s0], [sflag:$0x7], $0x40, $0x38;
	[tilespmem:$0x1F978] =	vst v63  }
0x6d: {  	_ =	swait.ge @p0 [sflag:s5], $0x40  }
0x6e: {  	s8 =	sld [smem:$0x7FC]  }
0x6f: {  	[sflag:s5] =	ssyncset.done @p0 $0x0  }
0x70: {  	[sflag:s5] =	ssyncadd.s32 @p0 $0xFFFFFFC0  }
0x71: {  	[spmem:s8] =	stream.linear.scatter @p0 [tilespmem:s0], [sflag:$0x7], $0x40, $0x38;
	[tilespmem:$0x1F978] =	vst v63  }
0x72: {  	_ =	swait.ge @p0 [sflag:s5], $0x40  }
0x73: {  	s8 =	sld [smem:$0x7FD]  }
0x74: {  	[sflag:s5] =	ssyncset.done @p0 $0x0  }
0x75: {  	[sflag:s5] =	ssyncadd.s32 @p0 $0xFFFFFFC0  }
0x76: {  	[spmem:s8] =	stream.linear.scatter @p0 [tilespmem:s0], [sflag:$0x7], $0x40, $0x38;
	[tilespmem:$0x1F978] =	vst v63  }
0x77: {  	_ =	swait.ge @p0 [sflag:s5], $0x40  }
0x78: {  	[sflag:s5] =	ssyncset.done @p0 $0x0  }
0x79: {  	s0 =	simm.s32 @!p0 $0xB880;
	[sflag:s5] =	ssyncadd.s32 @p0 $0xFFFFFFC0;
	s5 =	rddreg [dreg:$0x10]  }
0x7a: {  	[spmem:s5] =	stream.linear.scatter @!p0 [tilespmem:s0], [sflag:$0x7], $0x40, $0x38;
	[tilespmem:$0x1F978] =	vst v63  }
0x7b: {  	s5 =	simm.s32 @!p0 $0x7  }
0x7c: {  	_ =	swait.ge @!p0 [sflag:s5], $0x40  }
0x7d: {  	[sflag:s5] =	ssyncset.done @!p0 $0x0  }
0x7e: {  	s8 =	rddreg [dreg:$0x19];
	[sflag:s5] =	ssyncadd.s32 @!p0 $0xFFFFFFC0  }
0x7f: {  	[spmem:s8] =	stream.linear.scatter @!p0 [tilespmem:s0], [sflag:$0x7], $0x40, $0x38;
	[tilespmem:$0x1F978] =	vst v63  }
0x80: {  	_ =	swait.ge @!p0 [sflag:s5], $0x40  }
0x81: {  	[sflag:s5] =	ssyncset.done @!p0 $0x0  }
0x82: {  	s8 =	rddreg [dreg:$0x11];
	[sflag:s5] =	ssyncadd.s32 @!p0 $0xFFFFFFC0  }
0x83: {  	[spmem:s8] =	stream.linear.scatter @!p0 [tilespmem:s0], [sflag:$0x7], $0x40, $0x38;
	[tilespmem:$0x1F978] =	vst v63  }
0x84: {  	_ =	swait.ge @!p0 [sflag:s5], $0x40  }
0x85: {  	[sflag:s5] =	ssyncset.done @!p0 $0x0  }
0x86: {  	s8 =	rddreg [dreg:$0x12];
	[sflag:s5] =	ssyncadd.s32 @!p0 $0xFFFFFFC0  }
0x87: {  	[spmem:s8] =	stream.linear.scatter @!p0 [tilespmem:s0], [sflag:$0x7], $0x40, $0x38;
	[tilespmem:$0x1F978] =	vst v63  }
0x88: {  	_ =	swait.ge @!p0 [sflag:s5], $0x40  }
0x89: {  	[sflag:s5] =	ssyncset.done @!p0 $0x0  }
0x8a: {  	s8 =	rddreg [dreg:$0x13];
	[sflag:s5] =	ssyncadd.s32 @!p0 $0xFFFFFFC0  }
0x8b: {  	[spmem:s8] =	stream.linear.scatter @!p0 [tilespmem:s0], [sflag:$0x7], $0x40, $0x38;
	[tilespmem:$0x1F978] =	vst v63  }
0x8c: {  	_ =	swait.ge @!p0 [sflag:s5], $0x40  }
0x8d: {  	[sflag:s5] =	ssyncset.done @!p0 $0x0  }
0x8e: {  	s8 =	rddreg [dreg:$0x14];
	[sflag:s5] =	ssyncadd.s32 @!p0 $0xFFFFFFC0  }
0x8f: {  	[spmem:s8] =	stream.linear.scatter @!p0 [tilespmem:s0], [sflag:$0x7], $0x40, $0x38;
	[tilespmem:$0x1F978] =	vst v63  }
0x90: {  	_ =	swait.ge @!p0 [sflag:s5], $0x40  }
0x91: {  	[sflag:s5] =	ssyncset.done @!p0 $0x0  }
0x92: {  	s8 =	rddreg [dreg:$0x15];
	[sflag:s5] =	ssyncadd.s32 @!p0 $0xFFFFFFC0  }
0x93: {  	[spmem:s8] =	stream.linear.scatter @!p0 [tilespmem:s0], [sflag:$0x7], $0x40, $0x38;
	[tilespmem:$0x1F978] =	vst v63  }
0x94: {  	_ =	swait.ge @!p0 [sflag:s5], $0x40  }
0x95: {  	[sflag:s5] =	ssyncset.done @!p0 $0x0  }
0x96: {  	s8 =	rddreg [dreg:$0x16];
	[sflag:s5] =	ssyncadd.s32 @!p0 $0xFFFFFFC0  }
0x97: {  	[spmem:s8] =	stream.linear.scatter @!p0 [tilespmem:s0], [sflag:$0x7], $0x40, $0x38;
	[tilespmem:$0x1F978] =	vst v63  }
0x98: {  	_ =	swait.ge @!p0 [sflag:s5], $0x40  }
0x99: {  	[sflag:s5] =	ssyncset.done @!p0 $0x0  }
0x9a: {  	s8 =	rddreg [dreg:$0x17];
	[sflag:s5] =	ssyncadd.s32 @!p0 $0xFFFFFFC0  }
0x9b: {  	[spmem:s8] =	stream.linear.scatter @!p0 [tilespmem:s0], [sflag:$0x7], $0x40, $0x38;
	[tilespmem:$0x1F978] =	vst v63  }
0x9c: {  	_ =	swait.ge @!p0 [sflag:s5], $0x40  }
0x9d: {  	[sflag:s5] =	ssyncset.done @!p0 $0x0  }
0x9e: {  	s8 =	rddreg [dreg:$0x18];
	[sflag:s5] =	ssyncadd.s32 @!p0 $0xFFFFFFC0  }
0x9f: {  	[spmem:s8] =	stream.linear.scatter @!p0 [tilespmem:s0], [sflag:$0x7], $0x40, $0x38;
	[tilespmem:$0x1F978] =	vst v63  }
0xa0: {  	_ =	swait.ge @!p0 [sflag:s5], $0x40  }
0xa1: {  	[sflag:s5] =	ssyncset.done @!p0 $0x0  }
0xa2: {  	s0 =	simm.s32 @!p0 $0x7680;
	s8 =	rddreg [dreg:$0x1a];
	[sflag:s5] =	ssyncadd.s32 @!p0 $0xFFFFFFC0  }
0xa3: {  	[spmem:s8] =	stream.linear.scatter @!p0 [tilespmem:s0], [sflag:$0x7], $0x2000, $0x38;
	[tilespmem:$0x1F978] =	vst v63  }
0xa4: {  	_ =	swait.ge @!p0 [sflag:s5], $0x2000  }
0xa5: {  	[sflag:s5] =	ssyncset.done @!p0 $0x0  }
0xa6: {  	s8 =	rddreg [dreg:$0x1b];
	[sflag:s5] =	ssyncadd.s32 @!p0 $0xFFFFE000  }
0xa7: {  	[spmem:s8] =	stream.linear.scatter @!p0 [tilespmem:s0], [sflag:$0x7], $0x2000, $0x38;
	[tilespmem:$0x1F978] =	vst v63  }
0xa8: {  	_ =	swait.ge @!p0 [sflag:s5], $0x2000  }
0xa9: {  	[sflag:s5] =	ssyncset.done @!p0 $0x0  }
0xaa: {  	s10 =	rddreg [dreg:$0x8];
	[sflag:s5] =	ssyncadd.s32 @!p0 $0xFFFFE000;
	s5 =	simm.s32 $0x7680  }
0xab: {  	[spmem:s10] =	stream.linear.scatter [tilespmem:s5], [sflag:$0x7], $0x2000, $0x38;
	[tilespmem:$0x1F978] =	vst v63  }
0xac: {  	_ =	swait.ge [sflag:s22], $0x2000  }
0xad: {  	[sflag:s22] =	ssyncset.done $0x0  }
0xae: {  	s14 =	rddreg [dreg:$0x9];
	[sflag:s22] =	ssyncadd.s32 $0xFFFFE000  }
0xaf: {  	[spmem:s14] =	stream.linear.scatter [tilespmem:s5], [sflag:$0x7], $0x2000, $0x38;
	[tilespmem:$0x1F978] =	vst v63  }
0xb0: {  	_ =	swait.ge [sflag:s22], $0x2000  }
0xb1: {  	[sflag:s22] =	ssyncset.done $0x0  }
0xb2: {  	s15 =	rddreg [dreg:$0xa];
	[sflag:s22] =	ssyncadd.s32 $0xFFFFE000  }
0xb3: {  	[spmem:s15] =	stream.linear.scatter [tilespmem:s5], [sflag:$0x7], $0x2000, $0x38;
	[tilespmem:$0x1F978] =	vst v63  }
0xb4: {  	_ =	swait.ge [sflag:s22], $0x2000  }
0xb5: {  	[sflag:s22] =	ssyncset.done $0x0  }
0xb6: {  	s8 =	rddreg [dreg:$0xb];
	[sflag:s22] =	ssyncadd.s32 $0xFFFFE000  }
0xb7: {  	[spmem:s8] =	stream.linear.scatter [tilespmem:s5], [sflag:$0x7], $0x2000, $0x38;
	[tilespmem:$0x1F978] =	vst v63  }
0xb8: {  	_ =	swait.ge [sflag:s22], $0x2000  }
0xb9: {  	[sflag:s22] =	ssyncset.done $0x0  }
0xba: {  	s10 =	rddreg [dreg:$0xc];
	[sflag:s22] =	ssyncadd.s32 $0xFFFFE000  }
0xbb: {  	[spmem:s10] =	stream.linear.scatter [tilespmem:s5], [sflag:$0x7], $0x2000, $0x38;
	[tilespmem:$0x1F978] =	vst v63  }
0xbc: {  	_ =	swait.ge [sflag:s22], $0x2000  }
0xbd: {  	[sflag:s22] =	ssyncset.done $0x0  }
0xbe: {  	s14 =	rddreg [dreg:$0xd];
	[sflag:s22] =	ssyncadd.s32 $0xFFFFE000  }
0xbf: {  	[spmem:s14] =	stream.linear.scatter [tilespmem:s5], [sflag:$0x7], $0x2000, $0x38;
	[tilespmem:$0x1F978] =	vst v63  }
0xc0: {  	_ =	swait.ge [sflag:s22], $0x2000  }
0xc1: {  	[sflag:s22] =	ssyncset.done $0x0  }
0xc2: {  	s15 =	rddreg [dreg:$0xe];
	[sflag:s22] =	ssyncadd.s32 $0xFFFFE000  }
0xc3: {  	[spmem:s15] =	stream.linear.scatter [tilespmem:s5], [sflag:$0x7], $0x2000, $0x38;
	[tilespmem:$0x1F978] =	vst v63  }
0xc4: {  	_ =	swait.ge [sflag:s22], $0x2000  }
0xc5: {  	[sflag:s22] =	ssyncset.done $0x0  }
0xc6: {  	s8 =	rddreg [dreg:$0xf];
	[sflag:s22] =	ssyncadd.s32 $0xFFFFE000  }
0xc7: {  	[spmem:s8] =	stream.linear.scatter [tilespmem:s5], [sflag:$0x7], $0x2000, $0x38;
	[tilespmem:$0x1F978] =	vst v63  }
0xc8: {  	_ =	swait.ge [sflag:s22], $0x2000  }
0xc9: {  	s14 =	sld [smem:$0x7F4]  }
0xca: {  	[sflag:s22] =	ssyncset.done $0x0  }
0xcb: {  	s0 =	simm.s32 $0x0;
	[sflag:s22] =	ssyncadd.s32 $0xFFFFE000  }
0xcc: {  	[tilespmem:s0], [sflag:$0x7] =	stream.linear.gather [hbm4b:s14+s0], $0x2780, $0x38;
	[tilespmem:$0x1F978] =	vst v63  }
0xcd: {  	_ =	swait.ge [sflag:s22], $0x2780  }
0xce: {  	s15 =	sld [smem:$0x7F5]  }
0xcf: {  	[sflag:s22] =	ssyncset.done $0x0  }
0xd0: {  	[sflag:s22] =	ssyncadd.s32 $0xFFFFD880  }
0xd1: {  	[tilespmem:s25], [sflag:$0x7] =	stream.linear.gather [hbm4b:s15+s0], $0x2780, $0x38;
	[tilespmem:$0x1F978] =	vst v63  }
0xd2: {  	_ =	swait.ge [sflag:s22], $0x2780  }
0xd3: {  	[sflag:s22] =	ssyncset.done $0x0  }
0xd4: {  	[sflag:s22] =	ssyncadd.s32 $0xFFFFD880  }
0xd5: {  	[bflag:$0x0] =	sbarrier.arrive $0xFFFF  }
0xd6: {  	s8 =	rddreg [dreg:$0x1c]  }
0xd7: {  	[tilespmem:s26], [sflag:$0x1] =	stream.linear.gather [hbm4b:s8+s0], $0x80, $0x38;
	[tilespmem:$0x1F978] =	vst v63  }
0xd8: {  	s14 =	rddreg [dreg:$0x1d]  }
0xd9: {  	[tilespmem:s28], [sflag:$0x1] =	stream.linear.gather [hbm4b:s14+s0], $0x80, $0x38;
	[tilespmem:$0x1F978] =	vst v63  }
0xda: {  	s15 =	rddreg [dreg:$0x1e]  }
0xdb: {  	[tilespmem:s30], [sflag:$0x2] =	stream.linear.gather [hbm4b:s15+s0], $0x80, $0x38;
	[tilespmem:$0x1F978] =	vst v63  }
0xdc: {  	s8 =	rddreg [dreg:$0x1f]  }
0xdd: {  	[tilespmem:s31], [sflag:$0x2] =	stream.linear.gather [hbm4b:s8+s0], $0x80, $0x38;
	[tilespmem:$0x1F978] =	vst v63  }
0xde: {  	_ =	swait.ge [sflag:s1], $0x80  }
0xdf: {  	[sflag:s1] =	ssyncset.done $0x0  }
0xe0: {  	[sflag:s1] =	ssyncadd.s32 $0xFFFFFF80  }
0xe1: {  	_ =	swait.ge [sflag:s1], $0x80  }
0xe2: {  	p1 =	por $0x1, $0x1;
	[sflag:s1] =	ssyncset.done $0x0  }
0xe3: {  	s5 =	simm.s32 @!p1 $0x5;
	[sflag:s1] =	ssyncadd.s32 $0xFFFFFF80  }
0xe4: {  	_ =	swait.ge @!p1 [sflag:s5], $0x40  }
0xe5: {  	[sflag:s5] =	ssyncset.done @!p1 $0x0  }
0xe6: {  	[sflag:s5] =	ssyncadd.s32 @!p1 $0xFFFFFFC0  }
0xe7: {  	v1 =	vld [tilespmem:$0xB680]  }
0xe8: {  	v2 =	vld [tilespmem:$0xB780];
	_ =	sdelay $0x6  }
0xe9: {  	v1 =	vld.idx.msk [tilespmem:v1+s7+$0x0], $0xffff  }
0xea: {  	v2 =	vld.idx.msk [tilespmem:v2+s25+$0x0], $0xffff;
	_ =	sdelay $0x4  }
0xeb: {  	v1 =	vadd.f32 v2, v1;
	_ =	sdelay $0x1  }
0xec: {  	v2 =	vmul.f32 $2.000000030e-01, v1  }
0xed: {  	vm0 =	vge.f32 v1, $0.0e+00  }
0xee: {  	v1 =	vsel vm0, v1, v2  }
0xef: {  	v1 =	vmul.f32 $1.442695020e+00, v1;
	_ =	sdelay $0x1  }
0xf0: {  	(erf) = vpow2.f32 v1;
	_ =	sdelay $0x1  }
0xf1: {  	v3 =	vld [tilespmem:$0xB780]  }
0xf2: {  	v2 =	vld [tilespmem:$0xB690]  }
0xf3: {  	v1 =	vld [tilespmem:$0xB790];
	_ =	sdelay $0x4  }
0xf4: {  	[tilespmem:$0xB980] =	vst v3;
	v3 =	vpop (erf)  }
0xf5: {  	[tilespmem:$0xB880] =	vst v3  }
0xf6: {  	v2 =	vld.idx.msk [tilespmem:v2+s7+$0x0], $0xffff  }
0xf7: {  	v1 =	vld.idx.msk [tilespmem:v1+s25+$0x0], $0xffff;
	_ =	sdelay $0x4  }
0xf8: {  	v1 =	vadd.f32 v1, v2;
	_ =	sdelay $0x1  }
0xf9: {  	v2 =	vmul.f32 $2.000000030e-01, v1  }
0xfa: {  	vm9 =	vge.f32 v1, $0.0e+00  }
0xfb: {  	v1 =	vsel vm9, v1, v2  }
0xfc: {  	v1 =	vmul.f32 $1.442695020e+00, v1;
	_ =	sdelay $0x1  }
0xfd: {  	(erf) = vpow2.f32 v1;
	_ =	sdelay $0x1  }
0xfe: {  	v3 =	vld [tilespmem:$0xB790]  }
0xff: {  	v2 =	vld [tilespmem:$0xB6A0]  }
0x100: {  	v1 =	vld [tilespmem:$0xB7A0];
	_ =	sdelay $0x4  }
0x101: {  	[tilespmem:$0xB990] =	vst v3;
	v3 =	vpop (erf)  }
0x102: {  	[tilespmem:$0xB890] =	vst v3  }
0x103: {  	v2 =	vld.idx.msk [tilespmem:v2+s7+$0x0], $0xffff  }
0x104: {  	v1 =	vld.idx.msk [tilespmem:v1+s25+$0x0], $0xffff;
	_ =	sdelay $0x4  }
0x105: {  	v1 =	vadd.f32 v1, v2;
	_ =	sdelay $0x1  }
0x106: {  	v2 =	vmul.f32 $2.000000030e-01, v1  }
0x107: {  	vm10 =	vge.f32 v1, $0.0e+00  }
0x108: {  	v1 =	vsel vm10, v1, v2  }
0x109: {  	v1 =	vmul.f32 $1.442695020e+00, v1;
	_ =	sdelay $0x1  }
0x10a: {  	(erf) = vpow2.f32 v1;
	_ =	sdelay $0x1  }
0x10b: {  	v3 =	vld [tilespmem:$0xB7B0]  }
0x10c: {  	v2 =	vld [tilespmem:$0xB6B0]  }
0x10d: {  	v1 =	vld [tilespmem:$0xB7A0];
	_ =	sdelay $0x4  }
0x10e: {  	[tilespmem:$0xB9A0] =	vst v1;
	v1 =	vpop (erf)  }
0x10f: {  	[tilespmem:$0xB8A0] =	vst v1  }
0x110: {  	v1 =	vld.idx.msk [tilespmem:v2+s7+$0x0], $0xffff  }
0x111: {  	v2 =	vld.idx.msk [tilespmem:v3+s25+$0x0], $0xffff;
	_ =	sdelay $0x4  }
0x112: {  	v1 =	vadd.f32 v2, v1;
	_ =	sdelay $0x1  }
0x113: {  	v2 =	vmul.f32 $2.000000030e-01, v1  }
0x114: {  	vm11 =	vge.f32 v1, $0.0e+00  }
0x115: {  	v1 =	vsel vm11, v1, v2  }
0x116: {  	v1 =	vmul.f32 $1.442695020e+00, v1;
	_ =	sdelay $0x1  }
0x117: {  	(erf) = vpow2.f32 v1;
	_ =	sdelay $0x3  }
0x118: {  	v1 =	vld [tilespmem:$0xB7B0]  }
0x119: {  	s14 =	smin.u32 s0, $0x13D  }
0x11a: {  	s5 =	sadd.s32 $0x2, s14  }
0x11b: {  	s15 =	sadd.s32 s29, s5  }
0x11c: {  	s5 =	sshll.u32 s5, $0x4;
	s8 =	sshll.u32 s15, $0x4  }
0x11d: {  	s5 =	sand.u32 $0x70, s5;
	s8 =	sand.u32 $0x3FF80, s8;
	[tilespmem:$0xB9B0] =	vst v1;
	v1 =	vpop (erf)  }
0x11e: {  	s14 =	rddreg [dreg:$0x6];
	s5 =	sor.u32 s5, s8;
	[tilespmem:$0xB8B0] =	vst v1  }
0x11f: {  	[spmem:s6] =	stream.indirect.scatter.add.f32 [tilespmem:s14], [sflag:$0x5], $0x1, s17, s16, $0xb8;
	[tilespmem:$0x1F978] =	vst v63  }
0x120: {  	s8 =	sadd.s32 s3, s5  }
0x121: {  	[tilespmem:s26], [sflag:$0x1] =	stream.linear.gather [hbm4b:s8+s7], $0x80, $0x38;
	[tilespmem:$0x1F978] =	vst v63  }
0x122: {  	s5 =	sadd.s32 s2, s5  }
0x123: {  	[tilespmem:s28], [sflag:$0x1] =	stream.linear.gather [hbm4b:s5+s7], $0x80, $0x38;
	[tilespmem:$0x1F978] =	vst v63  }
0x124: {  	_ =	swait.ge [sflag:s18], $0x80  }
0x125: {  	[sflag:s18] =	ssyncset.done $0x0  }
0x126: {  	[sflag:s18] =	ssyncadd.s32 $0xFFFFFF80  }
0x127: {  	_ =	swait.ge [sflag:s18], $0x80  }
0x128: {  	[sflag:s18] =	ssyncset.done $0x0  }
0x129: {  	s5 =	simm.s32 @!p1 $0x6;
	[sflag:s18] =	ssyncadd.s32 $0xFFFFFF80  }
0x12a: {  	_ =	swait.ge @!p1 [sflag:s5], $0x40  }
0x12b: {  	[sflag:s5] =	ssyncset.done @!p1 $0x0  }
0x12c: {  	[sflag:s5] =	ssyncadd.s32 @!p1 $0xFFFFFFC0  }
0x12d: {  	v1 =	vld [tilespmem:$0xB700]  }
0x12e: {  	v2 =	vld [tilespmem:$0xB800];
	_ =	sdelay $0x6  }
0x12f: {  	v1 =	vld.idx.msk [tilespmem:v1+s7+$0x0], $0xffff  }
0x130: {  	v2 =	vld.idx.msk [tilespmem:v2+s25+$0x0], $0xffff;
	_ =	sdelay $0x4  }
0x131: {  	v1 =	vadd.f32 v2, v1;
	_ =	sdelay $0x1  }
0x132: {  	v2 =	vmul.f32 $2.000000030e-01, v1  }
0x133: {  	vm12 =	vge.f32 v1, $0.0e+00  }
0x134: {  	v1 =	vsel vm12, v1, v2  }
0x135: {  	v1 =	vmul.f32 $1.442695020e+00, v1;
	_ =	sdelay $0x1  }
0x136: {  	(erf) = vpow2.f32 v1;
	_ =	sdelay $0x1  }
0x137: {  	v3 =	vld [tilespmem:$0xB800]  }
0x138: {  	v2 =	vld [tilespmem:$0xB710]  }
0x139: {  	v1 =	vld [tilespmem:$0xB810];
	_ =	sdelay $0x4  }
0x13a: {  	[tilespmem:$0xBA00] =	vst v3;
	v3 =	vpop (erf)  }
0x13b: {  	[tilespmem:$0xB900] =	vst v3  }
0x13c: {  	v2 =	vld.idx.msk [tilespmem:v2+s7+$0x0], $0xffff  }
0x13d: {  	v1 =	vld.idx.msk [tilespmem:v1+s25+$0x0], $0xffff;
	_ =	sdelay $0x4  }
0x13e: {  	v1 =	vadd.f32 v1, v2;
	_ =	sdelay $0x1  }
0x13f: {  	v2 =	vmul.f32 $2.000000030e-01, v1  }
0x140: {  	vm13 =	vge.f32 v1, $0.0e+00  }
0x141: {  	v1 =	vsel vm13, v1, v2  }
0x142: {  	v1 =	vmul.f32 $1.442695020e+00, v1;
	_ =	sdelay $0x1  }
0x143: {  	(erf) = vpow2.f32 v1;
	_ =	sdelay $0x1  }
0x144: {  	v3 =	vld [tilespmem:$0xB820]  }
0x145: {  	v2 =	vld [tilespmem:$0xB720]  }
0x146: {  	v1 =	vld [tilespmem:$0xB810];
	_ =	sdelay $0x4  }
0x147: {  	[tilespmem:$0xBA10] =	vst v1;
	v1 =	vpop (erf)  }
0x148: {  	[tilespmem:$0xB910] =	vst v1  }
0x149: {  	v1 =	vld.idx.msk [tilespmem:v2+s7+$0x0], $0xffff  }
0x14a: {  	v2 =	vld.idx.msk [tilespmem:v3+s25+$0x0], $0xffff;
	_ =	sdelay $0x4  }
0x14b: {  	v1 =	vadd.f32 v2, v1;
	_ =	sdelay $0x1  }
0x14c: {  	v2 =	vmul.f32 $2.000000030e-01, v1  }
0x14d: {  	vm14 =	vge.f32 v1, $0.0e+00  }
0x14e: {  	v1 =	vsel vm14, v1, v2  }
0x14f: {  	v1 =	vmul.f32 $1.442695020e+00, v1;
	_ =	sdelay $0x1  }
0x150: {  	(erf) = vpow2.f32 v1;
	_ =	sdelay $0x1  }
0x151: {  	v3 =	vld [tilespmem:$0xB830]  }
0x152: {  	v2 =	vld [tilespmem:$0xB730]  }
0x153: {  	v1 =	vld [tilespmem:$0xB820];
	_ =	sdelay $0x4  }
0x154: {  	[tilespmem:$0xBA20] =	vst v1;
	v1 =	vpop (erf)  }
0x155: {  	[tilespmem:$0xB920] =	vst v1  }
0x156: {  	v1 =	vld.idx.msk [tilespmem:v2+s7+$0x0], $0xffff  }
0x157: {  	v2 =	vld.idx.msk [tilespmem:v3+s25+$0x0], $0xffff;
	_ =	sdelay $0x4  }
0x158: {  	v1 =	vadd.f32 v2, v1  }
0x159: {  	s0 =	smin.u32 s0, $0x13C  }
0x15a: {  	s0 =	sadd.s32 $0x3, s0;
	v2 =	vld [tilespmem:$0xB830];
	v3 =	vmul.f32 $2.000000030e-01, v1  }
0x15b: {  	s14 =	sadd.s32 s29, s0;
	vm15 =	vge.f32 v1, $0.0e+00  }
0x15c: {  	s0 =	sshll.u32 s0, $0x4;
	s5 =	sshll.u32 s14, $0x4;
	v1 =	vsel vm15, v1, v3  }
0x15d: {  	s0 =	sand.u32 $0x70, s0;
	s5 =	sand.u32 $0x3FF80, s5;
	v1 =	vmul.f32 $1.442695020e+00, v1  }
0x15e: {  	s10 =	simm.s32 $0x7680;
	s8 =	simm.s32 $0x2;
	s15 =	sor.u32 s0, s5  }
0x15f: {  	s0 =	rddreg [dreg:$0x7];
	s5 =	sadd.s32 s3, s15;
	s15 =	sadd.s32 s2, s15;
	[tilespmem:$0xBA30] =	vst v2;
	(erf) = vpow2.f32 v1  }
.LBB2_4:
0x160: {  	_ =	sdelay $0x7  }
0x161: {  	v1 =	vpop (erf)  }
0x162: {  	[tilespmem:$0xB930] =	vst v1  }
0x163: {  	[spmem:s6] =	stream.indirect.scatter.add.f32 [tilespmem:s0], [sflag:$0x6], $0x1, s19, s16, $0xb8;
	[tilespmem:$0x1F978] =	vst v63  }
0x164: {  	_ = 	snop  }
0x165: {  	[tilespmem:s30], [sflag:$0x2] =	stream.linear.gather [hbm4b:s5+s7], $0x80, $0x38;
	[tilespmem:$0x1F978] =	vst v63  }
0x166: {  	_ = 	snop  }
0x167: {  	[tilespmem:s31], [sflag:$0x2] =	stream.linear.gather [hbm4b:s15+s7], $0x80, $0x38;
	[tilespmem:$0x1F978] =	vst v63  }
0x168: {  	_ =	swait.ge [sflag:s1], $0x80  }
0x169: {  	[sflag:s1] =	ssyncset.done $0x0  }
0x16a: {  	[sflag:s1] =	ssyncadd.s32 $0xFFFFFF80  }
0x16b: {  	s14 =	smov.u32 s8;
	_ =	swait.ge [sflag:s1], $0x80  }
0x16c: {  	p2 =	seq.s32 s14, $0x0;
	[sflag:s1] =	ssyncset.done $0x0  }
0x16d: {  	s0 =	simm.s32 @!p2 $0x5;
	[sflag:s1] =	ssyncadd.s32 $0xFFFFFF80  }
0x16e: {  	_ =	swait.ge @!p2 [sflag:s0], $0x40  }
0x16f: {  	[sflag:s0] =	ssyncset.done @!p2 $0x0  }
0x170: {  	[sflag:s0] =	ssyncadd.s32 @!p2 $0xFFFFFFC0  }
0x171: {  	v1 =	vld [tilespmem:$0xB680]  }
0x172: {  	v2 =	vld [tilespmem:$0xB780];
	_ =	sdelay $0x6  }
0x173: {  	v1 =	vld.idx.msk [tilespmem:v1+s7+$0x0], $0xffff  }
0x174: {  	v2 =	vld.idx.msk [tilespmem:v2+s25+$0x0], $0xffff;
	_ =	sdelay $0x4  }
0x175: {  	v1 =	vadd.f32 v2, v1;
	_ =	sdelay $0x1  }
0x176: {  	v2 =	vmul.f32 $2.000000030e-01, v1  }
0x177: {  	vm0 =	vge.f32 v1, $0.0e+00  }
0x178: {  	v1 =	vsel vm0, v1, v2  }
0x179: {  	v1 =	vmul.f32 $1.442695020e+00, v1;
	_ =	sdelay $0x1  }
0x17a: {  	(erf) = vpow2.f32 v1;
	_ =	sdelay $0x1  }
0x17b: {  	v3 =	vld [tilespmem:$0xB780]  }
0x17c: {  	v2 =	vld [tilespmem:$0xB690]  }
0x17d: {  	v1 =	vld [tilespmem:$0xB790];
	_ =	sdelay $0x4  }
0x17e: {  	[tilespmem:$0xB980] =	vst v3;
	v3 =	vpop (erf)  }
0x17f: {  	[tilespmem:$0xB880] =	vst v3  }
0x180: {  	v2 =	vld.idx.msk [tilespmem:v2+s7+$0x0], $0xffff  }
0x181: {  	v1 =	vld.idx.msk [tilespmem:v1+s25+$0x0], $0xffff;
	_ =	sdelay $0x4  }
0x182: {  	v1 =	vadd.f32 v1, v2;
	_ =	sdelay $0x1  }
0x183: {  	v2 =	vmul.f32 $2.000000030e-01, v1  }
0x184: {  	vm9 =	vge.f32 v1, $0.0e+00  }
0x185: {  	v1 =	vsel vm9, v1, v2  }
0x186: {  	v1 =	vmul.f32 $1.442695020e+00, v1;
	_ =	sdelay $0x1  }
0x187: {  	(erf) = vpow2.f32 v1;
	_ =	sdelay $0x1  }
0x188: {  	v3 =	vld [tilespmem:$0xB790]  }
0x189: {  	v2 =	vld [tilespmem:$0xB6A0]  }
0x18a: {  	v1 =	vld [tilespmem:$0xB7A0];
	_ =	sdelay $0x4  }
0x18b: {  	[tilespmem:$0xB990] =	vst v3;
	v3 =	vpop (erf)  }
0x18c: {  	[tilespmem:$0xB890] =	vst v3  }
0x18d: {  	v2 =	vld.idx.msk [tilespmem:v2+s7+$0x0], $0xffff  }
0x18e: {  	v1 =	vld.idx.msk [tilespmem:v1+s25+$0x0], $0xffff;
	_ =	sdelay $0x4  }
0x18f: {  	v1 =	vadd.f32 v1, v2;
	_ =	sdelay $0x1  }
0x190: {  	v2 =	vmul.f32 $2.000000030e-01, v1  }
0x191: {  	vm10 =	vge.f32 v1, $0.0e+00  }
0x192: {  	v1 =	vsel vm10, v1, v2  }
0x193: {  	v1 =	vmul.f32 $1.442695020e+00, v1;
	_ =	sdelay $0x1  }
0x194: {  	(erf) = vpow2.f32 v1;
	_ =	sdelay $0x1  }
0x195: {  	v4 =	vld [tilespmem:$0xB7A0]  }
0x196: {  	v2 =	vld [tilespmem:$0xB6B0]  }
0x197: {  	v1 =	vld [tilespmem:$0xB7B0];
	_ =	sdelay $0x4  }
0x198: {  	[tilespmem:$0xB9A0] =	vst v4;
	v60 =	vpop (erf)  }
0x199: {  	[tilespmem:$0xB8A0] =	vst v60  }
0x19a: {  	v2 =	vld.idx.msk [tilespmem:v2+s7+$0x0], $0xffff  }
0x19b: {  	v1 =	vld.idx.msk [tilespmem:v1+s25+$0x0], $0xffff;
	_ =	sdelay $0x4  }
0x19c: {  	v1 =	vadd.f32 v1, v2;
	_ =	sdelay $0x1  }
0x19d: {  	v2 =	vmul.f32 $2.000000030e-01, v1  }
0x19e: {  	vm11 =	vge.f32 v1, $0.0e+00  }
0x19f: {  	v1 =	vsel vm11, v1, v2  }
0x1a0: {  	v1 =	vmul.f32 $1.442695020e+00, v1;
	_ =	sdelay $0x1  }
0x1a1: {  	(erf) = vpow2.f32 v1;
	_ =	sdelay $0x3  }
0x1a2: {  	v3 =	vld [tilespmem:$0xB7B0]  }
0x1a3: {  	s15 =	smin.u32 s14, $0x13D  }
0x1a4: {  	s0 =	sadd.s32 $0x2, s15  }
0x1a5: {  	s15 =	sadd.s32 s29, s0  }
0x1a6: {  	s0 =	sshll.u32 s0, $0x4;
	s15 =	sshll.u32 s15, $0x4  }
0x1a7: {  	s0 =	sand.u32 $0x70, s0;
	s15 =	sand.u32 $0x3FF80, s15;
	[tilespmem:$0xB9B0] =	vst v3;
	v1 =	vpop (erf)  }
0x1a8: {  	s5 =	rddreg [dreg:$0x6];
	s0 =	sor.u32 s0, s15;
	[tilespmem:$0xB8B0] =	vst v1  }
0x1a9: {  	[spmem:s6] =	stream.indirect.scatter.add.f32 [tilespmem:s5], [sflag:$0x5], $0x1, s17, s16, $0xb8;
	[tilespmem:$0x1F978] =	vst v63  }
0x1aa: {  	s15 =	sadd.s32 s3, s0  }
0x1ab: {  	[tilespmem:s26], [sflag:$0x1] =	stream.linear.gather [hbm4b:s15+s7], $0x80, $0x38;
	[tilespmem:$0x1F978] =	vst v63  }
0x1ac: {  	s0 =	sadd.s32 s2, s0  }
0x1ad: {  	[tilespmem:s28], [sflag:$0x1] =	stream.linear.gather [hbm4b:s0+s7], $0x80, $0x38;
	[tilespmem:$0x1F978] =	vst v63  }
0x1ae: {  	_ =	swait.ge [sflag:s18], $0x80  }
0x1af: {  	[sflag:s18] =	ssyncset.done $0x0  }
0x1b0: {  	[sflag:s18] =	ssyncadd.s32 $0xFFFFFF80  }
0x1b1: {  	_ =	swait.ge [sflag:s18], $0x80  }
0x1b2: {  	[sflag:s18] =	ssyncset.done $0x0  }
0x1b3: {  	s0 =	simm.s32 @!p2 $0x6;
	[sflag:s18] =	ssyncadd.s32 $0xFFFFFF80  }
0x1b4: {  	_ =	swait.ge @!p2 [sflag:s0], $0x40  }
0x1b5: {  	[sflag:s0] =	ssyncset.done @!p2 $0x0  }
0x1b6: {  	[sflag:s0] =	ssyncadd.s32 @!p2 $0xFFFFFFC0  }
0x1b7: {  	v1 =	vld [tilespmem:$0xB700]  }
0x1b8: {  	v2 =	vld [tilespmem:$0xB800];
	_ =	sdelay $0x6  }
0x1b9: {  	v1 =	vld.idx.msk [tilespmem:v1+s7+$0x0], $0xffff  }
0x1ba: {  	v2 =	vld.idx.msk [tilespmem:v2+s25+$0x0], $0xffff;
	_ =	sdelay $0x4  }
0x1bb: {  	v1 =	vadd.f32 v2, v1;
	_ =	sdelay $0x1  }
0x1bc: {  	v2 =	vmul.f32 $2.000000030e-01, v1  }
0x1bd: {  	vm12 =	vge.f32 v1, $0.0e+00  }
0x1be: {  	v1 =	vsel vm12, v1, v2  }
0x1bf: {  	v1 =	vmul.f32 $1.442695020e+00, v1;
	_ =	sdelay $0x1  }
0x1c0: {  	(erf) = vpow2.f32 v1;
	_ =	sdelay $0x1  }
0x1c1: {  	v3 =	vld [tilespmem:$0xB800]  }
0x1c2: {  	v2 =	vld [tilespmem:$0xB710]  }
0x1c3: {  	v1 =	vld [tilespmem:$0xB810];
	_ =	sdelay $0x4  }
0x1c4: {  	[tilespmem:$0xBA00] =	vst v3;
	v3 =	vpop (erf)  }
0x1c5: {  	[tilespmem:$0xB900] =	vst v3  }
0x1c6: {  	v2 =	vld.idx.msk [tilespmem:v2+s7+$0x0], $0xffff  }
0x1c7: {  	v1 =	vld.idx.msk [tilespmem:v1+s25+$0x0], $0xffff;
	_ =	sdelay $0x4  }
0x1c8: {  	v1 =	vadd.f32 v1, v2;
	_ =	sdelay $0x1  }
0x1c9: {  	v2 =	vmul.f32 $2.000000030e-01, v1  }
0x1ca: {  	vm13 =	vge.f32 v1, $0.0e+00  }
0x1cb: {  	v1 =	vsel vm13, v1, v2  }
0x1cc: {  	v1 =	vmul.f32 $1.442695020e+00, v1;
	_ =	sdelay $0x1  }
0x1cd: {  	(erf) = vpow2.f32 v1;
	_ =	sdelay $0x1  }
0x1ce: {  	v61 =	vld [tilespmem:$0xB810]  }
0x1cf: {  	v2 =	vld [tilespmem:$0xB720]  }
0x1d0: {  	v1 =	vld [tilespmem:$0xB820];
	_ =	sdelay $0x4  }
0x1d1: {  	[tilespmem:$0xBA10] =	vst v61;
	v62 =	vpop (erf)  }
0x1d2: {  	[tilespmem:$0xB910] =	vst v62  }
0x1d3: {  	v2 =	vld.idx.msk [tilespmem:v2+s7+$0x0], $0xffff  }
0x1d4: {  	v1 =	vld.idx.msk [tilespmem:v1+s25+$0x0], $0xffff;
	_ =	sdelay $0x4  }
0x1d5: {  	v1 =	vadd.f32 v1, v2;
	_ =	sdelay $0x1  }
0x1d6: {  	v2 =	vmul.f32 $2.000000030e-01, v1  }
0x1d7: {  	vm14 =	vge.f32 v1, $0.0e+00  }
0x1d8: {  	v1 =	vsel vm14, v1, v2  }
0x1d9: {  	v1 =	vmul.f32 $1.442695020e+00, v1;
	_ =	sdelay $0x1  }
0x1da: {  	(erf) = vpow2.f32 v1;
	_ =	sdelay $0x1  }
0x1db: {  	v3 =	vld [tilespmem:$0xB820]  }
0x1dc: {  	v2 =	vld [tilespmem:$0xB730]  }
0x1dd: {  	v1 =	vld [tilespmem:$0xB830];
	_ =	sdelay $0x4  }
0x1de: {  	[tilespmem:$0xBA20] =	vst v3;
	v63 =	vpop (erf)  }
0x1df: {  	[tilespmem:$0xB920] =	vst v63  }
0x1e0: {  	v2 =	vld.idx.msk [tilespmem:v2+s7+$0x0], $0xffff  }
0x1e1: {  	v1 =	vld.idx.msk [tilespmem:v1+s25+$0x0], $0xffff;
	_ =	sdelay $0x4  }
0x1e2: {  	v1 =	vadd.f32 v1, v2  }
0x1e3: {  	s8 =	sadd.s32 $0x2, s8;
	s5 =	smin.u32 s14, $0x13C  }
0x1e4: {  	p1 =	sne.s32 s8, $0x140;
	s14 =	sadd.s32 $0x3, s5;
	v3 =	vld [tilespmem:$0xB830];
	v2 =	vmul.f32 $2.000000030e-01, v1  }
.Ltmp1:
0x1e5: {  	s15 =	sadd.s32 s29, s14;
	vm15 =	vge.f32 v1, $0.0e+00;
	(pc) =	sbr.rel @p1 .LBB2_4-.Ltmp1, $4  }
0x1e6: {  	s5 =	sshll.u32 s14, $0x4;
	s14 =	sshll.u32 s15, $0x4;
	v1 =	vsel vm15, v1, v2  }
0x1e7: {  	s5 =	sand.u32 $0x70, s5;
	s14 =	sand.u32 $0x3FF80, s14;
	v1 =	vmul.f32 $1.442695020e+00, v1  }
0x1e8: {  	s14 =	sor.u32 s5, s14  }
0x1e9: {  	s5 =	sadd.s32 s3, s14;
	s15 =	sadd.s32 s2, s14;
	s0 =	rddreg [dreg:$0x7];
	[tilespmem:$0xBA30] =	vst v3;
	(erf) = vpow2.f32 v1  }
0x1ea: {  	_ =	sdelay $0x7  }
0x1eb: {  	v1 =	vpop (erf)  }
0x1ec: {  	[tilespmem:$0xB930] =	vst v1  }
0x1ed: {  	[spmem:s6] =	stream.indirect.scatter.add.f32 [tilespmem:s0], [sflag:$0x6], $0x1, s19, s16, $0xb8;
	[tilespmem:$0x1F978] =	vst v63  }
0x1ee: {  	_ = 	snop  }
0x1ef: {  	[tilespmem:s30], [sflag:$0x2] =	stream.linear.gather [hbm4b:s5+s7], $0x80, $0x38;
	[tilespmem:$0x1F978] =	vst v63  }
0x1f0: {  	_ = 	snop  }
0x1f1: {  	[tilespmem:s31], [sflag:$0x2] =	stream.linear.gather [hbm4b:s15+s7], $0x80, $0x38;
	[tilespmem:$0x1F978] =	vst v63  }
0x1f2: {  	_ =	swait.ge [sflag:s1], $0x80  }
0x1f3: {  	[sflag:s1] =	ssyncset.done $0x0  }
0x1f4: {  	[sflag:s1] =	ssyncadd.s32 $0xFFFFFF80  }
0x1f5: {  	_ =	swait.ge [sflag:s1], $0x80  }
0x1f6: {  	[sflag:s1] =	ssyncset.done $0x0  }
0x1f7: {  	[sflag:s1] =	ssyncadd.s32 $0xFFFFFF80  }
0x1f8: {  	_ =	swait.ge [sflag:s18], $0x80  }
0x1f9: {  	[sflag:s18] =	ssyncset.done $0x0  }
0x1fa: {  	[sflag:s18] =	ssyncadd.s32 $0xFFFFFF80  }
0x1fb: {  	_ =	swait.ge [sflag:s18], $0x80  }
0x1fc: {  	[sflag:s18] =	ssyncset.done $0x0  }
0x1fd: {  	[sflag:s18] =	ssyncadd.s32 $0xFFFFFF80  }
0x1fe: {  	_ =	swait.ge [sflag:s20], $0x40  }
0x1ff: {  	[sflag:s20] =	ssyncset.done $0x0  }
0x200: {  	[sflag:s20] =	ssyncadd.s32 $0xFFFFFFC0  }
0x201: {  	_ =	swait.ge [sflag:s23], $0x40  }
0x202: {  	[sflag:s23] =	ssyncset.done $0x0  }
0x203: {  	[sflag:s23] =	ssyncadd.s32 $0xFFFFFFC0  }
0x204: {  	[bflag:$0x0] =	sbarrier.arrive $0xFFFF  }
0x205: {  	[tilespmem:s9], [sflag:$0x7] =	stream.linear.gather [spmem:s6], $0x2780, $0x38;
	[tilespmem:$0x1F978] =	vst v63  }
0x206: {  	_ =	swait.ge [sflag:s22], $0x2780  }
0x207: {  	s5 =	sld [smem:$0x7EC]  }
0x208: {  	[sflag:s22] =	ssyncset.done $0x0  }
0x209: {  	s15 =	simm.s32 $0x0;
	s8 =	sld [smem:$0x7ED];
	[sflag:s22] =	ssyncadd.s32 $0xFFFFD880  }
0x20a: {  	[tilespmem:s26], [sflag:$0x1] =	stream.linear.gather [hbm4b:s5+s15], $0x80, $0x38;
	[tilespmem:$0x1F978] =	vst v63  }
0x20b: {  	s14 =	sld [smem:$0x7EE]  }
0x20c: {  	[tilespmem:s28], [sflag:$0x1] =	stream.linear.gather [hbm4b:s8+s15], $0x80, $0x38;
	[tilespmem:$0x1F978] =	vst v63  }
0x20d: {  	s22 =	sld [smem:$0x7EF]  }
0x20e: {  	[tilespmem:s30], [sflag:$0x2] =	stream.linear.gather [hbm4b:s14+s15], $0x80, $0x38;
	[tilespmem:$0x1F978] =	vst v63  }
0x20f: {  	_ = 	snop  }
0x210: {  	[tilespmem:s31], [sflag:$0x2] =	stream.linear.gather [hbm4b:s22+s15], $0x80, $0x38;
	[tilespmem:$0x1F978] =	vst v63  }
0x211: {  	_ =	swait.ge [sflag:s1], $0x80  }
0x212: {  	[sflag:s1] =	ssyncset.done $0x0  }
0x213: {  	[sflag:s1] =	ssyncadd.s32 $0xFFFFFF80  }
0x214: {  	_ =	swait.ge [sflag:s1], $0x80  }
0x215: {  	[sflag:s1] =	ssyncset.done $0x0  }
0x216: {  	[sflag:s1] =	ssyncadd.s32 $0xFFFFFF80  }
0x217: {  	s8 =	simm.s32 $0x0;
	s23 =	rddreg [dreg:$0x0]  }
0x218: {  	[tilespmem:s10], [sflag:$0x3] =	stream.indirect.gather [hbm4b:s23+s16], $0x80, s26, s16, $0xb8;
	[tilespmem:$0x1F978] =	vst v63  }
.LBB2_6:
0x219: {  	_ =	swait.ge [sflag:s18], $0x80  }
0x21a: {  	[sflag:s18] =	ssyncset.done $0x0  }
0x21b: {  	[sflag:s18] =	ssyncadd.s32 $0xFFFFFF80  }
0x21c: {  	_ =	swait.ge [sflag:s18], $0x80  }
0x21d: {  	p1 =	seq.s32 s8, $0x0;
	[sflag:s18] =	ssyncset.done $0x0  }
0x21e: {  	s0 =	simm.s32 @!p1 $0x6;
	[sflag:s18] =	ssyncadd.s32 $0xFFFFFF80  }
0x21f: {  	_ =	swait.ge @!p1 [sflag:s0], $0x2000  }
0x220: {  	[sflag:s0] =	ssyncset.done @!p1 $0x0  }
0x221: {  	[sflag:s0] =	ssyncadd.s32 @!p1 $0xFFFFE000  }
0x222: {  	s0 =	rddreg [dreg:$0x0]  }
0x223: {  	[tilespmem:s24], [sflag:$0x4] =	stream.indirect.gather [hbm4b:s0+s16], $0x80, s30, s16, $0xb8;
	[tilespmem:$0x1F978] =	vst v63  }
0x224: {  	_ =	swait.ge [sflag:s11], $0x2000  }
0x225: {  	[sflag:s11] =	ssyncset.done $0x0  }
0x226: {  	[sflag:s11] =	ssyncadd.s32 $0xFFFFE000  }
0x227: {  	v1 =	vld [tilespmem:$0xB680]  }
0x228: {  	v2 =	vld [tilespmem:$0xB780];
	_ =	sdelay $0x6  }
0x229: {  	v1 =	vld.idx.msk [tilespmem:v1+s15+$0x0], $0xffff  }
0x22a: {  	v3 =	vld.idx.msk [tilespmem:v2+s25+$0x0], $0xffff;
	_ =	sdelay $0x4  }
0x22b: {  	v1 =	vadd.f32 v3, v1  }
0x22c: {  	v3 =	vld.idx.msk [tilespmem:v2+s9+$0x0], $0xffff  }
0x22d: {  	v4 =	vmul.f32 $2.000000030e-01, v1  }
0x22e: {  	vm0 =	vge.f32 v1, $0.0e+00  }
0x22f: {  	v1 =	vsel vm0, v1, v4  }
0x230: {  	v1 =	vmul.f32 $1.442695020e+00, v1  }
0x231: {  	v3 =	vadd.f32 $1.000000020e-16, v3  }
0x232: {  	(erf) = vpow2.f32 v1  }
0x233: {  	(erf) = vrcp.f32 v3;
	_ =	sdelay $0x4  }
0x234: {  	v1 =	vld [tilespmem:$0xB690]  }
0x235: {  	v3 =	vld [tilespmem:$0xB790];
	_ =	sdelay $0x1  }
0x236: {  	v4 =	vpop (erf)  }
0x237: {  	v5 =	vpop (erf)  }
0x238: {  	v4 =	vmul.f32 v4, v5  }
0x239: {  	[tilespmem:$0xB980] =	vst v2  }
0x23a: {  	[tilespmem:$0xBA80] =	vst v4  }
0x23b: {  	v1 =	vld.idx.msk [tilespmem:v1+s15+$0x0], $0xffff  }
0x23c: {  	v2 =	vld.idx.msk [tilespmem:v3+s25+$0x0], $0xffff;
	_ =	sdelay $0x4  }
0x23d: {  	v1 =	vadd.f32 v2, v1  }
0x23e: {  	v2 =	vld.idx.msk [tilespmem:v3+s9+$0x0], $0xffff  }
0x23f: {  	v4 =	vmul.f32 $2.000000030e-01, v1  }
0x240: {  	vm13 =	vge.f32 v1, $0.0e+00  }
0x241: {  	v1 =	vsel vm13, v1, v4  }
0x242: {  	v1 =	vmul.f32 $1.442695020e+00, v1  }
0x243: {  	v2 =	vadd.f32 $1.000000020e-16, v2  }
0x244: {  	(erf) = vpow2.f32 v1  }
0x245: {  	(erf) = vrcp.f32 v2;
	_ =	sdelay $0x4  }
0x246: {  	v1 =	vld [tilespmem:$0xB6A0]  }
0x247: {  	v2 =	vld [tilespmem:$0xB7A0];
	_ =	sdelay $0x1  }
0x248: {  	v4 =	vpop (erf)  }
0x249: {  	v5 =	vpop (erf)  }
0x24a: {  	v4 =	vmul.f32 v4, v5  }
0x24b: {  	[tilespmem:$0xB990] =	vst v3  }
0x24c: {  	[tilespmem:$0xBA90] =	vst v4  }
0x24d: {  	v1 =	vld.idx.msk [tilespmem:v1+s15+$0x0], $0xffff  }
0x24e: {  	v3 =	vld.idx.msk [tilespmem:v2+s25+$0x0], $0xffff;
	_ =	sdelay $0x4  }
0x24f: {  	v1 =	vadd.f32 v3, v1  }
0x250: {  	v3 =	vld.idx.msk [tilespmem:v2+s9+$0x0], $0xffff  }
0x251: {  	v4 =	vmul.f32 $2.000000030e-01, v1  }
0x252: {  	vm14 =	vge.f32 v1, $0.0e+00  }
0x253: {  	v1 =	vsel vm14, v1, v4  }
0x254: {  	v1 =	vmul.f32 $1.442695020e+00, v1  }
0x255: {  	v3 =	vadd.f32 $1.000000020e-16, v3  }
0x256: {  	(erf) = vpow2.f32 v1  }
0x257: {  	(erf) = vrcp.f32 v3;
	_ =	sdelay $0x4  }
0x258: {  	v1 =	vld [tilespmem:$0xB6B0]  }
0x259: {  	v3 =	vld [tilespmem:$0xB7B0];
	_ =	sdelay $0x1  }
0x25a: {  	v4 =	vpop (erf)  }
0x25b: {  	v5 =	vpop (erf)  }
0x25c: {  	v4 =	vmul.f32 v4, v5  }
0x25d: {  	[tilespmem:$0xB9A0] =	vst v2  }
0x25e: {  	[tilespmem:$0xBAA0] =	vst v4  }
0x25f: {  	v1 =	vld.idx.msk [tilespmem:v1+s15+$0x0], $0xffff  }
0x260: {  	v2 =	vld.idx.msk [tilespmem:v3+s25+$0x0], $0xffff;
	_ =	sdelay $0x4  }
0x261: {  	v1 =	vadd.f32 v2, v1  }
0x262: {  	v2 =	vld.idx.msk [tilespmem:v3+s9+$0x0], $0xffff  }
0x263: {  	v4 =	vmul.f32 $2.000000030e-01, v1  }
0x264: {  	vm15 =	vge.f32 v1, $0.0e+00  }
0x265: {  	v1 =	vsel vm15, v1, v4  }
0x266: {  	v1 =	vmul.f32 $1.442695020e+00, v1  }
0x267: {  	v2 =	vadd.f32 $1.000000020e-16, v2  }
0x268: {  	(erf) = vpow2.f32 v1  }
0x269: {  	(erf) = vrcp.f32 v2;
	_ =	sdelay $0x5  }
0x26a: {  	v1 =	vmov s15  }
0x26b: {  	v1 =	vand.u32 $0xFFFFFFFC, v1  }
0x26c: {  	v1 =	vbroadcast v1, $0x0;
	v2 =	vpop (erf)  }
0x26d: {  	v4 =	vpop (erf)  }
0x26e: {  	v2 =	vmul.f32 v2, v4  }
0x26f: {  	[tilespmem:$0xB9B0] =	vst v3  }
0x270: {  	s24 =	simm.s32 $0x7780;
	[tilespmem:$0xBAB0] =	vst v2  }
0x271: {  	v2 =	vld [tilespmem:s24+$0xFFFFFF70]  }
0x272: {  	v1 =	vld.idx.msk [tilespmem:v1+s12+$0x0], $0xffff  }
0x273: {  	v3 =	vld [tilespmem:s24+$0xFFFFFF00]  }
0x274: {  	v4 =	vld [tilespmem:s24+$0xFFFFFF20]  }
0x275: {  	v5 =	vld [tilespmem:s24+$0xFFFFFF50]  }
0x276: {  	v6 =	vld [tilespmem:s24+$0xFFFFFF40]  }
0x277: {  	v7 =	vld [tilespmem:s24+$0xFFFFFF60];
	v2 =	vmul.f32 v2, v1  }
0x278: {  	s22 =	simm.s32 $0x1;
	v8 =	vld [tilespmem:s24+$0xFFFFFF30];
	v3 =	vmul.f32 v3, v1  }
0x279: {  	v9 =	vld [tilespmem:s24+$0xFFFFFF10];
	v4 =	vmul.f32 v4, v1;
	[tilespmem:s24+$0xFFFFFF70] =	vst v2;
	v2 =	vmov s22  }
0x27a: {  	v5 =	vmul.f32 v5, v1;
	[tilespmem:s24+$0xFFFFFF00] =	vst v3;
	v2 =	vand.u32 $0xFFFFFFFD, v2  }
0x27b: {  	v3 =	vmul.f32 v6, v1;
	[tilespmem:s24+$0xFFFFFF20] =	vst v4;
	v2 =	vbroadcast v2, $0x0  }
0x27c: {  	v4 =	vmul.f32 v7, v1;
	[tilespmem:s24+$0xFFFFFF50] =	vst v5  }
0x27d: {  	v5 =	vmul.f32 v8, v1;
	[tilespmem:s24+$0xFFFFFF40] =	vst v3  }
0x27e: {  	v1 =	vmul.f32 v9, v1;
	[tilespmem:s24+$0xFFFFFF60] =	vst v4  }
0x27f: {  	[tilespmem:s24+$0xFFFFFF30] =	vst v5  }
0x280: {  	[tilespmem:s24+$0xFFFFFF10] =	vst v1;
	v1 =	vld [tilespmem:s24+$0xFFFFFF90]  }
0x281: {  	v3 =	vld.idx.msk [tilespmem:v2+s12+$0x0], $0xffff  }
0x282: {  	v2 =	vld [tilespmem:s24+$0xFFFFFFA0]  }
0x283: {  	v4 =	vld [tilespmem:s24+$0xFFFFFF80]  }
0x284: {  	v5 =	vld [tilespmem:s24+$0xFFFFFFB0]  }
0x285: {  	v6 =	vld [tilespmem:s24+$0xFFFFFFC0]  }
0x286: {  	v7 =	vld [tilespmem:s24+$0xFFFFFFD0];
	v1 =	vmul.f32 v1, v3  }
0x287: {  	s23 =	simm.s32 $0x2;
	v8 =	vld [tilespmem:s24+$0xFFFFFFF0];
	v2 =	vmul.f32 v2, v3  }
0x288: {  	v63 =	vld [tilespmem:s24+$0xFFFFFFE0];
	v4 =	vmul.f32 v4, v3;
	[tilespmem:s24+$0xFFFFFF90] =	vst v1;
	v1 =	vmov s23  }
0x289: {  	v5 =	vmul.f32 v5, v3;
	[tilespmem:s24+$0xFFFFFFA0] =	vst v2;
	v1 =	vand.u32 $0xFFFFFFFE, v1  }
0x28a: {  	v2 =	vmul.f32 v6, v3;
	[tilespmem:s24+$0xFFFFFF80] =	vst v4;
	v6 =	vld [tilespmem:s24+$0x60];
	v10 =	vbroadcast v1, $0x0  }
0x28b: {  	v4 =	vmul.f32 v7, v3;
	[tilespmem:s24+$0xFFFFFFB0] =	vst v5;
	v7 =	vld [tilespmem:s24+$0x0]  }
0x28c: {  	v5 =	vmul.f32 v8, v3;
	v1 =	vld [tilespmem:s24+$0x20];
	[tilespmem:s24+$0xFFFFFFC0] =	vst v2  }
0x28d: {  	v3 =	vmul.f32 v63, v3;
	v2 =	vld [tilespmem:s24+$0x30];
	[tilespmem:s24+$0xFFFFFFD0] =	vst v4  }
0x28e: {  	[tilespmem:s24+$0xFFFFFFF0] =	vst v5;
	v4 =	vld [tilespmem:s24+$0x40]  }
0x28f: {  	s14 =	sshll.u32 s8, $0x1;
	[tilespmem:s24+$0xFFFFFFE0] =	vst v3;
	v5 =	vld [tilespmem:s24+$0x10]  }
0x290: {  	s5 =	simm.s32 $0x0;
	s0 =	simm.s32 $0x4;
	s22 =	simm.s32 $0x7780;
	v3 =	vld.idx.msk [tilespmem:v10+s12+$0x0], $0xffff  }
.LBB2_7:
0x291: {  	p1 =	sne.s32 s0, $0x3C  }
0x292: {  	v8 =	vld [tilespmem:s24+$0x50];
	s22 =	sadd.s32 $0x200, s22;
	s10 =	smov.u32 s0;
	s0 =	sadd.s32 $0x4, s0  }
0x293: {  	v9 =	vld [tilespmem:s24+$0x70];
	_ =	sdelay $0x1  }
0x294: {  	v6 =	vmul.f32 v6, v3;
	v7 =	vmul.f32 v7, v3  }
0x295: {  	v4 =	vmul.f32 v4, v3;
	v5 =	vmul.f32 v5, v3  }
0x296: {  	v1 =	vmul.f32 v1, v3;
	v2 =	vmul.f32 v2, v3;
	[tilespmem:s24+$0x60] =	vst v6  }
0x297: {  	[tilespmem:s24+$0x40] =	vst v4;
	v4 =	vmul.f32 v8, v3;
	v3 =	vmul.f32 v9, v3  }
0x298: {  	s23 =	sadd.s32 $0x3, s5;
	s5 =	smov.u32 s10;
	[tilespmem:s24+$0x20] =	vst v1;
	v6 =	vld [tilespmem:s24+$0x80]  }
0x299: {  	v1 =	vld [tilespmem:s22+$0x20];
	[tilespmem:s24+$0x0] =	vst v7;
	v7 =	vmov s23  }
0x29a: {  	[tilespmem:s24+$0x50] =	vst v4;
	v4 =	vld [tilespmem:s24+$0xE0]  }
0x29b: {  	[tilespmem:s24+$0x30] =	vst v2;
	v8 =	vld [tilespmem:s24+$0xC0]  }
0x29c: {  	v2 =	vld [tilespmem:s22+$0x30];
	[tilespmem:s24+$0x10] =	vst v5  }
0x29d: {  	[tilespmem:s24+$0x70] =	vst v3;
	v3 =	vld [tilespmem:s24+$0xA0]  }
0x29e: {  	v5 =	vld.idx.msk [tilespmem:v7+s12+$0x0], $0xffff  }
0x29f: {  	v7 =	vld [tilespmem:s24+$0x90]  }
0x2a0: {  	v9 =	vld [tilespmem:s24+$0xB0]  }
0x2a1: {  	v10 =	vld [tilespmem:s24+$0xD0]  }
0x2a2: {  	v11 =	vld [tilespmem:s24+$0xF0];
	_ =	sdelay $0x1  }
0x2a3: {  	v6 =	vmul.f32 v6, v5;
	v7 =	vmul.f32 v7, v5  }
0x2a4: {  	v3 =	vmul.f32 v3, v5;
	v9 =	vmul.f32 v9, v5  }
0x2a5: {  	v12 =	vmov s5;
	[tilespmem:s24+$0x80] =	vst v6;
	v6 =	vmul.f32 v8, v5;
	v8 =	vmul.f32 v10, v5  }
0x2a6: {  	v10 =	vand.u32 $0xFFFFFFFC, v12;
	[tilespmem:s24+$0xA0] =	vst v3;
	v3 =	vmul.f32 v4, v5;
	v4 =	vmul.f32 v11, v5  }
0x2a7: {  	v5 =	vbroadcast v10, $0x0;
	[tilespmem:s24+$0xC0] =	vst v6  }
0x2a8: {  	[tilespmem:s24+$0xF0] =	vst v4  }
0x2a9: {  	v4 =	vld [tilespmem:s22+$0xFFFFFF40];
	[tilespmem:s24+$0xE0] =	vst v3  }
0x2aa: {  	v3 =	vld [tilespmem:s22+$0xFFFFFF50];
	[tilespmem:s24+$0x90] =	vst v7  }
0x2ab: {  	v6 =	vld [tilespmem:s22+$0xFFFFFF60];
	[tilespmem:s24+$0xB0] =	vst v9  }
0x2ac: {  	v7 =	vld [tilespmem:s22+$0xFFFFFF70];
	[tilespmem:s24+$0xD0] =	vst v8;
	s24 =	smov.u32 s22  }
0x2ad: {  	v5 =	vld.idx.msk [tilespmem:v5+s12+$0x0], $0xffff  }
0x2ae: {  	v8 =	vld [tilespmem:s22+$0xFFFFFF00]  }
0x2af: {  	v9 =	vld [tilespmem:s22+$0xFFFFFF20]  }
0x2b0: {  	v10 =	vld [tilespmem:s22+$0xFFFFFF10]  }
0x2b1: {  	v11 =	vld [tilespmem:s22+$0xFFFFFF30];
	_ =	sdelay $0x1  }
0x2b2: {  	v7 =	vmul.f32 v7, v5;
	v8 =	vmul.f32 v8, v5  }
0x2b3: {  	s10 =	sadd.s32 $0x1, s5;
	v6 =	vmul.f32 v6, v5;
	v9 =	vmul.f32 v9, v5  }
0x2b4: {  	v3 =	vmul.f32 v3, v5;
	v10 =	vmul.f32 v10, v5;
	[tilespmem:s22+$0xFFFFFF70] =	vst v7;
	v7 =	vmov s10  }
0x2b5: {  	v4 =	vmul.f32 v4, v5;
	[tilespmem:s22+$0xFFFFFF00] =	vst v8;
	v8 =	vmul.f32 v11, v5;
	v5 =	vand.u32 $0xFFFFFFFD, v7  }
0x2b6: {  	[tilespmem:s22+$0xFFFFFF20] =	vst v9;
	v5 =	vbroadcast v5, $0x0  }
0x2b7: {  	[tilespmem:s22+$0xFFFFFF50] =	vst v3  }
0x2b8: {  	[tilespmem:s22+$0xFFFFFF40] =	vst v4;
	v3 =	vld [tilespmem:s22+$0xFFFFFFF0]  }
0x2b9: {  	[tilespmem:s22+$0xFFFFFF60] =	vst v6;
	v4 =	vld [tilespmem:s22+$0xFFFFFFC0]  }
0x2ba: {  	[tilespmem:s22+$0xFFFFFF30] =	vst v8;
	v6 =	vld [tilespmem:s22+$0xFFFFFFD0]  }
0x2bb: {  	[tilespmem:s22+$0xFFFFFF10] =	vst v10;
	v7 =	vld [tilespmem:s22+$0xFFFFFF90]  }
0x2bc: {  	v5 =	vld.idx.msk [tilespmem:v5+s12+$0x0], $0xffff  }
0x2bd: {  	v8 =	vld [tilespmem:s22+$0xFFFFFF80]  }
0x2be: {  	v9 =	vld [tilespmem:s22+$0xFFFFFFA0]  }
0x2bf: {  	v10 =	vld [tilespmem:s22+$0xFFFFFFB0]  }
0x2c0: {  	v11 =	vld [tilespmem:s22+$0xFFFFFFE0];
	_ =	sdelay $0x1  }
0x2c1: {  	v7 =	vmul.f32 v7, v5;
	v8 =	vmul.f32 v8, v5  }
0x2c2: {  	s10 =	sadd.s32 $0x2, s5;
	v6 =	vmul.f32 v6, v5;
	v9 =	vmul.f32 v9, v5  }
0x2c3: {  	v4 =	vmul.f32 v4, v5;
	[tilespmem:s22+$0xFFFFFF90] =	vst v7;
	v7 =	vmul.f32 v10, v5;
	v10 =	vmov s10  }
0x2c4: {  	v3 =	vmul.f32 v3, v5;
	[tilespmem:s22+$0xFFFFFFA0] =	vst v9;
	v9 =	vmul.f32 v11, v5;
	v5 =	vand.u32 $0xFFFFFFFE, v10  }
0x2c5: {  	[tilespmem:s22+$0xFFFFFF80] =	vst v8;
	v5 =	vbroadcast v5, $0x0  }
0x2c6: {  	[tilespmem:s22+$0xFFFFFFB0] =	vst v7  }
0x2c7: {  	[tilespmem:s22+$0xFFFFFFC0] =	vst v4  }
0x2c8: {  	[tilespmem:s22+$0xFFFFFFD0] =	vst v6  }
.Ltmp2:
0x2c9: {  	[tilespmem:s22+$0xFFFFFFF0] =	vst v3;
	v4 =	vld [tilespmem:s22+$0x40];
	(pc) =	sbr.rel @p1 .LBB2_7-.Ltmp2, $4  }
0x2ca: {  	[tilespmem:s22+$0xFFFFFFE0] =	vst v9;
	v6 =	vld [tilespmem:s22+$0x60]  }
0x2cb: {  	v3 =	vld.idx.msk [tilespmem:v5+s12+$0x0], $0xffff  }
0x2cc: {  	v7 =	vld [tilespmem:s22+$0x0]  }
0x2cd: {  	v5 =	vld [tilespmem:s22+$0x10]  }
0x2ce: {  	_ =	sdelay $0x1  }
0x2cf: {  	v6 =	vmul.f32 v6, v3  }
0x2d0: {  	v8 =	vld [tilespmem:s24+$0x50];
	v4 =	vmul.f32 v4, v3  }
0x2d1: {  	v9 =	vld [tilespmem:s24+$0x70];
	v1 =	vmul.f32 v1, v3;
	[tilespmem:s24+$0x60] =	vst v6  }
0x2d2: {  	v6 =	vmul.f32 v7, v3;
	[tilespmem:s24+$0x40] =	vst v4  }
0x2d3: {  	s0 =	sadd.s32 $0x3, s5;
	[tilespmem:s24+$0x20] =	vst v1;
	v1 =	vmul.f32 v2, v3  }
0x2d4: {  	v5 =	vmul.f32 v5, v3;
	[tilespmem:s24+$0x0] =	vst v6;
	v6 =	vmov s0  }
0x2d5: {  	v4 =	vmul.f32 v8, v3;
	[tilespmem:s24+$0x30] =	vst v1  }
0x2d6: {  	v3 =	vmul.f32 v9, v3;
	[tilespmem:s24+$0x10] =	vst v5  }
0x2d7: {  	[tilespmem:s24+$0x50] =	vst v4  }
0x2d8: {  	v2 =	vld [tilespmem:s24+$0x80];
	[tilespmem:s24+$0x70] =	vst v3  }
0x2d9: {  	v1 =	vld.idx.msk [tilespmem:v6+s12+$0x0], $0xffff  }
0x2da: {  	v3 =	vld [tilespmem:s24+$0xA0]  }
0x2db: {  	v4 =	vld [tilespmem:s24+$0xC0]  }
0x2dc: {  	v5 =	vld [tilespmem:s24+$0xF0]  }
0x2dd: {  	v6 =	vld [tilespmem:s24+$0xE0]  }
0x2de: {  	v7 =	vld [tilespmem:s24+$0x90];
	v2 =	vmul.f32 v2, v1  }
0x2df: {  	v8 =	vld [tilespmem:s24+$0xB0];
	v3 =	vmul.f32 v3, v1  }
0x2e0: {  	v61 =	vld [tilespmem:s24+$0xD0];
	s0 =	sadd.s32 $0x2, s14;
	[tilespmem:s24+$0x80] =	vst v2;
	v2 =	vmul.f32 v4, v1  }
0x2e1: {  	s5 =	smov.u32 s21;
	p1 =	slt.s32 s0, s21;
	[tilespmem:s24+$0xA0] =	vst v3;
	v3 =	vmul.f32 v5, v1  }
0x2e2: {  	s5 =	smov.u32 @p1 s0;
	v4 =	vmul.f32 v6, v1;
	[tilespmem:s24+$0xC0] =	vst v2  }
0x2e3: {  	s0 =	sadd.s32 s4, s5;
	v2 =	vmul.f32 v7, v1;
	[tilespmem:s24+$0xF0] =	vst v3  }
0x2e4: {  	s5 =	sshll.u32 s5, $0x7;
	s0 =	sshll.u32 s0, $0x7;
	v3 =	vmul.f32 v8, v1;
	[tilespmem:s24+$0xE0] =	vst v4  }
0x2e5: {  	s5 =	sand.u32 $0x380, s5;
	s0 =	sand.u32 $0xFFFFFC00, s0;
	v1 =	vmul.f32 v61, v1;
	[tilespmem:s24+$0x90] =	vst v2  }
0x2e6: {  	s0 =	sor.u32 s5, s0;
	[tilespmem:s24+$0xB0] =	vst v3  }
0x2e7: {  	s22 =	rddreg [dreg:$0x3];
	s10 =	simm.s32 $0x7680;
	s0 =	sshrl.u32 s0, $0x3;
	[tilespmem:s24+$0xD0] =	vst v1  }
0x2e8: {  	[spmem:s22] =	stream.indirect.scatter.add.f32 [tilespmem:s10], [sflag:$0x5], $0x80, s17, s16, $0xb8;
	[tilespmem:$0x1F978] =	vst v63  }
0x2e9: {  	s23 =	sadd.s32 s3, s0;
	s24 =	simm.s32 $0x0  }
0x2ea: {  	[tilespmem:s26], [sflag:$0x1] =	stream.linear.gather [hbm4b:s23+s24], $0x80, $0x38;
	[tilespmem:$0x1F978] =	vst v63  }
0x2eb: {  	s0 =	sadd.s32 s2, s0  }
0x2ec: {  	[tilespmem:s28], [sflag:$0x1] =	stream.linear.gather [hbm4b:s0+s24], $0x80, $0x38;
	[tilespmem:$0x1F978] =	vst v63  }
0x2ed: {  	_ =	swait.ge [sflag:s1], $0x80  }
0x2ee: {  	[sflag:s1] =	ssyncset.done $0x0  }
0x2ef: {  	[sflag:s1] =	ssyncadd.s32 $0xFFFFFF80  }
0x2f0: {  	_ =	swait.ge [sflag:s1], $0x80  }
0x2f1: {  	[sflag:s1] =	ssyncset.done $0x0  }
0x2f2: {  	[sflag:s1] =	ssyncadd.s32 $0xFFFFFF80  }
0x2f3: {  	_ =	swait.ge [sflag:s20], $0x2000  }
0x2f4: {  	[sflag:s20] =	ssyncset.done $0x0  }
0x2f5: {  	[sflag:s20] =	ssyncadd.s32 $0xFFFFE000  }
0x2f6: {  	s5 =	rddreg [dreg:$0x0]  }
0x2f7: {  	[tilespmem:s10], [sflag:$0x3] =	stream.indirect.gather [hbm4b:s5+s16], $0x80, s26, s16, $0xb8;
	[tilespmem:$0x1F978] =	vst v63  }
0x2f8: {  	_ =	swait.ge [sflag:s13], $0x2000  }
0x2f9: {  	[sflag:s13] =	ssyncset.done $0x0  }
0x2fa: {  	[sflag:s13] =	ssyncadd.s32 $0xFFFFE000  }
0x2fb: {  	v1 =	vld [tilespmem:$0xB700]  }
0x2fc: {  	v2 =	vld [tilespmem:$0xB800];
	_ =	sdelay $0x6  }
0x2fd: {  	v1 =	vld.idx.msk [tilespmem:v1+s24+$0x0], $0xffff  }
0x2fe: {  	v3 =	vld.idx.msk [tilespmem:v2+s25+$0x0], $0xffff;
	_ =	sdelay $0x4  }
0x2ff: {  	v1 =	vadd.f32 v3, v1  }
0x300: {  	v3 =	vld.idx.msk [tilespmem:v2+s9+$0x0], $0xffff  }
0x301: {  	v4 =	vmul.f32 $2.000000030e-01, v1  }
0x302: {  	vm0 =	vge.f32 v1, $0.0e+00  }
0x303: {  	v1 =	vsel vm0, v1, v4  }
0x304: {  	v1 =	vmul.f32 $1.442695020e+00, v1  }
0x305: {  	v3 =	vadd.f32 $1.000000020e-16, v3  }
0x306: {  	(erf) = vpow2.f32 v1  }
0x307: {  	(erf) = vrcp.f32 v3;
	_ =	sdelay $0x4  }
0x308: {  	v1 =	vld [tilespmem:$0xB710]  }
0x309: {  	v3 =	vld [tilespmem:$0xB810];
	_ =	sdelay $0x1  }
0x30a: {  	v4 =	vpop (erf)  }
0x30b: {  	v5 =	vpop (erf)  }
0x30c: {  	v4 =	vmul.f32 v4, v5  }
0x30d: {  	[tilespmem:$0xBA00] =	vst v2  }
0x30e: {  	[tilespmem:$0xBA80] =	vst v4  }
0x30f: {  	v1 =	vld.idx.msk [tilespmem:v1+s24+$0x0], $0xffff  }
0x310: {  	v2 =	vld.idx.msk [tilespmem:v3+s25+$0x0], $0xffff;
	_ =	sdelay $0x4  }
0x311: {  	v1 =	vadd.f32 v2, v1  }
0x312: {  	v2 =	vld.idx.msk [tilespmem:v3+s9+$0x0], $0xffff  }
0x313: {  	v4 =	vmul.f32 $2.000000030e-01, v1  }
0x314: {  	vm13 =	vge.f32 v1, $0.0e+00  }
0x315: {  	v1 =	vsel vm13, v1, v4  }
0x316: {  	v1 =	vmul.f32 $1.442695020e+00, v1  }
0x317: {  	v2 =	vadd.f32 $1.000000020e-16, v2  }
0x318: {  	(erf) = vpow2.f32 v1  }
0x319: {  	(erf) = vrcp.f32 v2;
	_ =	sdelay $0x4  }
0x31a: {  	v1 =	vld [tilespmem:$0xB720]  }
0x31b: {  	v2 =	vld [tilespmem:$0xB820];
	_ =	sdelay $0x1  }
0x31c: {  	v4 =	vpop (erf)  }
0x31d: {  	v5 =	vpop (erf)  }
0x31e: {  	v4 =	vmul.f32 v4, v5  }
0x31f: {  	[tilespmem:$0xBA10] =	vst v3  }
0x320: {  	[tilespmem:$0xBA90] =	vst v4  }
0x321: {  	v1 =	vld.idx.msk [tilespmem:v1+s24+$0x0], $0xffff  }
0x322: {  	v3 =	vld.idx.msk [tilespmem:v2+s25+$0x0], $0xffff;
	_ =	sdelay $0x4  }
0x323: {  	v1 =	vadd.f32 v3, v1  }
0x324: {  	v3 =	vld.idx.msk [tilespmem:v2+s9+$0x0], $0xffff  }
0x325: {  	v4 =	vmul.f32 $2.000000030e-01, v1  }
0x326: {  	vm14 =	vge.f32 v1, $0.0e+00  }
0x327: {  	v1 =	vsel vm14, v1, v4  }
0x328: {  	v1 =	vmul.f32 $1.442695020e+00, v1  }
0x329: {  	v3 =	vadd.f32 $1.000000020e-16, v3  }
0x32a: {  	(erf) = vpow2.f32 v1  }
0x32b: {  	(erf) = vrcp.f32 v3;
	_ =	sdelay $0x4  }
0x32c: {  	v1 =	vld [tilespmem:$0xB730]  }
0x32d: {  	v3 =	vld [tilespmem:$0xB830];
	_ =	sdelay $0x1  }
0x32e: {  	v4 =	vpop (erf)  }
0x32f: {  	v5 =	vpop (erf)  }
0x330: {  	v4 =	vmul.f32 v4, v5  }
0x331: {  	[tilespmem:$0xBA20] =	vst v2  }
0x332: {  	[tilespmem:$0xBAA0] =	vst v4  }
0x333: {  	v1 =	vld.idx.msk [tilespmem:v1+s24+$0x0], $0xffff  }
0x334: {  	v2 =	vld.idx.msk [tilespmem:v3+s25+$0x0], $0xffff;
	_ =	sdelay $0x4  }
0x335: {  	v1 =	vadd.f32 v2, v1  }
0x336: {  	v2 =	vld.idx.msk [tilespmem:v3+s9+$0x0], $0xffff  }
0x337: {  	v4 =	vmul.f32 $2.000000030e-01, v1  }
0x338: {  	vm15 =	vge.f32 v1, $0.0e+00  }
0x339: {  	v1 =	vsel vm15, v1, v4  }
0x33a: {  	v1 =	vmul.f32 $1.442695020e+00, v1  }
0x33b: {  	v2 =	vadd.f32 $1.000000020e-16, v2  }
0x33c: {  	(erf) = vpow2.f32 v1  }
0x33d: {  	(erf) = vrcp.f32 v2;
	_ =	sdelay $0x5  }
0x33e: {  	v1 =	vmov s24  }
0x33f: {  	v1 =	vand.u32 $0xFFFFFFFC, v1  }
0x340: {  	v1 =	vbroadcast v1, $0x0;
	v2 =	vpop (erf)  }
0x341: {  	v4 =	vpop (erf)  }
0x342: {  	v2 =	vmul.f32 v2, v4  }
0x343: {  	[tilespmem:$0xBA30] =	vst v3  }
0x344: {  	s5 =	simm.s32 $0x9780;
	[tilespmem:$0xBAB0] =	vst v2  }
0x345: {  	v2 =	vld [tilespmem:s5+$0xFFFFFF70]  }
0x346: {  	v1 =	vld.idx.msk [tilespmem:v1+s12+$0x0], $0xffff  }
0x347: {  	v3 =	vld [tilespmem:s5+$0xFFFFFF00]  }
0x348: {  	v4 =	vld [tilespmem:s5+$0xFFFFFF20]  }
0x349: {  	v5 =	vld [tilespmem:s5+$0xFFFFFF50]  }
0x34a: {  	v6 =	vld [tilespmem:s5+$0xFFFFFF40]  }
0x34b: {  	v7 =	vld [tilespmem:s5+$0xFFFFFF60];
	v2 =	vmul.f32 v2, v1  }
0x34c: {  	s22 =	simm.s32 $0x1;
	v8 =	vld [tilespmem:s5+$0xFFFFFF30];
	v3 =	vmul.f32 v3, v1  }
0x34d: {  	v62 =	vld [tilespmem:s5+$0xFFFFFF10];
	v4 =	vmul.f32 v4, v1;
	[tilespmem:s5+$0xFFFFFF70] =	vst v2;
	v2 =	vmov s22  }
0x34e: {  	v5 =	vmul.f32 v5, v1;
	[tilespmem:s5+$0xFFFFFF00] =	vst v3;
	v2 =	vand.u32 $0xFFFFFFFD, v2  }
0x34f: {  	v3 =	vmul.f32 v6, v1;
	[tilespmem:s5+$0xFFFFFF20] =	vst v4;
	v2 =	vbroadcast v2, $0x0  }
0x350: {  	v4 =	vmul.f32 v7, v1;
	[tilespmem:s5+$0xFFFFFF50] =	vst v5  }
0x351: {  	v5 =	vmul.f32 v8, v1;
	[tilespmem:s5+$0xFFFFFF40] =	vst v3  }
0x352: {  	v1 =	vmul.f32 v62, v1;
	[tilespmem:s5+$0xFFFFFF60] =	vst v4  }
0x353: {  	[tilespmem:s5+$0xFFFFFF30] =	vst v5  }
0x354: {  	[tilespmem:s5+$0xFFFFFF10] =	vst v1;
	v1 =	vld [tilespmem:s5+$0xFFFFFF90]  }
0x355: {  	v3 =	vld.idx.msk [tilespmem:v2+s12+$0x0], $0xffff  }
0x356: {  	v2 =	vld [tilespmem:s5+$0xFFFFFFA0]  }
0x357: {  	v4 =	vld [tilespmem:s5+$0xFFFFFF80]  }
0x358: {  	v5 =	vld [tilespmem:s5+$0xFFFFFFB0]  }
0x359: {  	v6 =	vld [tilespmem:s5+$0xFFFFFFC0]  }
0x35a: {  	v7 =	vld [tilespmem:s5+$0xFFFFFFD0];
	v1 =	vmul.f32 v1, v3  }
0x35b: {  	s23 =	simm.s32 $0x2;
	v8 =	vld [tilespmem:s5+$0xFFFFFFF0];
	v2 =	vmul.f32 v2, v3  }
0x35c: {  	v63 =	vld [tilespmem:s5+$0xFFFFFFE0];
	v4 =	vmul.f32 v4, v3;
	[tilespmem:s5+$0xFFFFFF90] =	vst v1;
	v1 =	vmov s23  }
0x35d: {  	v5 =	vmul.f32 v5, v3;
	[tilespmem:s5+$0xFFFFFFA0] =	vst v2;
	v1 =	vand.u32 $0xFFFFFFFE, v1  }
0x35e: {  	v2 =	vmul.f32 v6, v3;
	[tilespmem:s5+$0xFFFFFF80] =	vst v4;
	v6 =	vld [tilespmem:s5+$0x60];
	v10 =	vbroadcast v1, $0x0  }
0x35f: {  	v4 =	vmul.f32 v7, v3;
	[tilespmem:s5+$0xFFFFFFB0] =	vst v5;
	v7 =	vld [tilespmem:s5+$0x0]  }
0x360: {  	v5 =	vmul.f32 v8, v3;
	v1 =	vld [tilespmem:s5+$0x20];
	[tilespmem:s5+$0xFFFFFFC0] =	vst v2  }
0x361: {  	v3 =	vmul.f32 v63, v3;
	v2 =	vld [tilespmem:s5+$0x30];
	[tilespmem:s5+$0xFFFFFFD0] =	vst v4  }
0x362: {  	[tilespmem:s5+$0xFFFFFFF0] =	vst v5;
	v4 =	vld [tilespmem:s5+$0x40]  }
0x363: {  	[tilespmem:s5+$0xFFFFFFE0] =	vst v3;
	v5 =	vld [tilespmem:s5+$0x10]  }
0x364: {  	s0 =	simm.s32 $0x4;
	s22 =	simm.s32 $0x9780;
	v3 =	vld.idx.msk [tilespmem:v10+s12+$0x0], $0xffff  }
.LBB2_9:
0x365: {  	p1 =	sne.s32 s0, $0x3C  }
0x366: {  	v8 =	vld [tilespmem:s5+$0x50];
	s22 =	sadd.s32 $0x200, s22;
	s10 =	smov.u32 s0;
	s0 =	sadd.s32 $0x4, s0  }
0x367: {  	v9 =	vld [tilespmem:s5+$0x70];
	_ =	sdelay $0x1  }
0x368: {  	v6 =	vmul.f32 v6, v3;
	v7 =	vmul.f32 v7, v3  }
0x369: {  	v4 =	vmul.f32 v4, v3;
	v5 =	vmul.f32 v5, v3  }
0x36a: {  	v1 =	vmul.f32 v1, v3;
	v2 =	vmul.f32 v2, v3;
	[tilespmem:s5+$0x60] =	vst v6  }
0x36b: {  	[tilespmem:s5+$0x40] =	vst v4;
	v4 =	vmul.f32 v8, v3;
	v3 =	vmul.f32 v9, v3  }
0x36c: {  	s23 =	sadd.s32 $0x3, s24;
	s24 =	smov.u32 s10;
	[tilespmem:s5+$0x20] =	vst v1;
	v6 =	vld [tilespmem:s5+$0x80]  }
0x36d: {  	v1 =	vld [tilespmem:s22+$0x20];
	[tilespmem:s5+$0x0] =	vst v7;
	v7 =	vmov s23  }
0x36e: {  	[tilespmem:s5+$0x50] =	vst v4;
	v4 =	vld [tilespmem:s5+$0xE0]  }
0x36f: {  	[tilespmem:s5+$0x30] =	vst v2;
	v8 =	vld [tilespmem:s5+$0xC0]  }
0x370: {  	v2 =	vld [tilespmem:s22+$0x30];
	[tilespmem:s5+$0x10] =	vst v5  }
0x371: {  	[tilespmem:s5+$0x70] =	vst v3;
	v3 =	vld [tilespmem:s5+$0xA0]  }
0x372: {  	v5 =	vld.idx.msk [tilespmem:v7+s12+$0x0], $0xffff  }
0x373: {  	v7 =	vld [tilespmem:s5+$0x90]  }
0x374: {  	v9 =	vld [tilespmem:s5+$0xB0]  }
0x375: {  	v10 =	vld [tilespmem:s5+$0xD0]  }
0x376: {  	v11 =	vld [tilespmem:s5+$0xF0];
	_ =	sdelay $0x1  }
0x377: {  	v6 =	vmul.f32 v6, v5;
	v7 =	vmul.f32 v7, v5  }
0x378: {  	v3 =	vmul.f32 v3, v5;
	v9 =	vmul.f32 v9, v5  }
0x379: {  	v12 =	vmov s24;
	[tilespmem:s5+$0x80] =	vst v6;
	v6 =	vmul.f32 v8, v5;
	v8 =	vmul.f32 v10, v5  }
0x37a: {  	v10 =	vand.u32 $0xFFFFFFFC, v12;
	[tilespmem:s5+$0xA0] =	vst v3;
	v3 =	vmul.f32 v4, v5;
	v4 =	vmul.f32 v11, v5  }
0x37b: {  	v5 =	vbroadcast v10, $0x0;
	[tilespmem:s5+$0xC0] =	vst v6  }
0x37c: {  	[tilespmem:s5+$0xF0] =	vst v4  }
0x37d: {  	v4 =	vld [tilespmem:s22+$0xFFFFFF40];
	[tilespmem:s5+$0xE0] =	vst v3  }
0x37e: {  	v3 =	vld [tilespmem:s22+$0xFFFFFF50];
	[tilespmem:s5+$0x90] =	vst v7  }
0x37f: {  	v6 =	vld [tilespmem:s22+$0xFFFFFF60];
	[tilespmem:s5+$0xB0] =	vst v9  }
0x380: {  	v7 =	vld [tilespmem:s22+$0xFFFFFF70];
	[tilespmem:s5+$0xD0] =	vst v8;
	s5 =	smov.u32 s22  }
0x381: {  	v5 =	vld.idx.msk [tilespmem:v5+s12+$0x0], $0xffff  }
0x382: {  	v8 =	vld [tilespmem:s22+$0xFFFFFF00]  }
0x383: {  	v9 =	vld [tilespmem:s22+$0xFFFFFF20]  }
0x384: {  	v10 =	vld [tilespmem:s22+$0xFFFFFF10]  }
0x385: {  	v11 =	vld [tilespmem:s22+$0xFFFFFF30];
	_ =	sdelay $0x1  }
0x386: {  	v7 =	vmul.f32 v7, v5;
	v8 =	vmul.f32 v8, v5  }
0x387: {  	s10 =	sadd.s32 $0x1, s24;
	v6 =	vmul.f32 v6, v5;
	v9 =	vmul.f32 v9, v5  }
0x388: {  	v3 =	vmul.f32 v3, v5;
	v10 =	vmul.f32 v10, v5;
	[tilespmem:s22+$0xFFFFFF70] =	vst v7;
	v7 =	vmov s10  }
0x389: {  	v4 =	vmul.f32 v4, v5;
	[tilespmem:s22+$0xFFFFFF00] =	vst v8;
	v8 =	vmul.f32 v11, v5;
	v5 =	vand.u32 $0xFFFFFFFD, v7  }
0x38a: {  	[tilespmem:s22+$0xFFFFFF20] =	vst v9;
	v5 =	vbroadcast v5, $0x0  }
0x38b: {  	[tilespmem:s22+$0xFFFFFF50] =	vst v3  }
0x38c: {  	[tilespmem:s22+$0xFFFFFF40] =	vst v4;
	v3 =	vld [tilespmem:s22+$0xFFFFFFF0]  }
0x38d: {  	[tilespmem:s22+$0xFFFFFF60] =	vst v6;
	v4 =	vld [tilespmem:s22+$0xFFFFFFC0]  }
0x38e: {  	[tilespmem:s22+$0xFFFFFF30] =	vst v8;
	v6 =	vld [tilespmem:s22+$0xFFFFFFD0]  }
0x38f: {  	[tilespmem:s22+$0xFFFFFF10] =	vst v10;
	v7 =	vld [tilespmem:s22+$0xFFFFFF90]  }
0x390: {  	v5 =	vld.idx.msk [tilespmem:v5+s12+$0x0], $0xffff  }
0x391: {  	v8 =	vld [tilespmem:s22+$0xFFFFFF80]  }
0x392: {  	v9 =	vld [tilespmem:s22+$0xFFFFFFA0]  }
0x393: {  	v10 =	vld [tilespmem:s22+$0xFFFFFFB0]  }
0x394: {  	v11 =	vld [tilespmem:s22+$0xFFFFFFE0];
	_ =	sdelay $0x1  }
0x395: {  	v7 =	vmul.f32 v7, v5;
	v8 =	vmul.f32 v8, v5  }
0x396: {  	s10 =	sadd.s32 $0x2, s24;
	v6 =	vmul.f32 v6, v5;
	v9 =	vmul.f32 v9, v5  }
0x397: {  	v4 =	vmul.f32 v4, v5;
	[tilespmem:s22+$0xFFFFFF90] =	vst v7;
	v7 =	vmul.f32 v10, v5;
	v10 =	vmov s10  }
0x398: {  	v3 =	vmul.f32 v3, v5;
	[tilespmem:s22+$0xFFFFFFA0] =	vst v9;
	v9 =	vmul.f32 v11, v5;
	v5 =	vand.u32 $0xFFFFFFFE, v10  }
0x399: {  	[tilespmem:s22+$0xFFFFFF80] =	vst v8;
	v5 =	vbroadcast v5, $0x0  }
0x39a: {  	[tilespmem:s22+$0xFFFFFFB0] =	vst v7  }
0x39b: {  	[tilespmem:s22+$0xFFFFFFC0] =	vst v4  }
0x39c: {  	[tilespmem:s22+$0xFFFFFFD0] =	vst v6  }
.Ltmp3:
0x39d: {  	[tilespmem:s22+$0xFFFFFFF0] =	vst v3;
	v4 =	vld [tilespmem:s22+$0x40];
	(pc) =	sbr.rel @p1 .LBB2_9-.Ltmp3, $4  }
0x39e: {  	[tilespmem:s22+$0xFFFFFFE0] =	vst v9;
	v6 =	vld [tilespmem:s22+$0x60]  }
0x39f: {  	v3 =	vld.idx.msk [tilespmem:v5+s12+$0x0], $0xffff  }
0x3a0: {  	v7 =	vld [tilespmem:s22+$0x0]  }
0x3a1: {  	v5 =	vld [tilespmem:s22+$0x10]  }
0x3a2: {  	_ =	sdelay $0x1  }
0x3a3: {  	v6 =	vmul.f32 v6, v3  }
0x3a4: {  	v8 =	vld [tilespmem:s5+$0x50];
	v4 =	vmul.f32 v4, v3  }
0x3a5: {  	v9 =	vld [tilespmem:s5+$0x70];
	v1 =	vmul.f32 v1, v3;
	[tilespmem:s5+$0x60] =	vst v6  }
0x3a6: {  	v54 =	vmul.f32 v7, v3;
	[tilespmem:s5+$0x40] =	vst v4  }
0x3a7: {  	s0 =	sadd.s32 $0x3, s24;
	[tilespmem:s5+$0x20] =	vst v1;
	v1 =	vmul.f32 v2, v3  }
0x3a8: {  	v56 =	vmov s0;
	v5 =	vmul.f32 v5, v3;
	[tilespmem:s5+$0x0] =	vst v54  }
0x3a9: {  	v55 =	vmul.f32 v8, v3;
	[tilespmem:s5+$0x30] =	vst v1  }
0x3aa: {  	v3 =	vmul.f32 v9, v3;
	[tilespmem:s5+$0x10] =	vst v5  }
0x3ab: {  	[tilespmem:s5+$0x50] =	vst v55  }
0x3ac: {  	v2 =	vld [tilespmem:s5+$0x80];
	[tilespmem:s5+$0x70] =	vst v3  }
0x3ad: {  	v1 =	vld.idx.msk [tilespmem:v56+s12+$0x0], $0xffff  }
0x3ae: {  	v3 =	vld [tilespmem:s5+$0xA0]  }
0x3af: {  	v59 =	vld [tilespmem:s5+$0xE0]  }
0x3b0: {  	v57 =	vld [tilespmem:s5+$0xC0]  }
0x3b1: {  	v58 =	vld [tilespmem:s5+$0xF0]  }
0x3b2: {  	v60 =	vld [tilespmem:s5+$0x90];
	v2 =	vmul.f32 v2, v1  }
0x3b3: {  	v61 =	vld [tilespmem:s5+$0xB0];
	v3 =	vmul.f32 v3, v1  }
0x3b4: {  	v62 =	vld [tilespmem:s5+$0xD0];
	v63 =	vmul.f32 v59, v1;
	[tilespmem:s5+$0x80] =	vst v2  }
0x3b5: {  	v2 =	vmul.f32 v57, v1;
	[tilespmem:s5+$0xA0] =	vst v3  }
0x3b6: {  	v3 =	vmul.f32 v58, v1;
	[tilespmem:s5+$0xE0] =	vst v63  }
0x3b7: {  	[tilespmem:s5+$0xC0] =	vst v2;
	v2 =	vmul.f32 v60, v1  }
0x3b8: {  	[tilespmem:s5+$0xF0] =	vst v3;
	v3 =	vmul.f32 v61, v1  }
0x3b9: {  	v1 =	vmul.f32 v62, v1;
	[tilespmem:s5+$0x90] =	vst v2  }
0x3ba: {  	s10 =	rddreg [dreg:$0x3];
	s0 =	sadd.s32 $0x3, s14;
	[tilespmem:s5+$0xB0] =	vst v3  }
0x3bb: {  	s24 =	simm.s32 $0x9680;
	p1 =	slt.s32 s0, s21;
	[tilespmem:s5+$0xD0] =	vst v1;
	s5 =	smov.u32 s21  }
0x3bc: {  	[spmem:s10] =	stream.indirect.scatter.add.f32 [tilespmem:s24], [sflag:$0x6], $0x80, s19, s16, $0xb8;
	[tilespmem:$0x1F978] =	vst v63  }
0x3bd: {  	s5 =	smov.u32 @p1 s0  }
0x3be: {  	s23 =	sld [smem:$0x7F0];
	s0 =	sadd.s32 s4, s5  }
0x3bf: {  	s5 =	sshll.u32 s5, $0x7;
	s0 =	sshll.u32 s0, $0x7  }
0x3c0: {  	s8 =	sadd.s32 $0x1, s8;
	s5 =	sand.u32 $0x380, s5;
	s0 =	sand.u32 $0xFFFFFC00, s0  }
0x3c1: {  	p1 =	sne.s32 s8, s23;
	s0 =	sor.u32 s5, s0  }
.Ltmp4:
0x3c2: {  	s0 =	sshrl.u32 s0, $0x3;
	(pc) =	sbr.rel @p1 .LBB2_6-.Ltmp4, $4  }
0x3c3: {  	s22 =	sadd.s32 s3, s0  }
0x3c4: {  	[tilespmem:s30], [sflag:$0x2] =	stream.linear.gather [hbm4b:s22+s7], $0x80, $0x38;
	[tilespmem:$0x1F978] =	vst v63  }
0x3c5: {  	s0 =	sadd.s32 s2, s0  }
0x3c6: {  	[tilespmem:s31], [sflag:$0x2] =	stream.linear.gather [hbm4b:s0+s7], $0x80, $0x38;
	[tilespmem:$0x1F978] =	vst v63  }
0x3c7: {  	_ =	swait.ge [sflag:s18], $0x80  }
0x3c8: {  	[sflag:s18] =	ssyncset.done $0x0  }
0x3c9: {  	[sflag:s18] =	ssyncadd.s32 $0xFFFFFF80  }
0x3ca: {  	_ =	swait.ge [sflag:s18], $0x80  }
0x3cb: {  	[sflag:s18] =	ssyncset.done $0x0  }
0x3cc: {  	[sflag:s18] =	ssyncadd.s32 $0xFFFFFF80  }
0x3cd: {  	_ =	swait.ge [sflag:s11], $0x2000  }
0x3ce: {  	[sflag:s11] =	ssyncset.done $0x0  }
0x3cf: {  	s23 =	simm.s32 $0x6;
	[sflag:s11] =	ssyncadd.s32 $0xFFFFE000  }
0x3d0: {  	_ =	swait.ge [sflag:s23], $0x2000  }
0x3d1: {  	[sflag:s23] =	ssyncset.done $0x0  }
0x3d2: {  	[sflag:s23] =	ssyncadd.s32 $0xFFFFE000  }
0x3d3: {  	[bflag:$0x0] =	sbarrier.arrive $0xFFFF  }
0x3d4: {  	s5 =	sld [smem:$0x7F1]  }
0x3d5: {  	s0 =	stileid.u32;
	s8 =	sld [smem:$0x7F3]  }
0x3d6: {  	s0 =	sshll.u32 s0, $0x6  }
0x3d7: {  	s22 =	simm.s32 $0x7;
	s0 =	sor.u32 $0x1C07, s0  }
0x3d8: {  	[hbm:s5], [sflag:s0] =	dma.local [spmem:s8], $0x2780  }
0x3d9: {  	_ =	swait.ge [sflag:s22], $0x2780  }
0x3da: {  	s14 =	sld [smem:$0x7EB]  }
0x3db: {  	s15 =	sld [smem:$0x7F2];
	_ =	sdelay $0x1  }
0x3dc: {  	s5 =	sadd.s32 $0x1, s14  }
0x3dd: {  	p1 =	sne.s32 s5, s15  }
.Ltmp5:
0x3de: {  	_ = 	snop;
	(pc) =	sbr.rel @p1 .LBB2_1-.Ltmp5, $3  }
0x3df: {  	_ =	sdelay $0x1  }
0x3e0: {  	[sflag:s22] =	ssyncset.done $0x0  }
0x3e1: {  	[sflag:s22] =	ssyncadd.s32 $0xFFFFD880  }
0x3e2: {  	_ =	sfence.sel $0x180000  }
0x3e3: {  	[bflag:$0x0] =	sbarrier.arrive $0xFFFF  }
0x3e4: {  	_ =	strace $0x90000047  }
0x3e5: {  	s0 =	stileid.u32;
	[bflag:$0x2] =	sbarrier.arrive $0xFFFF  }
0x3e6: {  	p0 =	sne.s32 s0, $0x0;
	s0 =	rddreg [dreg:$0x5]  }
0x3e7: {  	s0 =	sadd.s32 @!p0 $0x100000, s0  }
0x3e8: {  	[sflag:s0] =	ssyncadd.tile.s32 @!p0 $0x1;
	_ =	shalt  }
.Lfunc_end2:
_tile_overlayer_lowered:
.L_overlay_start_2:
0x3e9: {  	(tag) =	ssettag $0x2  }
0x3ea: {  	s0 =	rddreg [dreg:$0x0];
	s2 =	stileid.u32  }
0x3eb: {  	s1 =	rddreg [dreg:$0x1];
	p0 =	sne.s32 s2, $0x0  }
0x3ec: {  	s3 =	rddreg [dreg:$0x2];
	[bflag:$0x3] =	sbarrier.arrive $0xFFFF;
	s2 =	simm.s32 @!p0 $0x1C07  }
0x3ed: {  	[timem:s3], [sflag:s2] =	dma.local @!p0 [hbm:s0], s1  }
0x3ee: {  	s0 =	simm.s32 @!p0 $0x7  }
0x3ef: {  	_ =	swait.ge @!p0 [sflag:s0], s1  }
0x3f0: {  	s1 =	ssub.s32 @!p0 $0x0, s1;
	[sflag:s0] =	ssyncset.done @!p0 $0x0  }
0x3f1: {  	[sflag:s0] =	ssyncadd.s32 @!p0 s1  }
0x3f2: {  	[bflag:$0x3] =	sbarrier.arrive $0xFFFF  }
0x3f3: {  	_ =	shalt  }

</sc_bundles>
